<compile_context>
chip_gen: v7x
topology: tpu7x:2x2x1
jax: 0.10.2.dev20260603
libtpu: 0.0.44.dev20260713+nightly
codegen_flags: <defaults>
</compile_context>

<pallas_src>
import functools
import jax
import jax.numpy as jnp
from jax import lax
from jax.experimental import pallas as pl
from jax.experimental.pallas import tpu as pltpu
from jax.experimental.pallas import tpu_sc as plsc

N = 10000
E = 320000
F_IN = 128
EMB = 512
HID = 768
HEADS = 4
C = HID // HEADS

NP = 10240
BN_ROWS = 512

NSUB = 16
NW = 32
R = 80
NRNG = NP // R
PHASES = NRNG // NW
RCAP = 2944
G = 32
NBLK = RCAP // G
NE = NRNG * RCAP
ECH = 512
NCH = NE // NW // ECH

_INV_SQRT = 1.0 / (1.0 + 1e-5) ** 0.5



def _mm_kernel(x_ref, w_ref, s_ref, o_ref, *, act):
    acc = jnp.dot(x_ref[...], w_ref[...], preferred_element_type=jnp.float32)
    y = acc * s_ref[0:1, :] + s_ref[1:2, :]
    if act:
        y = jnp.where(y > 0, y, 0.01 * y)
    o_ref[...] = y


def _dense(x, w, scale_shift, act):
    K = x.shape[1]
    M = w.shape[1]
    return pl.pallas_call(
        functools.partial(_mm_kernel, act=act),
        grid=(NP // BN_ROWS,),
        in_specs=[
            pl.BlockSpec((BN_ROWS, K), lambda i: (i, 0)),
            pl.BlockSpec((K, M), lambda i: (0, 0)),
            pl.BlockSpec((2, M), lambda i: (0, 0)),
        ],
        out_specs=pl.BlockSpec((BN_ROWS, M), lambda i: (i, 0)),
        out_shape=jax.ShapeDtypeStruct((NP, M), jnp.float32),
    )(x, w, scale_shift)


def _fuse_bn(b, gamma, beta):
    scale = gamma * _INV_SQRT
    shift = scale * b + beta
    return jnp.stack([scale, shift])



def _full16(v):
    return jnp.full((16,), v, jnp.int32)


_MESH = dict(core_axis_name="c", subcore_axis_name="s")


def _w_body(aaf, srcf, dstgf, kvec, wout,
            aa_v, src_v, dstg_v, wbuf_v, kv_v):
    c = lax.axis_index("c")
    s = lax.axis_index("s")
    wid = c * NSUB + s

    pltpu.sync_copy(kvec, kv_v)
    pltpu.sync_copy(aaf, aa_v)
    lanes0 = lax.iota(jnp.int32, 16)

    def chunk_body(ch, carry):
        offe = wid * (NCH * ECH) + ch * ECH
        pltpu.sync_copy(srcf.at[pl.ds(offe, ECH)], src_v)
        pltpu.sync_copy(dstgf.at[pl.ds(offe, ECH)], dstg_v)

        def grp_body(q, qcarry):
            src16 = src_v[pl.ds(q * 16, 16)]
            dstg16 = dstg_v[pl.ds(q * 16, 16)]
            ssl = src16 * 8
            dsl = dstg16 * 8
            for h in range(HEADS):
                als = plsc.load_gather(aa_v, [ssl + h])
                ald = plsc.load_gather(aa_v, [dsl + (HEADS + h)])
                e = als + ald
                e = jnp.where(e > 0, e, e * 0.2)
                kh = plsc.load_gather(kv_v, [_full16(h)])
                w16 = jnp.exp(e - kh)
                plsc.store_scatter(
                    wbuf_v, [(q * 16 + lanes0) * HEADS + h], w16)
            return qcarry

        lax.fori_loop(0, ECH // 16, grp_body, 0)
        pltpu.sync_copy(wbuf_v, wout.at[pl.ds(offe * HEADS, ECH * HEADS)])
        return carry

    lax.fori_loop(0, NCH, chunk_body, 0)


def _w_phase(aa, srcf, dstgf, kvec):
    f = pl.kernel(
        _w_body,
        out_type=[jax.ShapeDtypeStruct((NE * HEADS,), jnp.float32)],
        mesh=plsc.VectorSubcoreMesh(num_cores=2, num_subcores=NSUB, **_MESH),
        compiler_params=pltpu.CompilerParams(needs_layout_passes=False),
        scratch_types=[
            pltpu.VMEM((NP * 8,), jnp.float32),
            pltpu.VMEM((ECH,), jnp.int32),
            pltpu.VMEM((ECH,), jnp.int32),
            pltpu.VMEM((ECH * HEADS,), jnp.float32),
            pltpu.VMEM((128,), jnp.float32),
        ],
    )
    (w,) = f(aa.reshape(NP * 8), srcf, dstgf, kvec)
    return w



def _agg_body(hp, wall, srcs3, dstl2, zacc, zden,
              agg, denp,
              srcs_v, dstl_v, wrng_v, rows_v, acc_v, den_v, sem):
    c = lax.axis_index("c")
    s = lax.axis_index("s")
    wid = c * NSUB + s
    lanes0 = lax.iota(jnp.int32, 16)

    def range_body(p, carry):
        rid = p * NW + wid
        pltpu.sync_copy(srcs3.at[rid], srcs_v)
        pltpu.sync_copy(dstl2.at[rid], dstl_v)
        pltpu.sync_copy(wall.at[rid], wrng_v)
        pltpu.sync_copy(zacc, acc_v)
        pltpu.sync_copy(zden, den_v)

        def blk_body(b, bcarry):
            pltpu.async_copy(hp.at[srcs_v.at[b]], rows_v, sem).wait()

            for jj in range(G // 16):
                dst16 = dstl_v[pl.ds(b * G + jj * 16, 16)]
                widx = (b * G + jj * 16 + lanes0) * HEADS
                for h in range(HEADS):
                    wv = plsc.load_gather(wrng_v, [widx + h])
                    plsc.addupdate_scatter(den_v, [dst16 * HEADS + h], wv)

            def edge_scale(i, ecarry):
                dstb = plsc.load_gather(dstl_v, [_full16(b * G + i)])
                rowbase = dstb * HID
                for h in range(HEADS):
                    wb = plsc.load_gather(
                        wrng_v, [_full16((b * G + i) * HEADS + h)])
                    for j in range(C // 16):
                        col = h * C + j * 16
                        seg = rows_v[i, pl.ds(col, 16)]
                        plsc.addupdate_scatter(
                            acc_v, [rowbase + col + lanes0], seg * wb)
                return ecarry

            lax.fori_loop(0, G, edge_scale, 0)
            return bcarry

        lax.fori_loop(0, NBLK, blk_body, 0)

        pltpu.sync_copy(acc_v.at[pl.ds(0, R * HID)],
                        agg.at[pl.ds(rid * R * HID, R * HID)])
        pltpu.sync_copy(den_v.at[pl.ds(0, 384)], denp.at[rid])
        return carry

    lax.fori_loop(0, PHASES, range_body, 0)


def _agg_phase(hp, wall, srcs3, dstl2, zacc, zden):
    f = pl.kernel(
        _agg_body,
        out_type=[
            jax.ShapeDtypeStruct((NP * HID,), jnp.float32),
            jax.ShapeDtypeStruct((NRNG, 384), jnp.float32),
        ],
        mesh=plsc.VectorSubcoreMesh(num_cores=2, num_subcores=NSUB, **_MESH),
        compiler_params=pltpu.CompilerParams(needs_layout_passes=False),
        scratch_types=[
            pltpu.VMEM((NBLK, G), jnp.int32),
            pltpu.VMEM((RCAP,), jnp.int32),
            pltpu.VMEM((RCAP * HEADS,), jnp.float32),
            pltpu.VMEM((G, HID), jnp.float32),
            pltpu.VMEM(((R + 1) * HID,), jnp.float32),
            pltpu.VMEM((384,), jnp.float32),
            pltpu.SemaphoreType.DMA,
        ],
    )
    return f(hp, wall.reshape(NRNG, RCAP * HEADS), srcs3, dstl2, zacc, zden)



def _prep_edges(src, dst):
    order = jnp.argsort(dst)
    src_s = src[order]
    dst_s = dst[order]
    bounds = jnp.searchsorted(dst_s, jnp.arange(NRNG + 1) * R).astype(jnp.int32)
    src_pad = jnp.concatenate([src_s, jnp.zeros((RCAP,), jnp.int32)])
    dst_pad = jnp.concatenate([dst_s, jnp.zeros((RCAP,), jnp.int32)])
    ar = jnp.arange(RCAP, dtype=jnp.int32)
    idx = bounds[:NRNG, None] + ar[None, :]
    valid = idx < bounds[1:, None]
    srcs = jnp.where(valid, src_pad[idx], 0)
    dstg = jnp.where(valid, dst_pad[idx], 0)
    rid = jnp.arange(NRNG, dtype=jnp.int32)
    dstl = jnp.where(valid, dst_pad[idx] - rid[:, None] * R, R)
    srcs3 = srcs.reshape(NRNG, NBLK, G)
    srcf = srcs.reshape(NE)
    dstgf = dstg.reshape(NE)
    dstl2 = dstl.reshape(NRNG, RCAP)
    return srcs3, srcf, dstgf, dstl2


def kernel(x, edge_index, params):
    p = params
    src = edge_index[0]
    dst = edge_index[1]

    srcs3, srcf, dstgf, dstl2 = _prep_edges(src, dst)
    zacc = jnp.zeros(((R + 1) * HID,), jnp.float32)
    zden = jnp.zeros((384,), jnp.float32)

    xp = jnp.zeros((NP, F_IN), jnp.float32).at[:N].set(x)

    h = _dense(xp, p['W1'], _fuse_bn(p['b1'], p['g1'], p['be1']), True)
    h = _dense(h, p['W2'], _fuse_bn(p['b2'], p['g2'], p['be2']), True)

    for layer in (1, 2):
        W = p[f'Wg{layer}']
        a_s = p[f'as{layer}']
        a_d = p[f'ad{layer}']
        bias = p[f'bg{layer}']
        gb = p[f'gb{layer}']
        bb = p[f'bb{layer}']

        As = jnp.zeros((HID, HEADS), jnp.float32)
        Ad = jnp.zeros((HID, HEADS), jnp.float32)
        for hh in range(HEADS):
            As = As.at[hh * C:(hh + 1) * C, hh].set(a_s[hh])
            Ad = Ad.at[hh * C:(hh + 1) * C, hh].set(a_d[hh])
        Waa = jnp.concatenate([jnp.dot(W, As), jnp.dot(W, Ad)], axis=1)

        ident = jnp.stack([jnp.ones((HID,), jnp.float32),
                           jnp.zeros((HID,), jnp.float32)])
        hp = _dense(h, W, ident, False)
        ident8 = jnp.stack([jnp.ones((8,), jnp.float32),
                            jnp.zeros((8,), jnp.float32)])
        aa = _dense(h, Waa, ident8, False)

        als = aa[:N, :HEADS]
        ald = aa[:N, HEADS:]
        K_h = jnp.maximum(jnp.max(als, axis=0) + jnp.max(ald, axis=0), 0.0)
        kvec = jnp.zeros((128,), jnp.float32).at[:HEADS].set(K_h)

        wall = _w_phase(aa, srcf, dstgf, kvec)
        aggf, denp = _agg_phase(hp, wall, srcs3, dstl2, zacc, zden)

        agg = aggf.reshape(NP, HID)[:N]
        den = denp[:, :R * HEADS].reshape(NP, HEADS)[:N]
        aggn = agg.reshape(N, HEADS, C) / (den[:, :, None] + 1e-16)
        out = aggn.reshape(N, HID) + bias

        scale = gb * _INV_SQRT
        y = out * scale[None, :] + bb[None, :]
        y = jnp.where(y > 0, y, 0.01 * y)
        h = jnp.zeros((NP, HID), jnp.float32).at[:N].set(y)

    h = _dense(h, p['L1W'], _fuse_bn(p['L1b'], jnp.ones((HID,)), jnp.zeros((HID,))), True)
    h = _dense(h, p['L2W'], _fuse_bn(p['L2b'], jnp.ones((HID // 2,)), jnp.zeros((HID // 2,))), True)
    L3Wp = jnp.zeros((HID // 2, 128), jnp.float32).at[:, :1].set(p['L3W'])
    ss = jnp.stack([jnp.ones((128,), jnp.float32),
                    jnp.zeros((128,), jnp.float32).at[0].set(p['L3b'][0])])
    out = _dense(h, L3Wp, ss, False)
    return out[:N, :1]

# --- scband reference (transcript-rebuilt; emitter-appended) ---
"""Pipeline reference for scband-gat-kmer-classifier-57157424775865 (READ-ONLY COPY).

The authoritative reference and input builder live on the scoring server;
editing this copy changes nothing except your own understanding.
"""

import jax, jax.numpy as jnp
import numpy as np

N = 10000
E = 320000
F_IN = 128
EMB = 512
HID = 768
HEADS = 4
C = HID // HEADS


def _bn(x, gamma, beta):
    # eval-mode BatchNorm with running_mean=0, running_var=1
    return gamma * x / jnp.sqrt(1.0 + 1e-5) + beta


def setup_inputs(seed: int = 0) -> dict:
    key = jax.random.key(seed)
    ks = jax.random.split(key, 16)

    def g(i, shape, scale):
        return jax.random.normal(ks[i], shape, dtype=jnp.float32) * scale

    x = jax.random.normal(ks[0], (N, F_IN), dtype=jnp.float32)
    edge_index = jax.random.randint(ks[1], (2, E), 0, N, dtype=jnp.int32)
    params = {
        'W1': g(2, (F_IN, EMB), 1.0 / np.sqrt(F_IN)), 'b1': jnp.zeros((EMB,), jnp.float32),
        'g1': jnp.ones((EMB,), jnp.float32), 'be1': jnp.zeros((EMB,), jnp.float32),
        'W2': g(3, (EMB, EMB), 1.0 / np.sqrt(EMB)), 'b2': jnp.zeros((EMB,), jnp.float32),
        'g2': jnp.ones((EMB,), jnp.float32), 'be2': jnp.zeros((EMB,), jnp.float32),
        'Wg1': g(4, (EMB, HID), 1.0 / np.sqrt(EMB)), 'as1': g(5, (HEADS, C), 0.1), 'ad1': g(6, (HEADS, C), 0.1), 'bg1': jnp.zeros((HID,), jnp.float32),
        'gb1': jnp.ones((HID,), jnp.float32), 'bb1': jnp.zeros((HID,), jnp.float32),
        'Wg2': g(7, (HID, HID), 1.0 / np.sqrt(HID)), 'as2': g(8, (HEADS, C), 0.1), 'ad2': g(9, (HEADS, C), 0.1), 'bg2': jnp.zeros((HID,), jnp.float32),
        'gb2': jnp.ones((HID,), jnp.float32), 'bb2': jnp.zeros((HID,), jnp.float32),
        'L1W': g(10, (HID, HID), 1.0 / np.sqrt(HID)), 'L1b': jnp.zeros((HID,), jnp.float32),
        'L2W': g(11, (HID, HID // 2), 1.0 / np.sqrt(HID)), 'L2b': jnp.zeros((HID // 2,), jnp.float32),
        'L3W': g(12, (HID // 2, 1), 1.0 / np.sqrt(HID // 2)), 'L3b': jnp.zeros((1,), jnp.float32),
    }
    return {'x': x, 'edge_index': edge_index, 'params': params}


def _gat(h, src, dst, W, a_s, a_d, bias):
    n = h.shape[0]
    hp = (h @ W).reshape(n, HEADS, C)
    als = (hp * a_s[None, :, :]).sum(-1)  # [N, H]
    ald = (hp * a_d[None, :, :]).sum(-1)  # [N, H]
    e = jax.nn.leaky_relu(als[src] + ald[dst], 0.2)  # [E, H]
    emax = jax.lax.stop_gradient(jax.ops.segment_max(e, dst, num_segments=n))
    emax = jnp.where(jnp.isfinite(emax), emax, 0.0)
    ee = jnp.exp(e - emax[dst])
    denom = jax.ops.segment_sum(ee, dst, num_segments=n)
    alpha = ee / (denom[dst] + 1e-16)  # softmax over incoming edges of dst
    msg = hp[src] * alpha[:, :, None]  # [E, H, C]
    out = jax.ops.segment_sum(msg, dst, num_segments=n)
    return out.reshape(n, HEADS * C) + bias


def reference(x, edge_index, params):
    p = params
    lr = lambda v: jax.nn.leaky_relu(v, 0.01)
    src = edge_index[0]
    dst = edge_index[1]
    h = lr(_bn(x @ p['W1'] + p['b1'], p['g1'], p['be1']))
    h = lr(_bn(h @ p['W2'] + p['b2'], p['g2'], p['be2']))
    h = lr(_bn(_gat(h, src, dst, p['Wg1'], p['as1'], p['ad1'], p['bg1']), p['gb1'], p['bb1']))
    h = lr(_bn(_gat(h, src, dst, p['Wg2'], p['as2'], p['ad2'], p['bg2']), p['gb2'], p['bb2']))
    h = lr(h @ p['L1W'] + p['L1b'])
    h = lr(h @ p['L2W'] + p['L2b'])
    out = h @ p['L3W'] + p['L3b']
    return out

if __name__ == "__main__":
    import jax
    _d = setup_inputs()
    print(jax.jit(kernel)(*tuple(_d.values())))

</pallas_src>

<mosaic_0001>
#map = affine_map<(d0, d1) -> (0)>
module attributes {stable_mosaic.version = 14 : i64} {
  func.func @_w_body(%arg0: i32, %arg1: i32, %arg2: memref<81920xf32, #tpu.memory_space<hbm>>, %arg3: memref<376832xi32, #tpu.memory_space<hbm>>, %arg4: memref<376832xi32, #tpu.memory_space<hbm>>, %arg5: memref<128xf32, #tpu.memory_space<hbm>>, %arg6: memref<1507328xf32, #tpu.memory_space<hbm>>, %arg7: memref<81920xf32, #tpu.memory_space<vmem>>, %arg8: memref<512xi32, #tpu.memory_space<vmem>>, %arg9: memref<512xi32, #tpu.memory_space<vmem>>, %arg10: memref<2048xf32, #tpu.memory_space<vmem>>, %arg11: memref<128xf32, #tpu.memory_space<vmem>>) attributes {dimension_semantics = [#tpu.dimension_semantics<core_parallel>, #tpu.dimension_semantics<subcore_parallel>], iteration_bounds = array<i64: 2, 16>, scalar_prefetch = 0 : i64, scratch_operands = 5 : i64, tpu.core_type = #tpu.core_type<sc_vector_subcore>, window_params = [{transform_indices = #map}, {transform_indices = #map}, {transform_indices = #map}, {transform_indices = #map}, {transform_indices = #map}]} {
    %mul3A = arith.constant 16 : i32
    %mul3A_0 = arith.muli %arg0, %mul3A : i32
    %add3A = arith.addi %mul3A_0, %arg1 : i32
    "tpu.region"() ({
      %run_scoped3A = tpu.sem_alloc : memref<!tpu.dma_semaphore, #tpu.memory_space<semaphore_mem>>
      tpu.enqueue_dma source(%arg5 : memref<128xf32, #tpu.memory_space<hbm>>) target(%arg11 : memref<128xf32, #tpu.memory_space<vmem>>) target_semaphore(%run_scoped3A : memref<!tpu.dma_semaphore, #tpu.memory_space<semaphore_mem>>)
      tpu.wait_dma2 semaphore(%run_scoped3A : memref<!tpu.dma_semaphore, #tpu.memory_space<semaphore_mem>>) src(%arg5 : memref<128xf32, #tpu.memory_space<hbm>>) dst(%arg11 : memref<128xf32, #tpu.memory_space<vmem>>)
      tpu.yield
    }) : () -> ()
    "tpu.region"() ({
      %run_scoped3A = tpu.sem_alloc : memref<!tpu.dma_semaphore, #tpu.memory_space<semaphore_mem>>
      tpu.enqueue_dma source(%arg2 : memref<81920xf32, #tpu.memory_space<hbm>>) target(%arg7 : memref<81920xf32, #tpu.memory_space<vmem>>) target_semaphore(%run_scoped3A : memref<!tpu.dma_semaphore, #tpu.memory_space<semaphore_mem>>)
      tpu.wait_dma2 semaphore(%run_scoped3A : memref<!tpu.dma_semaphore, #tpu.memory_space<semaphore_mem>>) src(%arg2 : memref<81920xf32, #tpu.memory_space<hbm>>) dst(%arg7 : memref<81920xf32, #tpu.memory_space<vmem>>)
      tpu.yield
    }) : () -> ()
    %iota3A = tpu.iota {dimensions = array<i32: 0>} : vector<16xi32>
    %scan3A = arith.constant 0 : i32
    %scan3A_1 = arith.constant 0 : i32
    %scan3A_2 = arith.constant 23 : i32
    %scan3A_3 = arith.addi %scan3A_1, %scan3A_2 : i32
    %scan3A_4 = arith.constant 1 : i32
    scf.for %scan3A_6 = %scan3A_1 to %scan3A_3 step %scan3A_4  : i32 {
      %mul3A_7 = arith.constant 11776 : i32
      %mul3A_8 = arith.muli %add3A, %mul3A_7 : i32
      %mul3A_9 = arith.constant 512 : i32
      %mul3A_10 = arith.muli %scan3A_6, %mul3A_9 : i32
      %add3A_11 = arith.addi %mul3A_8, %mul3A_10 : i32
      "tpu.region"() ({
        %run_scoped3A = tpu.sem_alloc : memref<!tpu.dma_semaphore, #tpu.memory_space<semaphore_mem>>
        %dma_start3A = tpu.memref_slice %arg3[%add3A_11] : memref<376832xi32, #tpu.memory_space<hbm>> -> memref<512xi32, #tpu.memory_space<hbm>>
        %dma_start3A_20 = tpu.memref_slice %arg3[%add3A_11] : memref<376832xi32, #tpu.memory_space<hbm>> -> memref<512xi32, #tpu.memory_space<hbm>>
        tpu.enqueue_dma source(%dma_start3A_20 : memref<512xi32, #tpu.memory_space<hbm>>) target(%arg8 : memref<512xi32, #tpu.memory_space<vmem>>) target_semaphore(%run_scoped3A : memref<!tpu.dma_semaphore, #tpu.memory_space<semaphore_mem>>)
        %dma_wait3A = tpu.memref_slice %arg3[%add3A_11] : memref<376832xi32, #tpu.memory_space<hbm>> -> memref<512xi32, #tpu.memory_space<hbm>>
        %dma_wait3A_21 = tpu.memref_slice %arg3[%add3A_11] : memref<376832xi32, #tpu.memory_space<hbm>> -> memref<512xi32, #tpu.memory_space<hbm>>
        tpu.wait_dma2 semaphore(%run_scoped3A : memref<!tpu.dma_semaphore, #tpu.memory_space<semaphore_mem>>) src(%dma_wait3A_21 : memref<512xi32, #tpu.memory_space<hbm>>) dst(%arg8 : memref<512xi32, #tpu.memory_space<vmem>>)
        tpu.yield
      }) : () -> ()
      "tpu.region"() ({
        %run_scoped3A = tpu.sem_alloc : memref<!tpu.dma_semaphore, #tpu.memory_space<semaphore_mem>>
        %dma_start3A = tpu.memref_slice %arg4[%add3A_11] : memref<376832xi32, #tpu.memory_space<hbm>> -> memref<512xi32, #tpu.memory_space<hbm>>
        %dma_start3A_20 = tpu.memref_slice %arg4[%add3A_11] : memref<376832xi32, #tpu.memory_space<hbm>> -> memref<512xi32, #tpu.memory_space<hbm>>
        tpu.enqueue_dma source(%dma_start3A_20 : memref<512xi32, #tpu.memory_space<hbm>>) target(%arg9 : memref<512xi32, #tpu.memory_space<vmem>>) target_semaphore(%run_scoped3A : memref<!tpu.dma_semaphore, #tpu.memory_space<semaphore_mem>>)
        %dma_wait3A = tpu.memref_slice %arg4[%add3A_11] : memref<376832xi32, #tpu.memory_space<hbm>> -> memref<512xi32, #tpu.memory_space<hbm>>
        %dma_wait3A_21 = tpu.memref_slice %arg4[%add3A_11] : memref<376832xi32, #tpu.memory_space<hbm>> -> memref<512xi32, #tpu.memory_space<hbm>>
        tpu.wait_dma2 semaphore(%run_scoped3A : memref<!tpu.dma_semaphore, #tpu.memory_space<semaphore_mem>>) src(%dma_wait3A_21 : memref<512xi32, #tpu.memory_space<hbm>>) dst(%arg9 : memref<512xi32, #tpu.memory_space<vmem>>)
        tpu.yield
      }) : () -> ()
      %scan3A_12 = arith.constant 0 : i32
      %scan3A_13 = arith.constant 0 : i32
      %scan3A_14 = arith.constant 32 : i32
      %scan3A_15 = arith.addi %scan3A_13, %scan3A_14 : i32
      %scan3A_16 = arith.constant 1 : i32
      scf.for %scan3A_20 = %scan3A_13 to %scan3A_15 step %scan3A_16  : i32 {
        %mul3A_21 = arith.constant 16 : i32
        %mul3A_22 = arith.muli %scan3A_20, %mul3A_21 : i32
        %get3A = arith.index_cast %mul3A_22 : i32 to index
        %get3A_23 = tpu.vector_load %arg8[%get3A] {strides = array<i32>} : memref<512xi32, #tpu.memory_space<vmem>>, vector<16xi32>,
        %mul3A_24 = arith.constant 16 : i32
        %mul3A_25 = arith.muli %scan3A_20, %mul3A_24 : i32
        %get3A_26 = arith.index_cast %mul3A_25 : i32 to index
        %get3A_27 = tpu.vector_load %arg9[%get3A_26] {strides = array<i32>} : memref<512xi32, #tpu.memory_space<vmem>>, vector<16xi32>,
        %mul3A_28 = arith.constant 8 : i32
        %mul3A_29 = vector.broadcast %mul3A_28 : i32 to vector<16xi32>
        %mul3A_30 = arith.muli %get3A_23, %mul3A_29 : vector<16xi32>
        %mul3A_31 = arith.constant 8 : i32
        %mul3A_32 = vector.broadcast %mul3A_31 : i32 to vector<16xi32>
        %mul3A_33 = arith.muli %get3A_27, %mul3A_32 : vector<16xi32>
        %add3A_34 = arith.constant 0 : i32
        %add3A_35 = vector.broadcast %add3A_34 : i32 to vector<16xi32>
        %add3A_36 = arith.addi %mul3A_30, %add3A_35 : vector<16xi32>
        %gather3A = tpu.vector_load_idx %arg7[%add3A_36] : memref<81920xf32, #tpu.memory_space<vmem>>[vector<16xi32>], vector<16xf32>,
        %add3A_37 = arith.constant 4 : i32
        %add3A_38 = vector.broadcast %add3A_37 : i32 to vector<16xi32>
        %add3A_39 = arith.addi %mul3A_33, %add3A_38 : vector<16xi32>
        %gather3A_40 = tpu.vector_load_idx %arg7[%add3A_39] : memref<81920xf32, #tpu.memory_space<vmem>>[vector<16xi32>], vector<16xf32>,
        %add3A_41 = arith.addf %gather3A, %gather3A_40 : vector<16xf32>
        %gt3A = arith.constant 0.000000e+00 : f32
        %gt3A_42 = vector.broadcast %gt3A : f32 to vector<16xf32>
        %gt3A_43 = arith.cmpf ogt, %add3A_41, %gt3A_42 : vector<16xf32>
        %mul3A_44 = arith.constant 2.000000e-01 : f32
        %mul3A_45 = vector.broadcast %mul3A_44 : f32 to vector<16xf32>
        %mul3A_46 = arith.mulf %add3A_41, %mul3A_45 : vector<16xf32>
        %select_n3A = arith.select %gt3A_43, %add3A_41, %mul3A_46 : vector<16xi1>, vector<16xf32>
        %broadcast_in_dim3A = arith.constant 0 : i32
        %broadcast_in_dim3A_47 = vector.broadcast %broadcast_in_dim3A : i32 to vector<16xi32>
        %gather3A_48 = tpu.vector_load_idx %arg11[%broadcast_in_dim3A_47] : memref<128xf32, #tpu.memory_space<vmem>>[vector<16xi32>], vector<16xf32>,
        %sub3A = arith.subf %select_n3A, %gather3A_48 : vector<16xf32>
        %exp3A = math.exp %sub3A : vector<16xf32>
        %mul3A_49 = arith.constant 16 : i32
        %mul3A_50 = arith.muli %scan3A_20, %mul3A_49 : i32
        %add3A_51 = vector.broadcast %mul3A_50 : i32 to vector<16xi32>
        %add3A_52 = arith.addi %add3A_51, %iota3A : vector<16xi32>
        %mul3A_53 = arith.constant 4 : i32
        %mul3A_54 = vector.broadcast %mul3A_53 : i32 to vector<16xi32>
        %mul3A_55 = arith.muli %add3A_52, %mul3A_54 : vector<16xi32>
        %add3A_56 = arith.constant 0 : i32
        %add3A_57 = vector.broadcast %add3A_56 : i32 to vector<16xi32>
        %add3A_58 = arith.addi %mul3A_55, %add3A_57 : vector<16xi32>
        tpu.vector_store_idx %arg10[%add3A_58], %exp3A : memref<2048xf32, #tpu.memory_space<vmem>>[vector<16xi32>], vector<16xf32>,
        %add3A_59 = arith.constant 1 : i32
        %add3A_60 = vector.broadcast %add3A_59 : i32 to vector<16xi32>
        %add3A_61 = arith.addi %mul3A_30, %add3A_60 : vector<16xi32>
        %gather3A_62 = tpu.vector_load_idx %arg7[%add3A_61] : memref<81920xf32, #tpu.memory_space<vmem>>[vector<16xi32>], vector<16xf32>,
        %add3A_63 = arith.constant 5 : i32
        %add3A_64 = vector.broadcast %add3A_63 : i32 to vector<16xi32>
        %add3A_65 = arith.addi %mul3A_33, %add3A_64 : vector<16xi32>
        %gather3A_66 = tpu.vector_load_idx %arg7[%add3A_65] : memref<81920xf32, #tpu.memory_space<vmem>>[vector<16xi32>], vector<16xf32>,
        %add3A_67 = arith.addf %gather3A_62, %gather3A_66 : vector<16xf32>
        %gt3A_68 = arith.constant 0.000000e+00 : f32
        %gt3A_69 = vector.broadcast %gt3A_68 : f32 to vector<16xf32>
        %gt3A_70 = arith.cmpf ogt, %add3A_67, %gt3A_69 : vector<16xf32>
        %mul3A_71 = arith.constant 2.000000e-01 : f32
        %mul3A_72 = vector.broadcast %mul3A_71 : f32 to vector<16xf32>
        %mul3A_73 = arith.mulf %add3A_67, %mul3A_72 : vector<16xf32>
        %select_n3A_74 = arith.select %gt3A_70, %add3A_67, %mul3A_73 : vector<16xi1>, vector<16xf32>
        %broadcast_in_dim3A_75 = arith.constant 1 : i32
        %broadcast_in_dim3A_76 = vector.broadcast %broadcast_in_dim3A_75 : i32 to vector<16xi32>
        %gather3A_77 = tpu.vector_load_idx %arg11[%broadcast_in_dim3A_76] : memref<128xf32, #tpu.memory_space<vmem>>[vector<16xi32>], vector<16xf32>,
        %sub3A_78 = arith.subf %select_n3A_74, %gather3A_77 : vector<16xf32>
        %exp3A_79 = math.exp %sub3A_78 : vector<16xf32>
        %mul3A_80 = arith.constant 16 : i32
        %mul3A_81 = arith.muli %scan3A_20, %mul3A_80 : i32
        %add3A_82 = vector.broadcast %mul3A_81 : i32 to vector<16xi32>
        %add3A_83 = arith.addi %add3A_82, %iota3A : vector<16xi32>
        %mul3A_84 = arith.constant 4 : i32
        %mul3A_85 = vector.broadcast %mul3A_84 : i32 to vector<16xi32>
        %mul3A_86 = arith.muli %add3A_83, %mul3A_85 : vector<16xi32>
        %add3A_87 = arith.constant 1 : i32
        %add3A_88 = vector.broadcast %add3A_87 : i32 to vector<16xi32>
        %add3A_89 = arith.addi %mul3A_86, %add3A_88 : vector<16xi32>
        tpu.vector_store_idx %arg10[%add3A_89], %exp3A_79 : memref<2048xf32, #tpu.memory_space<vmem>>[vector<16xi32>], vector<16xf32>,
        %add3A_90 = arith.constant 2 : i32
        %add3A_91 = vector.broadcast %add3A_90 : i32 to vector<16xi32>
        %add3A_92 = arith.addi %mul3A_30, %add3A_91 : vector<16xi32>
        %gather3A_93 = tpu.vector_load_idx %arg7[%add3A_92] : memref<81920xf32, #tpu.memory_space<vmem>>[vector<16xi32>], vector<16xf32>,
        %add3A_94 = arith.constant 6 : i32
        %add3A_95 = vector.broadcast %add3A_94 : i32 to vector<16xi32>
        %add3A_96 = arith.addi %mul3A_33, %add3A_95 : vector<16xi32>
        %gather3A_97 = tpu.vector_load_idx %arg7[%add3A_96] : memref<81920xf32, #tpu.memory_space<vmem>>[vector<16xi32>], vector<16xf32>,
        %add3A_98 = arith.addf %gather3A_93, %gather3A_97 : vector<16xf32>
        %gt3A_99 = arith.constant 0.000000e+00 : f32
        %gt3A_100 = vector.broadcast %gt3A_99 : f32 to vector<16xf32>
        %gt3A_101 = arith.cmpf ogt, %add3A_98, %gt3A_100 : vector<16xf32>
        %mul3A_102 = arith.constant 2.000000e-01 : f32
        %mul3A_103 = vector.broadcast %mul3A_102 : f32 to vector<16xf32>
        %mul3A_104 = arith.mulf %add3A_98, %mul3A_103 : vector<16xf32>
        %select_n3A_105 = arith.select %gt3A_101, %add3A_98, %mul3A_104 : vector<16xi1>, vector<16xf32>
        %broadcast_in_dim3A_106 = arith.constant 2 : i32
        %broadcast_in_dim3A_107 = vector.broadcast %broadcast_in_dim3A_106 : i32 to vector<16xi32>
        %gather3A_108 = tpu.vector_load_idx %arg11[%broadcast_in_dim3A_107] : memref<128xf32, #tpu.memory_space<vmem>>[vector<16xi32>], vector<16xf32>,
        %sub3A_109 = arith.subf %select_n3A_105, %gather3A_108 : vector<16xf32>
        %exp3A_110 = math.exp %sub3A_109 : vector<16xf32>
        %mul3A_111 = arith.constant 16 : i32
        %mul3A_112 = arith.muli %scan3A_20, %mul3A_111 : i32
        %add3A_113 = vector.broadcast %mul3A_112 : i32 to vector<16xi32>
        %add3A_114 = arith.addi %add3A_113, %iota3A : vector<16xi32>
        %mul3A_115 = arith.constant 4 : i32
        %mul3A_116 = vector.broadcast %mul3A_115 : i32 to vector<16xi32>
        %mul3A_117 = arith.muli %add3A_114, %mul3A_116 : vector<16xi32>
        %add3A_118 = arith.constant 2 : i32
        %add3A_119 = vector.broadcast %add3A_118 : i32 to vector<16xi32>
        %add3A_120 = arith.addi %mul3A_117, %add3A_119 : vector<16xi32>
        tpu.vector_store_idx %arg10[%add3A_120], %exp3A_110 : memref<2048xf32, #tpu.memory_space<vmem>>[vector<16xi32>], vector<16xf32>,
        %add3A_121 = arith.constant 3 : i32
        %add3A_122 = vector.broadcast %add3A_121 : i32 to vector<16xi32>
        %add3A_123 = arith.addi %mul3A_30, %add3A_122 : vector<16xi32>
        %gather3A_124 = tpu.vector_load_idx %arg7[%add3A_123] : memref<81920xf32, #tpu.memory_space<vmem>>[vector<16xi32>], vector<16xf32>,
        %add3A_125 = arith.constant 7 : i32
        %add3A_126 = vector.broadcast %add3A_125 : i32 to vector<16xi32>
        %add3A_127 = arith.addi %mul3A_33, %add3A_126 : vector<16xi32>
        %gather3A_128 = tpu.vector_load_idx %arg7[%add3A_127] : memref<81920xf32, #tpu.memory_space<vmem>>[vector<16xi32>], vector<16xf32>,
        %add3A_129 = arith.addf %gather3A_124, %gather3A_128 : vector<16xf32>
        %gt3A_130 = arith.constant 0.000000e+00 : f32
        %gt3A_131 = vector.broadcast %gt3A_130 : f32 to vector<16xf32>
        %gt3A_132 = arith.cmpf ogt, %add3A_129, %gt3A_131 : vector<16xf32>
        %mul3A_133 = arith.constant 2.000000e-01 : f32
        %mul3A_134 = vector.broadcast %mul3A_133 : f32 to vector<16xf32>
        %mul3A_135 = arith.mulf %add3A_129, %mul3A_134 : vector<16xf32>
        %select_n3A_136 = arith.select %gt3A_132, %add3A_129, %mul3A_135 : vector<16xi1>, vector<16xf32>
        %broadcast_in_dim3A_137 = arith.constant 3 : i32
        %broadcast_in_dim3A_138 = vector.broadcast %broadcast_in_dim3A_137 : i32 to vector<16xi32>
        %gather3A_139 = tpu.vector_load_idx %arg11[%broadcast_in_dim3A_138] : memref<128xf32, #tpu.memory_space<vmem>>[vector<16xi32>], vector<16xf32>,
        %sub3A_140 = arith.subf %select_n3A_136, %gather3A_139 : vector<16xf32>
        %exp3A_141 = math.exp %sub3A_140 : vector<16xf32>
        %mul3A_142 = arith.constant 16 : i32
        %mul3A_143 = arith.muli %scan3A_20, %mul3A_142 : i32
        %add3A_144 = vector.broadcast %mul3A_143 : i32 to vector<16xi32>
        %add3A_145 = arith.addi %add3A_144, %iota3A : vector<16xi32>
        %mul3A_146 = arith.constant 4 : i32
        %mul3A_147 = vector.broadcast %mul3A_146 : i32 to vector<16xi32>
        %mul3A_148 = arith.muli %add3A_145, %mul3A_147 : vector<16xi32>
        %add3A_149 = arith.constant 3 : i32
        %add3A_150 = vector.broadcast %add3A_149 : i32 to vector<16xi32>
        %add3A_151 = arith.addi %mul3A_148, %add3A_150 : vector<16xi32>
        tpu.vector_store_idx %arg10[%add3A_151], %exp3A_141 : memref<2048xf32, #tpu.memory_space<vmem>>[vector<16xi32>], vector<16xf32>,
      }
      %scan3A_17 = arith.constant 32 : i32
      %mul3A_18 = arith.constant 4 : i32
      %mul3A_19 = arith.muli %add3A_11, %mul3A_18 : i32
      "tpu.region"() ({
        %run_scoped3A = tpu.sem_alloc : memref<!tpu.dma_semaphore, #tpu.memory_space<semaphore_mem>>
        %dma_start3A = tpu.memref_slice %arg6[%mul3A_19] : memref<1507328xf32, #tpu.memory_space<hbm>> -> memref<2048xf32, #tpu.memory_space<hbm>>
        %dma_start3A_20 = tpu.memref_slice %arg6[%mul3A_19] : memref<1507328xf32, #tpu.memory_space<hbm>> -> memref<2048xf32, #tpu.memory_space<hbm>>
        tpu.enqueue_dma source(%arg10 : memref<2048xf32, #tpu.memory_space<vmem>>) target(%dma_start3A_20 : memref<2048xf32, #tpu.memory_space<hbm>>) target_semaphore(%run_scoped3A : memref<!tpu.dma_semaphore, #tpu.memory_space<semaphore_mem>>)
        %dma_wait3A = tpu.memref_slice %arg6[%mul3A_19] : memref<1507328xf32, #tpu.memory_space<hbm>> -> memref<2048xf32, #tpu.memory_space<hbm>>
        %dma_wait3A_21 = tpu.memref_slice %arg6[%mul3A_19] : memref<1507328xf32, #tpu.memory_space<hbm>> -> memref<2048xf32, #tpu.memory_space<hbm>>
        tpu.wait_dma2 semaphore(%run_scoped3A : memref<!tpu.dma_semaphore, #tpu.memory_space<semaphore_mem>>) src(%arg10 : memref<2048xf32, #tpu.memory_space<vmem>>) dst(%dma_wait3A_21 : memref<2048xf32, #tpu.memory_space<hbm>>)
        tpu.yield
      }) : () -> ()
    }
    %scan3A_5 = arith.constant 23 : i32
    return
  }
}

#map = affine_map<(d0, d1) -> (0, 0)>
#map1 = affine_map<(d0, d1) -> (0, 0, 0)>
#map2 = affine_map<(d0, d1) -> (0)>
module attributes {stable_mosaic.version = 14 : i64} {
  func.func @_agg_body(%arg0: i32, %arg1: i32, %arg2: memref<10240x768xf32, #tpu.memory_space<hbm>>, %arg3: memref<128x11776xf32, #tpu.memory_space<hbm>>, %arg4: memref<128x92x32xi32, #tpu.memory_space<hbm>>, %arg5: memref<128x2944xi32, #tpu.memory_space<hbm>>, %arg6: memref<62208xf32, #tpu.memory_space<hbm>>, %arg7: memref<384xf32, #tpu.memory_space<hbm>>, %arg8: memref<7864320xf32, #tpu.memory_space<hbm>>, %arg9: memref<128x384xf32, #tpu.memory_space<hbm>>, %arg10: memref<92x32xi32, #tpu.memory_space<vmem>>, %arg11: memref<2944xi32, #tpu.memory_space<vmem>>, %arg12: memref<11776xf32, #tpu.memory_space<vmem>>, %arg13: memref<32x768xf32, #tpu.memory_space<vmem>>, %arg14: memref<62208xf32, #tpu.memory_space<vmem>>, %arg15: memref<384xf32, #tpu.memory_space<vmem>>, %arg16: memref<!tpu.dma_semaphore, #tpu.memory_space<semaphore_mem>>) attributes {dimension_semantics = [#tpu.dimension_semantics<core_parallel>, #tpu.dimension_semantics<subcore_parallel>], iteration_bounds = array<i64: 2, 16>, scalar_prefetch = 0 : i64, scratch_operands = 7 : i64, tpu.core_type = #tpu.core_type<sc_vector_subcore>, window_params = [{transform_indices = #map}, {transform_indices = #map}, {transform_indices = #map1}, {transform_indices = #map}, {transform_indices = #map2}, {transform_indices = #map2}, {transform_indices = #map2}, {transform_indices = #map}]} {
    %mul3A = arith.constant 16 : i32
    %mul3A_0 = arith.muli %arg0, %mul3A : i32
    %add3A = arith.addi %mul3A_0, %arg1 : i32
    %iota3A = tpu.iota {dimensions = array<i32: 0>} : vector<16xi32>
    %scan3A = arith.constant 0 : i32
    %scan3A_1 = arith.constant 0 : i32
    %scan3A_2 = arith.constant 4 : i32
    %scan3A_3 = arith.addi %scan3A_1, %scan3A_2 : i32
    %scan3A_4 = arith.constant 1 : i32
    scf.for %scan3A_6 = %scan3A_1 to %scan3A_3 step %scan3A_4  : i32 {
      %mul3A_7 = arith.constant 32 : i32
      %mul3A_8 = arith.muli %scan3A_6, %mul3A_7 : i32
      %add3A_9 = arith.addi %mul3A_8, %add3A : i32
      "tpu.region"() ({
        %run_scoped3A = tpu.sem_alloc : memref<!tpu.dma_semaphore, #tpu.memory_space<semaphore_mem>>
        %dma_start3A = arith.constant 0 : i32
        %dma_start3A_20 = arith.constant 0 : i32
        %dma_start3A_21 = tpu.memref_slice %arg4[%add3A_9, %dma_start3A, %dma_start3A_20] : memref<128x92x32xi32, #tpu.memory_space<hbm>> -> memref<1x92x32xi32, #tpu.memory_space<hbm>>
        %dma_start3A_22 = tpu.memref_squeeze %dma_start3A_21 : memref<1x92x32xi32, #tpu.memory_space<hbm>> -> memref<92x32xi32, #tpu.memory_space<hbm>>
        %dma_start3A_23 = arith.constant 0 : i32
        %dma_start3A_24 = arith.constant 0 : i32
        %dma_start3A_25 = tpu.memref_slice %arg4[%add3A_9, %dma_start3A_23, %dma_start3A_24] : memref<128x92x32xi32, #tpu.memory_space<hbm>> -> memref<1x92x32xi32, #tpu.memory_space<hbm>>
        %dma_start3A_26 = tpu.memref_squeeze %dma_start3A_25 : memref<1x92x32xi32, #tpu.memory_space<hbm>> -> memref<92x32xi32, #tpu.memory_space<hbm>>
        tpu.enqueue_dma source(%dma_start3A_26 : memref<92x32xi32, #tpu.memory_space<hbm>>) target(%arg10 : memref<92x32xi32, #tpu.memory_space<vmem>>) target_semaphore(%run_scoped3A : memref<!tpu.dma_semaphore, #tpu.memory_space<semaphore_mem>>)
        %dma_wait3A = arith.constant 0 : i32
        %dma_wait3A_27 = arith.constant 0 : i32
        %dma_wait3A_28 = tpu.memref_slice %arg4[%add3A_9, %dma_wait3A, %dma_wait3A_27] : memref<128x92x32xi32, #tpu.memory_space<hbm>> -> memref<1x92x32xi32, #tpu.memory_space<hbm>>
        %dma_wait3A_29 = tpu.memref_squeeze %dma_wait3A_28 : memref<1x92x32xi32, #tpu.memory_space<hbm>> -> memref<92x32xi32, #tpu.memory_space<hbm>>
        %dma_wait3A_30 = arith.constant 0 : i32
        %dma_wait3A_31 = arith.constant 0 : i32
        %dma_wait3A_32 = tpu.memref_slice %arg4[%add3A_9, %dma_wait3A_30, %dma_wait3A_31] : memref<128x92x32xi32, #tpu.memory_space<hbm>> -> memref<1x92x32xi32, #tpu.memory_space<hbm>>
        %dma_wait3A_33 = tpu.memref_squeeze %dma_wait3A_32 : memref<1x92x32xi32, #tpu.memory_space<hbm>> -> memref<92x32xi32, #tpu.memory_space<hbm>>
        tpu.wait_dma2 semaphore(%run_scoped3A : memref<!tpu.dma_semaphore, #tpu.memory_space<semaphore_mem>>) src(%dma_wait3A_33 : memref<92x32xi32, #tpu.memory_space<hbm>>) dst(%arg10 : memref<92x32xi32, #tpu.memory_space<vmem>>)
        tpu.yield
      }) : () -> ()
      "tpu.region"() ({
        %run_scoped3A = tpu.sem_alloc : memref<!tpu.dma_semaphore, #tpu.memory_space<semaphore_mem>>
        %dma_start3A = arith.constant 0 : i32
        %dma_start3A_20 = tpu.memref_slice %arg5[%add3A_9, %dma_start3A] : memref<128x2944xi32, #tpu.memory_space<hbm>> -> memref<1x2944xi32, #tpu.memory_space<hbm>>
        %dma_start3A_21 = tpu.memref_squeeze %dma_start3A_20 : memref<1x2944xi32, #tpu.memory_space<hbm>> -> memref<2944xi32, #tpu.memory_space<hbm>>
        %dma_start3A_22 = arith.constant 0 : i32
        %dma_start3A_23 = tpu.memref_slice %arg5[%add3A_9, %dma_start3A_22] : memref<128x2944xi32, #tpu.memory_space<hbm>> -> memref<1x2944xi32, #tpu.memory_space<hbm>>
        %dma_start3A_24 = tpu.memref_squeeze %dma_start3A_23 : memref<1x2944xi32, #tpu.memory_space<hbm>> -> memref<2944xi32, #tpu.memory_space<hbm>>
        tpu.enqueue_dma source(%dma_start3A_24 : memref<2944xi32, #tpu.memory_space<hbm>>) target(%arg11 : memref<2944xi32, #tpu.memory_space<vmem>>) target_semaphore(%run_scoped3A : memref<!tpu.dma_semaphore, #tpu.memory_space<semaphore_mem>>)
        %dma_wait3A = arith.constant 0 : i32
        %dma_wait3A_25 = tpu.memref_slice %arg5[%add3A_9, %dma_wait3A] : memref<128x2944xi32, #tpu.memory_space<hbm>> -> memref<1x2944xi32, #tpu.memory_space<hbm>>
        %dma_wait3A_26 = tpu.memref_squeeze %dma_wait3A_25 : memref<1x2944xi32, #tpu.memory_space<hbm>> -> memref<2944xi32, #tpu.memory_space<hbm>>
        %dma_wait3A_27 = arith.constant 0 : i32
        %dma_wait3A_28 = tpu.memref_slice %arg5[%add3A_9, %dma_wait3A_27] : memref<128x2944xi32, #tpu.memory_space<hbm>> -> memref<1x2944xi32, #tpu.memory_space<hbm>>
        %dma_wait3A_29 = tpu.memref_squeeze %dma_wait3A_28 : memref<1x2944xi32, #tpu.memory_space<hbm>> -> memref<2944xi32, #tpu.memory_space<hbm>>
        tpu.wait_dma2 semaphore(%run_scoped3A : memref<!tpu.dma_semaphore, #tpu.memory_space<semaphore_mem>>) src(%dma_wait3A_29 : memref<2944xi32, #tpu.memory_space<hbm>>) dst(%arg11 : memref<2944xi32, #tpu.memory_space<vmem>>)
        tpu.yield
      }) : () -> ()
      "tpu.region"() ({
        %run_scoped3A = tpu.sem_alloc : memref<!tpu.dma_semaphore, #tpu.memory_space<semaphore_mem>>
        %dma_start3A = arith.constant 0 : i32
        %dma_start3A_20 = tpu.memref_slice %arg3[%add3A_9, %dma_start3A] : memref<128x11776xf32, #tpu.memory_space<hbm>> -> memref<1x11776xf32, #tpu.memory_space<hbm>>
        %dma_start3A_21 = tpu.memref_squeeze %dma_start3A_20 : memref<1x11776xf32, #tpu.memory_space<hbm>> -> memref<11776xf32, #tpu.memory_space<hbm>>
        %dma_start3A_22 = arith.constant 0 : i32
        %dma_start3A_23 = tpu.memref_slice %arg3[%add3A_9, %dma_start3A_22] : memref<128x11776xf32, #tpu.memory_space<hbm>> -> memref<1x11776xf32, #tpu.memory_space<hbm>>
        %dma_start3A_24 = tpu.memref_squeeze %dma_start3A_23 : memref<1x11776xf32, #tpu.memory_space<hbm>> -> memref<11776xf32, #tpu.memory_space<hbm>>
        tpu.enqueue_dma source(%dma_start3A_24 : memref<11776xf32, #tpu.memory_space<hbm>>) target(%arg12 : memref<11776xf32, #tpu.memory_space<vmem>>) target_semaphore(%run_scoped3A : memref<!tpu.dma_semaphore, #tpu.memory_space<semaphore_mem>>)
        %dma_wait3A = arith.constant 0 : i32
        %dma_wait3A_25 = tpu.memref_slice %arg3[%add3A_9, %dma_wait3A] : memref<128x11776xf32, #tpu.memory_space<hbm>> -> memref<1x11776xf32, #tpu.memory_space<hbm>>
        %dma_wait3A_26 = tpu.memref_squeeze %dma_wait3A_25 : memref<1x11776xf32, #tpu.memory_space<hbm>> -> memref<11776xf32, #tpu.memory_space<hbm>>
        %dma_wait3A_27 = arith.constant 0 : i32
        %dma_wait3A_28 = tpu.memref_slice %arg3[%add3A_9, %dma_wait3A_27] : memref<128x11776xf32, #tpu.memory_space<hbm>> -> memref<1x11776xf32, #tpu.memory_space<hbm>>
        %dma_wait3A_29 = tpu.memref_squeeze %dma_wait3A_28 : memref<1x11776xf32, #tpu.memory_space<hbm>> -> memref<11776xf32, #tpu.memory_space<hbm>>
        tpu.wait_dma2 semaphore(%run_scoped3A : memref<!tpu.dma_semaphore, #tpu.memory_space<semaphore_mem>>) src(%dma_wait3A_29 : memref<11776xf32, #tpu.memory_space<hbm>>) dst(%arg12 : memref<11776xf32, #tpu.memory_space<vmem>>)
        tpu.yield
      }) : () -> ()
      "tpu.region"() ({
        %run_scoped3A = tpu.sem_alloc : memref<!tpu.dma_semaphore, #tpu.memory_space<semaphore_mem>>
        tpu.enqueue_dma source(%arg6 : memref<62208xf32, #tpu.memory_space<hbm>>) target(%arg14 : memref<62208xf32, #tpu.memory_space<vmem>>) target_semaphore(%run_scoped3A : memref<!tpu.dma_semaphore, #tpu.memory_space<semaphore_mem>>)
        tpu.wait_dma2 semaphore(%run_scoped3A : memref<!tpu.dma_semaphore, #tpu.memory_space<semaphore_mem>>) src(%arg6 : memref<62208xf32, #tpu.memory_space<hbm>>) dst(%arg14 : memref<62208xf32, #tpu.memory_space<vmem>>)
        tpu.yield
      }) : () -> ()
      "tpu.region"() ({
        %run_scoped3A = tpu.sem_alloc : memref<!tpu.dma_semaphore, #tpu.memory_space<semaphore_mem>>
        tpu.enqueue_dma source(%arg7 : memref<384xf32, #tpu.memory_space<hbm>>) target(%arg15 : memref<384xf32, #tpu.memory_space<vmem>>) target_semaphore(%run_scoped3A : memref<!tpu.dma_semaphore, #tpu.memory_space<semaphore_mem>>)
        tpu.wait_dma2 semaphore(%run_scoped3A : memref<!tpu.dma_semaphore, #tpu.memory_space<semaphore_mem>>) src(%arg7 : memref<384xf32, #tpu.memory_space<hbm>>) dst(%arg15 : memref<384xf32, #tpu.memory_space<vmem>>)
        tpu.yield
      }) : () -> ()
      %scan3A_10 = arith.constant 0 : i32
      %scan3A_11 = arith.constant 0 : i32
      %scan3A_12 = arith.constant 92 : i32
      %scan3A_13 = arith.addi %scan3A_11, %scan3A_12 : i32
      %scan3A_14 = arith.constant 1 : i32
      scf.for %scan3A_20 = %scan3A_11 to %scan3A_13 step %scan3A_14  : i32 {
        %dma_start3A = arith.constant 0 : i32
        %dma_start3A_21 = tpu.memref_slice %arg10[%scan3A_20, %dma_start3A] : memref<92x32xi32, #tpu.memory_space<vmem>> -> memref<1x32xi32, #tpu.memory_space<vmem>>
        %dma_start3A_22 = tpu.memref_squeeze %dma_start3A_21 : memref<1x32xi32, #tpu.memory_space<vmem>> -> memref<32xi32, #tpu.memory_space<vmem>>
        %dma_start3A_23 = arith.constant 0 : i32
        %dma_start3A_24 = arith.constant 0 : i32
        %dma_start3A_25 = tpu.memref_slice %arg2[%dma_start3A_23, %dma_start3A_24] : memref<10240x768xf32, #tpu.memory_space<hbm>> -> memref<10240x768xf32, #tpu.memory_space<hbm>>
        tpu.enqueue_indirect_dma source(%dma_start3A_25 : memref<10240x768xf32, #tpu.memory_space<hbm>>) target(%arg13 : memref<32x768xf32, #tpu.memory_space<vmem>>) offsets(%dma_start3A_22 : memref<32xi32, #tpu.memory_space<vmem>>) semaphore(%arg16 : memref<!tpu.dma_semaphore, #tpu.memory_space<semaphore_mem>>)
        %dma_wait3A = arith.constant 0 : i32
        %dma_wait3A_26 = tpu.memref_slice %arg10[%scan3A_20, %dma_wait3A] : memref<92x32xi32, #tpu.memory_space<vmem>> -> memref<1x32xi32, #tpu.memory_space<vmem>>
        %dma_wait3A_27 = tpu.memref_squeeze %dma_wait3A_26 : memref<1x32xi32, #tpu.memory_space<vmem>> -> memref<32xi32, #tpu.memory_space<vmem>>
        %dma_wait3A_28 = arith.constant 0 : i32
        %dma_wait3A_29 = arith.constant 0 : i32
        %dma_wait3A_30 = tpu.memref_slice %arg2[%dma_wait3A_28, %dma_wait3A_29] : memref<10240x768xf32, #tpu.memory_space<hbm>> -> memref<10240x768xf32, #tpu.memory_space<hbm>>
        tpu.wait_indirect_dma semaphore(%arg16 : memref<!tpu.dma_semaphore, #tpu.memory_space<semaphore_mem>>) src(%dma_wait3A_30 : memref<10240x768xf32, #tpu.memory_space<hbm>>) dst(%arg13 : memref<32x768xf32, #tpu.memory_space<vmem>>)
        %mul3A_31 = arith.constant 32 : i32
        %mul3A_32 = arith.muli %scan3A_20, %mul3A_31 : i32
        %add3A_33 = arith.constant 0 : i32
        %add3A_34 = arith.addi %mul3A_32, %add3A_33 : i32
        %get3A = arith.index_cast %add3A_34 : i32 to index
        %get3A_35 = tpu.vector_load %arg11[%get3A] {strides = array<i32>} : memref<2944xi32, #tpu.memory_space<vmem>>, vector<16xi32>,
        %mul3A_36 = arith.constant 32 : i32
        %mul3A_37 = arith.muli %scan3A_20, %mul3A_36 : i32
        %add3A_38 = arith.constant 0 : i32
        %add3A_39 = arith.addi %mul3A_37, %add3A_38 : i32
        %add3A_40 = vector.broadcast %add3A_39 : i32 to vector<16xi32>
        %add3A_41 = arith.addi %add3A_40, %iota3A : vector<16xi32>
        %mul3A_42 = arith.constant 4 : i32
        %mul3A_43 = vector.broadcast %mul3A_42 : i32 to vector<16xi32>
        %mul3A_44 = arith.muli %add3A_41, %mul3A_43 : vector<16xi32>
        %add3A_45 = arith.constant 0 : i32
        %add3A_46 = vector.broadcast %add3A_45 : i32 to vector<16xi32>
        %add3A_47 = arith.addi %mul3A_44, %add3A_46 : vector<16xi32>
        %gather3A = tpu.vector_load_idx %arg12[%add3A_47] : memref<11776xf32, #tpu.memory_space<vmem>>[vector<16xi32>], vector<16xf32>,
        %mul3A_48 = arith.constant 4 : i32
        %mul3A_49 = vector.broadcast %mul3A_48 : i32 to vector<16xi32>
        %mul3A_50 = arith.muli %get3A_35, %mul3A_49 : vector<16xi32>
        %add3A_51 = arith.constant 0 : i32
        %add3A_52 = vector.broadcast %add3A_51 : i32 to vector<16xi32>
        %add3A_53 = arith.addi %mul3A_50, %add3A_52 : vector<16xi32>
        tpu.vector_store_idx %arg15[%add3A_53], %gather3A {add = true} : memref<384xf32, #tpu.memory_space<vmem>>[vector<16xi32>], vector<16xf32>,
        %add3A_54 = arith.constant 1 : i32
        %add3A_55 = vector.broadcast %add3A_54 : i32 to vector<16xi32>
        %add3A_56 = arith.addi %mul3A_44, %add3A_55 : vector<16xi32>
        %gather3A_57 = tpu.vector_load_idx %arg12[%add3A_56] : memref<11776xf32, #tpu.memory_space<vmem>>[vector<16xi32>], vector<16xf32>,
        %mul3A_58 = arith.constant 4 : i32
        %mul3A_59 = vector.broadcast %mul3A_58 : i32 to vector<16xi32>
        %mul3A_60 = arith.muli %get3A_35, %mul3A_59 : vector<16xi32>
        %add3A_61 = arith.constant 1 : i32
        %add3A_62 = vector.broadcast %add3A_61 : i32 to vector<16xi32>
        %add3A_63 = arith.addi %mul3A_60, %add3A_62 : vector<16xi32>
        tpu.vector_store_idx %arg15[%add3A_63], %gather3A_57 {add = true} : memref<384xf32, #tpu.memory_space<vmem>>[vector<16xi32>], vector<16xf32>,
        %add3A_64 = arith.constant 2 : i32
        %add3A_65 = vector.broadcast %add3A_64 : i32 to vector<16xi32>
        %add3A_66 = arith.addi %mul3A_44, %add3A_65 : vector<16xi32>
        %gather3A_67 = tpu.vector_load_idx %arg12[%add3A_66] : memref<11776xf32, #tpu.memory_space<vmem>>[vector<16xi32>], vector<16xf32>,
        %mul3A_68 = arith.constant 4 : i32
        %mul3A_69 = vector.broadcast %mul3A_68 : i32 to vector<16xi32>
        %mul3A_70 = arith.muli %get3A_35, %mul3A_69 : vector<16xi32>
        %add3A_71 = arith.constant 2 : i32
        %add3A_72 = vector.broadcast %add3A_71 : i32 to vector<16xi32>
        %add3A_73 = arith.addi %mul3A_70, %add3A_72 : vector<16xi32>
        tpu.vector_store_idx %arg15[%add3A_73], %gather3A_67 {add = true} : memref<384xf32, #tpu.memory_space<vmem>>[vector<16xi32>], vector<16xf32>,
        %add3A_74 = arith.constant 3 : i32
        %add3A_75 = vector.broadcast %add3A_74 : i32 to vector<16xi32>
        %add3A_76 = arith.addi %mul3A_44, %add3A_75 : vector<16xi32>
        %gather3A_77 = tpu.vector_load_idx %arg12[%add3A_76] : memref<11776xf32, #tpu.memory_space<vmem>>[vector<16xi32>], vector<16xf32>,
        %mul3A_78 = arith.constant 4 : i32
        %mul3A_79 = vector.broadcast %mul3A_78 : i32 to vector<16xi32>
        %mul3A_80 = arith.muli %get3A_35, %mul3A_79 : vector<16xi32>
        %add3A_81 = arith.constant 3 : i32
        %add3A_82 = vector.broadcast %add3A_81 : i32 to vector<16xi32>
        %add3A_83 = arith.addi %mul3A_80, %add3A_82 : vector<16xi32>
        tpu.vector_store_idx %arg15[%add3A_83], %gather3A_77 {add = true} : memref<384xf32, #tpu.memory_space<vmem>>[vector<16xi32>], vector<16xf32>,
        %mul3A_84 = arith.constant 32 : i32
        %mul3A_85 = arith.muli %scan3A_20, %mul3A_84 : i32
        %add3A_86 = arith.constant 16 : i32
        %add3A_87 = arith.addi %mul3A_85, %add3A_86 : i32
        %get3A_88 = arith.index_cast %add3A_87 : i32 to index
        %get3A_89 = tpu.vector_load %arg11[%get3A_88] {strides = array<i32>} : memref<2944xi32, #tpu.memory_space<vmem>>, vector<16xi32>,
        %mul3A_90 = arith.constant 32 : i32
        %mul3A_91 = arith.muli %scan3A_20, %mul3A_90 : i32
        %add3A_92 = arith.constant 16 : i32
        %add3A_93 = arith.addi %mul3A_91, %add3A_92 : i32
        %add3A_94 = vector.broadcast %add3A_93 : i32 to vector<16xi32>
        %add3A_95 = arith.addi %add3A_94, %iota3A : vector<16xi32>
        %mul3A_96 = arith.constant 4 : i32
        %mul3A_97 = vector.broadcast %mul3A_96 : i32 to vector<16xi32>
        %mul3A_98 = arith.muli %add3A_95, %mul3A_97 : vector<16xi32>
        %add3A_99 = arith.constant 0 : i32
        %add3A_100 = vector.broadcast %add3A_99 : i32 to vector<16xi32>
        %add3A_101 = arith.addi %mul3A_98, %add3A_100 : vector<16xi32>
        %gather3A_102 = tpu.vector_load_idx %arg12[%add3A_101] : memref<11776xf32, #tpu.memory_space<vmem>>[vector<16xi32>], vector<16xf32>,
        %mul3A_103 = arith.constant 4 : i32
        %mul3A_104 = vector.broadcast %mul3A_103 : i32 to vector<16xi32>
        %mul3A_105 = arith.muli %get3A_89, %mul3A_104 : vector<16xi32>
        %add3A_106 = arith.constant 0 : i32
        %add3A_107 = vector.broadcast %add3A_106 : i32 to vector<16xi32>
        %add3A_108 = arith.addi %mul3A_105, %add3A_107 : vector<16xi32>
        tpu.vector_store_idx %arg15[%add3A_108], %gather3A_102 {add = true} : memref<384xf32, #tpu.memory_space<vmem>>[vector<16xi32>], vector<16xf32>,
        %add3A_109 = arith.constant 1 : i32
        %add3A_110 = vector.broadcast %add3A_109 : i32 to vector<16xi32>
        %add3A_111 = arith.addi %mul3A_98, %add3A_110 : vector<16xi32>
        %gather3A_112 = tpu.vector_load_idx %arg12[%add3A_111] : memref<11776xf32, #tpu.memory_space<vmem>>[vector<16xi32>], vector<16xf32>,
        %mul3A_113 = arith.constant 4 : i32
        %mul3A_114 = vector.broadcast %mul3A_113 : i32 to vector<16xi32>
        %mul3A_115 = arith.muli %get3A_89, %mul3A_114 : vector<16xi32>
        %add3A_116 = arith.constant 1 : i32
        %add3A_117 = vector.broadcast %add3A_116 : i32 to vector<16xi32>
        %add3A_118 = arith.addi %mul3A_115, %add3A_117 : vector<16xi32>
        tpu.vector_store_idx %arg15[%add3A_118], %gather3A_112 {add = true} : memref<384xf32, #tpu.memory_space<vmem>>[vector<16xi32>], vector<16xf32>,
        %add3A_119 = arith.constant 2 : i32
        %add3A_120 = vector.broadcast %add3A_119 : i32 to vector<16xi32>
        %add3A_121 = arith.addi %mul3A_98, %add3A_120 : vector<16xi32>
        %gather3A_122 = tpu.vector_load_idx %arg12[%add3A_121] : memref<11776xf32, #tpu.memory_space<vmem>>[vector<16xi32>], vector<16xf32>,
        %mul3A_123 = arith.constant 4 : i32
        %mul3A_124 = vector.broadcast %mul3A_123 : i32 to vector<16xi32>
        %mul3A_125 = arith.muli %get3A_89, %mul3A_124 : vector<16xi32>
        %add3A_126 = arith.constant 2 : i32
        %add3A_127 = vector.broadcast %add3A_126 : i32 to vector<16xi32>
        %add3A_128 = arith.addi %mul3A_125, %add3A_127 : vector<16xi32>
        tpu.vector_store_idx %arg15[%add3A_128], %gather3A_122 {add = true} : memref<384xf32, #tpu.memory_space<vmem>>[vector<16xi32>], vector<16xf32>,
        %add3A_129 = arith.constant 3 : i32
        %add3A_130 = vector.broadcast %add3A_129 : i32 to vector<16xi32>
        %add3A_131 = arith.addi %mul3A_98, %add3A_130 : vector<16xi32>
        %gather3A_132 = tpu.vector_load_idx %arg12[%add3A_131] : memref<11776xf32, #tpu.memory_space<vmem>>[vector<16xi32>], vector<16xf32>,
        %mul3A_133 = arith.constant 4 : i32
        %mul3A_134 = vector.broadcast %mul3A_133 : i32 to vector<16xi32>
        %mul3A_135 = arith.muli %get3A_89, %mul3A_134 : vector<16xi32>
        %add3A_136 = arith.constant 3 : i32
        %add3A_137 = vector.broadcast %add3A_136 : i32 to vector<16xi32>
        %add3A_138 = arith.addi %mul3A_135, %add3A_137 : vector<16xi32>
        tpu.vector_store_idx %arg15[%add3A_138], %gather3A_132 {add = true} : memref<384xf32, #tpu.memory_space<vmem>>[vector<16xi32>], vector<16xf32>,
        %scan3A_139 = arith.constant 0 : i32
        %scan3A_140 = arith.constant 0 : i32
        %scan3A_141 = arith.constant 32 : i32
        %scan3A_142 = arith.addi %scan3A_140, %scan3A_141 : i32
        %scan3A_143 = arith.constant 1 : i32
        scf.for %scan3A_145 = %scan3A_140 to %scan3A_142 step %scan3A_143  : i32 {
          %mul3A_146 = arith.constant 32 : i32
          %mul3A_147 = arith.muli %scan3A_20, %mul3A_146 : i32
          %add3A_148 = arith.addi %mul3A_147, %scan3A_145 : i32
          %broadcast_in_dim3A = vector.broadcast %add3A_148 : i32 to vector<16xi32>
          %gather3A_149 = tpu.vector_load_idx %arg11[%broadcast_in_dim3A] : memref<2944xi32, #tpu.memory_space<vmem>>[vector<16xi32>], vector<16xi32>,
          %mul3A_150 = arith.constant 768 : i32
          %mul3A_151 = vector.broadcast %mul3A_150 : i32 to vector<16xi32>
          %mul3A_152 = arith.muli %gather3A_149, %mul3A_151 : vector<16xi32>
          %mul3A_153 = arith.constant 32 : i32
          %mul3A_154 = arith.muli %scan3A_20, %mul3A_153 : i32
          %add3A_155 = arith.addi %mul3A_154, %scan3A_145 : i32
          %mul3A_156 = arith.constant 4 : i32
          %mul3A_157 = arith.muli %add3A_155, %mul3A_156 : i32
          %add3A_158 = arith.constant 0 : i32
          %add3A_159 = arith.addi %mul3A_157, %add3A_158 : i32
          %broadcast_in_dim3A_160 = vector.broadcast %add3A_159 : i32 to vector<16xi32>
          %gather3A_161 = tpu.vector_load_idx %arg12[%broadcast_in_dim3A_160] : memref<11776xf32, #tpu.memory_space<vmem>>[vector<16xi32>], vector<16xf32>,
          %get3A_162 = arith.index_cast %scan3A_145 : i32 to index
          %get3A_163 = arith.constant 0 : index
          %get3A_164 = tpu.vector_load %arg13[%get3A_162, %get3A_163] {strides = array<i32>} : memref<32x768xf32, #tpu.memory_space<vmem>>, vector<16xf32>,
          %add3A_165 = arith.constant 0 : i32
          %add3A_166 = vector.broadcast %add3A_165 : i32 to vector<16xi32>
          %add3A_167 = arith.addi %mul3A_152, %add3A_166 : vector<16xi32>
          %add3A_168 = arith.addi %add3A_167, %iota3A : vector<16xi32>
          %mul3A_169 = arith.mulf %get3A_164, %gather3A_161 : vector<16xf32>
          tpu.vector_store_idx %arg14[%add3A_168], %mul3A_169 {add = true} : memref<62208xf32, #tpu.memory_space<vmem>>[vector<16xi32>], vector<16xf32>,
          %get3A_170 = arith.index_cast %scan3A_145 : i32 to index
          %get3A_171 = arith.constant 16 : index
          %get3A_172 = tpu.vector_load %arg13[%get3A_170, %get3A_171] {strides = array<i32>} : memref<32x768xf32, #tpu.memory_space<vmem>>, vector<16xf32>,
          %add3A_173 = arith.constant 16 : i32
          %add3A_174 = vector.broadcast %add3A_173 : i32 to vector<16xi32>
          %add3A_175 = arith.addi %mul3A_152, %add3A_174 : vector<16xi32>
          %add3A_176 = arith.addi %add3A_175, %iota3A : vector<16xi32>
          %mul3A_177 = arith.mulf %get3A_172, %gather3A_161 : vector<16xf32>
          tpu.vector_store_idx %arg14[%add3A_176], %mul3A_177 {add = true} : memref<62208xf32, #tpu.memory_space<vmem>>[vector<16xi32>], vector<16xf32>,
          %get3A_178 = arith.index_cast %scan3A_145 : i32 to index
          %get3A_179 = arith.constant 32 : index
          %get3A_180 = tpu.vector_load %arg13[%get3A_178, %get3A_179] {strides = array<i32>} : memref<32x768xf32, #tpu.memory_space<vmem>>, vector<16xf32>,
          %add3A_181 = arith.constant 32 : i32
          %add3A_182 = vector.broadcast %add3A_181 : i32 to vector<16xi32>
          %add3A_183 = arith.addi %mul3A_152, %add3A_182 : vector<16xi32>
          %add3A_184 = arith.addi %add3A_183, %iota3A : vector<16xi32>
          %mul3A_185 = arith.mulf %get3A_180, %gather3A_161 : vector<16xf32>
          tpu.vector_store_idx %arg14[%add3A_184], %mul3A_185 {add = true} : memref<62208xf32, #tpu.memory_space<vmem>>[vector<16xi32>], vector<16xf32>,
          %get3A_186 = arith.index_cast %scan3A_145 : i32 to index
          %get3A_187 = arith.constant 48 : index
          %get3A_188 = tpu.vector_load %arg13[%get3A_186, %get3A_187] {strides = array<i32>} : memref<32x768xf32, #tpu.memory_space<vmem>>, vector<16xf32>,
          %add3A_189 = arith.constant 48 : i32
          %add3A_190 = vector.broadcast %add3A_189 : i32 to vector<16xi32>
          %add3A_191 = arith.addi %mul3A_152, %add3A_190 : vector<16xi32>
          %add3A_192 = arith.addi %add3A_191, %iota3A : vector<16xi32>
          %mul3A_193 = arith.mulf %get3A_188, %gather3A_161 : vector<16xf32>
          tpu.vector_store_idx %arg14[%add3A_192], %mul3A_193 {add = true} : memref<62208xf32, #tpu.memory_space<vmem>>[vector<16xi32>], vector<16xf32>,
          %get3A_194 = arith.index_cast %scan3A_145 : i32 to index
          %get3A_195 = arith.constant 64 : index
          %get3A_196 = tpu.vector_load %arg13[%get3A_194, %get3A_195] {strides = array<i32>} : memref<32x768xf32, #tpu.memory_space<vmem>>, vector<16xf32>,
          %add3A_197 = arith.constant 64 : i32
          %add3A_198 = vector.broadcast %add3A_197 : i32 to vector<16xi32>
          %add3A_199 = arith.addi %mul3A_152, %add3A_198 : vector<16xi32>
          %add3A_200 = arith.addi %add3A_199, %iota3A : vector<16xi32>
          %mul3A_201 = arith.mulf %get3A_196, %gather3A_161 : vector<16xf32>
          tpu.vector_store_idx %arg14[%add3A_200], %mul3A_201 {add = true} : memref<62208xf32, #tpu.memory_space<vmem>>[vector<16xi32>], vector<16xf32>,
          %get3A_202 = arith.index_cast %scan3A_145 : i32 to index
          %get3A_203 = arith.constant 80 : index
          %get3A_204 = tpu.vector_load %arg13[%get3A_202, %get3A_203] {strides = array<i32>} : memref<32x768xf32, #tpu.memory_space<vmem>>, vector<16xf32>,
          %add3A_205 = arith.constant 80 : i32
          %add3A_206 = vector.broadcast %add3A_205 : i32 to vector<16xi32>
          %add3A_207 = arith.addi %mul3A_152, %add3A_206 : vector<16xi32>
          %add3A_208 = arith.addi %add3A_207, %iota3A : vector<16xi32>
          %mul3A_209 = arith.mulf %get3A_204, %gather3A_161 : vector<16xf32>
          tpu.vector_store_idx %arg14[%add3A_208], %mul3A_209 {add = true} : memref<62208xf32, #tpu.memory_space<vmem>>[vector<16xi32>], vector<16xf32>,
          %get3A_210 = arith.index_cast %scan3A_145 : i32 to index
          %get3A_211 = arith.constant 96 : index
          %get3A_212 = tpu.vector_load %arg13[%get3A_210, %get3A_211] {strides = array<i32>} : memref<32x768xf32, #tpu.memory_space<vmem>>, vector<16xf32>,
          %add3A_213 = arith.constant 96 : i32
          %add3A_214 = vector.broadcast %add3A_213 : i32 to vector<16xi32>
          %add3A_215 = arith.addi %mul3A_152, %add3A_214 : vector<16xi32>
          %add3A_216 = arith.addi %add3A_215, %iota3A : vector<16xi32>
          %mul3A_217 = arith.mulf %get3A_212, %gather3A_161 : vector<16xf32>
          tpu.vector_store_idx %arg14[%add3A_216], %mul3A_217 {add = true} : memref<62208xf32, #tpu.memory_space<vmem>>[vector<16xi32>], vector<16xf32>,
          %get3A_218 = arith.index_cast %scan3A_145 : i32 to index
          %get3A_219 = arith.constant 112 : index
          %get3A_220 = tpu.vector_load %arg13[%get3A_218, %get3A_219] {strides = array<i32>} : memref<32x768xf32, #tpu.memory_space<vmem>>, vector<16xf32>,
          %add3A_221 = arith.constant 112 : i32
          %add3A_222 = vector.broadcast %add3A_221 : i32 to vector<16xi32>
          %add3A_223 = arith.addi %mul3A_152, %add3A_222 : vector<16xi32>
          %add3A_224 = arith.addi %add3A_223, %iota3A : vector<16xi32>
          %mul3A_225 = arith.mulf %get3A_220, %gather3A_161 : vector<16xf32>
          tpu.vector_store_idx %arg14[%add3A_224], %mul3A_225 {add = true} : memref<62208xf32, #tpu.memory_space<vmem>>[vector<16xi32>], vector<16xf32>,
          %get3A_226 = arith.index_cast %scan3A_145 : i32 to index
          %get3A_227 = arith.constant 128 : index
          %get3A_228 = tpu.vector_load %arg13[%get3A_226, %get3A_227] {strides = array<i32>} : memref<32x768xf32, #tpu.memory_space<vmem>>, vector<16xf32>,
          %add3A_229 = arith.constant 128 : i32
          %add3A_230 = vector.broadcast %add3A_229 : i32 to vector<16xi32>
          %add3A_231 = arith.addi %mul3A_152, %add3A_230 : vector<16xi32>
          %add3A_232 = arith.addi %add3A_231, %iota3A : vector<16xi32>
          %mul3A_233 = arith.mulf %get3A_228, %gather3A_161 : vector<16xf32>
          tpu.vector_store_idx %arg14[%add3A_232], %mul3A_233 {add = true} : memref<62208xf32, #tpu.memory_space<vmem>>[vector<16xi32>], vector<16xf32>,
          %get3A_234 = arith.index_cast %scan3A_145 : i32 to index
          %get3A_235 = arith.constant 144 : index
          %get3A_236 = tpu.vector_load %arg13[%get3A_234, %get3A_235] {strides = array<i32>} : memref<32x768xf32, #tpu.memory_space<vmem>>, vector<16xf32>,
          %add3A_237 = arith.constant 144 : i32
          %add3A_238 = vector.broadcast %add3A_237 : i32 to vector<16xi32>
          %add3A_239 = arith.addi %mul3A_152, %add3A_238 : vector<16xi32>
          %add3A_240 = arith.addi %add3A_239, %iota3A : vector<16xi32>
          %mul3A_241 = arith.mulf %get3A_236, %gather3A_161 : vector<16xf32>
          tpu.vector_store_idx %arg14[%add3A_240], %mul3A_241 {add = true} : memref<62208xf32, #tpu.memory_space<vmem>>[vector<16xi32>], vector<16xf32>,
          %get3A_242 = arith.index_cast %scan3A_145 : i32 to index
          %get3A_243 = arith.constant 160 : index
          %get3A_244 = tpu.vector_load %arg13[%get3A_242, %get3A_243] {strides = array<i32>} : memref<32x768xf32, #tpu.memory_space<vmem>>, vector<16xf32>,
          %add3A_245 = arith.constant 160 : i32
          %add3A_246 = vector.broadcast %add3A_245 : i32 to vector<16xi32>
          %add3A_247 = arith.addi %mul3A_152, %add3A_246 : vector<16xi32>
          %add3A_248 = arith.addi %add3A_247, %iota3A : vector<16xi32>
          %mul3A_249 = arith.mulf %get3A_244, %gather3A_161 : vector<16xf32>
          tpu.vector_store_idx %arg14[%add3A_248], %mul3A_249 {add = true} : memref<62208xf32, #tpu.memory_space<vmem>>[vector<16xi32>], vector<16xf32>,
          %get3A_250 = arith.index_cast %scan3A_145 : i32 to index
          %get3A_251 = arith.constant 176 : index
          %get3A_252 = tpu.vector_load %arg13[%get3A_250, %get3A_251] {strides = array<i32>} : memref<32x768xf32, #tpu.memory_space<vmem>>, vector<16xf32>,
          %add3A_253 = arith.constant 176 : i32
          %add3A_254 = vector.broadcast %add3A_253 : i32 to vector<16xi32>
          %add3A_255 = arith.addi %mul3A_152, %add3A_254 : vector<16xi32>
          %add3A_256 = arith.addi %add3A_255, %iota3A : vector<16xi32>
          %mul3A_257 = arith.mulf %get3A_252, %gather3A_161 : vector<16xf32>
          tpu.vector_store_idx %arg14[%add3A_256], %mul3A_257 {add = true} : memref<62208xf32, #tpu.memory_space<vmem>>[vector<16xi32>], vector<16xf32>,
          %mul3A_258 = arith.constant 32 : i32
          %mul3A_259 = arith.muli %scan3A_20, %mul3A_258 : i32
          %add3A_260 = arith.addi %mul3A_259, %scan3A_145 : i32
          %mul3A_261 = arith.constant 4 : i32
          %mul3A_262 = arith.muli %add3A_260, %mul3A_261 : i32
          %add3A_263 = arith.constant 1 : i32
          %add3A_264 = arith.addi %mul3A_262, %add3A_263 : i32
          %broadcast_in_dim3A_265 = vector.broadcast %add3A_264 : i32 to vector<16xi32>
          %gather3A_266 = tpu.vector_load_idx %arg12[%broadcast_in_dim3A_265] : memref<11776xf32, #tpu.memory_space<vmem>>[vector<16xi32>], vector<16xf32>,
          %get3A_267 = arith.index_cast %scan3A_145 : i32 to index
          %get3A_268 = arith.constant 192 : index
          %get3A_269 = tpu.vector_load %arg13[%get3A_267, %get3A_268] {strides = array<i32>} : memref<32x768xf32, #tpu.memory_space<vmem>>, vector<16xf32>,
          %add3A_270 = arith.constant 192 : i32
          %add3A_271 = vector.broadcast %add3A_270 : i32 to vector<16xi32>
          %add3A_272 = arith.addi %mul3A_152, %add3A_271 : vector<16xi32>
          %add3A_273 = arith.addi %add3A_272, %iota3A : vector<16xi32>
          %mul3A_274 = arith.mulf %get3A_269, %gather3A_266 : vector<16xf32>
          tpu.vector_store_idx %arg14[%add3A_273], %mul3A_274 {add = true} : memref<62208xf32, #tpu.memory_space<vmem>>[vector<16xi32>], vector<16xf32>,
          %get3A_275 = arith.index_cast %scan3A_145 : i32 to index
          %get3A_276 = arith.constant 208 : index
          %get3A_277 = tpu.vector_load %arg13[%get3A_275, %get3A_276] {strides = array<i32>} : memref<32x768xf32, #tpu.memory_space<vmem>>, vector<16xf32>,
          %add3A_278 = arith.constant 208 : i32
          %add3A_279 = vector.broadcast %add3A_278 : i32 to vector<16xi32>
          %add3A_280 = arith.addi %mul3A_152, %add3A_279 : vector<16xi32>
          %add3A_281 = arith.addi %add3A_280, %iota3A : vector<16xi32>
          %mul3A_282 = arith.mulf %get3A_277, %gather3A_266 : vector<16xf32>
          tpu.vector_store_idx %arg14[%add3A_281], %mul3A_282 {add = true} : memref<62208xf32, #tpu.memory_space<vmem>>[vector<16xi32>], vector<16xf32>,
          %get3A_283 = arith.index_cast %scan3A_145 : i32 to index
          %get3A_284 = arith.constant 224 : index
          %get3A_285 = tpu.vector_load %arg13[%get3A_283, %get3A_284] {strides = array<i32>} : memref<32x768xf32, #tpu.memory_space<vmem>>, vector<16xf32>,
          %add3A_286 = arith.constant 224 : i32
          %add3A_287 = vector.broadcast %add3A_286 : i32 to vector<16xi32>
          %add3A_288 = arith.addi %mul3A_152, %add3A_287 : vector<16xi32>
          %add3A_289 = arith.addi %add3A_288, %iota3A : vector<16xi32>
          %mul3A_290 = arith.mulf %get3A_285, %gather3A_266 : vector<16xf32>
          tpu.vector_store_idx %arg14[%add3A_289], %mul3A_290 {add = true} : memref<62208xf32, #tpu.memory_space<vmem>>[vector<16xi32>], vector<16xf32>,
          %get3A_291 = arith.index_cast %scan3A_145 : i32 to index
          %get3A_292 = arith.constant 240 : index
          %get3A_293 = tpu.vector_load %arg13[%get3A_291, %get3A_292] {strides = array<i32>} : memref<32x768xf32, #tpu.memory_space<vmem>>, vector<16xf32>,
          %add3A_294 = arith.constant 240 : i32
          %add3A_295 = vector.broadcast %add3A_294 : i32 to vector<16xi32>
          %add3A_296 = arith.addi %mul3A_152, %add3A_295 : vector<16xi32>
          %add3A_297 = arith.addi %add3A_296, %iota3A : vector<16xi32>
          %mul3A_298 = arith.mulf %get3A_293, %gather3A_266 : vector<16xf32>
          tpu.vector_store_idx %arg14[%add3A_297], %mul3A_298 {add = true} : memref<62208xf32, #tpu.memory_space<vmem>>[vector<16xi32>], vector<16xf32>,
          %get3A_299 = arith.index_cast %scan3A_145 : i32 to index
          %get3A_300 = arith.constant 256 : index
          %get3A_301 = tpu.vector_load %arg13[%get3A_299, %get3A_300] {strides = array<i32>} : memref<32x768xf32, #tpu.memory_space<vmem>>, vector<16xf32>,
          %add3A_302 = arith.constant 256 : i32
          %add3A_303 = vector.broadcast %add3A_302 : i32 to vector<16xi32>
          %add3A_304 = arith.addi %mul3A_152, %add3A_303 : vector<16xi32>
          %add3A_305 = arith.addi %add3A_304, %iota3A : vector<16xi32>
          %mul3A_306 = arith.mulf %get3A_301, %gather3A_266 : vector<16xf32>
          tpu.vector_store_idx %arg14[%add3A_305], %mul3A_306 {add = true} : memref<62208xf32, #tpu.memory_space<vmem>>[vector<16xi32>], vector<16xf32>,
          %get3A_307 = arith.index_cast %scan3A_145 : i32 to index
          %get3A_308 = arith.constant 272 : index
          %get3A_309 = tpu.vector_load %arg13[%get3A_307, %get3A_308] {strides = array<i32>} : memref<32x768xf32, #tpu.memory_space<vmem>>, vector<16xf32>,
          %add3A_310 = arith.constant 272 : i32
          %add3A_311 = vector.broadcast %add3A_310 : i32 to vector<16xi32>
          %add3A_312 = arith.addi %mul3A_152, %add3A_311 : vector<16xi32>
          %add3A_313 = arith.addi %add3A_312, %iota3A : vector<16xi32>
          %mul3A_314 = arith.mulf %get3A_309, %gather3A_266 : vector<16xf32>
          tpu.vector_store_idx %arg14[%add3A_313], %mul3A_314 {add = true} : memref<62208xf32, #tpu.memory_space<vmem>>[vector<16xi32>], vector<16xf32>,
          %get3A_315 = arith.index_cast %scan3A_145 : i32 to index
          %get3A_316 = arith.constant 288 : index
          %get3A_317 = tpu.vector_load %arg13[%get3A_315, %get3A_316] {strides = array<i32>} : memref<32x768xf32, #tpu.memory_space<vmem>>, vector<16xf32>,
          %add3A_318 = arith.constant 288 : i32
          %add3A_319 = vector.broadcast %add3A_318 : i32 to vector<16xi32>
          %add3A_320 = arith.addi %mul3A_152, %add3A_319 : vector<16xi32>
          %add3A_321 = arith.addi %add3A_320, %iota3A : vector<16xi32>
          %mul3A_322 = arith.mulf %get3A_317, %gather3A_266 : vector<16xf32>
          tpu.vector_store_idx %arg14[%add3A_321], %mul3A_322 {add = true} : memref<62208xf32, #tpu.memory_space<vmem>>[vector<16xi32>], vector<16xf32>,
          %get3A_323 = arith.index_cast %scan3A_145 : i32 to index
          %get3A_324 = arith.constant 304 : index
          %get3A_325 = tpu.vector_load %arg13[%get3A_323, %get3A_324] {strides = array<i32>} : memref<32x768xf32, #tpu.memory_space<vmem>>, vector<16xf32>,
          %add3A_326 = arith.constant 304 : i32
          %add3A_327 = vector.broadcast %add3A_326 : i32 to vector<16xi32>
          %add3A_328 = arith.addi %mul3A_152, %add3A_327 : vector<16xi32>
          %add3A_329 = arith.addi %add3A_328, %iota3A : vector<16xi32>
          %mul3A_330 = arith.mulf %get3A_325, %gather3A_266 : vector<16xf32>
          tpu.vector_store_idx %arg14[%add3A_329], %mul3A_330 {add = true} : memref<62208xf32, #tpu.memory_space<vmem>>[vector<16xi32>], vector<16xf32>,
          %get3A_331 = arith.index_cast %scan3A_145 : i32 to index
          %get3A_332 = arith.constant 320 : index
          %get3A_333 = tpu.vector_load %arg13[%get3A_331, %get3A_332] {strides = array<i32>} : memref<32x768xf32, #tpu.memory_space<vmem>>, vector<16xf32>,
          %add3A_334 = arith.constant 320 : i32
          %add3A_335 = vector.broadcast %add3A_334 : i32 to vector<16xi32>
          %add3A_336 = arith.addi %mul3A_152, %add3A_335 : vector<16xi32>
          %add3A_337 = arith.addi %add3A_336, %iota3A : vector<16xi32>
          %mul3A_338 = arith.mulf %get3A_333, %gather3A_266 : vector<16xf32>
          tpu.vector_store_idx %arg14[%add3A_337], %mul3A_338 {add = true} : memref<62208xf32, #tpu.memory_space<vmem>>[vector<16xi32>], vector<16xf32>,
          %get3A_339 = arith.index_cast %scan3A_145 : i32 to index
          %get3A_340 = arith.constant 336 : index
          %get3A_341 = tpu.vector_load %arg13[%get3A_339, %get3A_340] {strides = array<i32>} : memref<32x768xf32, #tpu.memory_space<vmem>>, vector<16xf32>,
          %add3A_342 = arith.constant 336 : i32
          %add3A_343 = vector.broadcast %add3A_342 : i32 to vector<16xi32>
          %add3A_344 = arith.addi %mul3A_152, %add3A_343 : vector<16xi32>
          %add3A_345 = arith.addi %add3A_344, %iota3A : vector<16xi32>
          %mul3A_346 = arith.mulf %get3A_341, %gather3A_266 : vector<16xf32>
          tpu.vector_store_idx %arg14[%add3A_345], %mul3A_346 {add = true} : memref<62208xf32, #tpu.memory_space<vmem>>[vector<16xi32>], vector<16xf32>,
          %get3A_347 = arith.index_cast %scan3A_145 : i32 to index
          %get3A_348 = arith.constant 352 : index
          %get3A_349 = tpu.vector_load %arg13[%get3A_347, %get3A_348] {strides = array<i32>} : memref<32x768xf32, #tpu.memory_space<vmem>>, vector<16xf32>,
          %add3A_350 = arith.constant 352 : i32
          %add3A_351 = vector.broadcast %add3A_350 : i32 to vector<16xi32>
          %add3A_352 = arith.addi %mul3A_152, %add3A_351 : vector<16xi32>
          %add3A_353 = arith.addi %add3A_352, %iota3A : vector<16xi32>
          %mul3A_354 = arith.mulf %get3A_349, %gather3A_266 : vector<16xf32>
          tpu.vector_store_idx %arg14[%add3A_353], %mul3A_354 {add = true} : memref<62208xf32, #tpu.memory_space<vmem>>[vector<16xi32>], vector<16xf32>,
          %get3A_355 = arith.index_cast %scan3A_145 : i32 to index
          %get3A_356 = arith.constant 368 : index
          %get3A_357 = tpu.vector_load %arg13[%get3A_355, %get3A_356] {strides = array<i32>} : memref<32x768xf32, #tpu.memory_space<vmem>>, vector<16xf32>,
          %add3A_358 = arith.constant 368 : i32
          %add3A_359 = vector.broadcast %add3A_358 : i32 to vector<16xi32>
          %add3A_360 = arith.addi %mul3A_152, %add3A_359 : vector<16xi32>
          %add3A_361 = arith.addi %add3A_360, %iota3A : vector<16xi32>
          %mul3A_362 = arith.mulf %get3A_357, %gather3A_266 : vector<16xf32>
          tpu.vector_store_idx %arg14[%add3A_361], %mul3A_362 {add = true} : memref<62208xf32, #tpu.memory_space<vmem>>[vector<16xi32>], vector<16xf32>,
          %mul3A_363 = arith.constant 32 : i32
          %mul3A_364 = arith.muli %scan3A_20, %mul3A_363 : i32
          %add3A_365 = arith.addi %mul3A_364, %scan3A_145 : i32
          %mul3A_366 = arith.constant 4 : i32
          %mul3A_367 = arith.muli %add3A_365, %mul3A_366 : i32
          %add3A_368 = arith.constant 2 : i32
          %add3A_369 = arith.addi %mul3A_367, %add3A_368 : i32
          %broadcast_in_dim3A_370 = vector.broadcast %add3A_369 : i32 to vector<16xi32>
          %gather3A_371 = tpu.vector_load_idx %arg12[%broadcast_in_dim3A_370] : memref<11776xf32, #tpu.memory_space<vmem>>[vector<16xi32>], vector<16xf32>,
          %get3A_372 = arith.index_cast %scan3A_145 : i32 to index
          %get3A_373 = arith.constant 384 : index
          %get3A_374 = tpu.vector_load %arg13[%get3A_372, %get3A_373] {strides = array<i32>} : memref<32x768xf32, #tpu.memory_space<vmem>>, vector<16xf32>,
          %add3A_375 = arith.constant 384 : i32
          %add3A_376 = vector.broadcast %add3A_375 : i32 to vector<16xi32>
          %add3A_377 = arith.addi %mul3A_152, %add3A_376 : vector<16xi32>
          %add3A_378 = arith.addi %add3A_377, %iota3A : vector<16xi32>
          %mul3A_379 = arith.mulf %get3A_374, %gather3A_371 : vector<16xf32>
          tpu.vector_store_idx %arg14[%add3A_378], %mul3A_379 {add = true} : memref<62208xf32, #tpu.memory_space<vmem>>[vector<16xi32>], vector<16xf32>,
          %get3A_380 = arith.index_cast %scan3A_145 : i32 to index
          %get3A_381 = arith.constant 400 : index
          %get3A_382 = tpu.vector_load %arg13[%get3A_380, %get3A_381] {strides = array<i32>} : memref<32x768xf32, #tpu.memory_space<vmem>>, vector<16xf32>,
          %add3A_383 = arith.constant 400 : i32
          %add3A_384 = vector.broadcast %add3A_383 : i32 to vector<16xi32>
          %add3A_385 = arith.addi %mul3A_152, %add3A_384 : vector<16xi32>
          %add3A_386 = arith.addi %add3A_385, %iota3A : vector<16xi32>
          %mul3A_387 = arith.mulf %get3A_382, %gather3A_371 : vector<16xf32>
          tpu.vector_store_idx %arg14[%add3A_386], %mul3A_387 {add = true} : memref<62208xf32, #tpu.memory_space<vmem>>[vector<16xi32>], vector<16xf32>,
          %get3A_388 = arith.index_cast %scan3A_145 : i32 to index
          %get3A_389 = arith.constant 416 : index
          %get3A_390 = tpu.vector_load %arg13[%get3A_388, %get3A_389] {strides = array<i32>} : memref<32x768xf32, #tpu.memory_space<vmem>>, vector<16xf32>,
          %add3A_391 = arith.constant 416 : i32
          %add3A_392 = vector.broadcast %add3A_391 : i32 to vector<16xi32>
          %add3A_393 = arith.addi %mul3A_152, %add3A_392 : vector<16xi32>
          %add3A_394 = arith.addi %add3A_393, %iota3A : vector<16xi32>
          %mul3A_395 = arith.mulf %get3A_390, %gather3A_371 : vector<16xf32>
          tpu.vector_store_idx %arg14[%add3A_394], %mul3A_395 {add = true} : memref<62208xf32, #tpu.memory_space<vmem>>[vector<16xi32>], vector<16xf32>,
          %get3A_396 = arith.index_cast %scan3A_145 : i32 to index
          %get3A_397 = arith.constant 432 : index
          %get3A_398 = tpu.vector_load %arg13[%get3A_396, %get3A_397] {strides = array<i32>} : memref<32x768xf32, #tpu.memory_space<vmem>>, vector<16xf32>,
          %add3A_399 = arith.constant 432 : i32
          %add3A_400 = vector.broadcast %add3A_399 : i32 to vector<16xi32>
          %add3A_401 = arith.addi %mul3A_152, %add3A_400 : vector<16xi32>
          %add3A_402 = arith.addi %add3A_401, %iota3A : vector<16xi32>
          %mul3A_403 = arith.mulf %get3A_398, %gather3A_371 : vector<16xf32>
          tpu.vector_store_idx %arg14[%add3A_402], %mul3A_403 {add = true} : memref<62208xf32, #tpu.memory_space<vmem>>[vector<16xi32>], vector<16xf32>,
          %get3A_404 = arith.index_cast %scan3A_145 : i32 to index
          %get3A_405 = arith.constant 448 : index
          %get3A_406 = tpu.vector_load %arg13[%get3A_404, %get3A_405] {strides = array<i32>} : memref<32x768xf32, #tpu.memory_space<vmem>>, vector<16xf32>,
          %add3A_407 = arith.constant 448 : i32
          %add3A_408 = vector.broadcast %add3A_407 : i32 to vector<16xi32>
          %add3A_409 = arith.addi %mul3A_152, %add3A_408 : vector<16xi32>
          %add3A_410 = arith.addi %add3A_409, %iota3A : vector<16xi32>
          %mul3A_411 = arith.mulf %get3A_406, %gather3A_371 : vector<16xf32>
          tpu.vector_store_idx %arg14[%add3A_410], %mul3A_411 {add = true} : memref<62208xf32, #tpu.memory_space<vmem>>[vector<16xi32>], vector<16xf32>,
          %get3A_412 = arith.index_cast %scan3A_145 : i32 to index
          %get3A_413 = arith.constant 464 : index
          %get3A_414 = tpu.vector_load %arg13[%get3A_412, %get3A_413] {strides = array<i32>} : memref<32x768xf32, #tpu.memory_space<vmem>>, vector<16xf32>,
          %add3A_415 = arith.constant 464 : i32
          %add3A_416 = vector.broadcast %add3A_415 : i32 to vector<16xi32>
          %add3A_417 = arith.addi %mul3A_152, %add3A_416 : vector<16xi32>
          %add3A_418 = arith.addi %add3A_417, %iota3A : vector<16xi32>
          %mul3A_419 = arith.mulf %get3A_414, %gather3A_371 : vector<16xf32>
          tpu.vector_store_idx %arg14[%add3A_418], %mul3A_419 {add = true} : memref<62208xf32, #tpu.memory_space<vmem>>[vector<16xi32>], vector<16xf32>,
          %get3A_420 = arith.index_cast %scan3A_145 : i32 to index
          %get3A_421 = arith.constant 480 : index
          %get3A_422 = tpu.vector_load %arg13[%get3A_420, %get3A_421] {strides = array<i32>} : memref<32x768xf32, #tpu.memory_space<vmem>>, vector<16xf32>,
          %add3A_423 = arith.constant 480 : i32
          %add3A_424 = vector.broadcast %add3A_423 : i32 to vector<16xi32>
          %add3A_425 = arith.addi %mul3A_152, %add3A_424 : vector<16xi32>
          %add3A_426 = arith.addi %add3A_425, %iota3A : vector<16xi32>
          %mul3A_427 = arith.mulf %get3A_422, %gather3A_371 : vector<16xf32>
          tpu.vector_store_idx %arg14[%add3A_426], %mul3A_427 {add = true} : memref<62208xf32, #tpu.memory_space<vmem>>[vector<16xi32>], vector<16xf32>,
          %get3A_428 = arith.index_cast %scan3A_145 : i32 to index
          %get3A_429 = arith.constant 496 : index
          %get3A_430 = tpu.vector_load %arg13[%get3A_428, %get3A_429] {strides = array<i32>} : memref<32x768xf32, #tpu.memory_space<vmem>>, vector<16xf32>,
          %add3A_431 = arith.constant 496 : i32
          %add3A_432 = vector.broadcast %add3A_431 : i32 to vector<16xi32>
          %add3A_433 = arith.addi %mul3A_152, %add3A_432 : vector<16xi32>
          %add3A_434 = arith.addi %add3A_433, %iota3A : vector<16xi32>
          %mul3A_435 = arith.mulf %get3A_430, %gather3A_371 : vector<16xf32>
          tpu.vector_store_idx %arg14[%add3A_434], %mul3A_435 {add = true} : memref<62208xf32, #tpu.memory_space<vmem>>[vector<16xi32>], vector<16xf32>,
          %get3A_436 = arith.index_cast %scan3A_145 : i32 to index
          %get3A_437 = arith.constant 512 : index
          %get3A_438 = tpu.vector_load %arg13[%get3A_436, %get3A_437] {strides = array<i32>} : memref<32x768xf32, #tpu.memory_space<vmem>>, vector<16xf32>,
          %add3A_439 = arith.constant 512 : i32
          %add3A_440 = vector.broadcast %add3A_439 : i32 to vector<16xi32>
          %add3A_441 = arith.addi %mul3A_152, %add3A_440 : vector<16xi32>
          %add3A_442 = arith.addi %add3A_441, %iota3A : vector<16xi32>
          %mul3A_443 = arith.mulf %get3A_438, %gather3A_371 : vector<16xf32>
          tpu.vector_store_idx %arg14[%add3A_442], %mul3A_443 {add = true} : memref<62208xf32, #tpu.memory_space<vmem>>[vector<16xi32>], vector<16xf32>,
          %get3A_444 = arith.index_cast %scan3A_145 : i32 to index
          %get3A_445 = arith.constant 528 : index
          %get3A_446 = tpu.vector_load %arg13[%get3A_444, %get3A_445] {strides = array<i32>} : memref<32x768xf32, #tpu.memory_space<vmem>>, vector<16xf32>,
          %add3A_447 = arith.constant 528 : i32
          %add3A_448 = vector.broadcast %add3A_447 : i32 to vector<16xi32>
          %add3A_449 = arith.addi %mul3A_152, %add3A_448 : vector<16xi32>
          %add3A_450 = arith.addi %add3A_449, %iota3A : vector<16xi32>
          %mul3A_451 = arith.mulf %get3A_446, %gather3A_371 : vector<16xf32>
          tpu.vector_store_idx %arg14[%add3A_450], %mul3A_451 {add = true} : memref<62208xf32, #tpu.memory_space<vmem>>[vector<16xi32>], vector<16xf32>,
          %get3A_452 = arith.index_cast %scan3A_145 : i32 to index
          %get3A_453 = arith.constant 544 : index
          %get3A_454 = tpu.vector_load %arg13[%get3A_452, %get3A_453] {strides = array<i32>} : memref<32x768xf32, #tpu.memory_space<vmem>>, vector<16xf32>,
          %add3A_455 = arith.constant 544 : i32
          %add3A_456 = vector.broadcast %add3A_455 : i32 to vector<16xi32>
          %add3A_457 = arith.addi %mul3A_152, %add3A_456 : vector<16xi32>
          %add3A_458 = arith.addi %add3A_457, %iota3A : vector<16xi32>
          %mul3A_459 = arith.mulf %get3A_454, %gather3A_371 : vector<16xf32>
          tpu.vector_store_idx %arg14[%add3A_458], %mul3A_459 {add = true} : memref<62208xf32, #tpu.memory_space<vmem>>[vector<16xi32>], vector<16xf32>,
          %get3A_460 = arith.index_cast %scan3A_145 : i32 to index
          %get3A_461 = arith.constant 560 : index
          %get3A_462 = tpu.vector_load %arg13[%get3A_460, %get3A_461] {strides = array<i32>} : memref<32x768xf32, #tpu.memory_space<vmem>>, vector<16xf32>,
          %add3A_463 = arith.constant 560 : i32
          %add3A_464 = vector.broadcast %add3A_463 : i32 to vector<16xi32>
          %add3A_465 = arith.addi %mul3A_152, %add3A_464 : vector<16xi32>
          %add3A_466 = arith.addi %add3A_465, %iota3A : vector<16xi32>
          %mul3A_467 = arith.mulf %get3A_462, %gather3A_371 : vector<16xf32>
          tpu.vector_store_idx %arg14[%add3A_466], %mul3A_467 {add = true} : memref<62208xf32, #tpu.memory_space<vmem>>[vector<16xi32>], vector<16xf32>,
          %mul3A_468 = arith.constant 32 : i32
          %mul3A_469 = arith.muli %scan3A_20, %mul3A_468 : i32
          %add3A_470 = arith.addi %mul3A_469, %scan3A_145 : i32
          %mul3A_471 = arith.constant 4 : i32
          %mul3A_472 = arith.muli %add3A_470, %mul3A_471 : i32
          %add3A_473 = arith.constant 3 : i32
          %add3A_474 = arith.addi %mul3A_472, %add3A_473 : i32
          %broadcast_in_dim3A_475 = vector.broadcast %add3A_474 : i32 to vector<16xi32>
          %gather3A_476 = tpu.vector_load_idx %arg12[%broadcast_in_dim3A_475] : memref<11776xf32, #tpu.memory_space<vmem>>[vector<16xi32>], vector<16xf32>,
          %get3A_477 = arith.index_cast %scan3A_145 : i32 to index
          %get3A_478 = arith.constant 576 : index
          %get3A_479 = tpu.vector_load %arg13[%get3A_477, %get3A_478] {strides = array<i32>} : memref<32x768xf32, #tpu.memory_space<vmem>>, vector<16xf32>,
          %add3A_480 = arith.constant 576 : i32
          %add3A_481 = vector.broadcast %add3A_480 : i32 to vector<16xi32>
          %add3A_482 = arith.addi %mul3A_152, %add3A_481 : vector<16xi32>
          %add3A_483 = arith.addi %add3A_482, %iota3A : vector<16xi32>
          %mul3A_484 = arith.mulf %get3A_479, %gather3A_476 : vector<16xf32>
          tpu.vector_store_idx %arg14[%add3A_483], %mul3A_484 {add = true} : memref<62208xf32, #tpu.memory_space<vmem>>[vector<16xi32>], vector<16xf32>,
          %get3A_485 = arith.index_cast %scan3A_145 : i32 to index
          %get3A_486 = arith.constant 592 : index
          %get3A_487 = tpu.vector_load %arg13[%get3A_485, %get3A_486] {strides = array<i32>} : memref<32x768xf32, #tpu.memory_space<vmem>>, vector<16xf32>,
          %add3A_488 = arith.constant 592 : i32
          %add3A_489 = vector.broadcast %add3A_488 : i32 to vector<16xi32>
          %add3A_490 = arith.addi %mul3A_152, %add3A_489 : vector<16xi32>
          %add3A_491 = arith.addi %add3A_490, %iota3A : vector<16xi32>
          %mul3A_492 = arith.mulf %get3A_487, %gather3A_476 : vector<16xf32>
          tpu.vector_store_idx %arg14[%add3A_491], %mul3A_492 {add = true} : memref<62208xf32, #tpu.memory_space<vmem>>[vector<16xi32>], vector<16xf32>,
          %get3A_493 = arith.index_cast %scan3A_145 : i32 to index
          %get3A_494 = arith.constant 608 : index
          %get3A_495 = tpu.vector_load %arg13[%get3A_493, %get3A_494] {strides = array<i32>} : memref<32x768xf32, #tpu.memory_space<vmem>>, vector<16xf32>,
          %add3A_496 = arith.constant 608 : i32
          %add3A_497 = vector.broadcast %add3A_496 : i32 to vector<16xi32>
          %add3A_498 = arith.addi %mul3A_152, %add3A_497 : vector<16xi32>
          %add3A_499 = arith.addi %add3A_498, %iota3A : vector<16xi32>
          %mul3A_500 = arith.mulf %get3A_495, %gather3A_476 : vector<16xf32>
          tpu.vector_store_idx %arg14[%add3A_499], %mul3A_500 {add = true} : memref<62208xf32, #tpu.memory_space<vmem>>[vector<16xi32>], vector<16xf32>,
          %get3A_501 = arith.index_cast %scan3A_145 : i32 to index
          %get3A_502 = arith.constant 624 : index
          %get3A_503 = tpu.vector_load %arg13[%get3A_501, %get3A_502] {strides = array<i32>} : memref<32x768xf32, #tpu.memory_space<vmem>>, vector<16xf32>,
          %add3A_504 = arith.constant 624 : i32
          %add3A_505 = vector.broadcast %add3A_504 : i32 to vector<16xi32>
          %add3A_506 = arith.addi %mul3A_152, %add3A_505 : vector<16xi32>
          %add3A_507 = arith.addi %add3A_506, %iota3A : vector<16xi32>
          %mul3A_508 = arith.mulf %get3A_503, %gather3A_476 : vector<16xf32>
          tpu.vector_store_idx %arg14[%add3A_507], %mul3A_508 {add = true} : memref<62208xf32, #tpu.memory_space<vmem>>[vector<16xi32>], vector<16xf32>,
          %get3A_509 = arith.index_cast %scan3A_145 : i32 to index
          %get3A_510 = arith.constant 640 : index
          %get3A_511 = tpu.vector_load %arg13[%get3A_509, %get3A_510] {strides = array<i32>} : memref<32x768xf32, #tpu.memory_space<vmem>>, vector<16xf32>,
          %add3A_512 = arith.constant 640 : i32
          %add3A_513 = vector.broadcast %add3A_512 : i32 to vector<16xi32>
          %add3A_514 = arith.addi %mul3A_152, %add3A_513 : vector<16xi32>
          %add3A_515 = arith.addi %add3A_514, %iota3A : vector<16xi32>
          %mul3A_516 = arith.mulf %get3A_511, %gather3A_476 : vector<16xf32>
          tpu.vector_store_idx %arg14[%add3A_515], %mul3A_516 {add = true} : memref<62208xf32, #tpu.memory_space<vmem>>[vector<16xi32>], vector<16xf32>,
          %get3A_517 = arith.index_cast %scan3A_145 : i32 to index
          %get3A_518 = arith.constant 656 : index
          %get3A_519 = tpu.vector_load %arg13[%get3A_517, %get3A_518] {strides = array<i32>} : memref<32x768xf32, #tpu.memory_space<vmem>>, vector<16xf32>,
          %add3A_520 = arith.constant 656 : i32
          %add3A_521 = vector.broadcast %add3A_520 : i32 to vector<16xi32>
          %add3A_522 = arith.addi %mul3A_152, %add3A_521 : vector<16xi32>
          %add3A_523 = arith.addi %add3A_522, %iota3A : vector<16xi32>
          %mul3A_524 = arith.mulf %get3A_519, %gather3A_476 : vector<16xf32>
          tpu.vector_store_idx %arg14[%add3A_523], %mul3A_524 {add = true} : memref<62208xf32, #tpu.memory_space<vmem>>[vector<16xi32>], vector<16xf32>,
          %get3A_525 = arith.index_cast %scan3A_145 : i32 to index
          %get3A_526 = arith.constant 672 : index
          %get3A_527 = tpu.vector_load %arg13[%get3A_525, %get3A_526] {strides = array<i32>} : memref<32x768xf32, #tpu.memory_space<vmem>>, vector<16xf32>,
          %add3A_528 = arith.constant 672 : i32
          %add3A_529 = vector.broadcast %add3A_528 : i32 to vector<16xi32>
          %add3A_530 = arith.addi %mul3A_152, %add3A_529 : vector<16xi32>
          %add3A_531 = arith.addi %add3A_530, %iota3A : vector<16xi32>
          %mul3A_532 = arith.mulf %get3A_527, %gather3A_476 : vector<16xf32>
          tpu.vector_store_idx %arg14[%add3A_531], %mul3A_532 {add = true} : memref<62208xf32, #tpu.memory_space<vmem>>[vector<16xi32>], vector<16xf32>,
          %get3A_533 = arith.index_cast %scan3A_145 : i32 to index
          %get3A_534 = arith.constant 688 : index
          %get3A_535 = tpu.vector_load %arg13[%get3A_533, %get3A_534] {strides = array<i32>} : memref<32x768xf32, #tpu.memory_space<vmem>>, vector<16xf32>,
          %add3A_536 = arith.constant 688 : i32
          %add3A_537 = vector.broadcast %add3A_536 : i32 to vector<16xi32>
          %add3A_538 = arith.addi %mul3A_152, %add3A_537 : vector<16xi32>
          %add3A_539 = arith.addi %add3A_538, %iota3A : vector<16xi32>
          %mul3A_540 = arith.mulf %get3A_535, %gather3A_476 : vector<16xf32>
          tpu.vector_store_idx %arg14[%add3A_539], %mul3A_540 {add = true} : memref<62208xf32, #tpu.memory_space<vmem>>[vector<16xi32>], vector<16xf32>,
          %get3A_541 = arith.index_cast %scan3A_145 : i32 to index
          %get3A_542 = arith.constant 704 : index
          %get3A_543 = tpu.vector_load %arg13[%get3A_541, %get3A_542] {strides = array<i32>} : memref<32x768xf32, #tpu.memory_space<vmem>>, vector<16xf32>,
          %add3A_544 = arith.constant 704 : i32
          %add3A_545 = vector.broadcast %add3A_544 : i32 to vector<16xi32>
          %add3A_546 = arith.addi %mul3A_152, %add3A_545 : vector<16xi32>
          %add3A_547 = arith.addi %add3A_546, %iota3A : vector<16xi32>
          %mul3A_548 = arith.mulf %get3A_543, %gather3A_476 : vector<16xf32>
          tpu.vector_store_idx %arg14[%add3A_547], %mul3A_548 {add = true} : memref<62208xf32, #tpu.memory_space<vmem>>[vector<16xi32>], vector<16xf32>,
          %get3A_549 = arith.index_cast %scan3A_145 : i32 to index
          %get3A_550 = arith.constant 720 : index
          %get3A_551 = tpu.vector_load %arg13[%get3A_549, %get3A_550] {strides = array<i32>} : memref<32x768xf32, #tpu.memory_space<vmem>>, vector<16xf32>,
          %add3A_552 = arith.constant 720 : i32
          %add3A_553 = vector.broadcast %add3A_552 : i32 to vector<16xi32>
          %add3A_554 = arith.addi %mul3A_152, %add3A_553 : vector<16xi32>
          %add3A_555 = arith.addi %add3A_554, %iota3A : vector<16xi32>
          %mul3A_556 = arith.mulf %get3A_551, %gather3A_476 : vector<16xf32>
          tpu.vector_store_idx %arg14[%add3A_555], %mul3A_556 {add = true} : memref<62208xf32, #tpu.memory_space<vmem>>[vector<16xi32>], vector<16xf32>,
          %get3A_557 = arith.index_cast %scan3A_145 : i32 to index
          %get3A_558 = arith.constant 736 : index
          %get3A_559 = tpu.vector_load %arg13[%get3A_557, %get3A_558] {strides = array<i32>} : memref<32x768xf32, #tpu.memory_space<vmem>>, vector<16xf32>,
          %add3A_560 = arith.constant 736 : i32
          %add3A_561 = vector.broadcast %add3A_560 : i32 to vector<16xi32>
          %add3A_562 = arith.addi %mul3A_152, %add3A_561 : vector<16xi32>
          %add3A_563 = arith.addi %add3A_562, %iota3A : vector<16xi32>
          %mul3A_564 = arith.mulf %get3A_559, %gather3A_476 : vector<16xf32>
          tpu.vector_store_idx %arg14[%add3A_563], %mul3A_564 {add = true} : memref<62208xf32, #tpu.memory_space<vmem>>[vector<16xi32>], vector<16xf32>,
          %get3A_565 = arith.index_cast %scan3A_145 : i32 to index
          %get3A_566 = arith.constant 752 : index
          %get3A_567 = tpu.vector_load %arg13[%get3A_565, %get3A_566] {strides = array<i32>} : memref<32x768xf32, #tpu.memory_space<vmem>>, vector<16xf32>,
          %add3A_568 = arith.constant 752 : i32
          %add3A_569 = vector.broadcast %add3A_568 : i32 to vector<16xi32>
          %add3A_570 = arith.addi %mul3A_152, %add3A_569 : vector<16xi32>
          %add3A_571 = arith.addi %add3A_570, %iota3A : vector<16xi32>
          %mul3A_572 = arith.mulf %get3A_567, %gather3A_476 : vector<16xf32>
          tpu.vector_store_idx %arg14[%add3A_571], %mul3A_572 {add = true} : memref<62208xf32, #tpu.memory_space<vmem>>[vector<16xi32>], vector<16xf32>,
        }
        %scan3A_144 = arith.constant 32 : i32
      }
      %scan3A_15 = arith.constant 92 : i32
      %mul3A_16 = arith.constant 80 : i32
      %mul3A_17 = arith.muli %add3A_9, %mul3A_16 : i32
      %mul3A_18 = arith.constant 768 : i32
      %mul3A_19 = arith.muli %mul3A_17, %mul3A_18 : i32
      "tpu.region"() ({
        %run_scoped3A = tpu.sem_alloc : memref<!tpu.dma_semaphore, #tpu.memory_space<semaphore_mem>>
        %dma_start3A = arith.constant 0 : i32
        %dma_start3A_20 = tpu.memref_slice %arg14[%dma_start3A] : memref<62208xf32, #tpu.memory_space<vmem>> -> memref<61440xf32, #tpu.memory_space<vmem>>
        %dma_start3A_21 = tpu.memref_slice %arg8[%mul3A_19] : memref<7864320xf32, #tpu.memory_space<hbm>> -> memref<61440xf32, #tpu.memory_space<hbm>>
        %dma_start3A_22 = tpu.memref_slice %arg8[%mul3A_19] : memref<7864320xf32, #tpu.memory_space<hbm>> -> memref<61440xf32, #tpu.memory_space<hbm>>
        %dma_start3A_23 = arith.constant 0 : i32
        %dma_start3A_24 = tpu.memref_slice %arg14[%dma_start3A_23] : memref<62208xf32, #tpu.memory_space<vmem>> -> memref<61440xf32, #tpu.memory_space<vmem>>
        tpu.enqueue_dma source(%dma_start3A_24 : memref<61440xf32, #tpu.memory_space<vmem>>) target(%dma_start3A_22 : memref<61440xf32, #tpu.memory_space<hbm>>) target_semaphore(%run_scoped3A : memref<!tpu.dma_semaphore, #tpu.memory_space<semaphore_mem>>)
        %dma_wait3A = arith.constant 0 : i32
        %dma_wait3A_25 = tpu.memref_slice %arg14[%dma_wait3A] : memref<62208xf32, #tpu.memory_space<vmem>> -> memref<61440xf32, #tpu.memory_space<vmem>>
        %dma_wait3A_26 = tpu.memref_slice %arg8[%mul3A_19] : memref<7864320xf32, #tpu.memory_space<hbm>> -> memref<61440xf32, #tpu.memory_space<hbm>>
        %dma_wait3A_27 = tpu.memref_slice %arg8[%mul3A_19] : memref<7864320xf32, #tpu.memory_space<hbm>> -> memref<61440xf32, #tpu.memory_space<hbm>>
        %dma_wait3A_28 = arith.constant 0 : i32
        %dma_wait3A_29 = tpu.memref_slice %arg14[%dma_wait3A_28] : memref<62208xf32, #tpu.memory_space<vmem>> -> memref<61440xf32, #tpu.memory_space<vmem>>
        tpu.wait_dma2 semaphore(%run_scoped3A : memref<!tpu.dma_semaphore, #tpu.memory_space<semaphore_mem>>) src(%dma_wait3A_29 : memref<61440xf32, #tpu.memory_space<vmem>>) dst(%dma_wait3A_27 : memref<61440xf32, #tpu.memory_space<hbm>>)
        tpu.yield
      }) : () -> ()
      "tpu.region"() ({
        %run_scoped3A = tpu.sem_alloc : memref<!tpu.dma_semaphore, #tpu.memory_space<semaphore_mem>>
        %dma_start3A = arith.constant 0 : i32
        %dma_start3A_20 = tpu.memref_slice %arg15[%dma_start3A] : memref<384xf32, #tpu.memory_space<vmem>> -> memref<384xf32, #tpu.memory_space<vmem>>
        %dma_start3A_21 = arith.constant 0 : i32
        %dma_start3A_22 = tpu.memref_slice %arg9[%add3A_9, %dma_start3A_21] : memref<128x384xf32, #tpu.memory_space<hbm>> -> memref<1x384xf32, #tpu.memory_space<hbm>>
        %dma_start3A_23 = tpu.memref_squeeze %dma_start3A_22 : memref<1x384xf32, #tpu.memory_space<hbm>> -> memref<384xf32, #tpu.memory_space<hbm>>
        %dma_start3A_24 = arith.constant 0 : i32
        %dma_start3A_25 = tpu.memref_slice %arg9[%add3A_9, %dma_start3A_24] : memref<128x384xf32, #tpu.memory_space<hbm>> -> memref<1x384xf32, #tpu.memory_space<hbm>>
        %dma_start3A_26 = tpu.memref_squeeze %dma_start3A_25 : memref<1x384xf32, #tpu.memory_space<hbm>> -> memref<384xf32, #tpu.memory_space<hbm>>
        %dma_start3A_27 = arith.constant 0 : i32
        %dma_start3A_28 = tpu.memref_slice %arg15[%dma_start3A_27] : memref<384xf32, #tpu.memory_space<vmem>> -> memref<384xf32, #tpu.memory_space<vmem>>
        tpu.enqueue_dma source(%dma_start3A_28 : memref<384xf32, #tpu.memory_space<vmem>>) target(%dma_start3A_26 : memref<384xf32, #tpu.memory_space<hbm>>) target_semaphore(%run_scoped3A : memref<!tpu.dma_semaphore, #tpu.memory_space<semaphore_mem>>)
        %dma_wait3A = arith.constant 0 : i32
        %dma_wait3A_29 = tpu.memref_slice %arg15[%dma_wait3A] : memref<384xf32, #tpu.memory_space<vmem>> -> memref<384xf32, #tpu.memory_space<vmem>>
        %dma_wait3A_30 = arith.constant 0 : i32
        %dma_wait3A_31 = tpu.memref_slice %arg9[%add3A_9, %dma_wait3A_30] : memref<128x384xf32, #tpu.memory_space<hbm>> -> memref<1x384xf32, #tpu.memory_space<hbm>>
        %dma_wait3A_32 = tpu.memref_squeeze %dma_wait3A_31 : memref<1x384xf32, #tpu.memory_space<hbm>> -> memref<384xf32, #tpu.memory_space<hbm>>
        %dma_wait3A_33 = arith.constant 0 : i32
        %dma_wait3A_34 = tpu.memref_slice %arg9[%add3A_9, %dma_wait3A_33] : memref<128x384xf32, #tpu.memory_space<hbm>> -> memref<1x384xf32, #tpu.memory_space<hbm>>
        %dma_wait3A_35 = tpu.memref_squeeze %dma_wait3A_34 : memref<1x384xf32, #tpu.memory_space<hbm>> -> memref<384xf32, #tpu.memory_space<hbm>>
        %dma_wait3A_36 = arith.constant 0 : i32
        %dma_wait3A_37 = tpu.memref_slice %arg15[%dma_wait3A_36] : memref<384xf32, #tpu.memory_space<vmem>> -> memref<384xf32, #tpu.memory_space<vmem>>
        tpu.wait_dma2 semaphore(%run_scoped3A : memref<!tpu.dma_semaphore, #tpu.memory_space<semaphore_mem>>) src(%dma_wait3A_37 : memref<384xf32, #tpu.memory_space<vmem>>) dst(%dma_wait3A_35 : memref<384xf32, #tpu.memory_space<hbm>>)
        tpu.yield
      }) : () -> ()
    }
    %scan3A_5 = arith.constant 4 : i32
    return
  }
}

#map = affine_map<(d0, d1) -> (0)>
module attributes {stable_mosaic.version = 14 : i64} {
  func.func @_w_body(%arg0: i32, %arg1: i32, %arg2: memref<81920xf32, #tpu.memory_space<hbm>>, %arg3: memref<376832xi32, #tpu.memory_space<hbm>>, %arg4: memref<376832xi32, #tpu.memory_space<hbm>>, %arg5: memref<128xf32, #tpu.memory_space<hbm>>, %arg6: memref<1507328xf32, #tpu.memory_space<hbm>>, %arg7: memref<81920xf32, #tpu.memory_space<vmem>>, %arg8: memref<512xi32, #tpu.memory_space<vmem>>, %arg9: memref<512xi32, #tpu.memory_space<vmem>>, %arg10: memref<2048xf32, #tpu.memory_space<vmem>>, %arg11: memref<128xf32, #tpu.memory_space<vmem>>) attributes {dimension_semantics = [#tpu.dimension_semantics<core_parallel>, #tpu.dimension_semantics<subcore_parallel>], iteration_bounds = array<i64: 2, 16>, scalar_prefetch = 0 : i64, scratch_operands = 5 : i64, tpu.core_type = #tpu.core_type<sc_vector_subcore>, window_params = [{transform_indices = #map}, {transform_indices = #map}, {transform_indices = #map}, {transform_indices = #map}, {transform_indices = #map}]} {
    %mul3A = arith.constant 16 : i32
    %mul3A_0 = arith.muli %arg0, %mul3A : i32
    %add3A = arith.addi %mul3A_0, %arg1 : i32
    "tpu.region"() ({
      %run_scoped3A = tpu.sem_alloc : memref<!tpu.dma_semaphore, #tpu.memory_space<semaphore_mem>>
      tpu.enqueue_dma source(%arg5 : memref<128xf32, #tpu.memory_space<hbm>>) target(%arg11 : memref<128xf32, #tpu.memory_space<vmem>>) target_semaphore(%run_scoped3A : memref<!tpu.dma_semaphore, #tpu.memory_space<semaphore_mem>>)
      tpu.wait_dma2 semaphore(%run_scoped3A : memref<!tpu.dma_semaphore, #tpu.memory_space<semaphore_mem>>) src(%arg5 : memref<128xf32, #tpu.memory_space<hbm>>) dst(%arg11 : memref<128xf32, #tpu.memory_space<vmem>>)
      tpu.yield
    }) : () -> ()
    "tpu.region"() ({
      %run_scoped3A = tpu.sem_alloc : memref<!tpu.dma_semaphore, #tpu.memory_space<semaphore_mem>>
      tpu.enqueue_dma source(%arg2 : memref<81920xf32, #tpu.memory_space<hbm>>) target(%arg7 : memref<81920xf32, #tpu.memory_space<vmem>>) target_semaphore(%run_scoped3A : memref<!tpu.dma_semaphore, #tpu.memory_space<semaphore_mem>>)
      tpu.wait_dma2 semaphore(%run_scoped3A : memref<!tpu.dma_semaphore, #tpu.memory_space<semaphore_mem>>) src(%arg2 : memref<81920xf32, #tpu.memory_space<hbm>>) dst(%arg7 : memref<81920xf32, #tpu.memory_space<vmem>>)
      tpu.yield
    }) : () -> ()
    %iota3A = tpu.iota {dimensions = array<i32: 0>} : vector<16xi32>
    %scan3A = arith.constant 0 : i32
    %scan3A_1 = arith.constant 0 : i32
    %scan3A_2 = arith.constant 23 : i32
    %scan3A_3 = arith.addi %scan3A_1, %scan3A_2 : i32
    %scan3A_4 = arith.constant 1 : i32
    scf.for %scan3A_6 = %scan3A_1 to %scan3A_3 step %scan3A_4  : i32 {
      %mul3A_7 = arith.constant 11776 : i32
      %mul3A_8 = arith.muli %add3A, %mul3A_7 : i32
      %mul3A_9 = arith.constant 512 : i32
      %mul3A_10 = arith.muli %scan3A_6, %mul3A_9 : i32
      %add3A_11 = arith.addi %mul3A_8, %mul3A_10 : i32
      "tpu.region"() ({
        %run_scoped3A = tpu.sem_alloc : memref<!tpu.dma_semaphore, #tpu.memory_space<semaphore_mem>>
        %dma_start3A = tpu.memref_slice %arg3[%add3A_11] : memref<376832xi32, #tpu.memory_space<hbm>> -> memref<512xi32, #tpu.memory_space<hbm>>
        %dma_start3A_20 = tpu.memref_slice %arg3[%add3A_11] : memref<376832xi32, #tpu.memory_space<hbm>> -> memref<512xi32, #tpu.memory_space<hbm>>
        tpu.enqueue_dma source(%dma_start3A_20 : memref<512xi32, #tpu.memory_space<hbm>>) target(%arg8 : memref<512xi32, #tpu.memory_space<vmem>>) target_semaphore(%run_scoped3A : memref<!tpu.dma_semaphore, #tpu.memory_space<semaphore_mem>>)
        %dma_wait3A = tpu.memref_slice %arg3[%add3A_11] : memref<376832xi32, #tpu.memory_space<hbm>> -> memref<512xi32, #tpu.memory_space<hbm>>
        %dma_wait3A_21 = tpu.memref_slice %arg3[%add3A_11] : memref<376832xi32, #tpu.memory_space<hbm>> -> memref<512xi32, #tpu.memory_space<hbm>>
        tpu.wait_dma2 semaphore(%run_scoped3A : memref<!tpu.dma_semaphore, #tpu.memory_space<semaphore_mem>>) src(%dma_wait3A_21 : memref<512xi32, #tpu.memory_space<hbm>>) dst(%arg8 : memref<512xi32, #tpu.memory_space<vmem>>)
        tpu.yield
      }) : () -> ()
      "tpu.region"() ({
        %run_scoped3A = tpu.sem_alloc : memref<!tpu.dma_semaphore, #tpu.memory_space<semaphore_mem>>
        %dma_start3A = tpu.memref_slice %arg4[%add3A_11] : memref<376832xi32, #tpu.memory_space<hbm>> -> memref<512xi32, #tpu.memory_space<hbm>>
        %dma_start3A_20 = tpu.memref_slice %arg4[%add3A_11] : memref<376832xi32, #tpu.memory_space<hbm>> -> memref<512xi32, #tpu.memory_space<hbm>>
        tpu.enqueue_dma source(%dma_start3A_20 : memref<512xi32, #tpu.memory_space<hbm>>) target(%arg9 : memref<512xi32, #tpu.memory_space<vmem>>) target_semaphore(%run_scoped3A : memref<!tpu.dma_semaphore, #tpu.memory_space<semaphore_mem>>)
        %dma_wait3A = tpu.memref_slice %arg4[%add3A_11] : memref<376832xi32, #tpu.memory_space<hbm>> -> memref<512xi32, #tpu.memory_space<hbm>>
        %dma_wait3A_21 = tpu.memref_slice %arg4[%add3A_11] : memref<376832xi32, #tpu.memory_space<hbm>> -> memref<512xi32, #tpu.memory_space<hbm>>
        tpu.wait_dma2 semaphore(%run_scoped3A : memref<!tpu.dma_semaphore, #tpu.memory_space<semaphore_mem>>) src(%dma_wait3A_21 : memref<512xi32, #tpu.memory_space<hbm>>) dst(%arg9 : memref<512xi32, #tpu.memory_space<vmem>>)
        tpu.yield
      }) : () -> ()
      %scan3A_12 = arith.constant 0 : i32
      %scan3A_13 = arith.constant 0 : i32
      %scan3A_14 = arith.constant 32 : i32
      %scan3A_15 = arith.addi %scan3A_13, %scan3A_14 : i32
      %scan3A_16 = arith.constant 1 : i32
      scf.for %scan3A_20 = %scan3A_13 to %scan3A_15 step %scan3A_16  : i32 {
        %mul3A_21 = arith.constant 16 : i32
        %mul3A_22 = arith.muli %scan3A_20, %mul3A_21 : i32
        %get3A = arith.index_cast %mul3A_22 : i32 to index
        %get3A_23 = tpu.vector_load %arg8[%get3A] {strides = array<i32>} : memref<512xi32, #tpu.memory_space<vmem>>, vector<16xi32>,
        %mul3A_24 = arith.constant 16 : i32
        %mul3A_25 = arith.muli %scan3A_20, %mul3A_24 : i32
        %get3A_26 = arith.index_cast %mul3A_25 : i32 to index
        %get3A_27 = tpu.vector_load %arg9[%get3A_26] {strides = array<i32>} : memref<512xi32, #tpu.memory_space<vmem>>, vector<16xi32>,
        %mul3A_28 = arith.constant 8 : i32
        %mul3A_29 = vector.broadcast %mul3A_28 : i32 to vector<16xi32>
        %mul3A_30 = arith.muli %get3A_23, %mul3A_29 : vector<16xi32>
        %mul3A_31 = arith.constant 8 : i32
        %mul3A_32 = vector.broadcast %mul3A_31 : i32 to vector<16xi32>
        %mul3A_33 = arith.muli %get3A_27, %mul3A_32 : vector<16xi32>
        %add3A_34 = arith.constant 0 : i32
        %add3A_35 = vector.broadcast %add3A_34 : i32 to vector<16xi32>
        %add3A_36 = arith.addi %mul3A_30, %add3A_35 : vector<16xi32>
        %gather3A = tpu.vector_load_idx %arg7[%add3A_36] : memref<81920xf32, #tpu.memory_space<vmem>>[vector<16xi32>], vector<16xf32>,
        %add3A_37 = arith.constant 4 : i32
        %add3A_38 = vector.broadcast %add3A_37 : i32 to vector<16xi32>
        %add3A_39 = arith.addi %mul3A_33, %add3A_38 : vector<16xi32>
        %gather3A_40 = tpu.vector_load_idx %arg7[%add3A_39] : memref<81920xf32, #tpu.memory_space<vmem>>[vector<16xi32>], vector<16xf32>,
        %add3A_41 = arith.addf %gather3A, %gather3A_40 : vector<16xf32>
        %gt3A = arith.constant 0.000000e+00 : f32
        %gt3A_42 = vector.broadcast %gt3A : f32 to vector<16xf32>
        %gt3A_43 = arith.cmpf ogt, %add3A_41, %gt3A_42 : vector<16xf32>
        %mul3A_44 = arith.constant 2.000000e-01 : f32
        %mul3A_45 = vector.broadcast %mul3A_44 : f32 to vector<16xf32>
        %mul3A_46 = arith.mulf %add3A_41, %mul3A_45 : vector<16xf32>
        %select_n3A = arith.select %gt3A_43, %add3A_41, %mul3A_46 : vector<16xi1>, vector<16xf32>
        %broadcast_in_dim3A = arith.constant 0 : i32
        %broadcast_in_dim3A_47 = vector.broadcast %broadcast_in_dim3A : i32 to vector<16xi32>
        %gather3A_48 = tpu.vector_load_idx %arg11[%broadcast_in_dim3A_47] : memref<128xf32, #tpu.memory_space<vmem>>[vector<16xi32>], vector<16xf32>,
        %sub3A = arith.subf %select_n3A, %gather3A_48 : vector<16xf32>
        %exp3A = math.exp %sub3A : vector<16xf32>
        %mul3A_49 = arith.constant 16 : i32
        %mul3A_50 = arith.muli %scan3A_20, %mul3A_49 : i32
        %add3A_51 = vector.broadcast %mul3A_50 : i32 to vector<16xi32>
        %add3A_52 = arith.addi %add3A_51, %iota3A : vector<16xi32>
        %mul3A_53 = arith.constant 4 : i32
        %mul3A_54 = vector.broadcast %mul3A_53 : i32 to vector<16xi32>
        %mul3A_55 = arith.muli %add3A_52, %mul3A_54 : vector<16xi32>
        %add3A_56 = arith.constant 0 : i32
        %add3A_57 = vector.broadcast %add3A_56 : i32 to vector<16xi32>
        %add3A_58 = arith.addi %mul3A_55, %add3A_57 : vector<16xi32>
        tpu.vector_store_idx %arg10[%add3A_58], %exp3A : memref<2048xf32, #tpu.memory_space<vmem>>[vector<16xi32>], vector<16xf32>,
        %add3A_59 = arith.constant 1 : i32
        %add3A_60 = vector.broadcast %add3A_59 : i32 to vector<16xi32>
        %add3A_61 = arith.addi %mul3A_30, %add3A_60 : vector<16xi32>
        %gather3A_62 = tpu.vector_load_idx %arg7[%add3A_61] : memref<81920xf32, #tpu.memory_space<vmem>>[vector<16xi32>], vector<16xf32>,
        %add3A_63 = arith.constant 5 : i32
        %add3A_64 = vector.broadcast %add3A_63 : i32 to vector<16xi32>
        %add3A_65 = arith.addi %mul3A_33, %add3A_64 : vector<16xi32>
        %gather3A_66 = tpu.vector_load_idx %arg7[%add3A_65] : memref<81920xf32, #tpu.memory_space<vmem>>[vector<16xi32>], vector<16xf32>,
        %add3A_67 = arith.addf %gather3A_62, %gather3A_66 : vector<16xf32>
        %gt3A_68 = arith.constant 0.000000e+00 : f32
        %gt3A_69 = vector.broadcast %gt3A_68 : f32 to vector<16xf32>
        %gt3A_70 = arith.cmpf ogt, %add3A_67, %gt3A_69 : vector<16xf32>
        %mul3A_71 = arith.constant 2.000000e-01 : f32
        %mul3A_72 = vector.broadcast %mul3A_71 : f32 to vector<16xf32>
        %mul3A_73 = arith.mulf %add3A_67, %mul3A_72 : vector<16xf32>
        %select_n3A_74 = arith.select %gt3A_70, %add3A_67, %mul3A_73 : vector<16xi1>, vector<16xf32>
        %broadcast_in_dim3A_75 = arith.constant 1 : i32
        %broadcast_in_dim3A_76 = vector.broadcast %broadcast_in_dim3A_75 : i32 to vector<16xi32>
        %gather3A_77 = tpu.vector_load_idx %arg11[%broadcast_in_dim3A_76] : memref<128xf32, #tpu.memory_space<vmem>>[vector<16xi32>], vector<16xf32>,
        %sub3A_78 = arith.subf %select_n3A_74, %gather3A_77 : vector<16xf32>
        %exp3A_79 = math.exp %sub3A_78 : vector<16xf32>
        %mul3A_80 = arith.constant 16 : i32
        %mul3A_81 = arith.muli %scan3A_20, %mul3A_80 : i32
        %add3A_82 = vector.broadcast %mul3A_81 : i32 to vector<16xi32>
        %add3A_83 = arith.addi %add3A_82, %iota3A : vector<16xi32>
        %mul3A_84 = arith.constant 4 : i32
        %mul3A_85 = vector.broadcast %mul3A_84 : i32 to vector<16xi32>
        %mul3A_86 = arith.muli %add3A_83, %mul3A_85 : vector<16xi32>
        %add3A_87 = arith.constant 1 : i32
        %add3A_88 = vector.broadcast %add3A_87 : i32 to vector<16xi32>
        %add3A_89 = arith.addi %mul3A_86, %add3A_88 : vector<16xi32>
        tpu.vector_store_idx %arg10[%add3A_89], %exp3A_79 : memref<2048xf32, #tpu.memory_space<vmem>>[vector<16xi32>], vector<16xf32>,
        %add3A_90 = arith.constant 2 : i32
        %add3A_91 = vector.broadcast %add3A_90 : i32 to vector<16xi32>
        %add3A_92 = arith.addi %mul3A_30, %add3A_91 : vector<16xi32>
        %gather3A_93 = tpu.vector_load_idx %arg7[%add3A_92] : memref<81920xf32, #tpu.memory_space<vmem>>[vector<16xi32>], vector<16xf32>,
        %add3A_94 = arith.constant 6 : i32
        %add3A_95 = vector.broadcast %add3A_94 : i32 to vector<16xi32>
        %add3A_96 = arith.addi %mul3A_33, %add3A_95 : vector<16xi32>
        %gather3A_97 = tpu.vector_load_idx %arg7[%add3A_96] : memref<81920xf32, #tpu.memory_space<vmem>>[vector<16xi32>], vector<16xf32>,
        %add3A_98 = arith.addf %gather3A_93, %gather3A_97 : vector<16xf32>
        %gt3A_99 = arith.constant 0.000000e+00 : f32
        %gt3A_100 = vector.broadcast %gt3A_99 : f32 to vector<16xf32>
        %gt3A_101 = arith.cmpf ogt, %add3A_98, %gt3A_100 : vector<16xf32>
        %mul3A_102 = arith.constant 2.000000e-01 : f32
        %mul3A_103 = vector.broadcast %mul3A_102 : f32 to vector<16xf32>
        %mul3A_104 = arith.mulf %add3A_98, %mul3A_103 : vector<16xf32>
        %select_n3A_105 = arith.select %gt3A_101, %add3A_98, %mul3A_104 : vector<16xi1>, vector<16xf32>
        %broadcast_in_dim3A_106 = arith.constant 2 : i32
        %broadcast_in_dim3A_107 = vector.broadcast %broadcast_in_dim3A_106 : i32 to vector<16xi32>
        %gather3A_108 = tpu.vector_load_idx %arg11[%broadcast_in_dim3A_107] : memref<128xf32, #tpu.memory_space<vmem>>[vector<16xi32>], vector<16xf32>,
        %sub3A_109 = arith.subf %select_n3A_105, %gather3A_108 : vector<16xf32>
        %exp3A_110 = math.exp %sub3A_109 : vector<16xf32>
        %mul3A_111 = arith.constant 16 : i32
        %mul3A_112 = arith.muli %scan3A_20, %mul3A_111 : i32
        %add3A_113 = vector.broadcast %mul3A_112 : i32 to vector<16xi32>
        %add3A_114 = arith.addi %add3A_113, %iota3A : vector<16xi32>
        %mul3A_115 = arith.constant 4 : i32
        %mul3A_116 = vector.broadcast %mul3A_115 : i32 to vector<16xi32>
        %mul3A_117 = arith.muli %add3A_114, %mul3A_116 : vector<16xi32>
        %add3A_118 = arith.constant 2 : i32
        %add3A_119 = vector.broadcast %add3A_118 : i32 to vector<16xi32>
        %add3A_120 = arith.addi %mul3A_117, %add3A_119 : vector<16xi32>
        tpu.vector_store_idx %arg10[%add3A_120], %exp3A_110 : memref<2048xf32, #tpu.memory_space<vmem>>[vector<16xi32>], vector<16xf32>,
        %add3A_121 = arith.constant 3 : i32
        %add3A_122 = vector.broadcast %add3A_121 : i32 to vector<16xi32>
        %add3A_123 = arith.addi %mul3A_30, %add3A_122 : vector<16xi32>
        %gather3A_124 = tpu.vector_load_idx %arg7[%add3A_123] : memref<81920xf32, #tpu.memory_space<vmem>>[vector<16xi32>], vector<16xf32>,
        %add3A_125 = arith.constant 7 : i32
        %add3A_126 = vector.broadcast %add3A_125 : i32 to vector<16xi32>
        %add3A_127 = arith.addi %mul3A_33, %add3A_126 : vector<16xi32>
        %gather3A_128 = tpu.vector_load_idx %arg7[%add3A_127] : memref<81920xf32, #tpu.memory_space<vmem>>[vector<16xi32>], vector<16xf32>,
        %add3A_129 = arith.addf %gather3A_124, %gather3A_128 : vector<16xf32>
        %gt3A_130 = arith.constant 0.000000e+00 : f32
        %gt3A_131 = vector.broadcast %gt3A_130 : f32 to vector<16xf32>
        %gt3A_132 = arith.cmpf ogt, %add3A_129, %gt3A_131 : vector<16xf32>
        %mul3A_133 = arith.constant 2.000000e-01 : f32
        %mul3A_134 = vector.broadcast %mul3A_133 : f32 to vector<16xf32>
        %mul3A_135 = arith.mulf %add3A_129, %mul3A_134 : vector<16xf32>
        %select_n3A_136 = arith.select %gt3A_132, %add3A_129, %mul3A_135 : vector<16xi1>, vector<16xf32>
        %broadcast_in_dim3A_137 = arith.constant 3 : i32
        %broadcast_in_dim3A_138 = vector.broadcast %broadcast_in_dim3A_137 : i32 to vector<16xi32>
        %gather3A_139 = tpu.vector_load_idx %arg11[%broadcast_in_dim3A_138] : memref<128xf32, #tpu.memory_space<vmem>>[vector<16xi32>], vector<16xf32>,
        %sub3A_140 = arith.subf %select_n3A_136, %gather3A_139 : vector<16xf32>
        %exp3A_141 = math.exp %sub3A_140 : vector<16xf32>
        %mul3A_142 = arith.constant 16 : i32
        %mul3A_143 = arith.muli %scan3A_20, %mul3A_142 : i32
        %add3A_144 = vector.broadcast %mul3A_143 : i32 to vector<16xi32>
        %add3A_145 = arith.addi %add3A_144, %iota3A : vector<16xi32>
        %mul3A_146 = arith.constant 4 : i32
        %mul3A_147 = vector.broadcast %mul3A_146 : i32 to vector<16xi32>
        %mul3A_148 = arith.muli %add3A_145, %mul3A_147 : vector<16xi32>
        %add3A_149 = arith.constant 3 : i32
        %add3A_150 = vector.broadcast %add3A_149 : i32 to vector<16xi32>
        %add3A_151 = arith.addi %mul3A_148, %add3A_150 : vector<16xi32>
        tpu.vector_store_idx %arg10[%add3A_151], %exp3A_141 : memref<2048xf32, #tpu.memory_space<vmem>>[vector<16xi32>], vector<16xf32>,
      }
      %scan3A_17 = arith.constant 32 : i32
      %mul3A_18 = arith.constant 4 : i32
      %mul3A_19 = arith.muli %add3A_11, %mul3A_18 : i32
      "tpu.region"() ({
        %run_scoped3A = tpu.sem_alloc : memref<!tpu.dma_semaphore, #tpu.memory_space<semaphore_mem>>
        %dma_start3A = tpu.memref_slice %arg6[%mul3A_19] : memref<1507328xf32, #tpu.memory_space<hbm>> -> memref<2048xf32, #tpu.memory_space<hbm>>
        %dma_start3A_20 = tpu.memref_slice %arg6[%mul3A_19] : memref<1507328xf32, #tpu.memory_space<hbm>> -> memref<2048xf32, #tpu.memory_space<hbm>>
        tpu.enqueue_dma source(%arg10 : memref<2048xf32, #tpu.memory_space<vmem>>) target(%dma_start3A_20 : memref<2048xf32, #tpu.memory_space<hbm>>) target_semaphore(%run_scoped3A : memref<!tpu.dma_semaphore, #tpu.memory_space<semaphore_mem>>)
        %dma_wait3A = tpu.memref_slice %arg6[%mul3A_19] : memref<1507328xf32, #tpu.memory_space<hbm>> -> memref<2048xf32, #tpu.memory_space<hbm>>
        %dma_wait3A_21 = tpu.memref_slice %arg6[%mul3A_19] : memref<1507328xf32, #tpu.memory_space<hbm>> -> memref<2048xf32, #tpu.memory_space<hbm>>
        tpu.wait_dma2 semaphore(%run_scoped3A : memref<!tpu.dma_semaphore, #tpu.memory_space<semaphore_mem>>) src(%arg10 : memref<2048xf32, #tpu.memory_space<vmem>>) dst(%dma_wait3A_21 : memref<2048xf32, #tpu.memory_space<hbm>>)
        tpu.yield
      }) : () -> ()
    }
    %scan3A_5 = arith.constant 23 : i32
    return
  }
}

#map = affine_map<(d0, d1) -> (0, 0)>
#map1 = affine_map<(d0, d1) -> (0, 0, 0)>
#map2 = affine_map<(d0, d1) -> (0)>
module attributes {stable_mosaic.version = 14 : i64} {
  func.func @_agg_body(%arg0: i32, %arg1: i32, %arg2: memref<10240x768xf32, #tpu.memory_space<hbm>>, %arg3: memref<128x11776xf32, #tpu.memory_space<hbm>>, %arg4: memref<128x92x32xi32, #tpu.memory_space<hbm>>, %arg5: memref<128x2944xi32, #tpu.memory_space<hbm>>, %arg6: memref<62208xf32, #tpu.memory_space<hbm>>, %arg7: memref<384xf32, #tpu.memory_space<hbm>>, %arg8: memref<7864320xf32, #tpu.memory_space<hbm>>, %arg9: memref<128x384xf32, #tpu.memory_space<hbm>>, %arg10: memref<92x32xi32, #tpu.memory_space<vmem>>, %arg11: memref<2944xi32, #tpu.memory_space<vmem>>, %arg12: memref<11776xf32, #tpu.memory_space<vmem>>, %arg13: memref<32x768xf32, #tpu.memory_space<vmem>>, %arg14: memref<62208xf32, #tpu.memory_space<vmem>>, %arg15: memref<384xf32, #tpu.memory_space<vmem>>, %arg16: memref<!tpu.dma_semaphore, #tpu.memory_space<semaphore_mem>>) attributes {dimension_semantics = [#tpu.dimension_semantics<core_parallel>, #tpu.dimension_semantics<subcore_parallel>], iteration_bounds = array<i64: 2, 16>, scalar_prefetch = 0 : i64, scratch_operands = 7 : i64, tpu.core_type = #tpu.core_type<sc_vector_subcore>, window_params = [{transform_indices = #map}, {transform_indices = #map}, {transform_indices = #map1}, {transform_indices = #map}, {transform_indices = #map2}, {transform_indices = #map2}, {transform_indices = #map2}, {transform_indices = #map}]} {
    %mul3A = arith.constant 16 : i32
    %mul3A_0 = arith.muli %arg0, %mul3A : i32
    %add3A = arith.addi %mul3A_0, %arg1 : i32
    %iota3A = tpu.iota {dimensions = array<i32: 0>} : vector<16xi32>
    %scan3A = arith.constant 0 : i32
    %scan3A_1 = arith.constant 0 : i32
    %scan3A_2 = arith.constant 4 : i32
    %scan3A_3 = arith.addi %scan3A_1, %scan3A_2 : i32
    %scan3A_4 = arith.constant 1 : i32
    scf.for %scan3A_6 = %scan3A_1 to %scan3A_3 step %scan3A_4  : i32 {
      %mul3A_7 = arith.constant 32 : i32
      %mul3A_8 = arith.muli %scan3A_6, %mul3A_7 : i32
      %add3A_9 = arith.addi %mul3A_8, %add3A : i32
      "tpu.region"() ({
        %run_scoped3A = tpu.sem_alloc : memref<!tpu.dma_semaphore, #tpu.memory_space<semaphore_mem>>
        %dma_start3A = arith.constant 0 : i32
        %dma_start3A_20 = arith.constant 0 : i32
        %dma_start3A_21 = tpu.memref_slice %arg4[%add3A_9, %dma_start3A, %dma_start3A_20] : memref<128x92x32xi32, #tpu.memory_space<hbm>> -> memref<1x92x32xi32, #tpu.memory_space<hbm>>
        %dma_start3A_22 = tpu.memref_squeeze %dma_start3A_21 : memref<1x92x32xi32, #tpu.memory_space<hbm>> -> memref<92x32xi32, #tpu.memory_space<hbm>>
        %dma_start3A_23 = arith.constant 0 : i32
        %dma_start3A_24 = arith.constant 0 : i32
        %dma_start3A_25 = tpu.memref_slice %arg4[%add3A_9, %dma_start3A_23, %dma_start3A_24] : memref<128x92x32xi32, #tpu.memory_space<hbm>> -> memref<1x92x32xi32, #tpu.memory_space<hbm>>
        %dma_start3A_26 = tpu.memref_squeeze %dma_start3A_25 : memref<1x92x32xi32, #tpu.memory_space<hbm>> -> memref<92x32xi32, #tpu.memory_space<hbm>>
        tpu.enqueue_dma source(%dma_start3A_26 : memref<92x32xi32, #tpu.memory_space<hbm>>) target(%arg10 : memref<92x32xi32, #tpu.memory_space<vmem>>) target_semaphore(%run_scoped3A : memref<!tpu.dma_semaphore, #tpu.memory_space<semaphore_mem>>)
        %dma_wait3A = arith.constant 0 : i32
        %dma_wait3A_27 = arith.constant 0 : i32
        %dma_wait3A_28 = tpu.memref_slice %arg4[%add3A_9, %dma_wait3A, %dma_wait3A_27] : memref<128x92x32xi32, #tpu.memory_space<hbm>> -> memref<1x92x32xi32, #tpu.memory_space<hbm>>
        %dma_wait3A_29 = tpu.memref_squeeze %dma_wait3A_28 : memref<1x92x32xi32, #tpu.memory_space<hbm>> -> memref<92x32xi32, #tpu.memory_space<hbm>>
        %dma_wait3A_30 = arith.constant 0 : i32
        %dma_wait3A_31 = arith.constant 0 : i32
        %dma_wait3A_32 = tpu.memref_slice %arg4[%add3A_9, %dma_wait3A_30, %dma_wait3A_31] : memref<128x92x32xi32, #tpu.memory_space<hbm>> -> memref<1x92x32xi32, #tpu.memory_space<hbm>>
        %dma_wait3A_33 = tpu.memref_squeeze %dma_wait3A_32 : memref<1x92x32xi32, #tpu.memory_space<hbm>> -> memref<92x32xi32, #tpu.memory_space<hbm>>
        tpu.wait_dma2 semaphore(%run_scoped3A : memref<!tpu.dma_semaphore, #tpu.memory_space<semaphore_mem>>) src(%dma_wait3A_33 : memref<92x32xi32, #tpu.memory_space<hbm>>) dst(%arg10 : memref<92x32xi32, #tpu.memory_space<vmem>>)
        tpu.yield
      }) : () -> ()
      "tpu.region"() ({
        %run_scoped3A = tpu.sem_alloc : memref<!tpu.dma_semaphore, #tpu.memory_space<semaphore_mem>>
        %dma_start3A = arith.constant 0 : i32
        %dma_start3A_20 = tpu.memref_slice %arg5[%add3A_9, %dma_start3A] : memref<128x2944xi32, #tpu.memory_space<hbm>> -> memref<1x2944xi32, #tpu.memory_space<hbm>>
        %dma_start3A_21 = tpu.memref_squeeze %dma_start3A_20 : memref<1x2944xi32, #tpu.memory_space<hbm>> -> memref<2944xi32, #tpu.memory_space<hbm>>
        %dma_start3A_22 = arith.constant 0 : i32
        %dma_start3A_23 = tpu.memref_slice %arg5[%add3A_9, %dma_start3A_22] : memref<128x2944xi32, #tpu.memory_space<hbm>> -> memref<1x2944xi32, #tpu.memory_space<hbm>>
        %dma_start3A_24 = tpu.memref_squeeze %dma_start3A_23 : memref<1x2944xi32, #tpu.memory_space<hbm>> -> memref<2944xi32, #tpu.memory_space<hbm>>
        tpu.enqueue_dma source(%dma_start3A_24 : memref<2944xi32, #tpu.memory_space<hbm>>) target(%arg11 : memref<2944xi32, #tpu.memory_space<vmem>>) target_semaphore(%run_scoped3A : memref<!tpu.dma_semaphore, #tpu.memory_space<semaphore_mem>>)
        %dma_wait3A = arith.constant 0 : i32
        %dma_wait3A_25 = tpu.memref_slice %arg5[%add3A_9, %dma_wait3A] : memref<128x2944xi32, #tpu.memory_space<hbm>> -> memref<1x2944xi32, #tpu.memory_space<hbm>>
        %dma_wait3A_26 = tpu.memref_squeeze %dma_wait3A_25 : memref<1x2944xi32, #tpu.memory_space<hbm>> -> memref<2944xi32, #tpu.memory_space<hbm>>
        %dma_wait3A_27 = arith.constant 0 : i32
        %dma_wait3A_28 = tpu.memref_slice %arg5[%add3A_9, %dma_wait3A_27] : memref<128x2944xi32, #tpu.memory_space<hbm>> -> memref<1x2944xi32, #tpu.memory_space<hbm>>
        %dma_wait3A_29 = tpu.memref_squeeze %dma_wait3A_28 : memref<1x2944xi32, #tpu.memory_space<hbm>> -> memref<2944xi32, #tpu.memory_space<hbm>>
        tpu.wait_dma2 semaphore(%run_scoped3A : memref<!tpu.dma_semaphore, #tpu.memory_space<semaphore_mem>>) src(%dma_wait3A_29 : memref<2944xi32, #tpu.memory_space<hbm>>) dst(%arg11 : memref<2944xi32, #tpu.memory_space<vmem>>)
        tpu.yield
      }) : () -> ()
      "tpu.region"() ({
        %run_scoped3A = tpu.sem_alloc : memref<!tpu.dma_semaphore, #tpu.memory_space<semaphore_mem>>
        %dma_start3A = arith.constant 0 : i32
        %dma_start3A_20 = tpu.memref_slice %arg3[%add3A_9, %dma_start3A] : memref<128x11776xf32, #tpu.memory_space<hbm>> -> memref<1x11776xf32, #tpu.memory_space<hbm>>
        %dma_start3A_21 = tpu.memref_squeeze %dma_start3A_20 : memref<1x11776xf32, #tpu.memory_space<hbm>> -> memref<11776xf32, #tpu.memory_space<hbm>>
        %dma_start3A_22 = arith.constant 0 : i32
        %dma_start3A_23 = tpu.memref_slice %arg3[%add3A_9, %dma_start3A_22] : memref<128x11776xf32, #tpu.memory_space<hbm>> -> memref<1x11776xf32, #tpu.memory_space<hbm>>
        %dma_start3A_24 = tpu.memref_squeeze %dma_start3A_23 : memref<1x11776xf32, #tpu.memory_space<hbm>> -> memref<11776xf32, #tpu.memory_space<hbm>>
        tpu.enqueue_dma source(%dma_start3A_24 : memref<11776xf32, #tpu.memory_space<hbm>>) target(%arg12 : memref<11776xf32, #tpu.memory_space<vmem>>) target_semaphore(%run_scoped3A : memref<!tpu.dma_semaphore, #tpu.memory_space<semaphore_mem>>)
        %dma_wait3A = arith.constant 0 : i32
        %dma_wait3A_25 = tpu.memref_slice %arg3[%add3A_9, %dma_wait3A] : memref<128x11776xf32, #tpu.memory_space<hbm>> -> memref<1x11776xf32, #tpu.memory_space<hbm>>
        %dma_wait3A_26 = tpu.memref_squeeze %dma_wait3A_25 : memref<1x11776xf32, #tpu.memory_space<hbm>> -> memref<11776xf32, #tpu.memory_space<hbm>>
        %dma_wait3A_27 = arith.constant 0 : i32
        %dma_wait3A_28 = tpu.memref_slice %arg3[%add3A_9, %dma_wait3A_27] : memref<128x11776xf32, #tpu.memory_space<hbm>> -> memref<1x11776xf32, #tpu.memory_space<hbm>>
        %dma_wait3A_29 = tpu.memref_squeeze %dma_wait3A_28 : memref<1x11776xf32, #tpu.memory_space<hbm>> -> memref<11776xf32, #tpu.memory_space<hbm>>
        tpu.wait_dma2 semaphore(%run_scoped3A : memref<!tpu.dma_semaphore, #tpu.memory_space<semaphore_mem>>) src(%dma_wait3A_29 : memref<11776xf32, #tpu.memory_space<hbm>>) dst(%arg12 : memref<11776xf32, #tpu.memory_space<vmem>>)
        tpu.yield
      }) : () -> ()
      "tpu.region"() ({
        %run_scoped3A = tpu.sem_alloc : memref<!tpu.dma_semaphore, #tpu.memory_space<semaphore_mem>>
        tpu.enqueue_dma source(%arg6 : memref<62208xf32, #tpu.memory_space<hbm>>) target(%arg14 : memref<62208xf32, #tpu.memory_space<vmem>>) target_semaphore(%run_scoped3A : memref<!tpu.dma_semaphore, #tpu.memory_space<semaphore_mem>>)
        tpu.wait_dma2 semaphore(%run_scoped3A : memref<!tpu.dma_semaphore, #tpu.memory_space<semaphore_mem>>) src(%arg6 : memref<62208xf32, #tpu.memory_space<hbm>>) dst(%arg14 : memref<62208xf32, #tpu.memory_space<vmem>>)
        tpu.yield
      }) : () -> ()
      "tpu.region"() ({
        %run_scoped3A = tpu.sem_alloc : memref<!tpu.dma_semaphore, #tpu.memory_space<semaphore_mem>>
        tpu.enqueue_dma source(%arg7 : memref<384xf32, #tpu.memory_space<hbm>>) target(%arg15 : memref<384xf32, #tpu.memory_space<vmem>>) target_semaphore(%run_scoped3A : memref<!tpu.dma_semaphore, #tpu.memory_space<semaphore_mem>>)
        tpu.wait_dma2 semaphore(%run_scoped3A : memref<!tpu.dma_semaphore, #tpu.memory_space<semaphore_mem>>) src(%arg7 : memref<384xf32, #tpu.memory_space<hbm>>) dst(%arg15 : memref<384xf32, #tpu.memory_space<vmem>>)
        tpu.yield
      }) : () -> ()
      %scan3A_10 = arith.constant 0 : i32
      %scan3A_11 = arith.constant 0 : i32
      %scan3A_12 = arith.constant 92 : i32
      %scan3A_13 = arith.addi %scan3A_11, %scan3A_12 : i32
      %scan3A_14 = arith.constant 1 : i32
      scf.for %scan3A_20 = %scan3A_11 to %scan3A_13 step %scan3A_14  : i32 {
        %dma_start3A = arith.constant 0 : i32
        %dma_start3A_21 = tpu.memref_slice %arg10[%scan3A_20, %dma_start3A] : memref<92x32xi32, #tpu.memory_space<vmem>> -> memref<1x32xi32, #tpu.memory_space<vmem>>
        %dma_start3A_22 = tpu.memref_squeeze %dma_start3A_21 : memref<1x32xi32, #tpu.memory_space<vmem>> -> memref<32xi32, #tpu.memory_space<vmem>>
        %dma_start3A_23 = arith.constant 0 : i32
        %dma_start3A_24 = arith.constant 0 : i32
        %dma_start3A_25 = tpu.memref_slice %arg2[%dma_start3A_23, %dma_start3A_24] : memref<10240x768xf32, #tpu.memory_space<hbm>> -> memref<10240x768xf32, #tpu.memory_space<hbm>>
        tpu.enqueue_indirect_dma source(%dma_start3A_25 : memref<10240x768xf32, #tpu.memory_space<hbm>>) target(%arg13 : memref<32x768xf32, #tpu.memory_space<vmem>>) offsets(%dma_start3A_22 : memref<32xi32, #tpu.memory_space<vmem>>) semaphore(%arg16 : memref<!tpu.dma_semaphore, #tpu.memory_space<semaphore_mem>>)
        %dma_wait3A = arith.constant 0 : i32
        %dma_wait3A_26 = tpu.memref_slice %arg10[%scan3A_20, %dma_wait3A] : memref<92x32xi32, #tpu.memory_space<vmem>> -> memref<1x32xi32, #tpu.memory_space<vmem>>
        %dma_wait3A_27 = tpu.memref_squeeze %dma_wait3A_26 : memref<1x32xi32, #tpu.memory_space<vmem>> -> memref<32xi32, #tpu.memory_space<vmem>>
        %dma_wait3A_28 = arith.constant 0 : i32
        %dma_wait3A_29 = arith.constant 0 : i32
        %dma_wait3A_30 = tpu.memref_slice %arg2[%dma_wait3A_28, %dma_wait3A_29] : memref<10240x768xf32, #tpu.memory_space<hbm>> -> memref<10240x768xf32, #tpu.memory_space<hbm>>
        tpu.wait_indirect_dma semaphore(%arg16 : memref<!tpu.dma_semaphore, #tpu.memory_space<semaphore_mem>>) src(%dma_wait3A_30 : memref<10240x768xf32, #tpu.memory_space<hbm>>) dst(%arg13 : memref<32x768xf32, #tpu.memory_space<vmem>>)
        %mul3A_31 = arith.constant 32 : i32
        %mul3A_32 = arith.muli %scan3A_20, %mul3A_31 : i32
        %add3A_33 = arith.constant 0 : i32
        %add3A_34 = arith.addi %mul3A_32, %add3A_33 : i32
        %get3A = arith.index_cast %add3A_34 : i32 to index
        %get3A_35 = tpu.vector_load %arg11[%get3A] {strides = array<i32>} : memref<2944xi32, #tpu.memory_space<vmem>>, vector<16xi32>,
        %mul3A_36 = arith.constant 32 : i32
        %mul3A_37 = arith.muli %scan3A_20, %mul3A_36 : i32
        %add3A_38 = arith.constant 0 : i32
        %add3A_39 = arith.addi %mul3A_37, %add3A_38 : i32
        %add3A_40 = vector.broadcast %add3A_39 : i32 to vector<16xi32>
        %add3A_41 = arith.addi %add3A_40, %iota3A : vector<16xi32>
        %mul3A_42 = arith.constant 4 : i32
        %mul3A_43 = vector.broadcast %mul3A_42 : i32 to vector<16xi32>
        %mul3A_44 = arith.muli %add3A_41, %mul3A_43 : vector<16xi32>
        %add3A_45 = arith.constant 0 : i32
        %add3A_46 = vector.broadcast %add3A_45 : i32 to vector<16xi32>
        %add3A_47 = arith.addi %mul3A_44, %add3A_46 : vector<16xi32>
        %gather3A = tpu.vector_load_idx %arg12[%add3A_47] : memref<11776xf32, #tpu.memory_space<vmem>>[vector<16xi32>], vector<16xf32>,
        %mul3A_48 = arith.constant 4 : i32
        %mul3A_49 = vector.broadcast %mul3A_48 : i32 to vector<16xi32>
        %mul3A_50 = arith.muli %get3A_35, %mul3A_49 : vector<16xi32>
        %add3A_51 = arith.constant 0 : i32
        %add3A_52 = vector.broadcast %add3A_51 : i32 to vector<16xi32>
        %add3A_53 = arith.addi %mul3A_50, %add3A_52 : vector<16xi32>
        tpu.vector_store_idx %arg15[%add3A_53], %gather3A {add = true} : memref<384xf32, #tpu.memory_space<vmem>>[vector<16xi32>], vector<16xf32>,
        %add3A_54 = arith.constant 1 : i32
        %add3A_55 = vector.broadcast %add3A_54 : i32 to vector<16xi32>
        %add3A_56 = arith.addi %mul3A_44, %add3A_55 : vector<16xi32>
        %gather3A_57 = tpu.vector_load_idx %arg12[%add3A_56] : memref<11776xf32, #tpu.memory_space<vmem>>[vector<16xi32>], vector<16xf32>,
        %mul3A_58 = arith.constant 4 : i32
        %mul3A_59 = vector.broadcast %mul3A_58 : i32 to vector<16xi32>
        %mul3A_60 = arith.muli %get3A_35, %mul3A_59 : vector<16xi32>
        %add3A_61 = arith.constant 1 : i32
        %add3A_62 = vector.broadcast %add3A_61 : i32 to vector<16xi32>
        %add3A_63 = arith.addi %mul3A_60, %add3A_62 : vector<16xi32>
        tpu.vector_store_idx %arg15[%add3A_63], %gather3A_57 {add = true} : memref<384xf32, #tpu.memory_space<vmem>>[vector<16xi32>], vector<16xf32>,
        %add3A_64 = arith.constant 2 : i32
        %add3A_65 = vector.broadcast %add3A_64 : i32 to vector<16xi32>
        %add3A_66 = arith.addi %mul3A_44, %add3A_65 : vector<16xi32>
        %gather3A_67 = tpu.vector_load_idx %arg12[%add3A_66] : memref<11776xf32, #tpu.memory_space<vmem>>[vector<16xi32>], vector<16xf32>,
        %mul3A_68 = arith.constant 4 : i32
        %mul3A_69 = vector.broadcast %mul3A_68 : i32 to vector<16xi32>
        %mul3A_70 = arith.muli %get3A_35, %mul3A_69 : vector<16xi32>
        %add3A_71 = arith.constant 2 : i32
        %add3A_72 = vector.broadcast %add3A_71 : i32 to vector<16xi32>
        %add3A_73 = arith.addi %mul3A_70, %add3A_72 : vector<16xi32>
        tpu.vector_store_idx %arg15[%add3A_73], %gather3A_67 {add = true} : memref<384xf32, #tpu.memory_space<vmem>>[vector<16xi32>], vector<16xf32>,
        %add3A_74 = arith.constant 3 : i32
        %add3A_75 = vector.broadcast %add3A_74 : i32 to vector<16xi32>
        %add3A_76 = arith.addi %mul3A_44, %add3A_75 : vector<16xi32>
        %gather3A_77 = tpu.vector_load_idx %arg12[%add3A_76] : memref<11776xf32, #tpu.memory_space<vmem>>[vector<16xi32>], vector<16xf32>,
        %mul3A_78 = arith.constant 4 : i32
        %mul3A_79 = vector.broadcast %mul3A_78 : i32 to vector<16xi32>
        %mul3A_80 = arith.muli %get3A_35, %mul3A_79 : vector<16xi32>
        %add3A_81 = arith.constant 3 : i32
        %add3A_82 = vector.broadcast %add3A_81 : i32 to vector<16xi32>
        %add3A_83 = arith.addi %mul3A_80, %add3A_82 : vector<16xi32>
        tpu.vector_store_idx %arg15[%add3A_83], %gather3A_77 {add = true} : memref<384xf32, #tpu.memory_space<vmem>>[vector<16xi32>], vector<16xf32>,
        %mul3A_84 = arith.constant 32 : i32
        %mul3A_85 = arith.muli %scan3A_20, %mul3A_84 : i32
        %add3A_86 = arith.constant 16 : i32
        %add3A_87 = arith.addi %mul3A_85, %add3A_86 : i32
        %get3A_88 = arith.index_cast %add3A_87 : i32 to index
        %get3A_89 = tpu.vector_load %arg11[%get3A_88] {strides = array<i32>} : memref<2944xi32, #tpu.memory_space<vmem>>, vector<16xi32>,
        %mul3A_90 = arith.constant 32 : i32
        %mul3A_91 = arith.muli %scan3A_20, %mul3A_90 : i32
        %add3A_92 = arith.constant 16 : i32
        %add3A_93 = arith.addi %mul3A_91, %add3A_92 : i32
        %add3A_94 = vector.broadcast %add3A_93 : i32 to vector<16xi32>
        %add3A_95 = arith.addi %add3A_94, %iota3A : vector<16xi32>
        %mul3A_96 = arith.constant 4 : i32
        %mul3A_97 = vector.broadcast %mul3A_96 : i32 to vector<16xi32>
        %mul3A_98 = arith.muli %add3A_95, %mul3A_97 : vector<16xi32>
        %add3A_99 = arith.constant 0 : i32
        %add3A_100 = vector.broadcast %add3A_99 : i32 to vector<16xi32>
        %add3A_101 = arith.addi %mul3A_98, %add3A_100 : vector<16xi32>
        %gather3A_102 = tpu.vector_load_idx %arg12[%add3A_101] : memref<11776xf32, #tpu.memory_space<vmem>>[vector<16xi32>], vector<16xf32>,
        %mul3A_103 = arith.constant 4 : i32
        %mul3A_104 = vector.broadcast %mul3A_103 : i32 to vector<16xi32>
        %mul3A_105 = arith.muli %get3A_89, %mul3A_104 : vector<16xi32>
        %add3A_106 = arith.constant 0 : i32
        %add3A_107 = vector.broadcast %add3A_106 : i32 to vector<16xi32>
        %add3A_108 = arith.addi %mul3A_105, %add3A_107 : vector<16xi32>
        tpu.vector_store_idx %arg15[%add3A_108], %gather3A_102 {add = true} : memref<384xf32, #tpu.memory_space<vmem>>[vector<16xi32>], vector<16xf32>,
        %add3A_109 = arith.constant 1 : i32
        %add3A_110 = vector.broadcast %add3A_109 : i32 to vector<16xi32>
        %add3A_111 = arith.addi %mul3A_98, %add3A_110 : vector<16xi32>
        %gather3A_112 = tpu.vector_load_idx %arg12[%add3A_111] : memref<11776xf32, #tpu.memory_space<vmem>>[vector<16xi32>], vector<16xf32>,
        %mul3A_113 = arith.constant 4 : i32
        %mul3A_114 = vector.broadcast %mul3A_113 : i32 to vector<16xi32>
        %mul3A_115 = arith.muli %get3A_89, %mul3A_114 : vector<16xi32>
        %add3A_116 = arith.constant 1 : i32
        %add3A_117 = vector.broadcast %add3A_116 : i32 to vector<16xi32>
        %add3A_118 = arith.addi %mul3A_115, %add3A_117 : vector<16xi32>
        tpu.vector_store_idx %arg15[%add3A_118], %gather3A_112 {add = true} : memref<384xf32, #tpu.memory_space<vmem>>[vector<16xi32>], vector<16xf32>,
        %add3A_119 = arith.constant 2 : i32
        %add3A_120 = vector.broadcast %add3A_119 : i32 to vector<16xi32>
        %add3A_121 = arith.addi %mul3A_98, %add3A_120 : vector<16xi32>
        %gather3A_122 = tpu.vector_load_idx %arg12[%add3A_121] : memref<11776xf32, #tpu.memory_space<vmem>>[vector<16xi32>], vector<16xf32>,
        %mul3A_123 = arith.constant 4 : i32
        %mul3A_124 = vector.broadcast %mul3A_123 : i32 to vector<16xi32>
        %mul3A_125 = arith.muli %get3A_89, %mul3A_124 : vector<16xi32>
        %add3A_126 = arith.constant 2 : i32
        %add3A_127 = vector.broadcast %add3A_126 : i32 to vector<16xi32>
        %add3A_128 = arith.addi %mul3A_125, %add3A_127 : vector<16xi32>
        tpu.vector_store_idx %arg15[%add3A_128], %gather3A_122 {add = true} : memref<384xf32, #tpu.memory_space<vmem>>[vector<16xi32>], vector<16xf32>,
        %add3A_129 = arith.constant 3 : i32
        %add3A_130 = vector.broadcast %add3A_129 : i32 to vector<16xi32>
        %add3A_131 = arith.addi %mul3A_98, %add3A_130 : vector<16xi32>
        %gather3A_132 = tpu.vector_load_idx %arg12[%add3A_131] : memref<11776xf32, #tpu.memory_space<vmem>>[vector<16xi32>], vector<16xf32>,
        %mul3A_133 = arith.constant 4 : i32
        %mul3A_134 = vector.broadcast %mul3A_133 : i32 to vector<16xi32>
        %mul3A_135 = arith.muli %get3A_89, %mul3A_134 : vector<16xi32>
        %add3A_136 = arith.constant 3 : i32
        %add3A_137 = vector.broadcast %add3A_136 : i32 to vector<16xi32>
        %add3A_138 = arith.addi %mul3A_135, %add3A_137 : vector<16xi32>
        tpu.vector_store_idx %arg15[%add3A_138], %gather3A_132 {add = true} : memref<384xf32, #tpu.memory_space<vmem>>[vector<16xi32>], vector<16xf32>,
        %scan3A_139 = arith.constant 0 : i32
        %scan3A_140 = arith.constant 0 : i32
        %scan3A_141 = arith.constant 32 : i32
        %scan3A_142 = arith.addi %scan3A_140, %scan3A_141 : i32
        %scan3A_143 = arith.constant 1 : i32
        scf.for %scan3A_145 = %scan3A_140 to %scan3A_142 step %scan3A_143  : i32 {
          %mul3A_146 = arith.constant 32 : i32
          %mul3A_147 = arith.muli %scan3A_20, %mul3A_146 : i32
          %add3A_148 = arith.addi %mul3A_147, %scan3A_145 : i32
          %broadcast_in_dim3A = vector.broadcast %add3A_148 : i32 to vector<16xi32>
          %gather3A_149 = tpu.vector_load_idx %arg11[%broadcast_in_dim3A] : memref<2944xi32, #tpu.memory_space<vmem>>[vector<16xi32>], vector<16xi32>,
          %mul3A_150 = arith.constant 768 : i32
          %mul3A_151 = vector.broadcast %mul3A_150 : i32 to vector<16xi32>
          %mul3A_152 = arith.muli %gather3A_149, %mul3A_151 : vector<16xi32>
          %mul3A_153 = arith.constant 32 : i32
          %mul3A_154 = arith.muli %scan3A_20, %mul3A_153 : i32
          %add3A_155 = arith.addi %mul3A_154, %scan3A_145 : i32
          %mul3A_156 = arith.constant 4 : i32
          %mul3A_157 = arith.muli %add3A_155, %mul3A_156 : i32
          %add3A_158 = arith.constant 0 : i32
          %add3A_159 = arith.addi %mul3A_157, %add3A_158 : i32
          %broadcast_in_dim3A_160 = vector.broadcast %add3A_159 : i32 to vector<16xi32>
          %gather3A_161 = tpu.vector_load_idx %arg12[%broadcast_in_dim3A_160] : memref<11776xf32, #tpu.memory_space<vmem>>[vector<16xi32>], vector<16xf32>,
          %get3A_162 = arith.index_cast %scan3A_145 : i32 to index
          %get3A_163 = arith.constant 0 : index
          %get3A_164 = tpu.vector_load %arg13[%get3A_162, %get3A_163] {strides = array<i32>} : memref<32x768xf32, #tpu.memory_space<vmem>>, vector<16xf32>,
          %add3A_165 = arith.constant 0 : i32
          %add3A_166 = vector.broadcast %add3A_165 : i32 to vector<16xi32>
          %add3A_167 = arith.addi %mul3A_152, %add3A_166 : vector<16xi32>
          %add3A_168 = arith.addi %add3A_167, %iota3A : vector<16xi32>
          %mul3A_169 = arith.mulf %get3A_164, %gather3A_161 : vector<16xf32>
          tpu.vector_store_idx %arg14[%add3A_168], %mul3A_169 {add = true} : memref<62208xf32, #tpu.memory_space<vmem>>[vector<16xi32>], vector<16xf32>,
          %get3A_170 = arith.index_cast %scan3A_145 : i32 to index
          %get3A_171 = arith.constant 16 : index
          %get3A_172 = tpu.vector_load %arg13[%get3A_170, %get3A_171] {strides = array<i32>} : memref<32x768xf32, #tpu.memory_space<vmem>>, vector<16xf32>,
          %add3A_173 = arith.constant 16 : i32
          %add3A_174 = vector.broadcast %add3A_173 : i32 to vector<16xi32>
          %add3A_175 = arith.addi %mul3A_152, %add3A_174 : vector<16xi32>
          %add3A_176 = arith.addi %add3A_175, %iota3A : vector<16xi32>
          %mul3A_177 = arith.mulf %get3A_172, %gather3A_161 : vector<16xf32>
          tpu.vector_store_idx %arg14[%add3A_176], %mul3A_177 {add = true} : memref<62208xf32, #tpu.memory_space<vmem>>[vector<16xi32>], vector<16xf32>,
          %get3A_178 = arith.index_cast %scan3A_145 : i32 to index
          %get3A_179 = arith.constant 32 : index
          %get3A_180 = tpu.vector_load %arg13[%get3A_178, %get3A_179] {strides = array<i32>} : memref<32x768xf32, #tpu.memory_space<vmem>>, vector<16xf32>,
          %add3A_181 = arith.constant 32 : i32
          %add3A_182 = vector.broadcast %add3A_181 : i32 to vector<16xi32>
          %add3A_183 = arith.addi %mul3A_152, %add3A_182 : vector<16xi32>
          %add3A_184 = arith.addi %add3A_183, %iota3A : vector<16xi32>
          %mul3A_185 = arith.mulf %get3A_180, %gather3A_161 : vector<16xf32>
          tpu.vector_store_idx %arg14[%add3A_184], %mul3A_185 {add = true} : memref<62208xf32, #tpu.memory_space<vmem>>[vector<16xi32>], vector<16xf32>,
          %get3A_186 = arith.index_cast %scan3A_145 : i32 to index
          %get3A_187 = arith.constant 48 : index
          %get3A_188 = tpu.vector_load %arg13[%get3A_186, %get3A_187] {strides = array<i32>} : memref<32x768xf32, #tpu.memory_space<vmem>>, vector<16xf32>,
          %add3A_189 = arith.constant 48 : i32
          %add3A_190 = vector.broadcast %add3A_189 : i32 to vector<16xi32>
          %add3A_191 = arith.addi %mul3A_152, %add3A_190 : vector<16xi32>
          %add3A_192 = arith.addi %add3A_191, %iota3A : vector<16xi32>
          %mul3A_193 = arith.mulf %get3A_188, %gather3A_161 : vector<16xf32>
          tpu.vector_store_idx %arg14[%add3A_192], %mul3A_193 {add = true} : memref<62208xf32, #tpu.memory_space<vmem>>[vector<16xi32>], vector<16xf32>,
          %get3A_194 = arith.index_cast %scan3A_145 : i32 to index
          %get3A_195 = arith.constant 64 : index
          %get3A_196 = tpu.vector_load %arg13[%get3A_194, %get3A_195] {strides = array<i32>} : memref<32x768xf32, #tpu.memory_space<vmem>>, vector<16xf32>,
          %add3A_197 = arith.constant 64 : i32
          %add3A_198 = vector.broadcast %add3A_197 : i32 to vector<16xi32>
          %add3A_199 = arith.addi %mul3A_152, %add3A_198 : vector<16xi32>
          %add3A_200 = arith.addi %add3A_199, %iota3A : vector<16xi32>
          %mul3A_201 = arith.mulf %get3A_196, %gather3A_161 : vector<16xf32>
          tpu.vector_store_idx %arg14[%add3A_200], %mul3A_201 {add = true} : memref<62208xf32, #tpu.memory_space<vmem>>[vector<16xi32>], vector<16xf32>,
          %get3A_202 = arith.index_cast %scan3A_145 : i32 to index
          %get3A_203 = arith.constant 80 : index
          %get3A_204 = tpu.vector_load %arg13[%get3A_202, %get3A_203] {strides = array<i32>} : memref<32x768xf32, #tpu.memory_space<vmem>>, vector<16xf32>,
          %add3A_205 = arith.constant 80 : i32
          %add3A_206 = vector.broadcast %add3A_205 : i32 to vector<16xi32>
          %add3A_207 = arith.addi %mul3A_152, %add3A_206 : vector<16xi32>
          %add3A_208 = arith.addi %add3A_207, %iota3A : vector<16xi32>
          %mul3A_209 = arith.mulf %get3A_204, %gather3A_161 : vector<16xf32>
          tpu.vector_store_idx %arg14[%add3A_208], %mul3A_209 {add = true} : memref<62208xf32, #tpu.memory_space<vmem>>[vector<16xi32>], vector<16xf32>,
          %get3A_210 = arith.index_cast %scan3A_145 : i32 to index
          %get3A_211 = arith.constant 96 : index
          %get3A_212 = tpu.vector_load %arg13[%get3A_210, %get3A_211] {strides = array<i32>} : memref<32x768xf32, #tpu.memory_space<vmem>>, vector<16xf32>,
          %add3A_213 = arith.constant 96 : i32
          %add3A_214 = vector.broadcast %add3A_213 : i32 to vector<16xi32>
          %add3A_215 = arith.addi %mul3A_152, %add3A_214 : vector<16xi32>
          %add3A_216 = arith.addi %add3A_215, %iota3A : vector<16xi32>
          %mul3A_217 = arith.mulf %get3A_212, %gather3A_161 : vector<16xf32>
          tpu.vector_store_idx %arg14[%add3A_216], %mul3A_217 {add = true} : memref<62208xf32, #tpu.memory_space<vmem>>[vector<16xi32>], vector<16xf32>,
          %get3A_218 = arith.index_cast %scan3A_145 : i32 to index
          %get3A_219 = arith.constant 112 : index
          %get3A_220 = tpu.vector_load %arg13[%get3A_218, %get3A_219] {strides = array<i32>} : memref<32x768xf32, #tpu.memory_space<vmem>>, vector<16xf32>,
          %add3A_221 = arith.constant 112 : i32
          %add3A_222 = vector.broadcast %add3A_221 : i32 to vector<16xi32>
          %add3A_223 = arith.addi %mul3A_152, %add3A_222 : vector<16xi32>
          %add3A_224 = arith.addi %add3A_223, %iota3A : vector<16xi32>
          %mul3A_225 = arith.mulf %get3A_220, %gather3A_161 : vector<16xf32>
          tpu.vector_store_idx %arg14[%add3A_224], %mul3A_225 {add = true} : memref<62208xf32, #tpu.memory_space<vmem>>[vector<16xi32>], vector<16xf32>,
          %get3A_226 = arith.index_cast %scan3A_145 : i32 to index
          %get3A_227 = arith.constant 128 : index
          %get3A_228 = tpu.vector_load %arg13[%get3A_226, %get3A_227] {strides = array<i32>} : memref<32x768xf32, #tpu.memory_space<vmem>>, vector<16xf32>,
          %add3A_229 = arith.constant 128 : i32
          %add3A_230 = vector.broadcast %add3A_229 : i32 to vector<16xi32>
          %add3A_231 = arith.addi %mul3A_152, %add3A_230 : vector<16xi32>
          %add3A_232 = arith.addi %add3A_231, %iota3A : vector<16xi32>
          %mul3A_233 = arith.mulf %get3A_228, %gather3A_161 : vector<16xf32>
          tpu.vector_store_idx %arg14[%add3A_232], %mul3A_233 {add = true} : memref<62208xf32, #tpu.memory_space<vmem>>[vector<16xi32>], vector<16xf32>,
          %get3A_234 = arith.index_cast %scan3A_145 : i32 to index
          %get3A_235 = arith.constant 144 : index
          %get3A_236 = tpu.vector_load %arg13[%get3A_234, %get3A_235] {strides = array<i32>} : memref<32x768xf32, #tpu.memory_space<vmem>>, vector<16xf32>,
          %add3A_237 = arith.constant 144 : i32
          %add3A_238 = vector.broadcast %add3A_237 : i32 to vector<16xi32>
          %add3A_239 = arith.addi %mul3A_152, %add3A_238 : vector<16xi32>
          %add3A_240 = arith.addi %add3A_239, %iota3A : vector<16xi32>
          %mul3A_241 = arith.mulf %get3A_236, %gather3A_161 : vector<16xf32>
          tpu.vector_store_idx %arg14[%add3A_240], %mul3A_241 {add = true} : memref<62208xf32, #tpu.memory_space<vmem>>[vector<16xi32>], vector<16xf32>,
          %get3A_242 = arith.index_cast %scan3A_145 : i32 to index
          %get3A_243 = arith.constant 160 : index
          %get3A_244 = tpu.vector_load %arg13[%get3A_242, %get3A_243] {strides = array<i32>} : memref<32x768xf32, #tpu.memory_space<vmem>>, vector<16xf32>,
          %add3A_245 = arith.constant 160 : i32
          %add3A_246 = vector.broadcast %add3A_245 : i32 to vector<16xi32>
          %add3A_247 = arith.addi %mul3A_152, %add3A_246 : vector<16xi32>
          %add3A_248 = arith.addi %add3A_247, %iota3A : vector<16xi32>
          %mul3A_249 = arith.mulf %get3A_244, %gather3A_161 : vector<16xf32>
          tpu.vector_store_idx %arg14[%add3A_248], %mul3A_249 {add = true} : memref<62208xf32, #tpu.memory_space<vmem>>[vector<16xi32>], vector<16xf32>,
          %get3A_250 = arith.index_cast %scan3A_145 : i32 to index
          %get3A_251 = arith.constant 176 : index
          %get3A_252 = tpu.vector_load %arg13[%get3A_250, %get3A_251] {strides = array<i32>} : memref<32x768xf32, #tpu.memory_space<vmem>>, vector<16xf32>,
          %add3A_253 = arith.constant 176 : i32
          %add3A_254 = vector.broadcast %add3A_253 : i32 to vector<16xi32>
          %add3A_255 = arith.addi %mul3A_152, %add3A_254 : vector<16xi32>
          %add3A_256 = arith.addi %add3A_255, %iota3A : vector<16xi32>
          %mul3A_257 = arith.mulf %get3A_252, %gather3A_161 : vector<16xf32>
          tpu.vector_store_idx %arg14[%add3A_256], %mul3A_257 {add = true} : memref<62208xf32, #tpu.memory_space<vmem>>[vector<16xi32>], vector<16xf32>,
          %mul3A_258 = arith.constant 32 : i32
          %mul3A_259 = arith.muli %scan3A_20, %mul3A_258 : i32
          %add3A_260 = arith.addi %mul3A_259, %scan3A_145 : i32
          %mul3A_261 = arith.constant 4 : i32
          %mul3A_262 = arith.muli %add3A_260, %mul3A_261 : i32
          %add3A_263 = arith.constant 1 : i32
          %add3A_264 = arith.addi %mul3A_262, %add3A_263 : i32
          %broadcast_in_dim3A_265 = vector.broadcast %add3A_264 : i32 to vector<16xi32>
          %gather3A_266 = tpu.vector_load_idx %arg12[%broadcast_in_dim3A_265] : memref<11776xf32, #tpu.memory_space<vmem>>[vector<16xi32>], vector<16xf32>,
          %get3A_267 = arith.index_cast %scan3A_145 : i32 to index
          %get3A_268 = arith.constant 192 : index
          %get3A_269 = tpu.vector_load %arg13[%get3A_267, %get3A_268] {strides = array<i32>} : memref<32x768xf32, #tpu.memory_space<vmem>>, vector<16xf32>,
          %add3A_270 = arith.constant 192 : i32
          %add3A_271 = vector.broadcast %add3A_270 : i32 to vector<16xi32>
          %add3A_272 = arith.addi %mul3A_152, %add3A_271 : vector<16xi32>
          %add3A_273 = arith.addi %add3A_272, %iota3A : vector<16xi32>
          %mul3A_274 = arith.mulf %get3A_269, %gather3A_266 : vector<16xf32>
          tpu.vector_store_idx %arg14[%add3A_273], %mul3A_274 {add = true} : memref<62208xf32, #tpu.memory_space<vmem>>[vector<16xi32>], vector<16xf32>,
          %get3A_275 = arith.index_cast %scan3A_145 : i32 to index
          %get3A_276 = arith.constant 208 : index
          %get3A_277 = tpu.vector_load %arg13[%get3A_275, %get3A_276] {strides = array<i32>} : memref<32x768xf32, #tpu.memory_space<vmem>>, vector<16xf32>,
          %add3A_278 = arith.constant 208 : i32
          %add3A_279 = vector.broadcast %add3A_278 : i32 to vector<16xi32>
          %add3A_280 = arith.addi %mul3A_152, %add3A_279 : vector<16xi32>
          %add3A_281 = arith.addi %add3A_280, %iota3A : vector<16xi32>
          %mul3A_282 = arith.mulf %get3A_277, %gather3A_266 : vector<16xf32>
          tpu.vector_store_idx %arg14[%add3A_281], %mul3A_282 {add = true} : memref<62208xf32, #tpu.memory_space<vmem>>[vector<16xi32>], vector<16xf32>,
          %get3A_283 = arith.index_cast %scan3A_145 : i32 to index
          %get3A_284 = arith.constant 224 : index
          %get3A_285 = tpu.vector_load %arg13[%get3A_283, %get3A_284] {strides = array<i32>} : memref<32x768xf32, #tpu.memory_space<vmem>>, vector<16xf32>,
          %add3A_286 = arith.constant 224 : i32
          %add3A_287 = vector.broadcast %add3A_286 : i32 to vector<16xi32>
          %add3A_288 = arith.addi %mul3A_152, %add3A_287 : vector<16xi32>
          %add3A_289 = arith.addi %add3A_288, %iota3A : vector<16xi32>
          %mul3A_290 = arith.mulf %get3A_285, %gather3A_266 : vector<16xf32>
          tpu.vector_store_idx %arg14[%add3A_289], %mul3A_290 {add = true} : memref<62208xf32, #tpu.memory_space<vmem>>[vector<16xi32>], vector<16xf32>,
          %get3A_291 = arith.index_cast %scan3A_145 : i32 to index
          %get3A_292 = arith.constant 240 : index
          %get3A_293 = tpu.vector_load %arg13[%get3A_291, %get3A_292] {strides = array<i32>} : memref<32x768xf32, #tpu.memory_space<vmem>>, vector<16xf32>,
          %add3A_294 = arith.constant 240 : i32
          %add3A_295 = vector.broadcast %add3A_294 : i32 to vector<16xi32>
          %add3A_296 = arith.addi %mul3A_152, %add3A_295 : vector<16xi32>
          %add3A_297 = arith.addi %add3A_296, %iota3A : vector<16xi32>
          %mul3A_298 = arith.mulf %get3A_293, %gather3A_266 : vector<16xf32>
          tpu.vector_store_idx %arg14[%add3A_297], %mul3A_298 {add = true} : memref<62208xf32, #tpu.memory_space<vmem>>[vector<16xi32>], vector<16xf32>,
          %get3A_299 = arith.index_cast %scan3A_145 : i32 to index
          %get3A_300 = arith.constant 256 : index
          %get3A_301 = tpu.vector_load %arg13[%get3A_299, %get3A_300] {strides = array<i32>} : memref<32x768xf32, #tpu.memory_space<vmem>>, vector<16xf32>,
          %add3A_302 = arith.constant 256 : i32
          %add3A_303 = vector.broadcast %add3A_302 : i32 to vector<16xi32>
          %add3A_304 = arith.addi %mul3A_152, %add3A_303 : vector<16xi32>
          %add3A_305 = arith.addi %add3A_304, %iota3A : vector<16xi32>
          %mul3A_306 = arith.mulf %get3A_301, %gather3A_266 : vector<16xf32>
          tpu.vector_store_idx %arg14[%add3A_305], %mul3A_306 {add = true} : memref<62208xf32, #tpu.memory_space<vmem>>[vector<16xi32>], vector<16xf32>,
          %get3A_307 = arith.index_cast %scan3A_145 : i32 to index
          %get3A_308 = arith.constant 272 : index
          %get3A_309 = tpu.vector_load %arg13[%get3A_307, %get3A_308] {strides = array<i32>} : memref<32x768xf32, #tpu.memory_space<vmem>>, vector<16xf32>,
          %add3A_310 = arith.constant 272 : i32
          %add3A_311 = vector.broadcast %add3A_310 : i32 to vector<16xi32>
          %add3A_312 = arith.addi %mul3A_152, %add3A_311 : vector<16xi32>
          %add3A_313 = arith.addi %add3A_312, %iota3A : vector<16xi32>
          %mul3A_314 = arith.mulf %get3A_309, %gather3A_266 : vector<16xf32>
          tpu.vector_store_idx %arg14[%add3A_313], %mul3A_314 {add = true} : memref<62208xf32, #tpu.memory_space<vmem>>[vector<16xi32>], vector<16xf32>,
          %get3A_315 = arith.index_cast %scan3A_145 : i32 to index
          %get3A_316 = arith.constant 288 : index
          %get3A_317 = tpu.vector_load %arg13[%get3A_315, %get3A_316] {strides = array<i32>} : memref<32x768xf32, #tpu.memory_space<vmem>>, vector<16xf32>,
          %add3A_318 = arith.constant 288 : i32
          %add3A_319 = vector.broadcast %add3A_318 : i32 to vector<16xi32>
          %add3A_320 = arith.addi %mul3A_152, %add3A_319 : vector<16xi32>
          %add3A_321 = arith.addi %add3A_320, %iota3A : vector<16xi32>
          %mul3A_322 = arith.mulf %get3A_317, %gather3A_266 : vector<16xf32>
          tpu.vector_store_idx %arg14[%add3A_321], %mul3A_322 {add = true} : memref<62208xf32, #tpu.memory_space<vmem>>[vector<16xi32>], vector<16xf32>,
          %get3A_323 = arith.index_cast %scan3A_145 : i32 to index
          %get3A_324 = arith.constant 304 : index
          %get3A_325 = tpu.vector_load %arg13[%get3A_323, %get3A_324] {strides = array<i32>} : memref<32x768xf32, #tpu.memory_space<vmem>>, vector<16xf32>,
          %add3A_326 = arith.constant 304 : i32
          %add3A_327 = vector.broadcast %add3A_326 : i32 to vector<16xi32>
          %add3A_328 = arith.addi %mul3A_152, %add3A_327 : vector<16xi32>
          %add3A_329 = arith.addi %add3A_328, %iota3A : vector<16xi32>
          %mul3A_330 = arith.mulf %get3A_325, %gather3A_266 : vector<16xf32>
          tpu.vector_store_idx %arg14[%add3A_329], %mul3A_330 {add = true} : memref<62208xf32, #tpu.memory_space<vmem>>[vector<16xi32>], vector<16xf32>,
          %get3A_331 = arith.index_cast %scan3A_145 : i32 to index
          %get3A_332 = arith.constant 320 : index
          %get3A_333 = tpu.vector_load %arg13[%get3A_331, %get3A_332] {strides = array<i32>} : memref<32x768xf32, #tpu.memory_space<vmem>>, vector<16xf32>,
          %add3A_334 = arith.constant 320 : i32
          %add3A_335 = vector.broadcast %add3A_334 : i32 to vector<16xi32>
          %add3A_336 = arith.addi %mul3A_152, %add3A_335 : vector<16xi32>
          %add3A_337 = arith.addi %add3A_336, %iota3A : vector<16xi32>
          %mul3A_338 = arith.mulf %get3A_333, %gather3A_266 : vector<16xf32>
          tpu.vector_store_idx %arg14[%add3A_337], %mul3A_338 {add = true} : memref<62208xf32, #tpu.memory_space<vmem>>[vector<16xi32>], vector<16xf32>,
          %get3A_339 = arith.index_cast %scan3A_145 : i32 to index
          %get3A_340 = arith.constant 336 : index
          %get3A_341 = tpu.vector_load %arg13[%get3A_339, %get3A_340] {strides = array<i32>} : memref<32x768xf32, #tpu.memory_space<vmem>>, vector<16xf32>,
          %add3A_342 = arith.constant 336 : i32
          %add3A_343 = vector.broadcast %add3A_342 : i32 to vector<16xi32>
          %add3A_344 = arith.addi %mul3A_152, %add3A_343 : vector<16xi32>
          %add3A_345 = arith.addi %add3A_344, %iota3A : vector<16xi32>
          %mul3A_346 = arith.mulf %get3A_341, %gather3A_266 : vector<16xf32>
          tpu.vector_store_idx %arg14[%add3A_345], %mul3A_346 {add = true} : memref<62208xf32, #tpu.memory_space<vmem>>[vector<16xi32>], vector<16xf32>,
          %get3A_347 = arith.index_cast %scan3A_145 : i32 to index
          %get3A_348 = arith.constant 352 : index
          %get3A_349 = tpu.vector_load %arg13[%get3A_347, %get3A_348] {strides = array<i32>} : memref<32x768xf32, #tpu.memory_space<vmem>>, vector<16xf32>,
          %add3A_350 = arith.constant 352 : i32
          %add3A_351 = vector.broadcast %add3A_350 : i32 to vector<16xi32>
          %add3A_352 = arith.addi %mul3A_152, %add3A_351 : vector<16xi32>
          %add3A_353 = arith.addi %add3A_352, %iota3A : vector<16xi32>
          %mul3A_354 = arith.mulf %get3A_349, %gather3A_266 : vector<16xf32>
          tpu.vector_store_idx %arg14[%add3A_353], %mul3A_354 {add = true} : memref<62208xf32, #tpu.memory_space<vmem>>[vector<16xi32>], vector<16xf32>,
          %get3A_355 = arith.index_cast %scan3A_145 : i32 to index
          %get3A_356 = arith.constant 368 : index
          %get3A_357 = tpu.vector_load %arg13[%get3A_355, %get3A_356] {strides = array<i32>} : memref<32x768xf32, #tpu.memory_space<vmem>>, vector<16xf32>,
          %add3A_358 = arith.constant 368 : i32
          %add3A_359 = vector.broadcast %add3A_358 : i32 to vector<16xi32>
          %add3A_360 = arith.addi %mul3A_152, %add3A_359 : vector<16xi32>
          %add3A_361 = arith.addi %add3A_360, %iota3A : vector<16xi32>
          %mul3A_362 = arith.mulf %get3A_357, %gather3A_266 : vector<16xf32>
          tpu.vector_store_idx %arg14[%add3A_361], %mul3A_362 {add = true} : memref<62208xf32, #tpu.memory_space<vmem>>[vector<16xi32>], vector<16xf32>,
          %mul3A_363 = arith.constant 32 : i32
          %mul3A_364 = arith.muli %scan3A_20, %mul3A_363 : i32
          %add3A_365 = arith.addi %mul3A_364, %scan3A_145 : i32
          %mul3A_366 = arith.constant 4 : i32
          %mul3A_367 = arith.muli %add3A_365, %mul3A_366 : i32
          %add3A_368 = arith.constant 2 : i32
          %add3A_369 = arith.addi %mul3A_367, %add3A_368 : i32
          %broadcast_in_dim3A_370 = vector.broadcast %add3A_369 : i32 to vector<16xi32>
          %gather3A_371 = tpu.vector_load_idx %arg12[%broadcast_in_dim3A_370] : memref<11776xf32, #tpu.memory_space<vmem>>[vector<16xi32>], vector<16xf32>,
          %get3A_372 = arith.index_cast %scan3A_145 : i32 to index
          %get3A_373 = arith.constant 384 : index
          %get3A_374 = tpu.vector_load %arg13[%get3A_372, %get3A_373] {strides = array<i32>} : memref<32x768xf32, #tpu.memory_space<vmem>>, vector<16xf32>,
          %add3A_375 = arith.constant 384 : i32
          %add3A_376 = vector.broadcast %add3A_375 : i32 to vector<16xi32>
          %add3A_377 = arith.addi %mul3A_152, %add3A_376 : vector<16xi32>
          %add3A_378 = arith.addi %add3A_377, %iota3A : vector<16xi32>
          %mul3A_379 = arith.mulf %get3A_374, %gather3A_371 : vector<16xf32>
          tpu.vector_store_idx %arg14[%add3A_378], %mul3A_379 {add = true} : memref<62208xf32, #tpu.memory_space<vmem>>[vector<16xi32>], vector<16xf32>,
          %get3A_380 = arith.index_cast %scan3A_145 : i32 to index
          %get3A_381 = arith.constant 400 : index
          %get3A_382 = tpu.vector_load %arg13[%get3A_380, %get3A_381] {strides = array<i32>} : memref<32x768xf32, #tpu.memory_space<vmem>>, vector<16xf32>,
          %add3A_383 = arith.constant 400 : i32
          %add3A_384 = vector.broadcast %add3A_383 : i32 to vector<16xi32>
          %add3A_385 = arith.addi %mul3A_152, %add3A_384 : vector<16xi32>
          %add3A_386 = arith.addi %add3A_385, %iota3A : vector<16xi32>
          %mul3A_387 = arith.mulf %get3A_382, %gather3A_371 : vector<16xf32>
          tpu.vector_store_idx %arg14[%add3A_386], %mul3A_387 {add = true} : memref<62208xf32, #tpu.memory_space<vmem>>[vector<16xi32>], vector<16xf32>,
          %get3A_388 = arith.index_cast %scan3A_145 : i32 to index
          %get3A_389 = arith.constant 416 : index
          %get3A_390 = tpu.vector_load %arg13[%get3A_388, %get3A_389] {strides = array<i32>} : memref<32x768xf32, #tpu.memory_space<vmem>>, vector<16xf32>,
          %add3A_391 = arith.constant 416 : i32
          %add3A_392 = vector.broadcast %add3A_391 : i32 to vector<16xi32>
          %add3A_393 = arith.addi %mul3A_152, %add3A_392 : vector<16xi32>
          %add3A_394 = arith.addi %add3A_393, %iota3A : vector<16xi32>
          %mul3A_395 = arith.mulf %get3A_390, %gather3A_371 : vector<16xf32>
          tpu.vector_store_idx %arg14[%add3A_394], %mul3A_395 {add = true} : memref<62208xf32, #tpu.memory_space<vmem>>[vector<16xi32>], vector<16xf32>,
          %get3A_396 = arith.index_cast %scan3A_145 : i32 to index
          %get3A_397 = arith.constant 432 : index
          %get3A_398 = tpu.vector_load %arg13[%get3A_396, %get3A_397] {strides = array<i32>} : memref<32x768xf32, #tpu.memory_space<vmem>>, vector<16xf32>,
          %add3A_399 = arith.constant 432 : i32
          %add3A_400 = vector.broadcast %add3A_399 : i32 to vector<16xi32>
          %add3A_401 = arith.addi %mul3A_152, %add3A_400 : vector<16xi32>
          %add3A_402 = arith.addi %add3A_401, %iota3A : vector<16xi32>
          %mul3A_403 = arith.mulf %get3A_398, %gather3A_371 : vector<16xf32>
          tpu.vector_store_idx %arg14[%add3A_402], %mul3A_403 {add = true} : memref<62208xf32, #tpu.memory_space<vmem>>[vector<16xi32>], vector<16xf32>,
          %get3A_404 = arith.index_cast %scan3A_145 : i32 to index
          %get3A_405 = arith.constant 448 : index
          %get3A_406 = tpu.vector_load %arg13[%get3A_404, %get3A_405] {strides = array<i32>} : memref<32x768xf32, #tpu.memory_space<vmem>>, vector<16xf32>,
          %add3A_407 = arith.constant 448 : i32
          %add3A_408 = vector.broadcast %add3A_407 : i32 to vector<16xi32>
          %add3A_409 = arith.addi %mul3A_152, %add3A_408 : vector<16xi32>
          %add3A_410 = arith.addi %add3A_409, %iota3A : vector<16xi32>
          %mul3A_411 = arith.mulf %get3A_406, %gather3A_371 : vector<16xf32>
          tpu.vector_store_idx %arg14[%add3A_410], %mul3A_411 {add = true} : memref<62208xf32, #tpu.memory_space<vmem>>[vector<16xi32>], vector<16xf32>,
          %get3A_412 = arith.index_cast %scan3A_145 : i32 to index
          %get3A_413 = arith.constant 464 : index
          %get3A_414 = tpu.vector_load %arg13[%get3A_412, %get3A_413] {strides = array<i32>} : memref<32x768xf32, #tpu.memory_space<vmem>>, vector<16xf32>,
          %add3A_415 = arith.constant 464 : i32
          %add3A_416 = vector.broadcast %add3A_415 : i32 to vector<16xi32>
          %add3A_417 = arith.addi %mul3A_152, %add3A_416 : vector<16xi32>
          %add3A_418 = arith.addi %add3A_417, %iota3A : vector<16xi32>
          %mul3A_419 = arith.mulf %get3A_414, %gather3A_371 : vector<16xf32>
          tpu.vector_store_idx %arg14[%add3A_418], %mul3A_419 {add = true} : memref<62208xf32, #tpu.memory_space<vmem>>[vector<16xi32>], vector<16xf32>,
          %get3A_420 = arith.index_cast %scan3A_145 : i32 to index
          %get3A_421 = arith.constant 480 : index
          %get3A_422 = tpu.vector_load %arg13[%get3A_420, %get3A_421] {strides = array<i32>} : memref<32x768xf32, #tpu.memory_space<vmem>>, vector<16xf32>,
          %add3A_423 = arith.constant 480 : i32
          %add3A_424 = vector.broadcast %add3A_423 : i32 to vector<16xi32>
          %add3A_425 = arith.addi %mul3A_152, %add3A_424 : vector<16xi32>
          %add3A_426 = arith.addi %add3A_425, %iota3A : vector<16xi32>
          %mul3A_427 = arith.mulf %get3A_422, %gather3A_371 : vector<16xf32>
          tpu.vector_store_idx %arg14[%add3A_426], %mul3A_427 {add = true} : memref<62208xf32, #tpu.memory_space<vmem>>[vector<16xi32>], vector<16xf32>,
          %get3A_428 = arith.index_cast %scan3A_145 : i32 to index
          %get3A_429 = arith.constant 496 : index
          %get3A_430 = tpu.vector_load %arg13[%get3A_428, %get3A_429] {strides = array<i32>} : memref<32x768xf32, #tpu.memory_space<vmem>>, vector<16xf32>,
          %add3A_431 = arith.constant 496 : i32
          %add3A_432 = vector.broadcast %add3A_431 : i32 to vector<16xi32>
          %add3A_433 = arith.addi %mul3A_152, %add3A_432 : vector<16xi32>
          %add3A_434 = arith.addi %add3A_433, %iota3A : vector<16xi32>
          %mul3A_435 = arith.mulf %get3A_430, %gather3A_371 : vector<16xf32>
          tpu.vector_store_idx %arg14[%add3A_434], %mul3A_435 {add = true} : memref<62208xf32, #tpu.memory_space<vmem>>[vector<16xi32>], vector<16xf32>,
          %get3A_436 = arith.index_cast %scan3A_145 : i32 to index
          %get3A_437 = arith.constant 512 : index
          %get3A_438 = tpu.vector_load %arg13[%get3A_436, %get3A_437] {strides = array<i32>} : memref<32x768xf32, #tpu.memory_space<vmem>>, vector<16xf32>,
          %add3A_439 = arith.constant 512 : i32
          %add3A_440 = vector.broadcast %add3A_439 : i32 to vector<16xi32>
          %add3A_441 = arith.addi %mul3A_152, %add3A_440 : vector<16xi32>
          %add3A_442 = arith.addi %add3A_441, %iota3A : vector<16xi32>
          %mul3A_443 = arith.mulf %get3A_438, %gather3A_371 : vector<16xf32>
          tpu.vector_store_idx %arg14[%add3A_442], %mul3A_443 {add = true} : memref<62208xf32, #tpu.memory_space<vmem>>[vector<16xi32>], vector<16xf32>,
          %get3A_444 = arith.index_cast %scan3A_145 : i32 to index
          %get3A_445 = arith.constant 528 : index
          %get3A_446 = tpu.vector_load %arg13[%get3A_444, %get3A_445] {strides = array<i32>} : memref<32x768xf32, #tpu.memory_space<vmem>>, vector<16xf32>,
          %add3A_447 = arith.constant 528 : i32
          %add3A_448 = vector.broadcast %add3A_447 : i32 to vector<16xi32>
          %add3A_449 = arith.addi %mul3A_152, %add3A_448 : vector<16xi32>
          %add3A_450 = arith.addi %add3A_449, %iota3A : vector<16xi32>
          %mul3A_451 = arith.mulf %get3A_446, %gather3A_371 : vector<16xf32>
          tpu.vector_store_idx %arg14[%add3A_450], %mul3A_451 {add = true} : memref<62208xf32, #tpu.memory_space<vmem>>[vector<16xi32>], vector<16xf32>,
          %get3A_452 = arith.index_cast %scan3A_145 : i32 to index
          %get3A_453 = arith.constant 544 : index
          %get3A_454 = tpu.vector_load %arg13[%get3A_452, %get3A_453] {strides = array<i32>} : memref<32x768xf32, #tpu.memory_space<vmem>>, vector<16xf32>,
          %add3A_455 = arith.constant 544 : i32
          %add3A_456 = vector.broadcast %add3A_455 : i32 to vector<16xi32>
          %add3A_457 = arith.addi %mul3A_152, %add3A_456 : vector<16xi32>
          %add3A_458 = arith.addi %add3A_457, %iota3A : vector<16xi32>
          %mul3A_459 = arith.mulf %get3A_454, %gather3A_371 : vector<16xf32>
          tpu.vector_store_idx %arg14[%add3A_458], %mul3A_459 {add = true} : memref<62208xf32, #tpu.memory_space<vmem>>[vector<16xi32>], vector<16xf32>,
          %get3A_460 = arith.index_cast %scan3A_145 : i32 to index
          %get3A_461 = arith.constant 560 : index
          %get3A_462 = tpu.vector_load %arg13[%get3A_460, %get3A_461] {strides = array<i32>} : memref<32x768xf32, #tpu.memory_space<vmem>>, vector<16xf32>,
          %add3A_463 = arith.constant 560 : i32
          %add3A_464 = vector.broadcast %add3A_463 : i32 to vector<16xi32>
          %add3A_465 = arith.addi %mul3A_152, %add3A_464 : vector<16xi32>
          %add3A_466 = arith.addi %add3A_465, %iota3A : vector<16xi32>
          %mul3A_467 = arith.mulf %get3A_462, %gather3A_371 : vector<16xf32>
          tpu.vector_store_idx %arg14[%add3A_466], %mul3A_467 {add = true} : memref<62208xf32, #tpu.memory_space<vmem>>[vector<16xi32>], vector<16xf32>,
          %mul3A_468 = arith.constant 32 : i32
          %mul3A_469 = arith.muli %scan3A_20, %mul3A_468 : i32
          %add3A_470 = arith.addi %mul3A_469, %scan3A_145 : i32
          %mul3A_471 = arith.constant 4 : i32
          %mul3A_472 = arith.muli %add3A_470, %mul3A_471 : i32
          %add3A_473 = arith.constant 3 : i32
          %add3A_474 = arith.addi %mul3A_472, %add3A_473 : i32
          %broadcast_in_dim3A_475 = vector.broadcast %add3A_474 : i32 to vector<16xi32>
          %gather3A_476 = tpu.vector_load_idx %arg12[%broadcast_in_dim3A_475] : memref<11776xf32, #tpu.memory_space<vmem>>[vector<16xi32>], vector<16xf32>,
          %get3A_477 = arith.index_cast %scan3A_145 : i32 to index
          %get3A_478 = arith.constant 576 : index
          %get3A_479 = tpu.vector_load %arg13[%get3A_477, %get3A_478] {strides = array<i32>} : memref<32x768xf32, #tpu.memory_space<vmem>>, vector<16xf32>,
          %add3A_480 = arith.constant 576 : i32
          %add3A_481 = vector.broadcast %add3A_480 : i32 to vector<16xi32>
          %add3A_482 = arith.addi %mul3A_152, %add3A_481 : vector<16xi32>
          %add3A_483 = arith.addi %add3A_482, %iota3A : vector<16xi32>
          %mul3A_484 = arith.mulf %get3A_479, %gather3A_476 : vector<16xf32>
          tpu.vector_store_idx %arg14[%add3A_483], %mul3A_484 {add = true} : memref<62208xf32, #tpu.memory_space<vmem>>[vector<16xi32>], vector<16xf32>,
          %get3A_485 = arith.index_cast %scan3A_145 : i32 to index
          %get3A_486 = arith.constant 592 : index
          %get3A_487 = tpu.vector_load %arg13[%get3A_485, %get3A_486] {strides = array<i32>} : memref<32x768xf32, #tpu.memory_space<vmem>>, vector<16xf32>,
          %add3A_488 = arith.constant 592 : i32
          %add3A_489 = vector.broadcast %add3A_488 : i32 to vector<16xi32>
          %add3A_490 = arith.addi %mul3A_152, %add3A_489 : vector<16xi32>
          %add3A_491 = arith.addi %add3A_490, %iota3A : vector<16xi32>
          %mul3A_492 = arith.mulf %get3A_487, %gather3A_476 : vector<16xf32>
          tpu.vector_store_idx %arg14[%add3A_491], %mul3A_492 {add = true} : memref<62208xf32, #tpu.memory_space<vmem>>[vector<16xi32>], vector<16xf32>,
          %get3A_493 = arith.index_cast %scan3A_145 : i32 to index
          %get3A_494 = arith.constant 608 : index
          %get3A_495 = tpu.vector_load %arg13[%get3A_493, %get3A_494] {strides = array<i32>} : memref<32x768xf32, #tpu.memory_space<vmem>>, vector<16xf32>,
          %add3A_496 = arith.constant 608 : i32
          %add3A_497 = vector.broadcast %add3A_496 : i32 to vector<16xi32>
          %add3A_498 = arith.addi %mul3A_152, %add3A_497 : vector<16xi32>
          %add3A_499 = arith.addi %add3A_498, %iota3A : vector<16xi32>
          %mul3A_500 = arith.mulf %get3A_495, %gather3A_476 : vector<16xf32>
          tpu.vector_store_idx %arg14[%add3A_499], %mul3A_500 {add = true} : memref<62208xf32, #tpu.memory_space<vmem>>[vector<16xi32>], vector<16xf32>,
          %get3A_501 = arith.index_cast %scan3A_145 : i32 to index
          %get3A_502 = arith.constant 624 : index
          %get3A_503 = tpu.vector_load %arg13[%get3A_501, %get3A_502] {strides = array<i32>} : memref<32x768xf32, #tpu.memory_space<vmem>>, vector<16xf32>,
          %add3A_504 = arith.constant 624 : i32
          %add3A_505 = vector.broadcast %add3A_504 : i32 to vector<16xi32>
          %add3A_506 = arith.addi %mul3A_152, %add3A_505 : vector<16xi32>
          %add3A_507 = arith.addi %add3A_506, %iota3A : vector<16xi32>
          %mul3A_508 = arith.mulf %get3A_503, %gather3A_476 : vector<16xf32>
          tpu.vector_store_idx %arg14[%add3A_507], %mul3A_508 {add = true} : memref<62208xf32, #tpu.memory_space<vmem>>[vector<16xi32>], vector<16xf32>,
          %get3A_509 = arith.index_cast %scan3A_145 : i32 to index
          %get3A_510 = arith.constant 640 : index
          %get3A_511 = tpu.vector_load %arg13[%get3A_509, %get3A_510] {strides = array<i32>} : memref<32x768xf32, #tpu.memory_space<vmem>>, vector<16xf32>,
          %add3A_512 = arith.constant 640 : i32
          %add3A_513 = vector.broadcast %add3A_512 : i32 to vector<16xi32>
          %add3A_514 = arith.addi %mul3A_152, %add3A_513 : vector<16xi32>
          %add3A_515 = arith.addi %add3A_514, %iota3A : vector<16xi32>
          %mul3A_516 = arith.mulf %get3A_511, %gather3A_476 : vector<16xf32>
          tpu.vector_store_idx %arg14[%add3A_515], %mul3A_516 {add = true} : memref<62208xf32, #tpu.memory_space<vmem>>[vector<16xi32>], vector<16xf32>,
          %get3A_517 = arith.index_cast %scan3A_145 : i32 to index
          %get3A_518 = arith.constant 656 : index
          %get3A_519 = tpu.vector_load %arg13[%get3A_517, %get3A_518] {strides = array<i32>} : memref<32x768xf32, #tpu.memory_space<vmem>>, vector<16xf32>,
          %add3A_520 = arith.constant 656 : i32
          %add3A_521 = vector.broadcast %add3A_520 : i32 to vector<16xi32>
          %add3A_522 = arith.addi %mul3A_152, %add3A_521 : vector<16xi32>
          %add3A_523 = arith.addi %add3A_522, %iota3A : vector<16xi32>
          %mul3A_524 = arith.mulf %get3A_519, %gather3A_476 : vector<16xf32>
          tpu.vector_store_idx %arg14[%add3A_523], %mul3A_524 {add = true} : memref<62208xf32, #tpu.memory_space<vmem>>[vector<16xi32>], vector<16xf32>,
          %get3A_525 = arith.index_cast %scan3A_145 : i32 to index
          %get3A_526 = arith.constant 672 : index
          %get3A_527 = tpu.vector_load %arg13[%get3A_525, %get3A_526] {strides = array<i32>} : memref<32x768xf32, #tpu.memory_space<vmem>>, vector<16xf32>,
          %add3A_528 = arith.constant 672 : i32
          %add3A_529 = vector.broadcast %add3A_528 : i32 to vector<16xi32>
          %add3A_530 = arith.addi %mul3A_152, %add3A_529 : vector<16xi32>
          %add3A_531 = arith.addi %add3A_530, %iota3A : vector<16xi32>
          %mul3A_532 = arith.mulf %get3A_527, %gather3A_476 : vector<16xf32>
          tpu.vector_store_idx %arg14[%add3A_531], %mul3A_532 {add = true} : memref<62208xf32, #tpu.memory_space<vmem>>[vector<16xi32>], vector<16xf32>,
          %get3A_533 = arith.index_cast %scan3A_145 : i32 to index
          %get3A_534 = arith.constant 688 : index
          %get3A_535 = tpu.vector_load %arg13[%get3A_533, %get3A_534] {strides = array<i32>} : memref<32x768xf32, #tpu.memory_space<vmem>>, vector<16xf32>,
          %add3A_536 = arith.constant 688 : i32
          %add3A_537 = vector.broadcast %add3A_536 : i32 to vector<16xi32>
          %add3A_538 = arith.addi %mul3A_152, %add3A_537 : vector<16xi32>
          %add3A_539 = arith.addi %add3A_538, %iota3A : vector<16xi32>
          %mul3A_540 = arith.mulf %get3A_535, %gather3A_476 : vector<16xf32>
          tpu.vector_store_idx %arg14[%add3A_539], %mul3A_540 {add = true} : memref<62208xf32, #tpu.memory_space<vmem>>[vector<16xi32>], vector<16xf32>,
          %get3A_541 = arith.index_cast %scan3A_145 : i32 to index
          %get3A_542 = arith.constant 704 : index
          %get3A_543 = tpu.vector_load %arg13[%get3A_541, %get3A_542] {strides = array<i32>} : memref<32x768xf32, #tpu.memory_space<vmem>>, vector<16xf32>,
          %add3A_544 = arith.constant 704 : i32
          %add3A_545 = vector.broadcast %add3A_544 : i32 to vector<16xi32>
          %add3A_546 = arith.addi %mul3A_152, %add3A_545 : vector<16xi32>
          %add3A_547 = arith.addi %add3A_546, %iota3A : vector<16xi32>
          %mul3A_548 = arith.mulf %get3A_543, %gather3A_476 : vector<16xf32>
          tpu.vector_store_idx %arg14[%add3A_547], %mul3A_548 {add = true} : memref<62208xf32, #tpu.memory_space<vmem>>[vector<16xi32>], vector<16xf32>,
          %get3A_549 = arith.index_cast %scan3A_145 : i32 to index
          %get3A_550 = arith.constant 720 : index
          %get3A_551 = tpu.vector_load %arg13[%get3A_549, %get3A_550] {strides = array<i32>} : memref<32x768xf32, #tpu.memory_space<vmem>>, vector<16xf32>,
          %add3A_552 = arith.constant 720 : i32
          %add3A_553 = vector.broadcast %add3A_552 : i32 to vector<16xi32>
          %add3A_554 = arith.addi %mul3A_152, %add3A_553 : vector<16xi32>
          %add3A_555 = arith.addi %add3A_554, %iota3A : vector<16xi32>
          %mul3A_556 = arith.mulf %get3A_551, %gather3A_476 : vector<16xf32>
          tpu.vector_store_idx %arg14[%add3A_555], %mul3A_556 {add = true} : memref<62208xf32, #tpu.memory_space<vmem>>[vector<16xi32>], vector<16xf32>,
          %get3A_557 = arith.index_cast %scan3A_145 : i32 to index
          %get3A_558 = arith.constant 736 : index
          %get3A_559 = tpu.vector_load %arg13[%get3A_557, %get3A_558] {strides = array<i32>} : memref<32x768xf32, #tpu.memory_space<vmem>>, vector<16xf32>,
          %add3A_560 = arith.constant 736 : i32
          %add3A_561 = vector.broadcast %add3A_560 : i32 to vector<16xi32>
          %add3A_562 = arith.addi %mul3A_152, %add3A_561 : vector<16xi32>
          %add3A_563 = arith.addi %add3A_562, %iota3A : vector<16xi32>
          %mul3A_564 = arith.mulf %get3A_559, %gather3A_476 : vector<16xf32>
          tpu.vector_store_idx %arg14[%add3A_563], %mul3A_564 {add = true} : memref<62208xf32, #tpu.memory_space<vmem>>[vector<16xi32>], vector<16xf32>,
          %get3A_565 = arith.index_cast %scan3A_145 : i32 to index
          %get3A_566 = arith.constant 752 : index
          %get3A_567 = tpu.vector_load %arg13[%get3A_565, %get3A_566] {strides = array<i32>} : memref<32x768xf32, #tpu.memory_space<vmem>>, vector<16xf32>,
          %add3A_568 = arith.constant 752 : i32
          %add3A_569 = vector.broadcast %add3A_568 : i32 to vector<16xi32>
          %add3A_570 = arith.addi %mul3A_152, %add3A_569 : vector<16xi32>
          %add3A_571 = arith.addi %add3A_570, %iota3A : vector<16xi32>
          %mul3A_572 = arith.mulf %get3A_567, %gather3A_476 : vector<16xf32>
          tpu.vector_store_idx %arg14[%add3A_571], %mul3A_572 {add = true} : memref<62208xf32, #tpu.memory_space<vmem>>[vector<16xi32>], vector<16xf32>,
        }
        %scan3A_144 = arith.constant 32 : i32
      }
      %scan3A_15 = arith.constant 92 : i32
      %mul3A_16 = arith.constant 80 : i32
      %mul3A_17 = arith.muli %add3A_9, %mul3A_16 : i32
      %mul3A_18 = arith.constant 768 : i32
      %mul3A_19 = arith.muli %mul3A_17, %mul3A_18 : i32
      "tpu.region"() ({
        %run_scoped3A = tpu.sem_alloc : memref<!tpu.dma_semaphore, #tpu.memory_space<semaphore_mem>>
        %dma_start3A = arith.constant 0 : i32
        %dma_start3A_20 = tpu.memref_slice %arg14[%dma_start3A] : memref<62208xf32, #tpu.memory_space<vmem>> -> memref<61440xf32, #tpu.memory_space<vmem>>
        %dma_start3A_21 = tpu.memref_slice %arg8[%mul3A_19] : memref<7864320xf32, #tpu.memory_space<hbm>> -> memref<61440xf32, #tpu.memory_space<hbm>>
        %dma_start3A_22 = tpu.memref_slice %arg8[%mul3A_19] : memref<7864320xf32, #tpu.memory_space<hbm>> -> memref<61440xf32, #tpu.memory_space<hbm>>
        %dma_start3A_23 = arith.constant 0 : i32
        %dma_start3A_24 = tpu.memref_slice %arg14[%dma_start3A_23] : memref<62208xf32, #tpu.memory_space<vmem>> -> memref<61440xf32, #tpu.memory_space<vmem>>
        tpu.enqueue_dma source(%dma_start3A_24 : memref<61440xf32, #tpu.memory_space<vmem>>) target(%dma_start3A_22 : memref<61440xf32, #tpu.memory_space<hbm>>) target_semaphore(%run_scoped3A : memref<!tpu.dma_semaphore, #tpu.memory_space<semaphore_mem>>)
        %dma_wait3A = arith.constant 0 : i32
        %dma_wait3A_25 = tpu.memref_slice %arg14[%dma_wait3A] : memref<62208xf32, #tpu.memory_space<vmem>> -> memref<61440xf32, #tpu.memory_space<vmem>>
        %dma_wait3A_26 = tpu.memref_slice %arg8[%mul3A_19] : memref<7864320xf32, #tpu.memory_space<hbm>> -> memref<61440xf32, #tpu.memory_space<hbm>>
        %dma_wait3A_27 = tpu.memref_slice %arg8[%mul3A_19] : memref<7864320xf32, #tpu.memory_space<hbm>> -> memref<61440xf32, #tpu.memory_space<hbm>>
        %dma_wait3A_28 = arith.constant 0 : i32
        %dma_wait3A_29 = tpu.memref_slice %arg14[%dma_wait3A_28] : memref<62208xf32, #tpu.memory_space<vmem>> -> memref<61440xf32, #tpu.memory_space<vmem>>
        tpu.wait_dma2 semaphore(%run_scoped3A : memref<!tpu.dma_semaphore, #tpu.memory_space<semaphore_mem>>) src(%dma_wait3A_29 : memref<61440xf32, #tpu.memory_space<vmem>>) dst(%dma_wait3A_27 : memref<61440xf32, #tpu.memory_space<hbm>>)
        tpu.yield
      }) : () -> ()
      "tpu.region"() ({
        %run_scoped3A = tpu.sem_alloc : memref<!tpu.dma_semaphore, #tpu.memory_space<semaphore_mem>>
        %dma_start3A = arith.constant 0 : i32
        %dma_start3A_20 = tpu.memref_slice %arg15[%dma_start3A] : memref<384xf32, #tpu.memory_space<vmem>> -> memref<384xf32, #tpu.memory_space<vmem>>
        %dma_start3A_21 = arith.constant 0 : i32
        %dma_start3A_22 = tpu.memref_slice %arg9[%add3A_9, %dma_start3A_21] : memref<128x384xf32, #tpu.memory_space<hbm>> -> memref<1x384xf32, #tpu.memory_space<hbm>>
        %dma_start3A_23 = tpu.memref_squeeze %dma_start3A_22 : memref<1x384xf32, #tpu.memory_space<hbm>> -> memref<384xf32, #tpu.memory_space<hbm>>
        %dma_start3A_24 = arith.constant 0 : i32
        %dma_start3A_25 = tpu.memref_slice %arg9[%add3A_9, %dma_start3A_24] : memref<128x384xf32, #tpu.memory_space<hbm>> -> memref<1x384xf32, #tpu.memory_space<hbm>>
        %dma_start3A_26 = tpu.memref_squeeze %dma_start3A_25 : memref<1x384xf32, #tpu.memory_space<hbm>> -> memref<384xf32, #tpu.memory_space<hbm>>
        %dma_start3A_27 = arith.constant 0 : i32
        %dma_start3A_28 = tpu.memref_slice %arg15[%dma_start3A_27] : memref<384xf32, #tpu.memory_space<vmem>> -> memref<384xf32, #tpu.memory_space<vmem>>
        tpu.enqueue_dma source(%dma_start3A_28 : memref<384xf32, #tpu.memory_space<vmem>>) target(%dma_start3A_26 : memref<384xf32, #tpu.memory_space<hbm>>) target_semaphore(%run_scoped3A : memref<!tpu.dma_semaphore, #tpu.memory_space<semaphore_mem>>)
        %dma_wait3A = arith.constant 0 : i32
        %dma_wait3A_29 = tpu.memref_slice %arg15[%dma_wait3A] : memref<384xf32, #tpu.memory_space<vmem>> -> memref<384xf32, #tpu.memory_space<vmem>>
        %dma_wait3A_30 = arith.constant 0 : i32
        %dma_wait3A_31 = tpu.memref_slice %arg9[%add3A_9, %dma_wait3A_30] : memref<128x384xf32, #tpu.memory_space<hbm>> -> memref<1x384xf32, #tpu.memory_space<hbm>>
        %dma_wait3A_32 = tpu.memref_squeeze %dma_wait3A_31 : memref<1x384xf32, #tpu.memory_space<hbm>> -> memref<384xf32, #tpu.memory_space<hbm>>
        %dma_wait3A_33 = arith.constant 0 : i32
        %dma_wait3A_34 = tpu.memref_slice %arg9[%add3A_9, %dma_wait3A_33] : memref<128x384xf32, #tpu.memory_space<hbm>> -> memref<1x384xf32, #tpu.memory_space<hbm>>
        %dma_wait3A_35 = tpu.memref_squeeze %dma_wait3A_34 : memref<1x384xf32, #tpu.memory_space<hbm>> -> memref<384xf32, #tpu.memory_space<hbm>>
        %dma_wait3A_36 = arith.constant 0 : i32
        %dma_wait3A_37 = tpu.memref_slice %arg15[%dma_wait3A_36] : memref<384xf32, #tpu.memory_space<vmem>> -> memref<384xf32, #tpu.memory_space<vmem>>
        tpu.wait_dma2 semaphore(%run_scoped3A : memref<!tpu.dma_semaphore, #tpu.memory_space<semaphore_mem>>) src(%dma_wait3A_37 : memref<384xf32, #tpu.memory_space<vmem>>) dst(%dma_wait3A_35 : memref<384xf32, #tpu.memory_space<hbm>>)
        tpu.yield
      }) : () -> ()
    }
    %scan3A_5 = arith.constant 4 : i32
    return
  }
}

module attributes {stable_mosaic.version = 14 : i64} {
  func.func @_mm_kernel(%arg0: i32, %arg1: memref<512x128xf32, #tpu.memory_space<vmem>>, %arg2: memref<128x512xf32, #tpu.memory_space<vmem>>, %arg3: memref<2x512xf32, #tpu.memory_space<vmem>>, %arg4: memref<512x512xf32, #tpu.memory_space<vmem>>) attributes {dimension_semantics = [#tpu.dimension_semantics<arbitrary>], iteration_bounds = array<i64: 20>, scalar_prefetch = 0 : i64, scratch_operands = 0 : i64, tpu.core_type = #tpu.core_type<tc>, window_params = [{transform_indices = @transform_0, window_bounds = array<i64: 512, 128>}, {pipeline_mode = #tpu.pipeline_mode<synchronous>, transform_indices = @transform_1, window_bounds = array<i64: 128, 512>}, {pipeline_mode = #tpu.pipeline_mode<synchronous>, transform_indices = @transform_2, window_bounds = array<i64: 2, 512>}, {transform_indices = @transform_3, window_bounds = array<i64: 512, 512>}]} {
    %get3A = arith.constant 0 : index
    %get3A_0 = arith.constant 0 : index
    %get3A_1 = vector.load %arg1[%get3A, %get3A_0] : memref<512x128xf32, #tpu.memory_space<vmem>>, vector<512x128xf32>
    %get3A_2 = arith.constant 0 : index
    %get3A_3 = arith.constant 0 : index
    %get3A_4 = vector.load %arg2[%get3A_2, %get3A_3] : memref<128x512xf32, #tpu.memory_space<vmem>>, vector<128x512xf32>
    %dot_general3A = arith.constant dense<0.000000e+00> : vector<512x512xf32>
    %dot_general3A_5 = tpu.matmul %get3A_1, %get3A_4, %dot_general3A {dimension_numbers = #tpu.dot_dimension_numbers<[1], [0], [0], [1], [0, 0, 1, 1], [], []>, transpose_lhs_hint = false} : vector<512x128xf32>, vector<128x512xf32>, vector<512x512xf32> -> vector<512x512xf32>
    %get3A_6 = arith.constant 0 : index
    %get3A_7 = arith.constant 0 : index
    %get3A_8 = vector.load %arg3[%get3A_6, %get3A_7] : memref<2x512xf32, #tpu.memory_space<vmem>>, vector<1x512xf32>
    %mul3A = vector.broadcast %get3A_8 : vector<1x512xf32> to vector<512x512xf32>
    %mul3A_9 = arith.mulf %dot_general3A_5, %mul3A : vector<512x512xf32>
    %get3A_10 = arith.constant 1 : index
    %get3A_11 = arith.constant 0 : index
    %get3A_12 = vector.load %arg3[%get3A_10, %get3A_11] : memref<2x512xf32, #tpu.memory_space<vmem>>, vector<1x512xf32>
    %add3A = vector.broadcast %get3A_12 : vector<1x512xf32> to vector<512x512xf32>
    %add3A_13 = arith.addf %mul3A_9, %add3A : vector<512x512xf32>
    %gt3A = arith.constant 0.000000e+00 : f32
    %gt3A_14 = vector.broadcast %gt3A : f32 to vector<512x512xf32>
    %gt3A_15 = arith.cmpf ogt, %add3A_13, %gt3A_14 : vector<512x512xf32>
    %mul3A_16 = arith.constant 0.00999999977 : f32
    %mul3A_17 = vector.broadcast %mul3A_16 : f32 to vector<512x512xf32>
    %mul3A_18 = arith.mulf %mul3A_17, %add3A_13 : vector<512x512xf32>
    %select_n3A = arith.select %gt3A_15, %add3A_13, %mul3A_18 : vector<512x512xi1>, vector<512x512xf32>
    %swap3A = arith.constant 0 : index
    %swap3A_19 = arith.constant 0 : index
    %swap3A_20 = vector.load %arg4[%swap3A, %swap3A_19] : memref<512x512xf32, #tpu.memory_space<vmem>>, vector<512x512xf32>
    tpu.vector_store %arg4[%swap3A, %swap3A_19], %select_n3A {strides = array<i32>} : memref<512x512xf32, #tpu.memory_space<vmem>>, vector<512x512xf32>,
    return
  }
  func.func @transform_0(%arg0: i32) -> (i32, i32) {
    %c0_i32 = arith.constant 0 : i32
    %c0_i32_0 = arith.constant 0 : i32
    return %arg0, %c0_i32 : i32, i32
  }
  func.func @transform_1(%arg0: i32) -> (i32, i32) {
    %c0_i32 = arith.constant 0 : i32
    %c0_i32_0 = arith.constant 0 : i32
    %c0_i32_1 = arith.constant 0 : i32
    return %c0_i32, %c0_i32_0 : i32, i32
  }
  func.func @transform_2(%arg0: i32) -> (i32, i32) {
    %c0_i32 = arith.constant 0 : i32
    %c0_i32_0 = arith.constant 0 : i32
    %c0_i32_1 = arith.constant 0 : i32
    return %c0_i32, %c0_i32_0 : i32, i32
  }
  func.func @transform_3(%arg0: i32) -> (i32, i32) {
    %c0_i32 = arith.constant 0 : i32
    %c0_i32_0 = arith.constant 0 : i32
    return %arg0, %c0_i32 : i32, i32
  }
}

module attributes {stable_mosaic.version = 14 : i64} {
  func.func @_mm_kernel(%arg0: i32, %arg1: memref<512x512xf32, #tpu.memory_space<vmem>>, %arg2: memref<512x512xf32, #tpu.memory_space<vmem>>, %arg3: memref<2x512xf32, #tpu.memory_space<vmem>>, %arg4: memref<512x512xf32, #tpu.memory_space<vmem>>) attributes {dimension_semantics = [#tpu.dimension_semantics<arbitrary>], iteration_bounds = array<i64: 20>, scalar_prefetch = 0 : i64, scratch_operands = 0 : i64, tpu.core_type = #tpu.core_type<tc>, window_params = [{transform_indices = @transform_0, window_bounds = array<i64: 512, 512>}, {pipeline_mode = #tpu.pipeline_mode<synchronous>, transform_indices = @transform_1, window_bounds = array<i64: 512, 512>}, {pipeline_mode = #tpu.pipeline_mode<synchronous>, transform_indices = @transform_2, window_bounds = array<i64: 2, 512>}, {transform_indices = @transform_3, window_bounds = array<i64: 512, 512>}]} {
    %get3A = arith.constant 0 : index
    %get3A_0 = arith.constant 0 : index
    %get3A_1 = vector.load %arg1[%get3A, %get3A_0] : memref<512x512xf32, #tpu.memory_space<vmem>>, vector<512x512xf32>
    %get3A_2 = arith.constant 0 : index
    %get3A_3 = arith.constant 0 : index
    %get3A_4 = vector.load %arg2[%get3A_2, %get3A_3] : memref<512x512xf32, #tpu.memory_space<vmem>>, vector<512x512xf32>
    %dot_general3A = arith.constant dense<0.000000e+00> : vector<512x512xf32>
    %dot_general3A_5 = tpu.matmul %get3A_1, %get3A_4, %dot_general3A {dimension_numbers = #tpu.dot_dimension_numbers<[1], [0], [0], [1], [0, 0, 1, 1], [], []>, transpose_lhs_hint = false} : vector<512x512xf32>, vector<512x512xf32>, vector<512x512xf32> -> vector<512x512xf32>
    %get3A_6 = arith.constant 0 : index
    %get3A_7 = arith.constant 0 : index
    %get3A_8 = vector.load %arg3[%get3A_6, %get3A_7] : memref<2x512xf32, #tpu.memory_space<vmem>>, vector<1x512xf32>
    %mul3A = vector.broadcast %get3A_8 : vector<1x512xf32> to vector<512x512xf32>
    %mul3A_9 = arith.mulf %dot_general3A_5, %mul3A : vector<512x512xf32>
    %get3A_10 = arith.constant 1 : index
    %get3A_11 = arith.constant 0 : index
    %get3A_12 = vector.load %arg3[%get3A_10, %get3A_11] : memref<2x512xf32, #tpu.memory_space<vmem>>, vector<1x512xf32>
    %add3A = vector.broadcast %get3A_12 : vector<1x512xf32> to vector<512x512xf32>
    %add3A_13 = arith.addf %mul3A_9, %add3A : vector<512x512xf32>
    %gt3A = arith.constant 0.000000e+00 : f32
    %gt3A_14 = vector.broadcast %gt3A : f32 to vector<512x512xf32>
    %gt3A_15 = arith.cmpf ogt, %add3A_13, %gt3A_14 : vector<512x512xf32>
    %mul3A_16 = arith.constant 0.00999999977 : f32
    %mul3A_17 = vector.broadcast %mul3A_16 : f32 to vector<512x512xf32>
    %mul3A_18 = arith.mulf %mul3A_17, %add3A_13 : vector<512x512xf32>
    %select_n3A = arith.select %gt3A_15, %add3A_13, %mul3A_18 : vector<512x512xi1>, vector<512x512xf32>
    %swap3A = arith.constant 0 : index
    %swap3A_19 = arith.constant 0 : index
    %swap3A_20 = vector.load %arg4[%swap3A, %swap3A_19] : memref<512x512xf32, #tpu.memory_space<vmem>>, vector<512x512xf32>
    tpu.vector_store %arg4[%swap3A, %swap3A_19], %select_n3A {strides = array<i32>} : memref<512x512xf32, #tpu.memory_space<vmem>>, vector<512x512xf32>,
    return
  }
  func.func @transform_0(%arg0: i32) -> (i32, i32) {
    %c0_i32 = arith.constant 0 : i32
    %c0_i32_0 = arith.constant 0 : i32
    return %arg0, %c0_i32 : i32, i32
  }
  func.func @transform_1(%arg0: i32) -> (i32, i32) {
    %c0_i32 = arith.constant 0 : i32
    %c0_i32_0 = arith.constant 0 : i32
    %c0_i32_1 = arith.constant 0 : i32
    return %c0_i32, %c0_i32_0 : i32, i32
  }
  func.func @transform_2(%arg0: i32) -> (i32, i32) {
    %c0_i32 = arith.constant 0 : i32
    %c0_i32_0 = arith.constant 0 : i32
    %c0_i32_1 = arith.constant 0 : i32
    return %c0_i32, %c0_i32_0 : i32, i32
  }
  func.func @transform_3(%arg0: i32) -> (i32, i32) {
    %c0_i32 = arith.constant 0 : i32
    %c0_i32_0 = arith.constant 0 : i32
    return %arg0, %c0_i32 : i32, i32
  }
}

module attributes {stable_mosaic.version = 14 : i64} {
  func.func @_mm_kernel(%arg0: i32, %arg1: memref<512x512xf32, #tpu.memory_space<vmem>>, %arg2: memref<512x8xf32, #tpu.memory_space<vmem>>, %arg3: memref<2x8xf32, #tpu.memory_space<vmem>>, %arg4: memref<512x8xf32, #tpu.memory_space<vmem>>) attributes {dimension_semantics = [#tpu.dimension_semantics<arbitrary>], iteration_bounds = array<i64: 20>, scalar_prefetch = 0 : i64, scratch_operands = 0 : i64, tpu.core_type = #tpu.core_type<tc>, window_params = [{transform_indices = @transform_0, window_bounds = array<i64: 512, 512>}, {pipeline_mode = #tpu.pipeline_mode<synchronous>, transform_indices = @transform_1, window_bounds = array<i64: 512, 8>}, {pipeline_mode = #tpu.pipeline_mode<synchronous>, transform_indices = @transform_2, window_bounds = array<i64: 2, 8>}, {transform_indices = @transform_3, window_bounds = array<i64: 512, 8>}]} {
    %get3A = arith.constant 0 : index
    %get3A_0 = arith.constant 0 : index
    %get3A_1 = vector.load %arg1[%get3A, %get3A_0] : memref<512x512xf32, #tpu.memory_space<vmem>>, vector<512x512xf32>
    %get3A_2 = arith.constant 0 : index
    %get3A_3 = arith.constant 0 : index
    %get3A_4 = vector.load %arg2[%get3A_2, %get3A_3] : memref<512x8xf32, #tpu.memory_space<vmem>>, vector<512x8xf32>
    %dot_general3A = arith.constant dense<0.000000e+00> : vector<512x8xf32>
    %dot_general3A_5 = tpu.matmul %get3A_1, %get3A_4, %dot_general3A {dimension_numbers = #tpu.dot_dimension_numbers<[1], [0], [0], [1], [0, 0, 1, 1], [], []>, transpose_lhs_hint = false} : vector<512x512xf32>, vector<512x8xf32>, vector<512x8xf32> -> vector<512x8xf32>
    %get3A_6 = arith.constant 0 : index
    %get3A_7 = arith.constant 0 : index
    %get3A_8 = vector.load %arg3[%get3A_6, %get3A_7] : memref<2x8xf32, #tpu.memory_space<vmem>>, vector<1x8xf32>
    %mul3A = vector.broadcast %get3A_8 : vector<1x8xf32> to vector<512x8xf32>
    %mul3A_9 = arith.mulf %dot_general3A_5, %mul3A : vector<512x8xf32>
    %get3A_10 = arith.constant 1 : index
    %get3A_11 = arith.constant 0 : index
    %get3A_12 = vector.load %arg3[%get3A_10, %get3A_11] : memref<2x8xf32, #tpu.memory_space<vmem>>, vector<1x8xf32>
    %add3A = vector.broadcast %get3A_12 : vector<1x8xf32> to vector<512x8xf32>
    %add3A_13 = arith.addf %mul3A_9, %add3A : vector<512x8xf32>
    %swap3A = arith.constant 0 : index
    %swap3A_14 = arith.constant 0 : index
    %swap3A_15 = vector.load %arg4[%swap3A, %swap3A_14] : memref<512x8xf32, #tpu.memory_space<vmem>>, vector<512x8xf32>
    tpu.vector_store %arg4[%swap3A, %swap3A_14], %add3A_13 {strides = array<i32>} : memref<512x8xf32, #tpu.memory_space<vmem>>, vector<512x8xf32>,
    return
  }
  func.func @transform_0(%arg0: i32) -> (i32, i32) {
    %c0_i32 = arith.constant 0 : i32
    %c0_i32_0 = arith.constant 0 : i32
    return %arg0, %c0_i32 : i32, i32
  }
  func.func @transform_1(%arg0: i32) -> (i32, i32) {
    %c0_i32 = arith.constant 0 : i32
    %c0_i32_0 = arith.constant 0 : i32
    %c0_i32_1 = arith.constant 0 : i32
    return %c0_i32, %c0_i32_0 : i32, i32
  }
  func.func @transform_2(%arg0: i32) -> (i32, i32) {
    %c0_i32 = arith.constant 0 : i32
    %c0_i32_0 = arith.constant 0 : i32
    %c0_i32_1 = arith.constant 0 : i32
    return %c0_i32, %c0_i32_0 : i32, i32
  }
  func.func @transform_3(%arg0: i32) -> (i32, i32) {
    %c0_i32 = arith.constant 0 : i32
    %c0_i32_0 = arith.constant 0 : i32
    return %arg0, %c0_i32 : i32, i32
  }
}

module attributes {stable_mosaic.version = 14 : i64} {
  func.func @_mm_kernel(%arg0: i32, %arg1: memref<512x512xf32, #tpu.memory_space<vmem>>, %arg2: memref<512x768xf32, #tpu.memory_space<vmem>>, %arg3: memref<2x768xf32, #tpu.memory_space<vmem>>, %arg4: memref<512x768xf32, #tpu.memory_space<vmem>>) attributes {dimension_semantics = [#tpu.dimension_semantics<arbitrary>], iteration_bounds = array<i64: 20>, scalar_prefetch = 0 : i64, scratch_operands = 0 : i64, tpu.core_type = #tpu.core_type<tc>, window_params = [{transform_indices = @transform_0, window_bounds = array<i64: 512, 512>}, {pipeline_mode = #tpu.pipeline_mode<synchronous>, transform_indices = @transform_1, window_bounds = array<i64: 512, 768>}, {pipeline_mode = #tpu.pipeline_mode<synchronous>, transform_indices = @transform_2, window_bounds = array<i64: 2, 768>}, {transform_indices = @transform_3, window_bounds = array<i64: 512, 768>}]} {
    %get3A = arith.constant 0 : index
    %get3A_0 = arith.constant 0 : index
    %get3A_1 = vector.load %arg1[%get3A, %get3A_0] : memref<512x512xf32, #tpu.memory_space<vmem>>, vector<512x512xf32>
    %get3A_2 = arith.constant 0 : index
    %get3A_3 = arith.constant 0 : index
    %get3A_4 = vector.load %arg2[%get3A_2, %get3A_3] : memref<512x768xf32, #tpu.memory_space<vmem>>, vector<512x768xf32>
    %dot_general3A = arith.constant dense<0.000000e+00> : vector<512x768xf32>
    %dot_general3A_5 = tpu.matmul %get3A_1, %get3A_4, %dot_general3A {dimension_numbers = #tpu.dot_dimension_numbers<[1], [0], [0], [1], [0, 0, 1, 1], [], []>, transpose_lhs_hint = false} : vector<512x512xf32>, vector<512x768xf32>, vector<512x768xf32> -> vector<512x768xf32>
    %get3A_6 = arith.constant 0 : index
    %get3A_7 = arith.constant 0 : index
    %get3A_8 = vector.load %arg3[%get3A_6, %get3A_7] : memref<2x768xf32, #tpu.memory_space<vmem>>, vector<1x768xf32>
    %mul3A = vector.broadcast %get3A_8 : vector<1x768xf32> to vector<512x768xf32>
    %mul3A_9 = arith.mulf %dot_general3A_5, %mul3A : vector<512x768xf32>
    %get3A_10 = arith.constant 1 : index
    %get3A_11 = arith.constant 0 : index
    %get3A_12 = vector.load %arg3[%get3A_10, %get3A_11] : memref<2x768xf32, #tpu.memory_space<vmem>>, vector<1x768xf32>
    %add3A = vector.broadcast %get3A_12 : vector<1x768xf32> to vector<512x768xf32>
    %add3A_13 = arith.addf %mul3A_9, %add3A : vector<512x768xf32>
    %swap3A = arith.constant 0 : index
    %swap3A_14 = arith.constant 0 : index
    %swap3A_15 = vector.load %arg4[%swap3A, %swap3A_14] : memref<512x768xf32, #tpu.memory_space<vmem>>, vector<512x768xf32>
    tpu.vector_store %arg4[%swap3A, %swap3A_14], %add3A_13 {strides = array<i32>} : memref<512x768xf32, #tpu.memory_space<vmem>>, vector<512x768xf32>,
    return
  }
  func.func @transform_0(%arg0: i32) -> (i32, i32) {
    %c0_i32 = arith.constant 0 : i32
    %c0_i32_0 = arith.constant 0 : i32
    return %arg0, %c0_i32 : i32, i32
  }
  func.func @transform_1(%arg0: i32) -> (i32, i32) {
    %c0_i32 = arith.constant 0 : i32
    %c0_i32_0 = arith.constant 0 : i32
    %c0_i32_1 = arith.constant 0 : i32
    return %c0_i32, %c0_i32_0 : i32, i32
  }
  func.func @transform_2(%arg0: i32) -> (i32, i32) {
    %c0_i32 = arith.constant 0 : i32
    %c0_i32_0 = arith.constant 0 : i32
    %c0_i32_1 = arith.constant 0 : i32
    return %c0_i32, %c0_i32_0 : i32, i32
  }
  func.func @transform_3(%arg0: i32) -> (i32, i32) {
    %c0_i32 = arith.constant 0 : i32
    %c0_i32_0 = arith.constant 0 : i32
    return %arg0, %c0_i32 : i32, i32
  }
}

module attributes {stable_mosaic.version = 14 : i64} {
  func.func @_mm_kernel(%arg0: i32, %arg1: memref<512x768xf32, #tpu.memory_space<vmem>>, %arg2: memref<768x8xf32, #tpu.memory_space<vmem>>, %arg3: memref<2x8xf32, #tpu.memory_space<vmem>>, %arg4: memref<512x8xf32, #tpu.memory_space<vmem>>) attributes {dimension_semantics = [#tpu.dimension_semantics<arbitrary>], iteration_bounds = array<i64: 20>, scalar_prefetch = 0 : i64, scratch_operands = 0 : i64, tpu.core_type = #tpu.core_type<tc>, window_params = [{transform_indices = @transform_0, window_bounds = array<i64: 512, 768>}, {pipeline_mode = #tpu.pipeline_mode<synchronous>, transform_indices = @transform_1, window_bounds = array<i64: 768, 8>}, {pipeline_mode = #tpu.pipeline_mode<synchronous>, transform_indices = @transform_2, window_bounds = array<i64: 2, 8>}, {transform_indices = @transform_3, window_bounds = array<i64: 512, 8>}]} {
    %get3A = arith.constant 0 : index
    %get3A_0 = arith.constant 0 : index
    %get3A_1 = vector.load %arg1[%get3A, %get3A_0] : memref<512x768xf32, #tpu.memory_space<vmem>>, vector<512x768xf32>
    %get3A_2 = arith.constant 0 : index
    %get3A_3 = arith.constant 0 : index
    %get3A_4 = vector.load %arg2[%get3A_2, %get3A_3] : memref<768x8xf32, #tpu.memory_space<vmem>>, vector<768x8xf32>
    %dot_general3A = arith.constant dense<0.000000e+00> : vector<512x8xf32>
    %dot_general3A_5 = tpu.matmul %get3A_1, %get3A_4, %dot_general3A {dimension_numbers = #tpu.dot_dimension_numbers<[1], [0], [0], [1], [0, 0, 1, 1], [], []>, transpose_lhs_hint = false} : vector<512x768xf32>, vector<768x8xf32>, vector<512x8xf32> -> vector<512x8xf32>
    %get3A_6 = arith.constant 0 : index
    %get3A_7 = arith.constant 0 : index
    %get3A_8 = vector.load %arg3[%get3A_6, %get3A_7] : memref<2x8xf32, #tpu.memory_space<vmem>>, vector<1x8xf32>
    %mul3A = vector.broadcast %get3A_8 : vector<1x8xf32> to vector<512x8xf32>
    %mul3A_9 = arith.mulf %dot_general3A_5, %mul3A : vector<512x8xf32>
    %get3A_10 = arith.constant 1 : index
    %get3A_11 = arith.constant 0 : index
    %get3A_12 = vector.load %arg3[%get3A_10, %get3A_11] : memref<2x8xf32, #tpu.memory_space<vmem>>, vector<1x8xf32>
    %add3A = vector.broadcast %get3A_12 : vector<1x8xf32> to vector<512x8xf32>
    %add3A_13 = arith.addf %mul3A_9, %add3A : vector<512x8xf32>
    %swap3A = arith.constant 0 : index
    %swap3A_14 = arith.constant 0 : index
    %swap3A_15 = vector.load %arg4[%swap3A, %swap3A_14] : memref<512x8xf32, #tpu.memory_space<vmem>>, vector<512x8xf32>
    tpu.vector_store %arg4[%swap3A, %swap3A_14], %add3A_13 {strides = array<i32>} : memref<512x8xf32, #tpu.memory_space<vmem>>, vector<512x8xf32>,
    return
  }
  func.func @transform_0(%arg0: i32) -> (i32, i32) {
    %c0_i32 = arith.constant 0 : i32
    %c0_i32_0 = arith.constant 0 : i32
    return %arg0, %c0_i32 : i32, i32
  }
  func.func @transform_1(%arg0: i32) -> (i32, i32) {
    %c0_i32 = arith.constant 0 : i32
    %c0_i32_0 = arith.constant 0 : i32
    %c0_i32_1 = arith.constant 0 : i32
    return %c0_i32, %c0_i32_0 : i32, i32
  }
  func.func @transform_2(%arg0: i32) -> (i32, i32) {
    %c0_i32 = arith.constant 0 : i32
    %c0_i32_0 = arith.constant 0 : i32
    %c0_i32_1 = arith.constant 0 : i32
    return %c0_i32, %c0_i32_0 : i32, i32
  }
  func.func @transform_3(%arg0: i32) -> (i32, i32) {
    %c0_i32 = arith.constant 0 : i32
    %c0_i32_0 = arith.constant 0 : i32
    return %arg0, %c0_i32 : i32, i32
  }
}

module attributes {stable_mosaic.version = 14 : i64} {
  func.func @_mm_kernel(%arg0: i32, %arg1: memref<512x768xf32, #tpu.memory_space<vmem>>, %arg2: memref<768x768xf32, #tpu.memory_space<vmem>>, %arg3: memref<2x768xf32, #tpu.memory_space<vmem>>, %arg4: memref<512x768xf32, #tpu.memory_space<vmem>>) attributes {dimension_semantics = [#tpu.dimension_semantics<arbitrary>], iteration_bounds = array<i64: 20>, scalar_prefetch = 0 : i64, scratch_operands = 0 : i64, tpu.core_type = #tpu.core_type<tc>, window_params = [{transform_indices = @transform_0, window_bounds = array<i64: 512, 768>}, {pipeline_mode = #tpu.pipeline_mode<synchronous>, transform_indices = @transform_1, window_bounds = array<i64: 768, 768>}, {pipeline_mode = #tpu.pipeline_mode<synchronous>, transform_indices = @transform_2, window_bounds = array<i64: 2, 768>}, {transform_indices = @transform_3, window_bounds = array<i64: 512, 768>}]} {
    %get3A = arith.constant 0 : index
    %get3A_0 = arith.constant 0 : index
    %get3A_1 = vector.load %arg1[%get3A, %get3A_0] : memref<512x768xf32, #tpu.memory_space<vmem>>, vector<512x768xf32>
    %get3A_2 = arith.constant 0 : index
    %get3A_3 = arith.constant 0 : index
    %get3A_4 = vector.load %arg2[%get3A_2, %get3A_3] : memref<768x768xf32, #tpu.memory_space<vmem>>, vector<768x768xf32>
    %dot_general3A = arith.constant dense<0.000000e+00> : vector<512x768xf32>
    %dot_general3A_5 = tpu.matmul %get3A_1, %get3A_4, %dot_general3A {dimension_numbers = #tpu.dot_dimension_numbers<[1], [0], [0], [1], [0, 0, 1, 1], [], []>, transpose_lhs_hint = false} : vector<512x768xf32>, vector<768x768xf32>, vector<512x768xf32> -> vector<512x768xf32>
    %get3A_6 = arith.constant 0 : index
    %get3A_7 = arith.constant 0 : index
    %get3A_8 = vector.load %arg3[%get3A_6, %get3A_7] : memref<2x768xf32, #tpu.memory_space<vmem>>, vector<1x768xf32>
    %mul3A = vector.broadcast %get3A_8 : vector<1x768xf32> to vector<512x768xf32>
    %mul3A_9 = arith.mulf %dot_general3A_5, %mul3A : vector<512x768xf32>
    %get3A_10 = arith.constant 1 : index
    %get3A_11 = arith.constant 0 : index
    %get3A_12 = vector.load %arg3[%get3A_10, %get3A_11] : memref<2x768xf32, #tpu.memory_space<vmem>>, vector<1x768xf32>
    %add3A = vector.broadcast %get3A_12 : vector<1x768xf32> to vector<512x768xf32>
    %add3A_13 = arith.addf %mul3A_9, %add3A : vector<512x768xf32>
    %swap3A = arith.constant 0 : index
    %swap3A_14 = arith.constant 0 : index
    %swap3A_15 = vector.load %arg4[%swap3A, %swap3A_14] : memref<512x768xf32, #tpu.memory_space<vmem>>, vector<512x768xf32>
    tpu.vector_store %arg4[%swap3A, %swap3A_14], %add3A_13 {strides = array<i32>} : memref<512x768xf32, #tpu.memory_space<vmem>>, vector<512x768xf32>,
    return
  }
  func.func @transform_0(%arg0: i32) -> (i32, i32) {
    %c0_i32 = arith.constant 0 : i32
    %c0_i32_0 = arith.constant 0 : i32
    return %arg0, %c0_i32 : i32, i32
  }
  func.func @transform_1(%arg0: i32) -> (i32, i32) {
    %c0_i32 = arith.constant 0 : i32
    %c0_i32_0 = arith.constant 0 : i32
    %c0_i32_1 = arith.constant 0 : i32
    return %c0_i32, %c0_i32_0 : i32, i32
  }
  func.func @transform_2(%arg0: i32) -> (i32, i32) {
    %c0_i32 = arith.constant 0 : i32
    %c0_i32_0 = arith.constant 0 : i32
    %c0_i32_1 = arith.constant 0 : i32
    return %c0_i32, %c0_i32_0 : i32, i32
  }
  func.func @transform_3(%arg0: i32) -> (i32, i32) {
    %c0_i32 = arith.constant 0 : i32
    %c0_i32_0 = arith.constant 0 : i32
    return %arg0, %c0_i32 : i32, i32
  }
}

module attributes {stable_mosaic.version = 14 : i64} {
  func.func @_mm_kernel(%arg0: i32, %arg1: memref<512x768xf32, #tpu.memory_space<vmem>>, %arg2: memref<768x768xf32, #tpu.memory_space<vmem>>, %arg3: memref<2x768xf32, #tpu.memory_space<vmem>>, %arg4: memref<512x768xf32, #tpu.memory_space<vmem>>) attributes {dimension_semantics = [#tpu.dimension_semantics<arbitrary>], iteration_bounds = array<i64: 20>, scalar_prefetch = 0 : i64, scratch_operands = 0 : i64, tpu.core_type = #tpu.core_type<tc>, window_params = [{transform_indices = @transform_0, window_bounds = array<i64: 512, 768>}, {pipeline_mode = #tpu.pipeline_mode<synchronous>, transform_indices = @transform_1, window_bounds = array<i64: 768, 768>}, {pipeline_mode = #tpu.pipeline_mode<synchronous>, transform_indices = @transform_2, window_bounds = array<i64: 2, 768>}, {transform_indices = @transform_3, window_bounds = array<i64: 512, 768>}]} {
    %get3A = arith.constant 0 : index
    %get3A_0 = arith.constant 0 : index
    %get3A_1 = vector.load %arg1[%get3A, %get3A_0] : memref<512x768xf32, #tpu.memory_space<vmem>>, vector<512x768xf32>
    %get3A_2 = arith.constant 0 : index
    %get3A_3 = arith.constant 0 : index
    %get3A_4 = vector.load %arg2[%get3A_2, %get3A_3] : memref<768x768xf32, #tpu.memory_space<vmem>>, vector<768x768xf32>
    %dot_general3A = arith.constant dense<0.000000e+00> : vector<512x768xf32>
    %dot_general3A_5 = tpu.matmul %get3A_1, %get3A_4, %dot_general3A {dimension_numbers = #tpu.dot_dimension_numbers<[1], [0], [0], [1], [0, 0, 1, 1], [], []>, transpose_lhs_hint = false} : vector<512x768xf32>, vector<768x768xf32>, vector<512x768xf32> -> vector<512x768xf32>
    %get3A_6 = arith.constant 0 : index
    %get3A_7 = arith.constant 0 : index
    %get3A_8 = vector.load %arg3[%get3A_6, %get3A_7] : memref<2x768xf32, #tpu.memory_space<vmem>>, vector<1x768xf32>
    %mul3A = vector.broadcast %get3A_8 : vector<1x768xf32> to vector<512x768xf32>
    %mul3A_9 = arith.mulf %dot_general3A_5, %mul3A : vector<512x768xf32>
    %get3A_10 = arith.constant 1 : index
    %get3A_11 = arith.constant 0 : index
    %get3A_12 = vector.load %arg3[%get3A_10, %get3A_11] : memref<2x768xf32, #tpu.memory_space<vmem>>, vector<1x768xf32>
    %add3A = vector.broadcast %get3A_12 : vector<1x768xf32> to vector<512x768xf32>
    %add3A_13 = arith.addf %mul3A_9, %add3A : vector<512x768xf32>
    %gt3A = arith.constant 0.000000e+00 : f32
    %gt3A_14 = vector.broadcast %gt3A : f32 to vector<512x768xf32>
    %gt3A_15 = arith.cmpf ogt, %add3A_13, %gt3A_14 : vector<512x768xf32>
    %mul3A_16 = arith.constant 0.00999999977 : f32
    %mul3A_17 = vector.broadcast %mul3A_16 : f32 to vector<512x768xf32>
    %mul3A_18 = arith.mulf %mul3A_17, %add3A_13 : vector<512x768xf32>
    %select_n3A = arith.select %gt3A_15, %add3A_13, %mul3A_18 : vector<512x768xi1>, vector<512x768xf32>
    %swap3A = arith.constant 0 : index
    %swap3A_19 = arith.constant 0 : index
    %swap3A_20 = vector.load %arg4[%swap3A, %swap3A_19] : memref<512x768xf32, #tpu.memory_space<vmem>>, vector<512x768xf32>
    tpu.vector_store %arg4[%swap3A, %swap3A_19], %select_n3A {strides = array<i32>} : memref<512x768xf32, #tpu.memory_space<vmem>>, vector<512x768xf32>,
    return
  }
  func.func @transform_0(%arg0: i32) -> (i32, i32) {
    %c0_i32 = arith.constant 0 : i32
    %c0_i32_0 = arith.constant 0 : i32
    return %arg0, %c0_i32 : i32, i32
  }
  func.func @transform_1(%arg0: i32) -> (i32, i32) {
    %c0_i32 = arith.constant 0 : i32
    %c0_i32_0 = arith.constant 0 : i32
    %c0_i32_1 = arith.constant 0 : i32
    return %c0_i32, %c0_i32_0 : i32, i32
  }
  func.func @transform_2(%arg0: i32) -> (i32, i32) {
    %c0_i32 = arith.constant 0 : i32
    %c0_i32_0 = arith.constant 0 : i32
    %c0_i32_1 = arith.constant 0 : i32
    return %c0_i32, %c0_i32_0 : i32, i32
  }
  func.func @transform_3(%arg0: i32) -> (i32, i32) {
    %c0_i32 = arith.constant 0 : i32
    %c0_i32_0 = arith.constant 0 : i32
    return %arg0, %c0_i32 : i32, i32
  }
}

module attributes {stable_mosaic.version = 14 : i64} {
  func.func @_mm_kernel(%arg0: i32, %arg1: memref<512x768xf32, #tpu.memory_space<vmem>>, %arg2: memref<768x384xf32, #tpu.memory_space<vmem>>, %arg3: memref<2x384xf32, #tpu.memory_space<vmem>>, %arg4: memref<512x384xf32, #tpu.memory_space<vmem>>) attributes {dimension_semantics = [#tpu.dimension_semantics<arbitrary>], iteration_bounds = array<i64: 20>, scalar_prefetch = 0 : i64, scratch_operands = 0 : i64, tpu.core_type = #tpu.core_type<tc>, window_params = [{transform_indices = @transform_0, window_bounds = array<i64: 512, 768>}, {pipeline_mode = #tpu.pipeline_mode<synchronous>, transform_indices = @transform_1, window_bounds = array<i64: 768, 384>}, {pipeline_mode = #tpu.pipeline_mode<synchronous>, transform_indices = @transform_2, window_bounds = array<i64: 2, 384>}, {transform_indices = @transform_3, window_bounds = array<i64: 512, 384>}]} {
    %get3A = arith.constant 0 : index
    %get3A_0 = arith.constant 0 : index
    %get3A_1 = vector.load %arg1[%get3A, %get3A_0] : memref<512x768xf32, #tpu.memory_space<vmem>>, vector<512x768xf32>
    %get3A_2 = arith.constant 0 : index
    %get3A_3 = arith.constant 0 : index
    %get3A_4 = vector.load %arg2[%get3A_2, %get3A_3] : memref<768x384xf32, #tpu.memory_space<vmem>>, vector<768x384xf32>
    %dot_general3A = arith.constant dense<0.000000e+00> : vector<512x384xf32>
    %dot_general3A_5 = tpu.matmul %get3A_1, %get3A_4, %dot_general3A {dimension_numbers = #tpu.dot_dimension_numbers<[1], [0], [0], [1], [0, 0, 1, 1], [], []>, transpose_lhs_hint = false} : vector<512x768xf32>, vector<768x384xf32>, vector<512x384xf32> -> vector<512x384xf32>
    %get3A_6 = arith.constant 0 : index
    %get3A_7 = arith.constant 0 : index
    %get3A_8 = vector.load %arg3[%get3A_6, %get3A_7] : memref<2x384xf32, #tpu.memory_space<vmem>>, vector<1x384xf32>
    %mul3A = vector.broadcast %get3A_8 : vector<1x384xf32> to vector<512x384xf32>
    %mul3A_9 = arith.mulf %dot_general3A_5, %mul3A : vector<512x384xf32>
    %get3A_10 = arith.constant 1 : index
    %get3A_11 = arith.constant 0 : index
    %get3A_12 = vector.load %arg3[%get3A_10, %get3A_11] : memref<2x384xf32, #tpu.memory_space<vmem>>, vector<1x384xf32>
    %add3A = vector.broadcast %get3A_12 : vector<1x384xf32> to vector<512x384xf32>
    %add3A_13 = arith.addf %mul3A_9, %add3A : vector<512x384xf32>
    %gt3A = arith.constant 0.000000e+00 : f32
    %gt3A_14 = vector.broadcast %gt3A : f32 to vector<512x384xf32>
    %gt3A_15 = arith.cmpf ogt, %add3A_13, %gt3A_14 : vector<512x384xf32>
    %mul3A_16 = arith.constant 0.00999999977 : f32
    %mul3A_17 = vector.broadcast %mul3A_16 : f32 to vector<512x384xf32>
    %mul3A_18 = arith.mulf %mul3A_17, %add3A_13 : vector<512x384xf32>
    %select_n3A = arith.select %gt3A_15, %add3A_13, %mul3A_18 : vector<512x384xi1>, vector<512x384xf32>
    %swap3A = arith.constant 0 : index
    %swap3A_19 = arith.constant 0 : index
    %swap3A_20 = vector.load %arg4[%swap3A, %swap3A_19] : memref<512x384xf32, #tpu.memory_space<vmem>>, vector<512x384xf32>
    tpu.vector_store %arg4[%swap3A, %swap3A_19], %select_n3A {strides = array<i32>} : memref<512x384xf32, #tpu.memory_space<vmem>>, vector<512x384xf32>,
    return
  }
  func.func @transform_0(%arg0: i32) -> (i32, i32) {
    %c0_i32 = arith.constant 0 : i32
    %c0_i32_0 = arith.constant 0 : i32
    return %arg0, %c0_i32 : i32, i32
  }
  func.func @transform_1(%arg0: i32) -> (i32, i32) {
    %c0_i32 = arith.constant 0 : i32
    %c0_i32_0 = arith.constant 0 : i32
    %c0_i32_1 = arith.constant 0 : i32
    return %c0_i32, %c0_i32_0 : i32, i32
  }
  func.func @transform_2(%arg0: i32) -> (i32, i32) {
    %c0_i32 = arith.constant 0 : i32
    %c0_i32_0 = arith.constant 0 : i32
    %c0_i32_1 = arith.constant 0 : i32
    return %c0_i32, %c0_i32_0 : i32, i32
  }
  func.func @transform_3(%arg0: i32) -> (i32, i32) {
    %c0_i32 = arith.constant 0 : i32
    %c0_i32_0 = arith.constant 0 : i32
    return %arg0, %c0_i32 : i32, i32
  }
}

module attributes {stable_mosaic.version = 14 : i64} {
  func.func @_mm_kernel(%arg0: i32, %arg1: memref<512x384xf32, #tpu.memory_space<vmem>>, %arg2: memref<384x128xf32, #tpu.memory_space<vmem>>, %arg3: memref<2x128xf32, #tpu.memory_space<vmem>>, %arg4: memref<512x128xf32, #tpu.memory_space<vmem>>) attributes {dimension_semantics = [#tpu.dimension_semantics<arbitrary>], iteration_bounds = array<i64: 20>, scalar_prefetch = 0 : i64, scratch_operands = 0 : i64, tpu.core_type = #tpu.core_type<tc>, window_params = [{transform_indices = @transform_0, window_bounds = array<i64: 512, 384>}, {pipeline_mode = #tpu.pipeline_mode<synchronous>, transform_indices = @transform_1, window_bounds = array<i64: 384, 128>}, {pipeline_mode = #tpu.pipeline_mode<synchronous>, transform_indices = @transform_2, window_bounds = array<i64: 2, 128>}, {transform_indices = @transform_3, window_bounds = array<i64: 512, 128>}]} {
    %get3A = arith.constant 0 : index
    %get3A_0 = arith.constant 0 : index
    %get3A_1 = vector.load %arg1[%get3A, %get3A_0] : memref<512x384xf32, #tpu.memory_space<vmem>>, vector<512x384xf32>
    %get3A_2 = arith.constant 0 : index
    %get3A_3 = arith.constant 0 : index
    %get3A_4 = vector.load %arg2[%get3A_2, %get3A_3] : memref<384x128xf32, #tpu.memory_space<vmem>>, vector<384x128xf32>
    %dot_general3A = arith.constant dense<0.000000e+00> : vector<512x128xf32>
    %dot_general3A_5 = tpu.matmul %get3A_1, %get3A_4, %dot_general3A {dimension_numbers = #tpu.dot_dimension_numbers<[1], [0], [0], [1], [0, 0, 1, 1], [], []>, transpose_lhs_hint = false} : vector<512x384xf32>, vector<384x128xf32>, vector<512x128xf32> -> vector<512x128xf32>
    %get3A_6 = arith.constant 0 : index
    %get3A_7 = arith.constant 0 : index
    %get3A_8 = vector.load %arg3[%get3A_6, %get3A_7] : memref<2x128xf32, #tpu.memory_space<vmem>>, vector<1x128xf32>
    %mul3A = vector.broadcast %get3A_8 : vector<1x128xf32> to vector<512x128xf32>
    %mul3A_9 = arith.mulf %dot_general3A_5, %mul3A : vector<512x128xf32>
    %get3A_10 = arith.constant 1 : index
    %get3A_11 = arith.constant 0 : index
    %get3A_12 = vector.load %arg3[%get3A_10, %get3A_11] : memref<2x128xf32, #tpu.memory_space<vmem>>, vector<1x128xf32>
    %add3A = vector.broadcast %get3A_12 : vector<1x128xf32> to vector<512x128xf32>
    %add3A_13 = arith.addf %mul3A_9, %add3A : vector<512x128xf32>
    %swap3A = arith.constant 0 : index
    %swap3A_14 = arith.constant 0 : index
    %swap3A_15 = vector.load %arg4[%swap3A, %swap3A_14] : memref<512x128xf32, #tpu.memory_space<vmem>>, vector<512x128xf32>
    tpu.vector_store %arg4[%swap3A, %swap3A_14], %add3A_13 {strides = array<i32>} : memref<512x128xf32, #tpu.memory_space<vmem>>, vector<512x128xf32>,
    return
  }
  func.func @transform_0(%arg0: i32) -> (i32, i32) {
    %c0_i32 = arith.constant 0 : i32
    %c0_i32_0 = arith.constant 0 : i32
    return %arg0, %c0_i32 : i32, i32
  }
  func.func @transform_1(%arg0: i32) -> (i32, i32) {
    %c0_i32 = arith.constant 0 : i32
    %c0_i32_0 = arith.constant 0 : i32
    %c0_i32_1 = arith.constant 0 : i32
    return %c0_i32, %c0_i32_0 : i32, i32
  }
  func.func @transform_2(%arg0: i32) -> (i32, i32) {
    %c0_i32 = arith.constant 0 : i32
    %c0_i32_0 = arith.constant 0 : i32
    %c0_i32_1 = arith.constant 0 : i32
    return %c0_i32, %c0_i32_0 : i32, i32
  }
  func.func @transform_3(%arg0: i32) -> (i32, i32) {
    %c0_i32 = arith.constant 0 : i32
    %c0_i32_0 = arith.constant 0 : i32
    return %arg0, %c0_i32 : i32, i32
  }
}

</mosaic_0001>

<sc_bundles>
// kernel: gather_offload_async_start.1
scs
__scs_entry_jumppad:
0x0: {  	(pc) =	sbr.rel $0x88, $3  }
0x1: {  	(tag) =	ssettag $0x0;
	lr =	simm.s32 $0x1  }
0x2: {  	[smem:$0x3F85] =	sst lr;
	_ =	strace $0xD0000000  }
0x3: {  	_ = 	snop  }
0x4: {  	_ = 	snop  }
0x5: {  	_ = 	snop  }
0x6: {  	_ = 	snop  }
0x7: {  	_ = 	snop  }
__scs_overlays_trampoline_lowered:
0x8: {  	[smem:$0x3F94] =	sst s0  }
0x9: {  	[smem:$0x3F95] =	sst s1  }
0xa: {  	[smem:$0x3F96] =	sst s2  }
0xb: {  	[smem:$0x3F97] =	sst s3  }
0xc: {  	[smem:$0x3F98] =	sst s4  }
0xd: {  	[smem:$0x3F99] =	sst s5  }
0xe: {  	[smem:$0x3F9A] =	sst s6  }
0xf: {  	[smem:$0x3F9B] =	sst s7  }
0x10: {  	[smem:$0x3F9C] =	sst s8  }
0x11: {  	[smem:$0x3F9D] =	sst s9;
	s0 =	simm.s32 @!p0 $0x0  }
0x12: {  	s1 =	sld [smem:$0x3F83];
	s0 =	simm.s32 @p0 $0x1  }
0x13: {  	[smem:$0x3F9E] =	sst s0;
	s0 =	simm.s32 @!p1 $0x0  }
0x14: {  	s2 =	sld [smem:$0x3F82];
	s0 =	simm.s32 @p1 $0x1  }
0x15: {  	[smem:$0x3F9F] =	sst s0;
	s0 =	simm.s32 @!p2 $0x0  }
0x16: {  	s3 =	sld [smem:$0x3FDB];
	s0 =	simm.s32 @p2 $0x1  }
0x17: {  	s4 =	simm.s32 $0x1BF5;
	[smem:$0x3FA1] =	sst s0  }
0x18: {  	s0 =	sld [smem:$0x3F84];
	_ =	swait.ge [sflag:s4], $0x0  }
0x19: {  	s7 =	sld [smem:$0x3F85]  }
0x1a: {  	s8 =	sadd.s32 $0xFFFFE003, lr  }
0x1b: {  	s9 =	sadd.s32 $0xFFFFFEF7, lr;
	s5 =	simm.s32 $0xFFFFFFFF;
	p2 =	slt.u32 s8, $0xFFFFF086  }
0x1c: {  	p1 =	slt.u32 s9, $0xF7A;
	s5 =	simm.s32 @!p2 $0x0  }
0x1d: {  	s5 =	simm.s32 @p1 $0x1;
	p0 =	seq.s32 s7, s2  }
0x1e: {  	s7 =	smul.u32 @!p0 $0xF7A, s2;
	p2 =	seq.s32 @!p0 s5, $0x0  }
0x1f: {  	s9 =	smul.u32 $0xF7A, s1;
	s8 =	simm.s32 @!p0 $0x1BF5;
	p2 =	por !p2, p0  }
0x20: {  	[sflag:s8] =	ssyncset.s32 @!p0 $0xFFFFF086;
	s6 =	sadd.s32 @!p0 s3, s7;
	s7 =	simm.s32 @!p0 $0x108  }
0x21: {  	s3 =	sadd.s32 s3, s9;
	s6 =	sadd.s32 @!p0 $0x88, s6;
	s7 =	simm.s32 @p2 $0x1082  }
0x22: {  	[simem:s7], [sflag:s8] =	dma.local @!p0 [hbm:s6], $0xF7A  }
0x23: {  	s9 =	sor.u32 $0xD0000000, s2;
	s6 =	simm.s32 $0x108;
	_ =	swait.ge @!p0 [sflag:s8], $0x0  }
0x24: {  	s3 =	sadd.s32 $0x88, s3;
	s6 =	simm.s32 @!p1 $0x1082;
	[sflag:s4] =	ssyncset.s32 $0xFFFFF086  }
0x25: {  	[simem:s6], [sflag:s4] =	dma.local [hbm:s3], $0xF7A  }
0x26: {  	[smem:$0x3F85] =	sst s1;
	(tag) =	ssettag s2;
	_ =	strace s9  }
0x27: {  	s1 =	sld [smem:$0x3F95]  }
0x28: {  	s2 =	sld [smem:$0x3F96]  }
0x29: {  	s4 =	sld [smem:$0x3F98]  }
0x2a: {  	p0 =	seq.s32 s5, $0x0;
	s5 =	sld [smem:$0x3F99]  }
0x2b: {  	s6 =	sld [smem:$0x3F9A]  }
0x2c: {  	s7 =	sld [smem:$0x3F9B]  }
0x2d: {  	s3 =	simm.s32 $0x108;
	s8 =	sld [smem:$0x3F9C]  }
0x2e: {  	s3 =	simm.s32 @!p0 $0x1082;
	s9 =	sld [smem:$0x3F9D]  }
0x2f: {  	lr =	sadd.s32 s0, s3;
	s0 =	sld [smem:$0x3F94]  }
0x30: {  	s3 =	sld [smem:$0x3F97]  }
0x31: {  	[smem:$0x3FA0] =	sst s10  }
0x32: {  	s10 =	sld [smem:$0x3F9E];
	_ =	sdelay $0x3  }
0x33: {  	p0 =	seq.s32 s10, $0x1;
	s10 =	sld [smem:$0x3FA0];
	_ =	sdelay $0x3  }
0x34: {  	[smem:$0x3FA0] =	sst s10  }
0x35: {  	s10 =	sld [smem:$0x3F9F];
	_ =	sdelay $0x3  }
0x36: {  	p1 =	seq.s32 s10, $0x1;
	s10 =	sld [smem:$0x3FA0];
	_ =	sdelay $0x3  }
0x37: {  	[smem:$0x3FA0] =	sst s10  }
0x38: {  	s10 =	sld [smem:$0x3FA1]  }
0x39: {  	_ = 	snop;
	(pc) =	sbr.ind lr, $3  }
0x3a: {  	_ = 	snop  }
0x3b: {  	_ = 	snop  }
0x3c: {  	p2 =	seq.s32 s10, $0x1;
	s10 =	sld [smem:$0x3FA0]  }
0x3d: {  	_ =	shalt  }
0x3e: {  	_ =	shalt  }
0x3f: {  	_ =	shalt  }
0x40: {  	_ =	shalt  }
0x41: {  	_ =	shalt  }
0x42: {  	_ =	shalt  }
0x43: {  	_ =	shalt  }
0x44: {  	_ =	shalt  }
0x45: {  	_ =	shalt  }
0x46: {  	_ =	shalt  }
0x47: {  	_ =	shalt  }
0x48: {  	_ =	shalt  }
0x49: {  	_ =	shalt  }
0x4a: {  	_ =	shalt  }
0x4b: {  	_ =	shalt  }
0x4c: {  	_ =	shalt  }
0x4d: {  	_ =	shalt  }
0x4e: {  	_ =	shalt  }
0x4f: {  	_ =	shalt  }
0x50: {  	_ =	shalt  }
0x51: {  	_ =	shalt  }
0x52: {  	_ =	shalt  }
0x53: {  	_ =	shalt  }
0x54: {  	_ =	shalt  }
0x55: {  	_ =	shalt  }
0x56: {  	_ =	shalt  }
0x57: {  	_ =	shalt  }
0x58: {  	_ =	shalt  }
0x59: {  	_ =	shalt  }
0x5a: {  	_ =	shalt  }
0x5b: {  	_ =	shalt  }
0x5c: {  	_ =	shalt  }
0x5d: {  	_ =	shalt  }
0x5e: {  	_ =	shalt  }
0x5f: {  	_ =	shalt  }
0x60: {  	_ =	shalt  }
0x61: {  	_ =	shalt  }
0x62: {  	_ =	shalt  }
0x63: {  	_ =	shalt  }
0x64: {  	_ =	shalt  }
0x65: {  	_ =	shalt  }
0x66: {  	_ =	shalt  }
0x67: {  	_ =	shalt  }
0x68: {  	_ =	shalt  }
0x69: {  	_ =	shalt  }
0x6a: {  	_ =	shalt  }
0x6b: {  	_ =	shalt  }
0x6c: {  	_ =	shalt  }
0x6d: {  	_ =	shalt  }
0x6e: {  	_ =	shalt  }
0x6f: {  	_ =	shalt  }
0x70: {  	_ =	shalt  }
0x71: {  	_ =	shalt  }
0x72: {  	_ =	shalt  }
0x73: {  	_ =	shalt  }
0x74: {  	_ =	shalt  }
0x75: {  	_ =	shalt  }
0x76: {  	_ =	shalt  }
0x77: {  	_ =	shalt  }
0x78: {  	_ =	shalt  }
0x79: {  	_ =	shalt  }
0x7a: {  	_ =	shalt  }
0x7b: {  	_ =	shalt  }
0x7c: {  	_ =	shalt  }
0x7d: {  	_ =	shalt  }
0x7e: {  	_ =	shalt  }
0x7f: {  	_ =	shalt  }
0x80: {  	_ =	shalt  }
0x81: {  	_ =	shalt  }
0x82: {  	_ =	shalt  }
0x83: {  	_ =	shalt  }
0x84: {  	_ =	shalt  }
0x85: {  	_ =	shalt  }
0x86: {  	_ =	shalt  }
0x87: {  	_ =	shalt  }
.Lfunc_end0:
.L_simem_size_0:
called_computation.1_lowered:
.L_overlay_start_0:
0x88: {  	s2 =	sld [smem:$0x3FD9]  }
0x89: {  	s3 =	sld [smem:$0x3FFE];
	_ =	sdelay $0x1  }
0x8a: {  	s1 =	srdreg.scid  }
0x8b: {  	s0 =	sand.u32 $0x1, s1  }
0x8c: {  	s16 =	sshll.u32 s0, $0xA;
	s2 =	sadd.s32 s3, s2  }
0x8d: {  	s2 =	sadd.s32 s2, s16  }
0x8e: {  	[smem:$0x3FAC] =	sst s2  }
0x8f: {  	_ = 	snop  }
0x90: {  	(tm) =	ssettm $0x1  }
0x91: {  	s17 =	sld [smem:$0x3FFB];
	_ =	sdelay $0x3  }
0x92: {  	_ =	strace s17  }
0x93: {  	s2 =	sld [smem:$0x3FFC];
	_ =	sdelay $0x3  }
0x94: {  	_ =	strace s2  }
0x95: {  	s2 =	sld [smem:$0x3FFD];
	_ =	sdelay $0x3  }
0x96: {  	_ =	strace s2  }
0x97: {  	_ =	strace $0x8FFFFFFF  }
0x98: {  	s18 =	sld [smem:$0x3FDB];
	_ =	sdelay $0x1  }
0x99: {  	s19 =	simm.s32 $_scs_section_size  }
0x9a: {  	s4 =	simm.s32 $_size__tile_overlayer_lowered;
	s5 =	simm.s32 $_tile_overlayer_lowered  }
0x9b: {  	s22 =	simm.s32 $0x1BFF;
	s21 =	sshll.u32 s5, $0x1;
	s2 =	sadd.s32 s19, s18  }
0x9c: {  	s6 =	simm.s32 $0x0;
	s20 =	sshll.u32 s4, $0x1;
	s4 =	sadd.s32 s21, s2  }
0x9d: {  	[timem:s6], [sflag:s22] =	dma.local [hbm:s4], s20  }
0x9e: {  	_ =	swait.ge [sflag:s22], s20  }
0x9f: {  	s3 =	ssub.s32 $0x0, s20;
	[sflag:s22] =	ssyncset.done $0x0  }
0xa0: {  	[sflag:s22] =	ssyncadd.s32 s3;
	_ =	sdelay $0x1  }
0xa1: {  	s23 =	simm.s32 $0x1B8B  }
0xa2: {  	_ =	swait.ge [sflag:s23], $0x1  }
0xa3: {  	[sflag:s23] =	ssyncset.done $0x0  }
0xa4: {  	s25 =	simm.s32 $0x1B8E;
	s24 =	sld [smem:$0x3FFE];
	[sflag:s23] =	ssyncadd.s32 $0xFFFFFFFF  }
0xa5: {  	s26 =	simm.s32 $execute0_lowered;
	[smem:$0x3FD2] =	sst s25  }
0xa6: {  	s4 =	sshll.u32 s26, $0x1;
	_ =	strace $0x80000046;
	[dreg:$0x1] =	wrdreg $0xFFFFFFFF  }
0xa7: {  	s28 =	simm.s32 $_size_execute0_lowered;
	s2 =	sadd.s32 s2, s4;
	[dreg:$0x0] =	wrdreg $0x0  }
0xa8: {  	s4 =	sshll.u32 s28, $0x1;
	[dreg:$0x2] =	wrdreg s2  }
0xa9: {  	[dreg:$0x3] =	wrdreg s4  }
0xaa: {  	[dreg:$0x4] =	wrdreg $0xC0  }
0xab: {  	_ =	task [dreg:s6], $0x5FFFF  }
0xac: {  	[dreg:$0x1] =	wrdreg $0xFFFFFFFF  }
0xad: {  	[dreg:$0x0] =	wrdreg $0x60  }
0xae: {  	[dreg:$0x2] =	wrdreg s24  }
0xaf: {  	[dreg:$0x3] =	wrdreg $0x9  }
0xb0: {  	_ =	task.clear_ibuf [dreg:s6], $0x4FFFF;
	_ =	strace $0x90000046  }
0xb1: {  	s29 =	simm.s32 $0x9;
	_ =	strace $0x80000048  }
0xb2: {  	_ =	swait.ge [sflag:s29], $0x1  }
0xb3: {  	[sflag:s29] =	ssyncadd.s32 $0xFFFFFFFF  }
0xb4: {  	_ =	strace $0x90000048  }
0xb5: {  	_ =	sfence  }
0xb6: {  	s30 =	sld [smem:$0x0];
	_ =	sdelay $0x2  }
0xb7: {  	s31 =	sshll.u32 s1, $0xD;
	s1 =	sshrl.u32 s1, $0x2  }
0xb8: {  	s3 =	sand.u32 $0x4000, s31;
	s1 =	sadd.s32 s1, s30  }
0xb9: {  	s0 =	sor.u32 s3, s0;
	s1 =	sshll.u32 s1, $0x11  }
0xba: {  	s0 =	sor.u32 s1, s0  }
0xbb: {  	s0 =	sadd.s32 $0x8F2B, s0  }
0xbc: {  	[sflag:s0] =	ssyncadd.remote.s32 $0x1  }
0xbd: {  	_ =	sfence.sel $0xFFFF  }
0xbe: {  	[dreg:$0x0] =	wrdreg $0xFFFFFFFF;
	(pc) =	sbr.abs _section_cstart, $3  }
0xbf: {  	[dreg:$0x1] =	wrdreg $0xFFFFFFFF  }
0xc0: {  	_ =	task.clear_ibuf [dreg:s6], $0x2FFFF;
	_ =	strace $0x9FFFFFFF  }
0xc1: {  	(tm) =	ssettm $0x7FFFFFFF  }
tec
execute0_lowered:
.L_overlay_start_1:
0x0: {  	(tag) =	ssettag $0x1  }
0x1: {  	s8 =	rddreg [dreg:$0x0]  }
0x2: {  	s0 =	rddreg [dreg:$0x1];
	_ =	strace $0x80000047;
	s1 =	stileid.u32  }
0x3: {  	s3 =	srdreg.scid;
	s4 =	simm.s32 $0x1;
	s7 =	simm.s32 $0x1  }
0x4: {  	s9 =	simm.s32 $0x1;
	s10 =	simm.s32 $0x3;
	s13 =	simm.s32 $0x0  }
0x5: {  	s12 =	simm.s32 $0x0;
	s5 =	sand.u32 $0x1, s3;
	s6 =	sshll.u32 s1, $0x1  }
0x6: {  	s2 =	sadd.s32 $0xB4600, s8;
	s3 =	sadd.s32 $0xBE400, s8;
	s5 =	sor.u32 s6, s5  }
.Ltmp0:
0x7: {  	[sflag:s4] =	ssyncpa.u1 $0x0;
	p0 =	slt.u32 s5, $0x9;
	(pc) =	sbr.rel .LBB2_1-.Ltmp0, $4  }
0x8: {  	s6 =	simm.s32 $0x2;
	s7 =	simm.s32 @!p0 $0x0;
	p0 =	sne.s32 s5, $0x8  }
0x9: {  	[sflag:s6] =	ssyncpa.u1 $0x0;
	s5 =	smul.u32 $0x1F40, s5;
	s9 =	simm.s32 @!p0 $0x0  }
0xa: {  	s8 =	sadd.s32 $0xC8600, s8;
	[sflag:s10] =	ssyncpa.u1 $0x0;
	s7 =	sadd.s32 s9, s7  }
0xb: {  	vm0 =	vmmov $0xffff;
	s10 =	simm.s32 $0x0;
	s11 =	smov.u32 s5;
	s9 =	sadd.s32 $0x1, s7  }
.LBB2_4:
0xc: {  	v2 =	vnsel vm1, $0x0, v2  }
0xd: {  	vm1 =	vgt.s32 v0, $0x0;
	v2 =	vmin.u32 v2, $0x4E1FF  }
0xe: {  	v0 =	vnsel vm1, $0x0, v0  }
0xf: {  	v0 =	vmin.u32 v0, $0x4E1FF  }
0x10: {  	[tilespmem:s18], [sflag:$0x1] =	stream.indirect_vreg.gather [hbm4b:s2+s10], $0x1, v1, vm0, $0x4038;
	[tilespmem:$0x7D00] =	vst v63  }
0x11: {  	(ifvalue) =	ssetifvalue $0x7FFFFFFF  }
0x12: {  	[tilespmem:s15], [sflag:$0x1] =	stream.indirect_vreg.gather [hbm4b:s2+s10], $0x1, v2, vm0, $0x4038;
	[tilespmem:$0x7D00] =	vst v63  }
0x13: {  	s29 =	sadd.s32 $0x10, s15;
	(ifvalue) =	ssetifvalue $0x7FFFFFFF  }
0x14: {  	[tilespmem:s29], [sflag:$0x1] =	stream.indirect_vreg.gather [hbm4b:s2+s10], $0x1, v0, vm0, $0x4038;
	[tilespmem:$0x7D00] =	vst v63  }
0x15: {  	_ =	swait.ge [sflag:s4], $0x1F40  }
0x16: {  	s30 =	sshrl.u32 s13, $0x3;
	[sflag:s4] =	ssyncset.done $0x0  }
0x17: {  	s31 =	sand.u32 $0x7, s13;
	s15 =	sadd.s32 s8, s30;
	[sflag:s4] =	ssyncadd.s32 $0xFFFFE0C0  }
0x18: {  	[hbm4b:s15+s31] =	stream.linear.scatter [tilespmem:s14], [sflag:$0x3], $0x1F40, $0x38;
	[tilespmem:$0x7D00] =	vst v63  }
.LBB2_5:
0x19: {  	s15 =	sadd.s32 $0x3E800, s11  }
0x1a: {  	p1 =	sgt.s32 s15, $0x4E1FF  }
0x1b: {  	s15 =	smov.u32 @p1 s5;
	p1 =	sne.s32 s12, s9  }
.Ltmp1:
0x1c: {  	p0 =	slt.u32 s12, $0x2;
	(pc) =	sbr.rel @!p1 .LBB2_6-.Ltmp1, $4  }
0x1d: {  	s14 =	simm.s32 @!p0 $0x3  }
0x1e: {  	_ =	swait.ge @!p0 [sflag:s14], $0x1F40  }
0x1f: {  	s16 =	sadd.s32 $0x1, s12;
	s13 =	smov.u32 s11;
	[sflag:s14] =	ssyncset.done @!p0 $0x0  }
0x20: {  	s12 =	smov.u32 s16;
	s11 =	smov.u32 s15;
	[sflag:s14] =	ssyncadd.s32 @!p0 $0xFFFFE0C0  }
.LBB2_1:
0x21: {  	p0 =	sge.u32 s12, s7  }
0x22: {  	s14 =	sxor.u32 @!p0 $0x1, s12  }
0x23: {  	s14 =	smul.u32 @!p0 $0x7D00, s14  }
0x24: {  	s31 =	sadd.s32 $0xFFFFFFFF, s12;
	s15 =	sshrl.u32 @!p0 s11, $0x3  }
0x25: {  	s16 =	sand.u32 @!p0 $0x7, s11;
	s15 =	sadd.s32 @!p0 s3, s15;
	s14 =	sshra.s32 @!p0 s14, $0x2  }
0x26: {  	[tilespmem:s14], [sflag:$0x2] =	stream.linear.gather @!p0 [hbm4b:s15+s16], $0x1F40, $0x38;
	[tilespmem:$0x7D00] =	vst v63  }
0x27: {  	p0 =	sge.u32 s31, s7  }
.Ltmp2:
0x28: {  	_ = 	snop;
	(pc) =	sbr.rel @p0 .LBB2_5-.Ltmp2, $1  }
0x29: {  	_ =	sdelay $0x3  }
0x2a: {  	s14 =	sand.u32 $0x1, s12  }
0x2b: {  	_ =	swait.ge [sflag:s6], $0x1F40;
	p0 =	seq.s32 s14, $0x1;
	s14 =	simm.s32 $0x1F40  }
0x2c: {  	[sflag:s6] =	ssyncset.done $0x0;
	s14 =	simm.s32 @!p0 $0x0  }
0x2d: {  	[sflag:s6] =	ssyncadd.s32 $0xFFFFE0C0;
	(ifvalue) =	ssetifvalue $0x7FFFFFFF;
	v0 =	vld.msk [tilespmem:s14+$0x0 ss:$0x1], $0xffff;
	_ =	sdelay $0x4  }
0x2e: {  	s15 =	sadd.s32 $0x10, s14;
	vm1 =	vgt.s32 v0, $0x0  }
0x2f: {  	v2 =	vld.msk [tilespmem:s15+$0x0 ss:$0x1], $0xffff;
	v1 =	vnsel vm1, $0x0, v0  }
0x30: {  	v1 =	vmin.u32 v1, $0x4E1FF;
	_ =	sdelay $0x2  }
0x31: {  	s17 =	simm.s32 $0x20;
	s14 =	sadd.s32 $0x3E80, s14;
	s16 =	sadd.s32 $0x10, s15  }
0x32: {  	s15 =	sadd.s32 $0x10, s14;
	s18 =	smov.u32 s14;
	v0 =	vld.msk [tilespmem:s16+$0x0 ss:$0x1], $0xffff;
	vm1 =	vgt.s32 v2, $0x0;
	(ifvalue) =	ssetifvalue $0x7FFFFFFF  }
.LBB2_3:
0x33: {  	[tilespmem:s18], [sflag:$0x1] =	stream.indirect_vreg.gather [hbm4b:s2+s10], $0x1, v1, vm0, $0x4038;
	[tilespmem:$0x7D00] =	vst v63  }
0x34: {  	s17 =	sadd.s32 $0x10, s17  }
0x35: {  	v2 =	vnsel vm1, $0x0, v2;
	p0 =	slt.u32 s17, $0x1F30  }
.Ltmp3:
0x36: {  	s18 =	smov.u32 s15;
	v1 =	vmin.u32 v2, $0x4E1FF;
	(pc) =	sbr.rel @p0 .LBB2_3-.Ltmp3, $3  }
0x37: {  	_ =	sdelay $0x1  }
0x38: {  	s16 =	sadd.s32 $0x10, s16  }
0x39: {  	vm1 =	vgt.s32 v0, $0x0;
	s15 =	sadd.s32 $0x10, s15;
	v2 =	vmov v0;
	(ifvalue) =	ssetifvalue $0x7FFFFFFF;
	v0 =	vld.msk [tilespmem:s16+$0x0 ss:$0x1], $0xffff  }
.Ltmp4:
0x3a: {  	_ = 	snop;
	(pc) =	sbr.rel .LBB2_4-.Ltmp4, $1  }
0x3b: {  	_ =	sdelay $0x3  }
.LBB2_6:
0x3c: {  	_ =	sfence.sel $0x180000  }
0x3d: {  	s2 =	simm.s32 $0x2;
	[bflag:$0x0] =	sbarrier.arrive $0xFFFF  }
0x3e: {  	s30 =	simm.s32 $0x3;
	[sflag:s2] =	ssyncpa.u1 $0x1  }
0x3f: {  	s31 =	simm.s32 $0x1;
	[sflag:s30] =	ssyncpa.u1 $0x1  }
0x40: {  	[sflag:s31] =	ssyncpa.u1 $0x1  }
0x41: {  	p0 =	sne.s32 s1, $0x0;
	_ =	strace $0x90000047  }
0x42: {  	s0 =	sadd.s32 @!p0 $0x100000, s0;
	[bflag:$0x2] =	sbarrier.arrive $0xFFFF  }
0x43: {  	[sflag:s0] =	ssyncadd.tile.s32 @!p0 $0x1;
	_ =	shalt  }
.Lfunc_end2:
_tile_overlayer_lowered:
.L_overlay_start_2:
0x44: {  	(tag) =	ssettag $0x2  }
0x45: {  	s0 =	rddreg [dreg:$0x0];
	s2 =	stileid.u32  }
0x46: {  	s1 =	rddreg [dreg:$0x1];
	p0 =	sne.s32 s2, $0x0  }
0x47: {  	s3 =	rddreg [dreg:$0x2];
	[bflag:$0x3] =	sbarrier.arrive $0xFFFF;
	s2 =	simm.s32 @!p0 $0x1C01  }
0x48: {  	[timem:s3], [sflag:s2] =	dma.local @!p0 [hbm:s0], s1  }
0x49: {  	s0 =	simm.s32 @!p0 $0x1  }
0x4a: {  	_ =	swait.ge @!p0 [sflag:s0], s1  }
0x4b: {  	s1 =	ssub.s32 @!p0 $0x0, s1;
	[sflag:s0] =	ssyncset.done @!p0 $0x0  }
0x4c: {  	[sflag:s0] =	ssyncadd.s32 @!p0 s1  }
0x4d: {  	[bflag:$0x3] =	sbarrier.arrive $0xFFFF  }
0x4e: {  	_ =	shalt  }

// kernel: gather_offload_async_start.2
scs
__scs_entry_jumppad:
0x0: {  	(pc) =	sbr.rel $0x88, $3  }
0x1: {  	(tag) =	ssettag $0x0;
	lr =	simm.s32 $0x1  }
0x2: {  	[smem:$0x3F85] =	sst lr;
	_ =	strace $0xD0000000  }
0x3: {  	_ = 	snop  }
0x4: {  	_ = 	snop  }
0x5: {  	_ = 	snop  }
0x6: {  	_ = 	snop  }
0x7: {  	_ = 	snop  }
__scs_overlays_trampoline_lowered:
0x8: {  	[smem:$0x3F94] =	sst s0  }
0x9: {  	[smem:$0x3F95] =	sst s1  }
0xa: {  	[smem:$0x3F96] =	sst s2  }
0xb: {  	[smem:$0x3F97] =	sst s3  }
0xc: {  	[smem:$0x3F98] =	sst s4  }
0xd: {  	[smem:$0x3F99] =	sst s5  }
0xe: {  	[smem:$0x3F9A] =	sst s6  }
0xf: {  	[smem:$0x3F9B] =	sst s7  }
0x10: {  	[smem:$0x3F9C] =	sst s8  }
0x11: {  	[smem:$0x3F9D] =	sst s9;
	s0 =	simm.s32 @!p0 $0x0  }
0x12: {  	s1 =	sld [smem:$0x3F83];
	s0 =	simm.s32 @p0 $0x1  }
0x13: {  	[smem:$0x3F9E] =	sst s0;
	s0 =	simm.s32 @!p1 $0x0  }
0x14: {  	s2 =	sld [smem:$0x3F82];
	s0 =	simm.s32 @p1 $0x1  }
0x15: {  	[smem:$0x3F9F] =	sst s0;
	s0 =	simm.s32 @!p2 $0x0  }
0x16: {  	s3 =	sld [smem:$0x3FDB];
	s0 =	simm.s32 @p2 $0x1  }
0x17: {  	s4 =	simm.s32 $0x1BF5;
	[smem:$0x3FA1] =	sst s0  }
0x18: {  	s0 =	sld [smem:$0x3F84];
	_ =	swait.ge [sflag:s4], $0x0  }
0x19: {  	s7 =	sld [smem:$0x3F85]  }
0x1a: {  	s8 =	sadd.s32 $0xFFFFE003, lr  }
0x1b: {  	s9 =	sadd.s32 $0xFFFFFEF7, lr;
	s5 =	simm.s32 $0xFFFFFFFF;
	p2 =	slt.u32 s8, $0xFFFFF086  }
0x1c: {  	p1 =	slt.u32 s9, $0xF7A;
	s5 =	simm.s32 @!p2 $0x0  }
0x1d: {  	s5 =	simm.s32 @p1 $0x1;
	p0 =	seq.s32 s7, s2  }
0x1e: {  	s7 =	smul.u32 @!p0 $0xF7A, s2;
	p2 =	seq.s32 @!p0 s5, $0x0  }
0x1f: {  	s9 =	smul.u32 $0xF7A, s1;
	s8 =	simm.s32 @!p0 $0x1BF5;
	p2 =	por !p2, p0  }
0x20: {  	[sflag:s8] =	ssyncset.s32 @!p0 $0xFFFFF086;
	s6 =	sadd.s32 @!p0 s3, s7;
	s7 =	simm.s32 @!p0 $0x108  }
0x21: {  	s3 =	sadd.s32 s3, s9;
	s6 =	sadd.s32 @!p0 $0x88, s6;
	s7 =	simm.s32 @p2 $0x1082  }
0x22: {  	[simem:s7], [sflag:s8] =	dma.local @!p0 [hbm:s6], $0xF7A  }
0x23: {  	s9 =	sor.u32 $0xD0000000, s2;
	s6 =	simm.s32 $0x108;
	_ =	swait.ge @!p0 [sflag:s8], $0x0  }
0x24: {  	s3 =	sadd.s32 $0x88, s3;
	s6 =	simm.s32 @!p1 $0x1082;
	[sflag:s4] =	ssyncset.s32 $0xFFFFF086  }
0x25: {  	[simem:s6], [sflag:s4] =	dma.local [hbm:s3], $0xF7A  }
0x26: {  	[smem:$0x3F85] =	sst s1;
	(tag) =	ssettag s2;
	_ =	strace s9  }
0x27: {  	s1 =	sld [smem:$0x3F95]  }
0x28: {  	s2 =	sld [smem:$0x3F96]  }
0x29: {  	s4 =	sld [smem:$0x3F98]  }
0x2a: {  	p0 =	seq.s32 s5, $0x0;
	s5 =	sld [smem:$0x3F99]  }
0x2b: {  	s6 =	sld [smem:$0x3F9A]  }
0x2c: {  	s7 =	sld [smem:$0x3F9B]  }
0x2d: {  	s3 =	simm.s32 $0x108;
	s8 =	sld [smem:$0x3F9C]  }
0x2e: {  	s3 =	simm.s32 @!p0 $0x1082;
	s9 =	sld [smem:$0x3F9D]  }
0x2f: {  	lr =	sadd.s32 s0, s3;
	s0 =	sld [smem:$0x3F94]  }
0x30: {  	s3 =	sld [smem:$0x3F97]  }
0x31: {  	[smem:$0x3FA0] =	sst s10  }
0x32: {  	s10 =	sld [smem:$0x3F9E];
	_ =	sdelay $0x3  }
0x33: {  	p0 =	seq.s32 s10, $0x1;
	s10 =	sld [smem:$0x3FA0];
	_ =	sdelay $0x3  }
0x34: {  	[smem:$0x3FA0] =	sst s10  }
0x35: {  	s10 =	sld [smem:$0x3F9F];
	_ =	sdelay $0x3  }
0x36: {  	p1 =	seq.s32 s10, $0x1;
	s10 =	sld [smem:$0x3FA0];
	_ =	sdelay $0x3  }
0x37: {  	[smem:$0x3FA0] =	sst s10  }
0x38: {  	s10 =	sld [smem:$0x3FA1]  }
0x39: {  	_ = 	snop;
	(pc) =	sbr.ind lr, $3  }
0x3a: {  	_ = 	snop  }
0x3b: {  	_ = 	snop  }
0x3c: {  	p2 =	seq.s32 s10, $0x1;
	s10 =	sld [smem:$0x3FA0]  }
0x3d: {  	_ =	shalt  }
0x3e: {  	_ =	shalt  }
0x3f: {  	_ =	shalt  }
0x40: {  	_ =	shalt  }
0x41: {  	_ =	shalt  }
0x42: {  	_ =	shalt  }
0x43: {  	_ =	shalt  }
0x44: {  	_ =	shalt  }
0x45: {  	_ =	shalt  }
0x46: {  	_ =	shalt  }
0x47: {  	_ =	shalt  }
0x48: {  	_ =	shalt  }
0x49: {  	_ =	shalt  }
0x4a: {  	_ =	shalt  }
0x4b: {  	_ =	shalt  }
0x4c: {  	_ =	shalt  }
0x4d: {  	_ =	shalt  }
0x4e: {  	_ =	shalt  }
0x4f: {  	_ =	shalt  }
0x50: {  	_ =	shalt  }
0x51: {  	_ =	shalt  }
0x52: {  	_ =	shalt  }
0x53: {  	_ =	shalt  }
0x54: {  	_ =	shalt  }
0x55: {  	_ =	shalt  }
0x56: {  	_ =	shalt  }
0x57: {  	_ =	shalt  }
0x58: {  	_ =	shalt  }
0x59: {  	_ =	shalt  }
0x5a: {  	_ =	shalt  }
0x5b: {  	_ =	shalt  }
0x5c: {  	_ =	shalt  }
0x5d: {  	_ =	shalt  }
0x5e: {  	_ =	shalt  }
0x5f: {  	_ =	shalt  }
0x60: {  	_ =	shalt  }
0x61: {  	_ =	shalt  }
0x62: {  	_ =	shalt  }
0x63: {  	_ =	shalt  }
0x64: {  	_ =	shalt  }
0x65: {  	_ =	shalt  }
0x66: {  	_ =	shalt  }
0x67: {  	_ =	shalt  }
0x68: {  	_ =	shalt  }
0x69: {  	_ =	shalt  }
0x6a: {  	_ =	shalt  }
0x6b: {  	_ =	shalt  }
0x6c: {  	_ =	shalt  }
0x6d: {  	_ =	shalt  }
0x6e: {  	_ =	shalt  }
0x6f: {  	_ =	shalt  }
0x70: {  	_ =	shalt  }
0x71: {  	_ =	shalt  }
0x72: {  	_ =	shalt  }
0x73: {  	_ =	shalt  }
0x74: {  	_ =	shalt  }
0x75: {  	_ =	shalt  }
0x76: {  	_ =	shalt  }
0x77: {  	_ =	shalt  }
0x78: {  	_ =	shalt  }
0x79: {  	_ =	shalt  }
0x7a: {  	_ =	shalt  }
0x7b: {  	_ =	shalt  }
0x7c: {  	_ =	shalt  }
0x7d: {  	_ =	shalt  }
0x7e: {  	_ =	shalt  }
0x7f: {  	_ =	shalt  }
0x80: {  	_ =	shalt  }
0x81: {  	_ =	shalt  }
0x82: {  	_ =	shalt  }
0x83: {  	_ =	shalt  }
0x84: {  	_ =	shalt  }
0x85: {  	_ =	shalt  }
0x86: {  	_ =	shalt  }
0x87: {  	_ =	shalt  }
.Lfunc_end0:
.L_simem_size_0:
called_computation.2_lowered:
.L_overlay_start_0:
0x88: {  	s2 =	sld [smem:$0x3FD9]  }
0x89: {  	s3 =	sld [smem:$0x3FFE];
	_ =	sdelay $0x1  }
0x8a: {  	s1 =	srdreg.scid  }
0x8b: {  	s0 =	sand.u32 $0x1, s1  }
0x8c: {  	s17 =	sshll.u32 s0, $0xA;
	s2 =	sadd.s32 s3, s2  }
0x8d: {  	s2 =	sadd.s32 s2, s17  }
0x8e: {  	[smem:$0x3FAC] =	sst s2  }
0x8f: {  	_ = 	snop  }
0x90: {  	(tm) =	ssettm $0x1  }
0x91: {  	s18 =	sld [smem:$0x3FFB];
	_ =	sdelay $0x3  }
0x92: {  	_ =	strace s18  }
0x93: {  	s2 =	sld [smem:$0x3FFC];
	_ =	sdelay $0x3  }
0x94: {  	_ =	strace s2  }
0x95: {  	s2 =	sld [smem:$0x3FFD];
	_ =	sdelay $0x3  }
0x96: {  	_ =	strace s2  }
0x97: {  	_ =	strace $0x8FFFFFFF  }
0x98: {  	s19 =	sld [smem:$0x3FDB];
	_ =	sdelay $0x1  }
0x99: {  	s20 =	simm.s32 $_scs_section_size  }
0x9a: {  	s4 =	simm.s32 $_size__tile_overlayer_lowered;
	s5 =	simm.s32 $_tile_overlayer_lowered  }
0x9b: {  	s6 =	simm.s32 $0x1BFF;
	s21 =	sshll.u32 s5, $0x1;
	s3 =	sadd.s32 s20, s19  }
0x9c: {  	s22 =	simm.s32 $0x0;
	s4 =	sshll.u32 s4, $0x1;
	s5 =	sadd.s32 s21, s3  }
0x9d: {  	[timem:s22], [sflag:s6] =	dma.local [hbm:s5], s4  }
0x9e: {  	_ =	swait.ge [sflag:s6], s4  }
0x9f: {  	s4 =	ssub.s32 $0x0, s4;
	[sflag:s6] =	ssyncset.done $0x0  }
0xa0: {  	[sflag:s6] =	ssyncadd.s32 s4;
	_ =	sdelay $0x1  }
0xa1: {  	s23 =	simm.s32 $0x1B8B  }
0xa2: {  	_ =	swait.ge [sflag:s23], $0x1  }
0xa3: {  	[sflag:s23] =	ssyncset.done $0x0  }
0xa4: {  	[sflag:s23] =	ssyncadd.s32 $0xFFFFFFFF  }
0xa5: {  	s4 =	sld [smem:$0x0]  }
0xa6: {  	s5 =	sand.u32 $0xFFFFFFFE, s1  }
0xa7: {  	p0 =	sne.s32 s1, s5  }
0xa8: {  	s5 =	sshll.u32 @p0 s5, $0xE  }
0xa9: {  	s5 =	sadd.s32 @p0 $0x11B8D, s5;
	s6 =	sshll.u32 @p0 s4, $0x11  }
0xaa: {  	s5 =	sor.u32 @p0 s6, s5  }
0xab: {  	[sflag:s5] =	ssyncadd.remote.s32 @p0 $0x1;
	_ =	sdelay $0x1  }
0xac: {  	s5 =	simm.s32 @p0 $0x1B8D  }
0xad: {  	_ =	swait.eq @p0 [sflag:s5], $0x1  }
0xae: {  	[sflag:s5] =	ssyncadd.s32 @p0 $0xFFFFFFFF  }
0xaf: {  	s6 =	sshll.u32 @!p0 s1, $0xE  }
0xb0: {  	s6 =	sor.u32 @!p0 $0x4000, s6;
	s5 =	simm.s32 @!p0 $0x1B8D  }
0xb1: {  	s4 =	sshll.u32 @!p0 s4, $0x11;
	s6 =	sadd.s32 @!p0 $0x11B8D, s6;
	_ =	swait.eq @!p0 [sflag:s5], $0x1  }
0xb2: {  	s4 =	sor.u32 @!p0 s4, s6;
	[sflag:s5] =	ssyncadd.s32 @!p0 $0xFFFFFFFF  }
0xb3: {  	s25 =	simm.s32 $0x1B8E;
	s24 =	sld [smem:$0x3FFE];
	[sflag:s4] =	ssyncadd.remote.s32 @!p0 $0x1  }
0xb4: {  	s26 =	simm.s32 $execute0_lowered;
	[smem:$0x3FD2] =	sst s25  }
0xb5: {  	s5 =	sshll.u32 s26, $0x1;
	_ =	strace $0x8000004F;
	[dreg:$0x1] =	wrdreg $0xFFFFFFFF  }
0xb6: {  	s28 =	simm.s32 $_size_execute0_lowered;
	s3 =	sadd.s32 s3, s5;
	[dreg:$0x0] =	wrdreg $0x0  }
0xb7: {  	s5 =	sshll.u32 s28, $0x1;
	[dreg:$0x2] =	wrdreg s3  }
0xb8: {  	[dreg:$0x3] =	wrdreg s5  }
0xb9: {  	[dreg:$0x4] =	wrdreg $0xC0  }
0xba: {  	_ =	task [dreg:s22], $0x5FFFF  }
0xbb: {  	[dreg:$0x1] =	wrdreg $0xFFFFFFFF  }
0xbc: {  	[dreg:$0x0] =	wrdreg $0x60  }
0xbd: {  	[dreg:$0x2] =	wrdreg s24  }
0xbe: {  	[dreg:$0x3] =	wrdreg $0xA  }
0xbf: {  	_ =	task.clear_ibuf [dreg:s22], $0x4FFFF;
	_ =	strace $0x9000004F  }
0xc0: {  	s29 =	simm.s32 $0xA;
	_ =	strace $0x80000051  }
0xc1: {  	_ =	swait.ge [sflag:s29], $0x1  }
0xc2: {  	[sflag:s29] =	ssyncadd.s32 $0xFFFFFFFF  }
0xc3: {  	_ =	strace $0x90000051  }
0xc4: {  	_ =	sfence  }
0xc5: {  	s30 =	sld [smem:$0x0];
	_ =	sdelay $0x2  }
0xc6: {  	s31 =	sshll.u32 s1, $0xD;
	s1 =	sshrl.u32 s1, $0x2  }
0xc7: {  	s4 =	sand.u32 $0x4000, s31;
	s1 =	sadd.s32 s1, s30  }
0xc8: {  	s0 =	sor.u32 s4, s0;
	s1 =	sshll.u32 s1, $0x11  }
0xc9: {  	s0 =	sor.u32 s1, s0  }
0xca: {  	s0 =	sadd.s32 $0x8F2B, s0  }
0xcb: {  	[sflag:s0] =	ssyncadd.remote.s32 $0x1  }
0xcc: {  	_ =	sfence.sel $0xFFFF  }
0xcd: {  	[dreg:$0x0] =	wrdreg $0xFFFFFFFF;
	(pc) =	sbr.abs _section_cstart, $3  }
0xce: {  	[dreg:$0x1] =	wrdreg $0xFFFFFFFF  }
0xcf: {  	_ =	task.clear_ibuf [dreg:s22], $0x2FFFF;
	_ =	strace $0x9FFFFFFF  }
0xd0: {  	(tm) =	ssettm $0x7FFFFFFF  }
0xd1: {  	_ =	shalt  }
tec
execute0_lowered:
.L_overlay_start_1:
0x0: {  	(tag) =	ssettag $0x1  }
0x1: {  	s0 =	srdreg.scid;
	s5 =	rddreg [dreg:$0x0]  }
0x2: {  	s1 =	stileid.u32;
	s6 =	simm.s32 $0x1;
	s9 =	simm.s32 $0x1  }
0x3: {  	s10 =	simm.s32 $0x3;
	s13 =	simm.s32 $0x0;
	s2 =	sshll.u32 s0, $0xD  }
0x4: {  	s12 =	simm.s32 $0x0;
	s3 =	sshll.u32 s1, $0xE;
	s2 =	sand.u32 $0x2000, s2  }
0x5: {  	s0 =	rddreg [dreg:$0x1];
	_ =	strace $0x80000050;
	s2 =	sor.u32 s3, s2  }
0x6: {  	s4 =	sadd.s32 $0xD2400, s5;
	[sflag:s6] =	ssyncpa.u1 $0x0;
	s8 =	ssub.s32 $0x5C000, s2  }
.Ltmp0:
0x7: {  	s3 =	sadd.s32 $0xF3200, s5;
	s7 =	sand.u32 $0x3E000, s8;
	(pc) =	sbr.rel .LBB2_1-.Ltmp0, $4  }
0x8: {  	s5 =	sadd.s32 $0xAA800, s5;
	s11 =	smov.u32 s2;
	p0 =	sne.s32 s7, $0x0  }
0x9: {  	s8 =	sshrl.u32 s8, $0x12;
	s7 =	simm.s32 $0x2;
	s9 =	simm.s32 @!p0 $0x0  }
0xa: {  	[sflag:s7] =	ssyncpa.u1 $0x0;
	p0 =	por $0x0, $0x0;
	s8 =	sadd.s32 s9, s8  }
0xb: {  	vm0 =	vmmov $0xffff;
	[sflag:s10] =	ssyncpa.u1 $0x0;
	s10 =	simm.s32 $0x0;
	s9 =	sadd.s32 $0x1, s8  }
.LBB2_4:
0xc: {  	v2 =	vnsel vm1, $0x0, v2  }
0xd: {  	vm1 =	vgt.s32 v0, $0x0;
	v2 =	vmin.u32 v2, $0x4ED7F  }
0xe: {  	v0 =	vnsel vm1, $0x0, v0  }
0xf: {  	v0 =	vmin.u32 v0, $0x4ED7F  }
0x10: {  	[tilespmem:s15], [sflag:$0x1] =	stream.indirect_vreg.gather [hbm4b:s3+s10], $0x1, v1, vm0, $0x4038;
	[tilespmem:$0x8000] =	vst v63  }
0x11: {  	(ifvalue) =	ssetifvalue $0x7FFFFFFF  }
0x12: {  	[tilespmem:s16], [sflag:$0x1] =	stream.indirect_vreg.gather [hbm4b:s3+s10], $0x1, v2, vm0, $0x4038;
	[tilespmem:$0x8000] =	vst v63  }
0x13: {  	s29 =	sadd.s32 $0x10, s16;
	(ifvalue) =	ssetifvalue $0x7FFFFFFF  }
0x14: {  	[tilespmem:s29], [sflag:$0x1] =	stream.indirect_vreg.gather [hbm4b:s3+s10], $0x1, v0, vm0, $0x4038;
	[tilespmem:$0x8000] =	vst v63  }
0x15: {  	_ =	swait.ge [sflag:s6], $0x2000  }
0x16: {  	s30 =	sshrl.u32 s13, $0x3;
	[sflag:s6] =	ssyncset.done $0x0  }
0x17: {  	s31 =	sand.u32 $0x7, s13;
	s15 =	sadd.s32 s5, s30;
	[sflag:s6] =	ssyncadd.s32 $0xFFFFE000  }
0x18: {  	[hbm4b:s15+s31] =	stream.linear.scatter [tilespmem:s14], [sflag:$0x3], $0x2000, $0x38;
	[tilespmem:$0x8000] =	vst v63  }
.LBB2_5:
0x19: {  	s15 =	sadd.s32 $0x40000, s11  }
0x1a: {  	p2 =	sgt.s32 s15, $0x5BFFF  }
0x1b: {  	s15 =	smov.u32 @p2 s2;
	p2 =	sne.s32 s12, s9  }
.Ltmp1:
0x1c: {  	p1 =	slt.u32 s12, $0x2;
	(pc) =	sbr.rel @!p2 .LBB2_6-.Ltmp1, $4  }
0x1d: {  	s14 =	simm.s32 @!p1 $0x3  }
0x1e: {  	s16 =	sadd.s32 $0x1, s12;
	_ =	swait.ge @!p1 [sflag:s14], $0x2000  }
0x1f: {  	s13 =	smov.u32 s11;
	p0 =	por !p0, !p0;
	[sflag:s14] =	ssyncset.done @!p1 $0x0  }
0x20: {  	s12 =	smov.u32 s16;
	s11 =	smov.u32 s15;
	[sflag:s14] =	ssyncadd.s32 @!p1 $0xFFFFE000  }
.LBB2_1:
0x21: {  	p1 =	sge.u32 s12, s8  }
0x22: {  	s14 =	sxor.u32 @!p1 $0xFFFFFFFF, s12  }
0x23: {  	s31 =	sadd.s32 $0xFFFFFFFF, s12;
	s15 =	sshrl.u32 @!p1 s11, $0x3;
	s14 =	sshll.u32 @!p1 s14, $0xD  }
0x24: {  	s16 =	sand.u32 @!p1 $0x7, s11;
	s15 =	sadd.s32 @!p1 s4, s15;
	s14 =	sand.u32 @!p1 $0x2000, s14  }
0x25: {  	[tilespmem:s14], [sflag:$0x2] =	stream.linear.gather @!p1 [hbm4b:s15+s16], $0x2000, $0x38;
	[tilespmem:$0x8000] =	vst v63  }
0x26: {  	p1 =	sge.u32 s31, s8  }
.Ltmp2:
0x27: {  	_ = 	snop;
	(pc) =	sbr.rel @p1 .LBB2_5-.Ltmp2, $1  }
0x28: {  	_ =	sdelay $0x3  }
0x29: {  	s14 =	simm.s32 $0x1  }
0x2a: {  	_ =	swait.ge [sflag:s7], $0x2000;
	s14 =	simm.s32 @!p0 $0x0  }
0x2b: {  	[sflag:s7] =	ssyncset.done $0x0;
	s14 =	sshll.u32 s14, $0xD  }
0x2c: {  	[sflag:s7] =	ssyncadd.s32 $0xFFFFE000;
	(ifvalue) =	ssetifvalue $0x7FFFFFFF;
	v0 =	vld.msk [tilespmem:s14+$0x0 ss:$0x1], $0xffff;
	_ =	sdelay $0x4  }
0x2d: {  	s15 =	sadd.s32 $0x10, s14;
	vm1 =	vgt.s32 v0, $0x0  }
0x2e: {  	v2 =	vld.msk [tilespmem:s15+$0x0 ss:$0x1], $0xffff;
	v1 =	vnsel vm1, $0x0, v0  }
0x2f: {  	v1 =	vmin.u32 v1, $0x4ED7F;
	_ =	sdelay $0x1  }
0x30: {  	s16 =	sshll.u32 s12, $0xD;
	s18 =	simm.s32 $0x20  }
0x31: {  	s16 =	sand.u32 $0x2000, s16;
	s17 =	sadd.s32 $0x10, s15;
	s15 =	sor.u32 $0x4000, s14  }
0x32: {  	s14 =	sor.u32 $0x4000, s16;
	s16 =	sadd.s32 $0x10, s15;
	v0 =	vld.msk [tilespmem:s17+$0x0 ss:$0x1], $0xffff;
	vm1 =	vgt.s32 v2, $0x0;
	(ifvalue) =	ssetifvalue $0x7FFFFFFF  }
.LBB2_3:
0x33: {  	[tilespmem:s15], [sflag:$0x1] =	stream.indirect_vreg.gather [hbm4b:s3+s10], $0x1, v1, vm0, $0x4038;
	[tilespmem:$0x8000] =	vst v63  }
0x34: {  	s18 =	sadd.s32 $0x10, s18  }
0x35: {  	v2 =	vnsel vm1, $0x0, v2;
	p1 =	slt.u32 s18, $0x1FF0  }
.Ltmp3:
0x36: {  	s15 =	smov.u32 s16;
	v1 =	vmin.u32 v2, $0x4ED7F;
	(pc) =	sbr.rel @p1 .LBB2_3-.Ltmp3, $3  }
0x37: {  	_ =	sdelay $0x1  }
0x38: {  	s17 =	sadd.s32 $0x10, s17  }
0x39: {  	vm1 =	vgt.s32 v0, $0x0;
	s16 =	sadd.s32 $0x10, s16;
	v2 =	vmov v0;
	(ifvalue) =	ssetifvalue $0x7FFFFFFF;
	v0 =	vld.msk [tilespmem:s17+$0x0 ss:$0x1], $0xffff  }
.Ltmp4:
0x3a: {  	_ = 	snop;
	(pc) =	sbr.rel .LBB2_4-.Ltmp4, $1  }
0x3b: {  	_ =	sdelay $0x3  }
.LBB2_6:
0x3c: {  	_ =	sfence.sel $0x180000  }
0x3d: {  	s2 =	simm.s32 $0x2;
	[bflag:$0x0] =	sbarrier.arrive $0xFFFF  }
0x3e: {  	s30 =	simm.s32 $0x3;
	[sflag:s2] =	ssyncpa.u1 $0x1  }
0x3f: {  	s31 =	simm.s32 $0x1;
	[sflag:s30] =	ssyncpa.u1 $0x1  }
0x40: {  	[sflag:s31] =	ssyncpa.u1 $0x1  }
0x41: {  	p0 =	sne.s32 s1, $0x0;
	_ =	strace $0x90000050  }
0x42: {  	s0 =	sadd.s32 @!p0 $0x100000, s0;
	[bflag:$0x2] =	sbarrier.arrive $0xFFFF  }
0x43: {  	[sflag:s0] =	ssyncadd.tile.s32 @!p0 $0x1;
	_ =	shalt  }
.Lfunc_end2:
_tile_overlayer_lowered:
.L_overlay_start_2:
0x44: {  	(tag) =	ssettag $0x2  }
0x45: {  	s0 =	rddreg [dreg:$0x0];
	s2 =	stileid.u32  }
0x46: {  	s1 =	rddreg [dreg:$0x1];
	p0 =	sne.s32 s2, $0x0  }
0x47: {  	s3 =	rddreg [dreg:$0x2];
	[bflag:$0x3] =	sbarrier.arrive $0xFFFF;
	s2 =	simm.s32 @!p0 $0x1C01  }
0x48: {  	[timem:s3], [sflag:s2] =	dma.local @!p0 [hbm:s0], s1  }
0x49: {  	s0 =	simm.s32 @!p0 $0x1  }
0x4a: {  	_ =	swait.ge @!p0 [sflag:s0], s1  }
0x4b: {  	s1 =	ssub.s32 @!p0 $0x0, s1;
	[sflag:s0] =	ssyncset.done @!p0 $0x0  }
0x4c: {  	[sflag:s0] =	ssyncadd.s32 @!p0 s1  }
0x4d: {  	[bflag:$0x3] =	sbarrier.arrive $0xFFFF  }
0x4e: {  	_ =	shalt  }

// kernel: gather_offload_async_start.3
scs
__scs_entry_jumppad:
0x0: {  	(pc) =	sbr.rel $0x88, $3  }
0x1: {  	(tag) =	ssettag $0x0;
	lr =	simm.s32 $0x1  }
0x2: {  	[smem:$0x3F85] =	sst lr;
	_ =	strace $0xD0000000  }
0x3: {  	_ = 	snop  }
0x4: {  	_ = 	snop  }
0x5: {  	_ = 	snop  }
0x6: {  	_ = 	snop  }
0x7: {  	_ = 	snop  }
__scs_overlays_trampoline_lowered:
0x8: {  	[smem:$0x3F94] =	sst s0  }
0x9: {  	[smem:$0x3F95] =	sst s1  }
0xa: {  	[smem:$0x3F96] =	sst s2  }
0xb: {  	[smem:$0x3F97] =	sst s3  }
0xc: {  	[smem:$0x3F98] =	sst s4  }
0xd: {  	[smem:$0x3F99] =	sst s5  }
0xe: {  	[smem:$0x3F9A] =	sst s6  }
0xf: {  	[smem:$0x3F9B] =	sst s7  }
0x10: {  	[smem:$0x3F9C] =	sst s8  }
0x11: {  	[smem:$0x3F9D] =	sst s9;
	s0 =	simm.s32 @!p0 $0x0  }
0x12: {  	s1 =	sld [smem:$0x3F83];
	s0 =	simm.s32 @p0 $0x1  }
0x13: {  	[smem:$0x3F9E] =	sst s0;
	s0 =	simm.s32 @!p1 $0x0  }
0x14: {  	s2 =	sld [smem:$0x3F82];
	s0 =	simm.s32 @p1 $0x1  }
0x15: {  	[smem:$0x3F9F] =	sst s0;
	s0 =	simm.s32 @!p2 $0x0  }
0x16: {  	s3 =	sld [smem:$0x3FDB];
	s0 =	simm.s32 @p2 $0x1  }
0x17: {  	s4 =	simm.s32 $0x1BF5;
	[smem:$0x3FA1] =	sst s0  }
0x18: {  	s0 =	sld [smem:$0x3F84];
	_ =	swait.ge [sflag:s4], $0x0  }
0x19: {  	s7 =	sld [smem:$0x3F85]  }
0x1a: {  	s8 =	sadd.s32 $0xFFFFE003, lr  }
0x1b: {  	s9 =	sadd.s32 $0xFFFFFEF7, lr;
	s5 =	simm.s32 $0xFFFFFFFF;
	p2 =	slt.u32 s8, $0xFFFFF086  }
0x1c: {  	p1 =	slt.u32 s9, $0xF7A;
	s5 =	simm.s32 @!p2 $0x0  }
0x1d: {  	s5 =	simm.s32 @p1 $0x1;
	p0 =	seq.s32 s7, s2  }
0x1e: {  	s7 =	smul.u32 @!p0 $0xF7A, s2;
	p2 =	seq.s32 @!p0 s5, $0x0  }
0x1f: {  	s9 =	smul.u32 $0xF7A, s1;
	s8 =	simm.s32 @!p0 $0x1BF5;
	p2 =	por !p2, p0  }
0x20: {  	[sflag:s8] =	ssyncset.s32 @!p0 $0xFFFFF086;
	s6 =	sadd.s32 @!p0 s3, s7;
	s7 =	simm.s32 @!p0 $0x108  }
0x21: {  	s3 =	sadd.s32 s3, s9;
	s6 =	sadd.s32 @!p0 $0x88, s6;
	s7 =	simm.s32 @p2 $0x1082  }
0x22: {  	[simem:s7], [sflag:s8] =	dma.local @!p0 [hbm:s6], $0xF7A  }
0x23: {  	s9 =	sor.u32 $0xD0000000, s2;
	s6 =	simm.s32 $0x108;
	_ =	swait.ge @!p0 [sflag:s8], $0x0  }
0x24: {  	s3 =	sadd.s32 $0x88, s3;
	s6 =	simm.s32 @!p1 $0x1082;
	[sflag:s4] =	ssyncset.s32 $0xFFFFF086  }
0x25: {  	[simem:s6], [sflag:s4] =	dma.local [hbm:s3], $0xF7A  }
0x26: {  	[smem:$0x3F85] =	sst s1;
	(tag) =	ssettag s2;
	_ =	strace s9  }
0x27: {  	s1 =	sld [smem:$0x3F95]  }
0x28: {  	s2 =	sld [smem:$0x3F96]  }
0x29: {  	s4 =	sld [smem:$0x3F98]  }
0x2a: {  	p0 =	seq.s32 s5, $0x0;
	s5 =	sld [smem:$0x3F99]  }
0x2b: {  	s6 =	sld [smem:$0x3F9A]  }
0x2c: {  	s7 =	sld [smem:$0x3F9B]  }
0x2d: {  	s3 =	simm.s32 $0x108;
	s8 =	sld [smem:$0x3F9C]  }
0x2e: {  	s3 =	simm.s32 @!p0 $0x1082;
	s9 =	sld [smem:$0x3F9D]  }
0x2f: {  	lr =	sadd.s32 s0, s3;
	s0 =	sld [smem:$0x3F94]  }
0x30: {  	s3 =	sld [smem:$0x3F97]  }
0x31: {  	[smem:$0x3FA0] =	sst s10  }
0x32: {  	s10 =	sld [smem:$0x3F9E];
	_ =	sdelay $0x3  }
0x33: {  	p0 =	seq.s32 s10, $0x1;
	s10 =	sld [smem:$0x3FA0];
	_ =	sdelay $0x3  }
0x34: {  	[smem:$0x3FA0] =	sst s10  }
0x35: {  	s10 =	sld [smem:$0x3F9F];
	_ =	sdelay $0x3  }
0x36: {  	p1 =	seq.s32 s10, $0x1;
	s10 =	sld [smem:$0x3FA0];
	_ =	sdelay $0x3  }
0x37: {  	[smem:$0x3FA0] =	sst s10  }
0x38: {  	s10 =	sld [smem:$0x3FA1]  }
0x39: {  	_ = 	snop;
	(pc) =	sbr.ind lr, $3  }
0x3a: {  	_ = 	snop  }
0x3b: {  	_ = 	snop  }
0x3c: {  	p2 =	seq.s32 s10, $0x1;
	s10 =	sld [smem:$0x3FA0]  }
0x3d: {  	_ =	shalt  }
0x3e: {  	_ =	shalt  }
0x3f: {  	_ =	shalt  }
0x40: {  	_ =	shalt  }
0x41: {  	_ =	shalt  }
0x42: {  	_ =	shalt  }
0x43: {  	_ =	shalt  }
0x44: {  	_ =	shalt  }
0x45: {  	_ =	shalt  }
0x46: {  	_ =	shalt  }
0x47: {  	_ =	shalt  }
0x48: {  	_ =	shalt  }
0x49: {  	_ =	shalt  }
0x4a: {  	_ =	shalt  }
0x4b: {  	_ =	shalt  }
0x4c: {  	_ =	shalt  }
0x4d: {  	_ =	shalt  }
0x4e: {  	_ =	shalt  }
0x4f: {  	_ =	shalt  }
0x50: {  	_ =	shalt  }
0x51: {  	_ =	shalt  }
0x52: {  	_ =	shalt  }
0x53: {  	_ =	shalt  }
0x54: {  	_ =	shalt  }
0x55: {  	_ =	shalt  }
0x56: {  	_ =	shalt  }
0x57: {  	_ =	shalt  }
0x58: {  	_ =	shalt  }
0x59: {  	_ =	shalt  }
0x5a: {  	_ =	shalt  }
0x5b: {  	_ =	shalt  }
0x5c: {  	_ =	shalt  }
0x5d: {  	_ =	shalt  }
0x5e: {  	_ =	shalt  }
0x5f: {  	_ =	shalt  }
0x60: {  	_ =	shalt  }
0x61: {  	_ =	shalt  }
0x62: {  	_ =	shalt  }
0x63: {  	_ =	shalt  }
0x64: {  	_ =	shalt  }
0x65: {  	_ =	shalt  }
0x66: {  	_ =	shalt  }
0x67: {  	_ =	shalt  }
0x68: {  	_ =	shalt  }
0x69: {  	_ =	shalt  }
0x6a: {  	_ =	shalt  }
0x6b: {  	_ =	shalt  }
0x6c: {  	_ =	shalt  }
0x6d: {  	_ =	shalt  }
0x6e: {  	_ =	shalt  }
0x6f: {  	_ =	shalt  }
0x70: {  	_ =	shalt  }
0x71: {  	_ =	shalt  }
0x72: {  	_ =	shalt  }
0x73: {  	_ =	shalt  }
0x74: {  	_ =	shalt  }
0x75: {  	_ =	shalt  }
0x76: {  	_ =	shalt  }
0x77: {  	_ =	shalt  }
0x78: {  	_ =	shalt  }
0x79: {  	_ =	shalt  }
0x7a: {  	_ =	shalt  }
0x7b: {  	_ =	shalt  }
0x7c: {  	_ =	shalt  }
0x7d: {  	_ =	shalt  }
0x7e: {  	_ =	shalt  }
0x7f: {  	_ =	shalt  }
0x80: {  	_ =	shalt  }
0x81: {  	_ =	shalt  }
0x82: {  	_ =	shalt  }
0x83: {  	_ =	shalt  }
0x84: {  	_ =	shalt  }
0x85: {  	_ =	shalt  }
0x86: {  	_ =	shalt  }
0x87: {  	_ =	shalt  }
.Lfunc_end0:
.L_simem_size_0:
called_computation.3_lowered:
.L_overlay_start_0:
0x88: {  	s2 =	sld [smem:$0x3FD9]  }
0x89: {  	s3 =	sld [smem:$0x3FFE];
	_ =	sdelay $0x1  }
0x8a: {  	s1 =	srdreg.scid  }
0x8b: {  	s0 =	sand.u32 $0x1, s1  }
0x8c: {  	s17 =	sshll.u32 s0, $0xA;
	s2 =	sadd.s32 s3, s2  }
0x8d: {  	s2 =	sadd.s32 s2, s17  }
0x8e: {  	[smem:$0x3FAC] =	sst s2  }
0x8f: {  	_ = 	snop  }
0x90: {  	(tm) =	ssettm $0x1  }
0x91: {  	s18 =	sld [smem:$0x3FFB];
	_ =	sdelay $0x3  }
0x92: {  	_ =	strace s18  }
0x93: {  	s2 =	sld [smem:$0x3FFC];
	_ =	sdelay $0x3  }
0x94: {  	_ =	strace s2  }
0x95: {  	s2 =	sld [smem:$0x3FFD];
	_ =	sdelay $0x3  }
0x96: {  	_ =	strace s2  }
0x97: {  	_ =	strace $0x8FFFFFFF  }
0x98: {  	s19 =	sld [smem:$0x3FDB];
	_ =	sdelay $0x1  }
0x99: {  	s20 =	simm.s32 $_scs_section_size  }
0x9a: {  	s4 =	simm.s32 $_size__tile_overlayer_lowered;
	s5 =	simm.s32 $_tile_overlayer_lowered  }
0x9b: {  	s6 =	simm.s32 $0x1BFF;
	s21 =	sshll.u32 s5, $0x1;
	s3 =	sadd.s32 s20, s19  }
0x9c: {  	s22 =	simm.s32 $0x0;
	s4 =	sshll.u32 s4, $0x1;
	s5 =	sadd.s32 s21, s3  }
0x9d: {  	[timem:s22], [sflag:s6] =	dma.local [hbm:s5], s4  }
0x9e: {  	_ =	swait.ge [sflag:s6], s4  }
0x9f: {  	s4 =	ssub.s32 $0x0, s4;
	[sflag:s6] =	ssyncset.done $0x0  }
0xa0: {  	[sflag:s6] =	ssyncadd.s32 s4;
	_ =	sdelay $0x1  }
0xa1: {  	s23 =	simm.s32 $0x1B8B  }
0xa2: {  	_ =	swait.ge [sflag:s23], $0x1  }
0xa3: {  	[sflag:s23] =	ssyncset.done $0x0  }
0xa4: {  	[sflag:s23] =	ssyncadd.s32 $0xFFFFFFFF  }
0xa5: {  	s4 =	sld [smem:$0x0]  }
0xa6: {  	s5 =	sand.u32 $0xFFFFFFFE, s1  }
0xa7: {  	p0 =	sne.s32 s1, s5  }
0xa8: {  	s5 =	sshll.u32 @p0 s5, $0xE  }
0xa9: {  	s5 =	sadd.s32 @p0 $0x11B8D, s5;
	s6 =	sshll.u32 @p0 s4, $0x11  }
0xaa: {  	s5 =	sor.u32 @p0 s6, s5  }
0xab: {  	[sflag:s5] =	ssyncadd.remote.s32 @p0 $0x1;
	_ =	sdelay $0x1  }
0xac: {  	s5 =	simm.s32 @p0 $0x1B8D  }
0xad: {  	_ =	swait.eq @p0 [sflag:s5], $0x1  }
0xae: {  	[sflag:s5] =	ssyncadd.s32 @p0 $0xFFFFFFFF  }
0xaf: {  	s6 =	sshll.u32 @!p0 s1, $0xE  }
0xb0: {  	s6 =	sor.u32 @!p0 $0x4000, s6;
	s5 =	simm.s32 @!p0 $0x1B8D  }
0xb1: {  	s4 =	sshll.u32 @!p0 s4, $0x11;
	s6 =	sadd.s32 @!p0 $0x11B8D, s6;
	_ =	swait.eq @!p0 [sflag:s5], $0x1  }
0xb2: {  	s4 =	sor.u32 @!p0 s4, s6;
	[sflag:s5] =	ssyncadd.s32 @!p0 $0xFFFFFFFF  }
0xb3: {  	s25 =	simm.s32 $0x1B8E;
	s24 =	sld [smem:$0x3FFE];
	[sflag:s4] =	ssyncadd.remote.s32 @!p0 $0x1  }
0xb4: {  	s26 =	simm.s32 $execute0_lowered;
	[smem:$0x3FD2] =	sst s25  }
0xb5: {  	s5 =	sshll.u32 s26, $0x1;
	_ =	strace $0x8000004C;
	[dreg:$0x1] =	wrdreg $0xFFFFFFFF  }
0xb6: {  	s28 =	simm.s32 $_size_execute0_lowered;
	s3 =	sadd.s32 s3, s5;
	[dreg:$0x0] =	wrdreg $0x0  }
0xb7: {  	s5 =	sshll.u32 s28, $0x1;
	[dreg:$0x2] =	wrdreg s3  }
0xb8: {  	[dreg:$0x3] =	wrdreg s5  }
0xb9: {  	[dreg:$0x4] =	wrdreg $0xC0  }
0xba: {  	_ =	task [dreg:s22], $0x5FFFF  }
0xbb: {  	[dreg:$0x1] =	wrdreg $0xFFFFFFFF  }
0xbc: {  	[dreg:$0x0] =	wrdreg $0x60  }
0xbd: {  	[dreg:$0x2] =	wrdreg s24  }
0xbe: {  	[dreg:$0x3] =	wrdreg $0x9  }
0xbf: {  	_ =	task.clear_ibuf [dreg:s22], $0x4FFFF;
	_ =	strace $0x9000004C  }
0xc0: {  	s29 =	simm.s32 $0x9;
	_ =	strace $0x8000004E  }
0xc1: {  	_ =	swait.ge [sflag:s29], $0x1  }
0xc2: {  	[sflag:s29] =	ssyncadd.s32 $0xFFFFFFFF  }
0xc3: {  	_ =	strace $0x9000004E  }
0xc4: {  	_ =	sfence  }
0xc5: {  	s30 =	sld [smem:$0x0];
	_ =	sdelay $0x2  }
0xc6: {  	s31 =	sshll.u32 s1, $0xD;
	s1 =	sshrl.u32 s1, $0x2  }
0xc7: {  	s4 =	sand.u32 $0x4000, s31;
	s1 =	sadd.s32 s1, s30  }
0xc8: {  	s0 =	sor.u32 s4, s0;
	s1 =	sshll.u32 s1, $0x11  }
0xc9: {  	s0 =	sor.u32 s1, s0  }
0xca: {  	s0 =	sadd.s32 $0x8F2B, s0  }
0xcb: {  	[sflag:s0] =	ssyncadd.remote.s32 $0x1  }
0xcc: {  	_ =	sfence.sel $0xFFFF  }
0xcd: {  	[dreg:$0x0] =	wrdreg $0xFFFFFFFF;
	(pc) =	sbr.abs _section_cstart, $3  }
0xce: {  	[dreg:$0x1] =	wrdreg $0xFFFFFFFF  }
0xcf: {  	_ =	task.clear_ibuf [dreg:s22], $0x2FFFF;
	_ =	strace $0x9FFFFFFF  }
0xd0: {  	(tm) =	ssettm $0x7FFFFFFF  }
0xd1: {  	_ =	shalt  }
tec
execute0_lowered:
.L_overlay_start_1:
0x0: {  	(tag) =	ssettag $0x1  }
0x1: {  	s0 =	srdreg.scid;
	s5 =	rddreg [dreg:$0x0]  }
0x2: {  	s1 =	stileid.u32;
	s6 =	simm.s32 $0x1;
	s9 =	simm.s32 $0x1  }
0x3: {  	s10 =	simm.s32 $0x3;
	s13 =	simm.s32 $0x0;
	s2 =	sshll.u32 s0, $0xD  }
0x4: {  	s12 =	simm.s32 $0x0;
	s3 =	sshll.u32 s1, $0xE;
	s2 =	sand.u32 $0x2000, s2  }
0x5: {  	s0 =	rddreg [dreg:$0x1];
	_ =	strace $0x8000004D;
	s2 =	sor.u32 s3, s2  }
0x6: {  	s4 =	sadd.s32 $0xD2400, s5;
	[sflag:s6] =	ssyncpa.u1 $0x0;
	s8 =	ssub.s32 $0x5C000, s2  }
.Ltmp0:
0x7: {  	s3 =	sadd.s32 $0xDDC00, s5;
	s7 =	sand.u32 $0x3E000, s8;
	(pc) =	sbr.rel .LBB2_1-.Ltmp0, $4  }
0x8: {  	s5 =	sadd.s32 $0xE7A00, s5;
	s11 =	smov.u32 s2;
	p0 =	sne.s32 s7, $0x0  }
0x9: {  	s8 =	sshrl.u32 s8, $0x12;
	s7 =	simm.s32 $0x2;
	s9 =	simm.s32 @!p0 $0x0  }
0xa: {  	[sflag:s7] =	ssyncpa.u1 $0x0;
	p0 =	por $0x0, $0x0;
	s8 =	sadd.s32 s9, s8  }
0xb: {  	vm0 =	vmmov $0xffff;
	[sflag:s10] =	ssyncpa.u1 $0x0;
	s10 =	simm.s32 $0x0;
	s9 =	sadd.s32 $0x1, s8  }
.LBB2_4:
0xc: {  	v2 =	vnsel vm1, $0x0, v2  }
0xd: {  	vm1 =	vgt.s32 v0, $0x0;
	v2 =	vmin.u32 v2, $0x4ED7F  }
0xe: {  	v0 =	vnsel vm1, $0x0, v0  }
0xf: {  	v0 =	vmin.u32 v0, $0x4ED7F  }
0x10: {  	[tilespmem:s15], [sflag:$0x1] =	stream.indirect_vreg.gather [hbm4b:s3+s10], $0x1, v1, vm0, $0x4038;
	[tilespmem:$0x8000] =	vst v63  }
0x11: {  	(ifvalue) =	ssetifvalue $0x7FFFFFFF  }
0x12: {  	[tilespmem:s16], [sflag:$0x1] =	stream.indirect_vreg.gather [hbm4b:s3+s10], $0x1, v2, vm0, $0x4038;
	[tilespmem:$0x8000] =	vst v63  }
0x13: {  	s29 =	sadd.s32 $0x10, s16;
	(ifvalue) =	ssetifvalue $0x7FFFFFFF  }
0x14: {  	[tilespmem:s29], [sflag:$0x1] =	stream.indirect_vreg.gather [hbm4b:s3+s10], $0x1, v0, vm0, $0x4038;
	[tilespmem:$0x8000] =	vst v63  }
0x15: {  	_ =	swait.ge [sflag:s6], $0x2000  }
0x16: {  	s30 =	sshrl.u32 s13, $0x3;
	[sflag:s6] =	ssyncset.done $0x0  }
0x17: {  	s31 =	sand.u32 $0x7, s13;
	s15 =	sadd.s32 s5, s30;
	[sflag:s6] =	ssyncadd.s32 $0xFFFFE000  }
0x18: {  	[hbm4b:s15+s31] =	stream.linear.scatter [tilespmem:s14], [sflag:$0x3], $0x2000, $0x38;
	[tilespmem:$0x8000] =	vst v63  }
.LBB2_5:
0x19: {  	s15 =	sadd.s32 $0x40000, s11  }
0x1a: {  	p2 =	sgt.s32 s15, $0x5BFFF  }
0x1b: {  	s15 =	smov.u32 @p2 s2;
	p2 =	sne.s32 s12, s9  }
.Ltmp1:
0x1c: {  	p1 =	slt.u32 s12, $0x2;
	(pc) =	sbr.rel @!p2 .LBB2_6-.Ltmp1, $4  }
0x1d: {  	s14 =	simm.s32 @!p1 $0x3  }
0x1e: {  	s16 =	sadd.s32 $0x1, s12;
	_ =	swait.ge @!p1 [sflag:s14], $0x2000  }
0x1f: {  	s13 =	smov.u32 s11;
	p0 =	por !p0, !p0;
	[sflag:s14] =	ssyncset.done @!p1 $0x0  }
0x20: {  	s12 =	smov.u32 s16;
	s11 =	smov.u32 s15;
	[sflag:s14] =	ssyncadd.s32 @!p1 $0xFFFFE000  }
.LBB2_1:
0x21: {  	p1 =	sge.u32 s12, s8  }
0x22: {  	s14 =	sxor.u32 @!p1 $0xFFFFFFFF, s12  }
0x23: {  	s31 =	sadd.s32 $0xFFFFFFFF, s12;
	s15 =	sshrl.u32 @!p1 s11, $0x3;
	s14 =	sshll.u32 @!p1 s14, $0xD  }
0x24: {  	s16 =	sand.u32 @!p1 $0x7, s11;
	s15 =	sadd.s32 @!p1 s4, s15;
	s14 =	sand.u32 @!p1 $0x2000, s14  }
0x25: {  	[tilespmem:s14], [sflag:$0x2] =	stream.linear.gather @!p1 [hbm4b:s15+s16], $0x2000, $0x38;
	[tilespmem:$0x8000] =	vst v63  }
0x26: {  	p1 =	sge.u32 s31, s8  }
.Ltmp2:
0x27: {  	_ = 	snop;
	(pc) =	sbr.rel @p1 .LBB2_5-.Ltmp2, $1  }
0x28: {  	_ =	sdelay $0x3  }
0x29: {  	s14 =	simm.s32 $0x1  }
0x2a: {  	_ =	swait.ge [sflag:s7], $0x2000;
	s14 =	simm.s32 @!p0 $0x0  }
0x2b: {  	[sflag:s7] =	ssyncset.done $0x0;
	s14 =	sshll.u32 s14, $0xD  }
0x2c: {  	[sflag:s7] =	ssyncadd.s32 $0xFFFFE000;
	(ifvalue) =	ssetifvalue $0x7FFFFFFF;
	v0 =	vld.msk [tilespmem:s14+$0x0 ss:$0x1], $0xffff;
	_ =	sdelay $0x4  }
0x2d: {  	s15 =	sadd.s32 $0x10, s14;
	vm1 =	vgt.s32 v0, $0x0  }
0x2e: {  	v2 =	vld.msk [tilespmem:s15+$0x0 ss:$0x1], $0xffff;
	v1 =	vnsel vm1, $0x0, v0  }
0x2f: {  	v1 =	vmin.u32 v1, $0x4ED7F;
	_ =	sdelay $0x1  }
0x30: {  	s16 =	sshll.u32 s12, $0xD;
	s18 =	simm.s32 $0x20  }
0x31: {  	s16 =	sand.u32 $0x2000, s16;
	s17 =	sadd.s32 $0x10, s15;
	s15 =	sor.u32 $0x4000, s14  }
0x32: {  	s14 =	sor.u32 $0x4000, s16;
	s16 =	sadd.s32 $0x10, s15;
	v0 =	vld.msk [tilespmem:s17+$0x0 ss:$0x1], $0xffff;
	vm1 =	vgt.s32 v2, $0x0;
	(ifvalue) =	ssetifvalue $0x7FFFFFFF  }
.LBB2_3:
0x33: {  	[tilespmem:s15], [sflag:$0x1] =	stream.indirect_vreg.gather [hbm4b:s3+s10], $0x1, v1, vm0, $0x4038;
	[tilespmem:$0x8000] =	vst v63  }
0x34: {  	s18 =	sadd.s32 $0x10, s18  }
0x35: {  	v2 =	vnsel vm1, $0x0, v2;
	p1 =	slt.u32 s18, $0x1FF0  }
.Ltmp3:
0x36: {  	s15 =	smov.u32 s16;
	v1 =	vmin.u32 v2, $0x4ED7F;
	(pc) =	sbr.rel @p1 .LBB2_3-.Ltmp3, $3  }
0x37: {  	_ =	sdelay $0x1  }
0x38: {  	s17 =	sadd.s32 $0x10, s17  }
0x39: {  	vm1 =	vgt.s32 v0, $0x0;
	s16 =	sadd.s32 $0x10, s16;
	v2 =	vmov v0;
	(ifvalue) =	ssetifvalue $0x7FFFFFFF;
	v0 =	vld.msk [tilespmem:s17+$0x0 ss:$0x1], $0xffff  }
.Ltmp4:
0x3a: {  	_ = 	snop;
	(pc) =	sbr.rel .LBB2_4-.Ltmp4, $1  }
0x3b: {  	_ =	sdelay $0x3  }
.LBB2_6:
0x3c: {  	_ =	sfence.sel $0x180000  }
0x3d: {  	s2 =	simm.s32 $0x2;
	[bflag:$0x0] =	sbarrier.arrive $0xFFFF  }
0x3e: {  	s30 =	simm.s32 $0x3;
	[sflag:s2] =	ssyncpa.u1 $0x1  }
0x3f: {  	s31 =	simm.s32 $0x1;
	[sflag:s30] =	ssyncpa.u1 $0x1  }
0x40: {  	[sflag:s31] =	ssyncpa.u1 $0x1  }
0x41: {  	p0 =	sne.s32 s1, $0x0;
	_ =	strace $0x9000004D  }
0x42: {  	s0 =	sadd.s32 @!p0 $0x100000, s0;
	[bflag:$0x2] =	sbarrier.arrive $0xFFFF  }
0x43: {  	[sflag:s0] =	ssyncadd.tile.s32 @!p0 $0x1;
	_ =	shalt  }
.Lfunc_end2:
_tile_overlayer_lowered:
.L_overlay_start_2:
0x44: {  	(tag) =	ssettag $0x2  }
0x45: {  	s0 =	rddreg [dreg:$0x0];
	s2 =	stileid.u32  }
0x46: {  	s1 =	rddreg [dreg:$0x1];
	p0 =	sne.s32 s2, $0x0  }
0x47: {  	s3 =	rddreg [dreg:$0x2];
	[bflag:$0x3] =	sbarrier.arrive $0xFFFF;
	s2 =	simm.s32 @!p0 $0x1C01  }
0x48: {  	[timem:s3], [sflag:s2] =	dma.local @!p0 [hbm:s0], s1  }
0x49: {  	s0 =	simm.s32 @!p0 $0x1  }
0x4a: {  	_ =	swait.ge @!p0 [sflag:s0], s1  }
0x4b: {  	s1 =	ssub.s32 @!p0 $0x0, s1;
	[sflag:s0] =	ssyncset.done @!p0 $0x0  }
0x4c: {  	[sflag:s0] =	ssyncadd.s32 @!p0 s1  }
0x4d: {  	[bflag:$0x3] =	sbarrier.arrive $0xFFFF  }
0x4e: {  	_ =	shalt  }

// kernel: gather_offload_async_start
scs
__scs_entry_jumppad:
0x0: {  	(pc) =	sbr.rel $0x88, $3  }
0x1: {  	(tag) =	ssettag $0x0;
	lr =	simm.s32 $0x1  }
0x2: {  	[smem:$0x3F85] =	sst lr;
	_ =	strace $0xD0000000  }
0x3: {  	_ = 	snop  }
0x4: {  	_ = 	snop  }
0x5: {  	_ = 	snop  }
0x6: {  	_ = 	snop  }
0x7: {  	_ = 	snop  }
__scs_overlays_trampoline_lowered:
0x8: {  	[smem:$0x3F94] =	sst s0  }
0x9: {  	[smem:$0x3F95] =	sst s1  }
0xa: {  	[smem:$0x3F96] =	sst s2  }
0xb: {  	[smem:$0x3F97] =	sst s3  }
0xc: {  	[smem:$0x3F98] =	sst s4  }
0xd: {  	[smem:$0x3F99] =	sst s5  }
0xe: {  	[smem:$0x3F9A] =	sst s6  }
0xf: {  	[smem:$0x3F9B] =	sst s7  }
0x10: {  	[smem:$0x3F9C] =	sst s8  }
0x11: {  	[smem:$0x3F9D] =	sst s9;
	s0 =	simm.s32 @!p0 $0x0  }
0x12: {  	s1 =	sld [smem:$0x3F83];
	s0 =	simm.s32 @p0 $0x1  }
0x13: {  	[smem:$0x3F9E] =	sst s0;
	s0 =	simm.s32 @!p1 $0x0  }
0x14: {  	s2 =	sld [smem:$0x3F82];
	s0 =	simm.s32 @p1 $0x1  }
0x15: {  	[smem:$0x3F9F] =	sst s0;
	s0 =	simm.s32 @!p2 $0x0  }
0x16: {  	s3 =	sld [smem:$0x3FDB];
	s0 =	simm.s32 @p2 $0x1  }
0x17: {  	s4 =	simm.s32 $0x1BF5;
	[smem:$0x3FA1] =	sst s0  }
0x18: {  	s0 =	sld [smem:$0x3F84];
	_ =	swait.ge [sflag:s4], $0x0  }
0x19: {  	s7 =	sld [smem:$0x3F85]  }
0x1a: {  	s8 =	sadd.s32 $0xFFFFE003, lr  }
0x1b: {  	s9 =	sadd.s32 $0xFFFFFEF7, lr;
	s5 =	simm.s32 $0xFFFFFFFF;
	p2 =	slt.u32 s8, $0xFFFFF086  }
0x1c: {  	p1 =	slt.u32 s9, $0xF7A;
	s5 =	simm.s32 @!p2 $0x0  }
0x1d: {  	s5 =	simm.s32 @p1 $0x1;
	p0 =	seq.s32 s7, s2  }
0x1e: {  	s7 =	smul.u32 @!p0 $0xF7A, s2;
	p2 =	seq.s32 @!p0 s5, $0x0  }
0x1f: {  	s9 =	smul.u32 $0xF7A, s1;
	s8 =	simm.s32 @!p0 $0x1BF5;
	p2 =	por !p2, p0  }
0x20: {  	[sflag:s8] =	ssyncset.s32 @!p0 $0xFFFFF086;
	s6 =	sadd.s32 @!p0 s3, s7;
	s7 =	simm.s32 @!p0 $0x108  }
0x21: {  	s3 =	sadd.s32 s3, s9;
	s6 =	sadd.s32 @!p0 $0x88, s6;
	s7 =	simm.s32 @p2 $0x1082  }
0x22: {  	[simem:s7], [sflag:s8] =	dma.local @!p0 [hbm:s6], $0xF7A  }
0x23: {  	s9 =	sor.u32 $0xD0000000, s2;
	s6 =	simm.s32 $0x108;
	_ =	swait.ge @!p0 [sflag:s8], $0x0  }
0x24: {  	s3 =	sadd.s32 $0x88, s3;
	s6 =	simm.s32 @!p1 $0x1082;
	[sflag:s4] =	ssyncset.s32 $0xFFFFF086  }
0x25: {  	[simem:s6], [sflag:s4] =	dma.local [hbm:s3], $0xF7A  }
0x26: {  	[smem:$0x3F85] =	sst s1;
	(tag) =	ssettag s2;
	_ =	strace s9  }
0x27: {  	s1 =	sld [smem:$0x3F95]  }
0x28: {  	s2 =	sld [smem:$0x3F96]  }
0x29: {  	s4 =	sld [smem:$0x3F98]  }
0x2a: {  	p0 =	seq.s32 s5, $0x0;
	s5 =	sld [smem:$0x3F99]  }
0x2b: {  	s6 =	sld [smem:$0x3F9A]  }
0x2c: {  	s7 =	sld [smem:$0x3F9B]  }
0x2d: {  	s3 =	simm.s32 $0x108;
	s8 =	sld [smem:$0x3F9C]  }
0x2e: {  	s3 =	simm.s32 @!p0 $0x1082;
	s9 =	sld [smem:$0x3F9D]  }
0x2f: {  	lr =	sadd.s32 s0, s3;
	s0 =	sld [smem:$0x3F94]  }
0x30: {  	s3 =	sld [smem:$0x3F97]  }
0x31: {  	[smem:$0x3FA0] =	sst s10  }
0x32: {  	s10 =	sld [smem:$0x3F9E];
	_ =	sdelay $0x3  }
0x33: {  	p0 =	seq.s32 s10, $0x1;
	s10 =	sld [smem:$0x3FA0];
	_ =	sdelay $0x3  }
0x34: {  	[smem:$0x3FA0] =	sst s10  }
0x35: {  	s10 =	sld [smem:$0x3F9F];
	_ =	sdelay $0x3  }
0x36: {  	p1 =	seq.s32 s10, $0x1;
	s10 =	sld [smem:$0x3FA0];
	_ =	sdelay $0x3  }
0x37: {  	[smem:$0x3FA0] =	sst s10  }
0x38: {  	s10 =	sld [smem:$0x3FA1]  }
0x39: {  	_ = 	snop;
	(pc) =	sbr.ind lr, $3  }
0x3a: {  	_ = 	snop  }
0x3b: {  	_ = 	snop  }
0x3c: {  	p2 =	seq.s32 s10, $0x1;
	s10 =	sld [smem:$0x3FA0]  }
0x3d: {  	_ =	shalt  }
0x3e: {  	_ =	shalt  }
0x3f: {  	_ =	shalt  }
0x40: {  	_ =	shalt  }
0x41: {  	_ =	shalt  }
0x42: {  	_ =	shalt  }
0x43: {  	_ =	shalt  }
0x44: {  	_ =	shalt  }
0x45: {  	_ =	shalt  }
0x46: {  	_ =	shalt  }
0x47: {  	_ =	shalt  }
0x48: {  	_ =	shalt  }
0x49: {  	_ =	shalt  }
0x4a: {  	_ =	shalt  }
0x4b: {  	_ =	shalt  }
0x4c: {  	_ =	shalt  }
0x4d: {  	_ =	shalt  }
0x4e: {  	_ =	shalt  }
0x4f: {  	_ =	shalt  }
0x50: {  	_ =	shalt  }
0x51: {  	_ =	shalt  }
0x52: {  	_ =	shalt  }
0x53: {  	_ =	shalt  }
0x54: {  	_ =	shalt  }
0x55: {  	_ =	shalt  }
0x56: {  	_ =	shalt  }
0x57: {  	_ =	shalt  }
0x58: {  	_ =	shalt  }
0x59: {  	_ =	shalt  }
0x5a: {  	_ =	shalt  }
0x5b: {  	_ =	shalt  }
0x5c: {  	_ =	shalt  }
0x5d: {  	_ =	shalt  }
0x5e: {  	_ =	shalt  }
0x5f: {  	_ =	shalt  }
0x60: {  	_ =	shalt  }
0x61: {  	_ =	shalt  }
0x62: {  	_ =	shalt  }
0x63: {  	_ =	shalt  }
0x64: {  	_ =	shalt  }
0x65: {  	_ =	shalt  }
0x66: {  	_ =	shalt  }
0x67: {  	_ =	shalt  }
0x68: {  	_ =	shalt  }
0x69: {  	_ =	shalt  }
0x6a: {  	_ =	shalt  }
0x6b: {  	_ =	shalt  }
0x6c: {  	_ =	shalt  }
0x6d: {  	_ =	shalt  }
0x6e: {  	_ =	shalt  }
0x6f: {  	_ =	shalt  }
0x70: {  	_ =	shalt  }
0x71: {  	_ =	shalt  }
0x72: {  	_ =	shalt  }
0x73: {  	_ =	shalt  }
0x74: {  	_ =	shalt  }
0x75: {  	_ =	shalt  }
0x76: {  	_ =	shalt  }
0x77: {  	_ =	shalt  }
0x78: {  	_ =	shalt  }
0x79: {  	_ =	shalt  }
0x7a: {  	_ =	shalt  }
0x7b: {  	_ =	shalt  }
0x7c: {  	_ =	shalt  }
0x7d: {  	_ =	shalt  }
0x7e: {  	_ =	shalt  }
0x7f: {  	_ =	shalt  }
0x80: {  	_ =	shalt  }
0x81: {  	_ =	shalt  }
0x82: {  	_ =	shalt  }
0x83: {  	_ =	shalt  }
0x84: {  	_ =	shalt  }
0x85: {  	_ =	shalt  }
0x86: {  	_ =	shalt  }
0x87: {  	_ =	shalt  }
.Lfunc_end0:
.L_simem_size_0:
called_computation_lowered:
.L_overlay_start_0:
0x88: {  	s2 =	sld [smem:$0x3FD9]  }
0x89: {  	s3 =	sld [smem:$0x3FFE];
	_ =	sdelay $0x1  }
0x8a: {  	s1 =	srdreg.scid  }
0x8b: {  	s0 =	sand.u32 $0x1, s1  }
0x8c: {  	s16 =	sshll.u32 s0, $0xA;
	s2 =	sadd.s32 s3, s2  }
0x8d: {  	s2 =	sadd.s32 s2, s16  }
0x8e: {  	[smem:$0x3FAC] =	sst s2  }
0x8f: {  	_ = 	snop  }
0x90: {  	(tm) =	ssettm $0x1  }
0x91: {  	s17 =	sld [smem:$0x3FFB];
	_ =	sdelay $0x3  }
0x92: {  	_ =	strace s17  }
0x93: {  	s2 =	sld [smem:$0x3FFC];
	_ =	sdelay $0x3  }
0x94: {  	_ =	strace s2  }
0x95: {  	s2 =	sld [smem:$0x3FFD];
	_ =	sdelay $0x3  }
0x96: {  	_ =	strace s2  }
0x97: {  	_ =	strace $0x8FFFFFFF  }
0x98: {  	s18 =	sld [smem:$0x3FDB];
	_ =	sdelay $0x1  }
0x99: {  	s19 =	simm.s32 $_scs_section_size  }
0x9a: {  	s4 =	simm.s32 $_size__tile_overlayer_lowered;
	s5 =	simm.s32 $_tile_overlayer_lowered  }
0x9b: {  	s22 =	simm.s32 $0x1BFF;
	s21 =	sshll.u32 s5, $0x1;
	s2 =	sadd.s32 s19, s18  }
0x9c: {  	s6 =	simm.s32 $0x0;
	s20 =	sshll.u32 s4, $0x1;
	s4 =	sadd.s32 s21, s2  }
0x9d: {  	[timem:s6], [sflag:s22] =	dma.local [hbm:s4], s20  }
0x9e: {  	_ =	swait.ge [sflag:s22], s20  }
0x9f: {  	s3 =	ssub.s32 $0x0, s20;
	[sflag:s22] =	ssyncset.done $0x0  }
0xa0: {  	[sflag:s22] =	ssyncadd.s32 s3;
	_ =	sdelay $0x1  }
0xa1: {  	s23 =	simm.s32 $0x1B8B  }
0xa2: {  	_ =	swait.ge [sflag:s23], $0x1  }
0xa3: {  	[sflag:s23] =	ssyncset.done $0x0  }
0xa4: {  	s25 =	simm.s32 $0x1B8E;
	s24 =	sld [smem:$0x3FFE];
	[sflag:s23] =	ssyncadd.s32 $0xFFFFFFFF  }
0xa5: {  	s26 =	simm.s32 $execute0_lowered;
	[smem:$0x3FD2] =	sst s25  }
0xa6: {  	s4 =	sshll.u32 s26, $0x1;
	_ =	strace $0x80000049;
	[dreg:$0x1] =	wrdreg $0xFFFFFFFF  }
0xa7: {  	s28 =	simm.s32 $_size_execute0_lowered;
	s2 =	sadd.s32 s2, s4;
	[dreg:$0x0] =	wrdreg $0x0  }
0xa8: {  	s4 =	sshll.u32 s28, $0x1;
	[dreg:$0x2] =	wrdreg s2  }
0xa9: {  	[dreg:$0x3] =	wrdreg s4  }
0xaa: {  	[dreg:$0x4] =	wrdreg $0xC0  }
0xab: {  	_ =	task [dreg:s6], $0x5FFFF  }
0xac: {  	[dreg:$0x1] =	wrdreg $0xFFFFFFFF  }
0xad: {  	[dreg:$0x0] =	wrdreg $0x60  }
0xae: {  	[dreg:$0x2] =	wrdreg s24  }
0xaf: {  	[dreg:$0x3] =	wrdreg $0xA  }
0xb0: {  	_ =	task.clear_ibuf [dreg:s6], $0x4FFFF;
	_ =	strace $0x90000049  }
0xb1: {  	s29 =	simm.s32 $0xA;
	_ =	strace $0x8000004B  }
0xb2: {  	_ =	swait.ge [sflag:s29], $0x1  }
0xb3: {  	[sflag:s29] =	ssyncadd.s32 $0xFFFFFFFF  }
0xb4: {  	_ =	strace $0x9000004B  }
0xb5: {  	_ =	sfence  }
0xb6: {  	s30 =	sld [smem:$0x0];
	_ =	sdelay $0x2  }
0xb7: {  	s31 =	sshll.u32 s1, $0xD;
	s1 =	sshrl.u32 s1, $0x2  }
0xb8: {  	s3 =	sand.u32 $0x4000, s31;
	s1 =	sadd.s32 s1, s30  }
0xb9: {  	s0 =	sor.u32 s3, s0;
	s1 =	sshll.u32 s1, $0x11  }
0xba: {  	s0 =	sor.u32 s1, s0  }
0xbb: {  	s0 =	sadd.s32 $0x8F2B, s0  }
0xbc: {  	[sflag:s0] =	ssyncadd.remote.s32 $0x1  }
0xbd: {  	_ =	sfence.sel $0xFFFF  }
0xbe: {  	[dreg:$0x0] =	wrdreg $0xFFFFFFFF;
	(pc) =	sbr.abs _section_cstart, $3  }
0xbf: {  	[dreg:$0x1] =	wrdreg $0xFFFFFFFF  }
0xc0: {  	_ =	task.clear_ibuf [dreg:s6], $0x2FFFF;
	_ =	strace $0x9FFFFFFF  }
0xc1: {  	(tm) =	ssettm $0x7FFFFFFF  }
tec
execute0_lowered:
.L_overlay_start_1:
0x0: {  	(tag) =	ssettag $0x1  }
0x1: {  	s8 =	rddreg [dreg:$0x0]  }
0x2: {  	s0 =	rddreg [dreg:$0x1];
	_ =	strace $0x8000004A;
	s1 =	stileid.u32  }
0x3: {  	s3 =	srdreg.scid;
	s4 =	simm.s32 $0x1;
	s7 =	simm.s32 $0x1  }
0x4: {  	s9 =	simm.s32 $0x1;
	s10 =	simm.s32 $0x3;
	s13 =	simm.s32 $0x0  }
0x5: {  	s12 =	simm.s32 $0x0;
	s5 =	sand.u32 $0x1, s3;
	s6 =	sshll.u32 s1, $0x1  }
0x6: {  	s2 =	sadd.s32 $0xAA800, s8;
	s3 =	sadd.s32 $0xBE400, s8;
	s5 =	sor.u32 s6, s5  }
.Ltmp0:
0x7: {  	[sflag:s4] =	ssyncpa.u1 $0x0;
	p0 =	slt.u32 s5, $0x9;
	(pc) =	sbr.rel .LBB2_1-.Ltmp0, $4  }
0x8: {  	s6 =	simm.s32 $0x2;
	s7 =	simm.s32 @!p0 $0x0;
	p0 =	sne.s32 s5, $0x8  }
0x9: {  	[sflag:s6] =	ssyncpa.u1 $0x0;
	s5 =	smul.u32 $0x1F40, s5;
	s9 =	simm.s32 @!p0 $0x0  }
0xa: {  	s8 =	sadd.s32 $0xB4600, s8;
	[sflag:s10] =	ssyncpa.u1 $0x0;
	s7 =	sadd.s32 s9, s7  }
0xb: {  	vm0 =	vmmov $0xffff;
	s10 =	simm.s32 $0x0;
	s11 =	smov.u32 s5;
	s9 =	sadd.s32 $0x1, s7  }
.LBB2_4:
0xc: {  	v2 =	vnsel vm1, $0x0, v2  }
0xd: {  	vm1 =	vgt.s32 v0, $0x0;
	v2 =	vmin.u32 v2, $0x4E1FF  }
0xe: {  	v0 =	vnsel vm1, $0x0, v0  }
0xf: {  	v0 =	vmin.u32 v0, $0x4E1FF  }
0x10: {  	[tilespmem:s18], [sflag:$0x1] =	stream.indirect_vreg.gather [hbm4b:s2+s10], $0x1, v1, vm0, $0x4038;
	[tilespmem:$0x7D00] =	vst v63  }
0x11: {  	(ifvalue) =	ssetifvalue $0x7FFFFFFF  }
0x12: {  	[tilespmem:s15], [sflag:$0x1] =	stream.indirect_vreg.gather [hbm4b:s2+s10], $0x1, v2, vm0, $0x4038;
	[tilespmem:$0x7D00] =	vst v63  }
0x13: {  	s29 =	sadd.s32 $0x10, s15;
	(ifvalue) =	ssetifvalue $0x7FFFFFFF  }
0x14: {  	[tilespmem:s29], [sflag:$0x1] =	stream.indirect_vreg.gather [hbm4b:s2+s10], $0x1, v0, vm0, $0x4038;
	[tilespmem:$0x7D00] =	vst v63  }
0x15: {  	_ =	swait.ge [sflag:s4], $0x1F40  }
0x16: {  	s30 =	sshrl.u32 s13, $0x3;
	[sflag:s4] =	ssyncset.done $0x0  }
0x17: {  	s31 =	sand.u32 $0x7, s13;
	s15 =	sadd.s32 s8, s30;
	[sflag:s4] =	ssyncadd.s32 $0xFFFFE0C0  }
0x18: {  	[hbm4b:s15+s31] =	stream.linear.scatter [tilespmem:s14], [sflag:$0x3], $0x1F40, $0x38;
	[tilespmem:$0x7D00] =	vst v63  }
.LBB2_5:
0x19: {  	s15 =	sadd.s32 $0x3E800, s11  }
0x1a: {  	p1 =	sgt.s32 s15, $0x4E1FF  }
0x1b: {  	s15 =	smov.u32 @p1 s5;
	p1 =	sne.s32 s12, s9  }
.Ltmp1:
0x1c: {  	p0 =	slt.u32 s12, $0x2;
	(pc) =	sbr.rel @!p1 .LBB2_6-.Ltmp1, $4  }
0x1d: {  	s14 =	simm.s32 @!p0 $0x3  }
0x1e: {  	_ =	swait.ge @!p0 [sflag:s14], $0x1F40  }
0x1f: {  	s16 =	sadd.s32 $0x1, s12;
	s13 =	smov.u32 s11;
	[sflag:s14] =	ssyncset.done @!p0 $0x0  }
0x20: {  	s12 =	smov.u32 s16;
	s11 =	smov.u32 s15;
	[sflag:s14] =	ssyncadd.s32 @!p0 $0xFFFFE0C0  }
.LBB2_1:
0x21: {  	p0 =	sge.u32 s12, s7  }
0x22: {  	s14 =	sxor.u32 @!p0 $0x1, s12  }
0x23: {  	s14 =	smul.u32 @!p0 $0x7D00, s14  }
0x24: {  	s31 =	sadd.s32 $0xFFFFFFFF, s12;
	s15 =	sshrl.u32 @!p0 s11, $0x3  }
0x25: {  	s16 =	sand.u32 @!p0 $0x7, s11;
	s15 =	sadd.s32 @!p0 s3, s15;
	s14 =	sshra.s32 @!p0 s14, $0x2  }
0x26: {  	[tilespmem:s14], [sflag:$0x2] =	stream.linear.gather @!p0 [hbm4b:s15+s16], $0x1F40, $0x38;
	[tilespmem:$0x7D00] =	vst v63  }
0x27: {  	p0 =	sge.u32 s31, s7  }
.Ltmp2:
0x28: {  	_ = 	snop;
	(pc) =	sbr.rel @p0 .LBB2_5-.Ltmp2, $1  }
0x29: {  	_ =	sdelay $0x3  }
0x2a: {  	s14 =	sand.u32 $0x1, s12  }
0x2b: {  	_ =	swait.ge [sflag:s6], $0x1F40;
	p0 =	seq.s32 s14, $0x1;
	s14 =	simm.s32 $0x1F40  }
0x2c: {  	[sflag:s6] =	ssyncset.done $0x0;
	s14 =	simm.s32 @!p0 $0x0  }
0x2d: {  	[sflag:s6] =	ssyncadd.s32 $0xFFFFE0C0;
	(ifvalue) =	ssetifvalue $0x7FFFFFFF;
	v0 =	vld.msk [tilespmem:s14+$0x0 ss:$0x1], $0xffff;
	_ =	sdelay $0x4  }
0x2e: {  	s15 =	sadd.s32 $0x10, s14;
	vm1 =	vgt.s32 v0, $0x0  }
0x2f: {  	v2 =	vld.msk [tilespmem:s15+$0x0 ss:$0x1], $0xffff;
	v1 =	vnsel vm1, $0x0, v0  }
0x30: {  	v1 =	vmin.u32 v1, $0x4E1FF;
	_ =	sdelay $0x2  }
0x31: {  	s17 =	simm.s32 $0x20;
	s14 =	sadd.s32 $0x3E80, s14;
	s16 =	sadd.s32 $0x10, s15  }
0x32: {  	s15 =	sadd.s32 $0x10, s14;
	s18 =	smov.u32 s14;
	v0 =	vld.msk [tilespmem:s16+$0x0 ss:$0x1], $0xffff;
	vm1 =	vgt.s32 v2, $0x0;
	(ifvalue) =	ssetifvalue $0x7FFFFFFF  }
.LBB2_3:
0x33: {  	[tilespmem:s18], [sflag:$0x1] =	stream.indirect_vreg.gather [hbm4b:s2+s10], $0x1, v1, vm0, $0x4038;
	[tilespmem:$0x7D00] =	vst v63  }
0x34: {  	s17 =	sadd.s32 $0x10, s17  }
0x35: {  	v2 =	vnsel vm1, $0x0, v2;
	p0 =	slt.u32 s17, $0x1F30  }
.Ltmp3:
0x36: {  	s18 =	smov.u32 s15;
	v1 =	vmin.u32 v2, $0x4E1FF;
	(pc) =	sbr.rel @p0 .LBB2_3-.Ltmp3, $3  }
0x37: {  	_ =	sdelay $0x1  }
0x38: {  	s16 =	sadd.s32 $0x10, s16  }
0x39: {  	vm1 =	vgt.s32 v0, $0x0;
	s15 =	sadd.s32 $0x10, s15;
	v2 =	vmov v0;
	(ifvalue) =	ssetifvalue $0x7FFFFFFF;
	v0 =	vld.msk [tilespmem:s16+$0x0 ss:$0x1], $0xffff  }
.Ltmp4:
0x3a: {  	_ = 	snop;
	(pc) =	sbr.rel .LBB2_4-.Ltmp4, $1  }
0x3b: {  	_ =	sdelay $0x3  }
.LBB2_6:
0x3c: {  	_ =	sfence.sel $0x180000  }
0x3d: {  	s2 =	simm.s32 $0x2;
	[bflag:$0x0] =	sbarrier.arrive $0xFFFF  }
0x3e: {  	s30 =	simm.s32 $0x3;
	[sflag:s2] =	ssyncpa.u1 $0x1  }
0x3f: {  	s31 =	simm.s32 $0x1;
	[sflag:s30] =	ssyncpa.u1 $0x1  }
0x40: {  	[sflag:s31] =	ssyncpa.u1 $0x1  }
0x41: {  	p0 =	sne.s32 s1, $0x0;
	_ =	strace $0x9000004A  }
0x42: {  	s0 =	sadd.s32 @!p0 $0x100000, s0;
	[bflag:$0x2] =	sbarrier.arrive $0xFFFF  }
0x43: {  	[sflag:s0] =	ssyncadd.tile.s32 @!p0 $0x1;
	_ =	shalt  }
.Lfunc_end2:
_tile_overlayer_lowered:
.L_overlay_start_2:
0x44: {  	(tag) =	ssettag $0x2  }
0x45: {  	s0 =	rddreg [dreg:$0x0];
	s2 =	stileid.u32  }
0x46: {  	s1 =	rddreg [dreg:$0x1];
	p0 =	sne.s32 s2, $0x0  }
0x47: {  	s3 =	rddreg [dreg:$0x2];
	[bflag:$0x3] =	sbarrier.arrive $0xFFFF;
	s2 =	simm.s32 @!p0 $0x1C01  }
0x48: {  	[timem:s3], [sflag:s2] =	dma.local @!p0 [hbm:s0], s1  }
0x49: {  	s0 =	simm.s32 @!p0 $0x1  }
0x4a: {  	_ =	swait.ge @!p0 [sflag:s0], s1  }
0x4b: {  	s1 =	ssub.s32 @!p0 $0x0, s1;
	[sflag:s0] =	ssyncset.done @!p0 $0x0  }
0x4c: {  	[sflag:s0] =	ssyncadd.s32 @!p0 s1  }
0x4d: {  	[bflag:$0x3] =	sbarrier.arrive $0xFFFF  }
0x4e: {  	_ =	shalt  }

// kernel: kernel.15.cloned.1.call-start
scs
__scs_entry_jumppad:
0x0: {  	(pc) =	sbr.rel $0x88, $3  }
0x1: {  	(tag) =	ssettag $0x0;
	lr =	simm.s32 $0x1  }
0x2: {  	[smem:$0x3F85] =	sst lr;
	_ =	strace $0xD0000000  }
0x3: {  	_ = 	snop  }
0x4: {  	_ = 	snop  }
0x5: {  	_ = 	snop  }
0x6: {  	_ = 	snop  }
0x7: {  	_ = 	snop  }
__scs_overlays_trampoline_lowered:
0x8: {  	[smem:$0x3F94] =	sst s0  }
0x9: {  	[smem:$0x3F95] =	sst s1  }
0xa: {  	[smem:$0x3F96] =	sst s2  }
0xb: {  	[smem:$0x3F97] =	sst s3  }
0xc: {  	[smem:$0x3F98] =	sst s4  }
0xd: {  	[smem:$0x3F99] =	sst s5  }
0xe: {  	[smem:$0x3F9A] =	sst s6  }
0xf: {  	[smem:$0x3F9B] =	sst s7  }
0x10: {  	[smem:$0x3F9C] =	sst s8  }
0x11: {  	[smem:$0x3F9D] =	sst s9;
	s0 =	simm.s32 @!p0 $0x0  }
0x12: {  	s1 =	sld [smem:$0x3F83];
	s0 =	simm.s32 @p0 $0x1  }
0x13: {  	[smem:$0x3F9E] =	sst s0;
	s0 =	simm.s32 @!p1 $0x0  }
0x14: {  	s2 =	sld [smem:$0x3F82];
	s0 =	simm.s32 @p1 $0x1  }
0x15: {  	[smem:$0x3F9F] =	sst s0;
	s0 =	simm.s32 @!p2 $0x0  }
0x16: {  	s3 =	sld [smem:$0x3FDB];
	s0 =	simm.s32 @p2 $0x1  }
0x17: {  	s4 =	simm.s32 $0x1BF5;
	[smem:$0x3FA1] =	sst s0  }
0x18: {  	s0 =	sld [smem:$0x3F84];
	_ =	swait.ge [sflag:s4], $0x0  }
0x19: {  	s7 =	sld [smem:$0x3F85]  }
0x1a: {  	s8 =	sadd.s32 $0xFFFFE003, lr  }
0x1b: {  	s9 =	sadd.s32 $0xFFFFFEF7, lr;
	s5 =	simm.s32 $0xFFFFFFFF;
	p2 =	slt.u32 s8, $0xFFFFF086  }
0x1c: {  	p1 =	slt.u32 s9, $0xF7A;
	s5 =	simm.s32 @!p2 $0x0  }
0x1d: {  	s5 =	simm.s32 @p1 $0x1;
	p0 =	seq.s32 s7, s2  }
0x1e: {  	s7 =	smul.u32 @!p0 $0xF7A, s2;
	p2 =	seq.s32 @!p0 s5, $0x0  }
0x1f: {  	s9 =	smul.u32 $0xF7A, s1;
	s8 =	simm.s32 @!p0 $0x1BF5;
	p2 =	por !p2, p0  }
0x20: {  	[sflag:s8] =	ssyncset.s32 @!p0 $0xFFFFF086;
	s6 =	sadd.s32 @!p0 s3, s7;
	s7 =	simm.s32 @!p0 $0x108  }
0x21: {  	s3 =	sadd.s32 s3, s9;
	s6 =	sadd.s32 @!p0 $0x88, s6;
	s7 =	simm.s32 @p2 $0x1082  }
0x22: {  	[simem:s7], [sflag:s8] =	dma.local @!p0 [hbm:s6], $0xF7A  }
0x23: {  	s9 =	sor.u32 $0xD0000000, s2;
	s6 =	simm.s32 $0x108;
	_ =	swait.ge @!p0 [sflag:s8], $0x0  }
0x24: {  	s3 =	sadd.s32 $0x88, s3;
	s6 =	simm.s32 @!p1 $0x1082;
	[sflag:s4] =	ssyncset.s32 $0xFFFFF086  }
0x25: {  	[simem:s6], [sflag:s4] =	dma.local [hbm:s3], $0xF7A  }
0x26: {  	[smem:$0x3F85] =	sst s1;
	(tag) =	ssettag s2;
	_ =	strace s9  }
0x27: {  	s1 =	sld [smem:$0x3F95]  }
0x28: {  	s2 =	sld [smem:$0x3F96]  }
0x29: {  	s4 =	sld [smem:$0x3F98]  }
0x2a: {  	p0 =	seq.s32 s5, $0x0;
	s5 =	sld [smem:$0x3F99]  }
0x2b: {  	s6 =	sld [smem:$0x3F9A]  }
0x2c: {  	s7 =	sld [smem:$0x3F9B]  }
0x2d: {  	s3 =	simm.s32 $0x108;
	s8 =	sld [smem:$0x3F9C]  }
0x2e: {  	s3 =	simm.s32 @!p0 $0x1082;
	s9 =	sld [smem:$0x3F9D]  }
0x2f: {  	lr =	sadd.s32 s0, s3;
	s0 =	sld [smem:$0x3F94]  }
0x30: {  	s3 =	sld [smem:$0x3F97]  }
0x31: {  	[smem:$0x3FA0] =	sst s10  }
0x32: {  	s10 =	sld [smem:$0x3F9E];
	_ =	sdelay $0x3  }
0x33: {  	p0 =	seq.s32 s10, $0x1;
	s10 =	sld [smem:$0x3FA0];
	_ =	sdelay $0x3  }
0x34: {  	[smem:$0x3FA0] =	sst s10  }
0x35: {  	s10 =	sld [smem:$0x3F9F];
	_ =	sdelay $0x3  }
0x36: {  	p1 =	seq.s32 s10, $0x1;
	s10 =	sld [smem:$0x3FA0];
	_ =	sdelay $0x3  }
0x37: {  	[smem:$0x3FA0] =	sst s10  }
0x38: {  	s10 =	sld [smem:$0x3FA1]  }
0x39: {  	_ = 	snop;
	(pc) =	sbr.ind lr, $3  }
0x3a: {  	_ = 	snop  }
0x3b: {  	_ = 	snop  }
0x3c: {  	p2 =	seq.s32 s10, $0x1;
	s10 =	sld [smem:$0x3FA0]  }
0x3d: {  	_ =	shalt  }
0x3e: {  	_ =	shalt  }
0x3f: {  	_ =	shalt  }
0x40: {  	_ =	shalt  }
0x41: {  	_ =	shalt  }
0x42: {  	_ =	shalt  }
0x43: {  	_ =	shalt  }
0x44: {  	_ =	shalt  }
0x45: {  	_ =	shalt  }
0x46: {  	_ =	shalt  }
0x47: {  	_ =	shalt  }
0x48: {  	_ =	shalt  }
0x49: {  	_ =	shalt  }
0x4a: {  	_ =	shalt  }
0x4b: {  	_ =	shalt  }
0x4c: {  	_ =	shalt  }
0x4d: {  	_ =	shalt  }
0x4e: {  	_ =	shalt  }
0x4f: {  	_ =	shalt  }
0x50: {  	_ =	shalt  }
0x51: {  	_ =	shalt  }
0x52: {  	_ =	shalt  }
0x53: {  	_ =	shalt  }
0x54: {  	_ =	shalt  }
0x55: {  	_ =	shalt  }
0x56: {  	_ =	shalt  }
0x57: {  	_ =	shalt  }
0x58: {  	_ =	shalt  }
0x59: {  	_ =	shalt  }
0x5a: {  	_ =	shalt  }
0x5b: {  	_ =	shalt  }
0x5c: {  	_ =	shalt  }
0x5d: {  	_ =	shalt  }
0x5e: {  	_ =	shalt  }
0x5f: {  	_ =	shalt  }
0x60: {  	_ =	shalt  }
0x61: {  	_ =	shalt  }
0x62: {  	_ =	shalt  }
0x63: {  	_ =	shalt  }
0x64: {  	_ =	shalt  }
0x65: {  	_ =	shalt  }
0x66: {  	_ =	shalt  }
0x67: {  	_ =	shalt  }
0x68: {  	_ =	shalt  }
0x69: {  	_ =	shalt  }
0x6a: {  	_ =	shalt  }
0x6b: {  	_ =	shalt  }
0x6c: {  	_ =	shalt  }
0x6d: {  	_ =	shalt  }
0x6e: {  	_ =	shalt  }
0x6f: {  	_ =	shalt  }
0x70: {  	_ =	shalt  }
0x71: {  	_ =	shalt  }
0x72: {  	_ =	shalt  }
0x73: {  	_ =	shalt  }
0x74: {  	_ =	shalt  }
0x75: {  	_ =	shalt  }
0x76: {  	_ =	shalt  }
0x77: {  	_ =	shalt  }
0x78: {  	_ =	shalt  }
0x79: {  	_ =	shalt  }
0x7a: {  	_ =	shalt  }
0x7b: {  	_ =	shalt  }
0x7c: {  	_ =	shalt  }
0x7d: {  	_ =	shalt  }
0x7e: {  	_ =	shalt  }
0x7f: {  	_ =	shalt  }
0x80: {  	_ =	shalt  }
0x81: {  	_ =	shalt  }
0x82: {  	_ =	shalt  }
0x83: {  	_ =	shalt  }
0x84: {  	_ =	shalt  }
0x85: {  	_ =	shalt  }
0x86: {  	_ =	shalt  }
0x87: {  	_ =	shalt  }
.Lfunc_end0:
.L_simem_size_0:
called_computation.4_lowered:
.L_overlay_start_0:
0x88: {  	s2 =	sld [smem:$0x3FD9]  }
0x89: {  	s3 =	sld [smem:$0x3FFE];
	_ =	sdelay $0x1  }
0x8a: {  	s1 =	srdreg.scid  }
0x8b: {  	s0 =	sand.u32 $0x1, s1  }
0x8c: {  	s16 =	sshll.u32 s0, $0xA;
	s2 =	sadd.s32 s3, s2  }
0x8d: {  	s2 =	sadd.s32 s2, s16  }
0x8e: {  	[smem:$0x3FAC] =	sst s2  }
0x8f: {  	_ = 	snop  }
0x90: {  	(tm) =	ssettm $0x1  }
0x91: {  	s17 =	sld [smem:$0x3FFB];
	_ =	sdelay $0x3  }
0x92: {  	_ =	strace s17  }
0x93: {  	s2 =	sld [smem:$0x3FFC];
	_ =	sdelay $0x3  }
0x94: {  	_ =	strace s2  }
0x95: {  	s2 =	sld [smem:$0x3FFD];
	_ =	sdelay $0x3  }
0x96: {  	_ =	strace s2  }
0x97: {  	_ =	strace $0x8FFFFFFF  }
0x98: {  	s18 =	sld [smem:$0x3FDB];
	_ =	sdelay $0x1  }
0x99: {  	s19 =	simm.s32 $_scs_section_size  }
0x9a: {  	s4 =	simm.s32 $_size__tile_overlayer_lowered;
	s5 =	simm.s32 $_tile_overlayer_lowered  }
0x9b: {  	s22 =	simm.s32 $0x1BFF;
	s21 =	sshll.u32 s5, $0x1;
	s2 =	sadd.s32 s19, s18  }
0x9c: {  	s6 =	simm.s32 $0x0;
	s20 =	sshll.u32 s4, $0x1;
	s4 =	sadd.s32 s21, s2  }
0x9d: {  	[timem:s6], [sflag:s22] =	dma.local [hbm:s4], s20  }
0x9e: {  	_ =	swait.ge [sflag:s22], s20  }
0x9f: {  	s3 =	ssub.s32 $0x0, s20;
	[sflag:s22] =	ssyncset.done $0x0  }
0xa0: {  	[sflag:s22] =	ssyncadd.s32 s3;
	_ =	sdelay $0x1  }
0xa1: {  	s23 =	simm.s32 $0x1B8B  }
0xa2: {  	_ =	swait.ge [sflag:s23], $0x1  }
0xa3: {  	[sflag:s23] =	ssyncset.done $0x0  }
0xa4: {  	s25 =	simm.s32 $0x1B8E;
	s24 =	sld [smem:$0x3FFE];
	[sflag:s23] =	ssyncadd.s32 $0xFFFFFFFF  }
0xa5: {  	s26 =	simm.s32 $execute0_lowered;
	[smem:$0x3FD2] =	sst s25  }
0xa6: {  	s4 =	sshll.u32 s26, $0x1;
	_ =	strace $0x80000052;
	[dreg:$0x1] =	wrdreg $0xFFFFFFFF  }
0xa7: {  	s28 =	simm.s32 $_size_execute0_lowered;
	s2 =	sadd.s32 s2, s4;
	[dreg:$0x0] =	wrdreg $0x0  }
0xa8: {  	s4 =	sshll.u32 s28, $0x1;
	[dreg:$0x2] =	wrdreg s2  }
0xa9: {  	[dreg:$0x3] =	wrdreg s4  }
0xaa: {  	[dreg:$0x4] =	wrdreg $0xC0  }
0xab: {  	_ =	task [dreg:s6], $0x5FFFF  }
0xac: {  	[dreg:$0x1] =	wrdreg $0xFFFFFFFF  }
0xad: {  	[dreg:$0x0] =	wrdreg $0x60  }
0xae: {  	[dreg:$0x2] =	wrdreg s24  }
0xaf: {  	[dreg:$0x3] =	wrdreg $0x9  }
0xb0: {  	_ =	task.clear_ibuf [dreg:s6], $0x4FFFF;
	_ =	strace $0x90000052  }
0xb1: {  	s29 =	simm.s32 $0x9;
	_ =	strace $0x80000054  }
0xb2: {  	_ =	swait.ge [sflag:s29], $0x1  }
0xb3: {  	[sflag:s29] =	ssyncadd.s32 $0xFFFFFFFF  }
0xb4: {  	_ =	strace $0x90000054  }
0xb5: {  	_ =	sfence  }
0xb6: {  	s30 =	sld [smem:$0x0];
	_ =	sdelay $0x2  }
0xb7: {  	s31 =	sshll.u32 s1, $0xD;
	s1 =	sshrl.u32 s1, $0x2  }
0xb8: {  	s3 =	sand.u32 $0x4000, s31;
	s1 =	sadd.s32 s1, s30  }
0xb9: {  	s0 =	sor.u32 s3, s0;
	s1 =	sshll.u32 s1, $0x11  }
0xba: {  	s0 =	sor.u32 s1, s0  }
0xbb: {  	s0 =	sadd.s32 $0x8F2B, s0  }
0xbc: {  	[sflag:s0] =	ssyncadd.remote.s32 $0x1  }
0xbd: {  	_ =	sfence.sel $0xFFFF  }
0xbe: {  	[dreg:$0x0] =	wrdreg $0xFFFFFFFF;
	(pc) =	sbr.abs _section_cstart, $3  }
0xbf: {  	[dreg:$0x1] =	wrdreg $0xFFFFFFFF  }
0xc0: {  	_ =	task.clear_ibuf [dreg:s6], $0x2FFFF;
	_ =	strace $0x9FFFFFFF  }
0xc1: {  	(tm) =	ssettm $0x7FFFFFFF  }
tec
execute0_lowered:
.L_overlay_start_1:
0x0: {  	(tag) =	ssettag $0x1  }
0x1: {  	s7 =	rddreg [dreg:$0x0]  }
0x2: {  	s0 =	rddreg [dreg:$0x1];
	s1 =	simm.s32 $0x0  }
0x3: {  	s4 =	srdreg.scid;
	s11 =	simm.s32 $0x1;
	s12 =	simm.s32 $0x14400  }
0x4: {  	s13 =	simm.s32 $0x0;
	[smem:$0x7FF] =	sst s1;
	s2 =	sadd.s32 $0xA8000, s7  }
0x5: {  	s3 =	sadd.s32 $0xC8600, s7;
	s8 =	sand.u32 $0x1, s4;
	s5 =	sadd.s32 $0xD3E00, s7  }
0x6: {  	s6 =	sadd.s32 $0xC8400, s7;
	s4 =	stileid.u32;
	s9 =	ssub.s32 $0x2, s8  }
0x7: {  	s7 =	sadd.s32 $0xDF600, s7;
	s8 =	sshll.u32 s8, $0x4;
	s10 =	sshrl.u32 s9, $0x1  }
0x8: {  	v0 =	vimm.s32 $0x3;
	v1 =	vlaneseq.u32;
	_ =	strace $0x80000053;
	s8 =	sor.u32 s4, s8;
	s9 =	ssub.s32 s9, s10  }
0x9: {  	v2 =	vimm.s32 $0x2;
	v3 =	vimm.s32 $0x1;
	v1 =	vmul.u32 $0x4, v1;
	s8 =	smul.u32 $0x2E00, s8;
	s10 =	simm.s32 $0x14C00;
	s9 =	smax.u32 s9, $0x1  }
.LBB2_1:
0xa: {  	[tilespmem:s10], [sflag:$0x1] =	stream.linear.gather [hbm4b:s6+s1], $0x80, $0x38;
	[tilespmem:$0x14C80] =	vst v63  }
0xb: {  	_ =	swait.ge [sflag:s11], $0x80  }
0xc: {  	[sflag:s11] =	ssyncset.done $0x0  }
0xd: {  	[sflag:s11] =	ssyncadd.s32 $0xFFFFFF80  }
0xe: {  	[tilespmem:s1], [sflag:$0x1] =	stream.linear.gather [hbm4b:s2+s1], $0x14000, $0x38;
	[tilespmem:$0x14C80] =	vst v63  }
0xf: {  	_ =	swait.ge [sflag:s11], $0x14000  }
0x10: {  	[sflag:s11] =	ssyncset.done $0x0  }
0x11: {  	s14 =	simm.s32 $0x0;
	[sflag:s11] =	ssyncadd.s32 $0xFFFEC000  }
.LBB2_2:
0x12: {  	s15 =	sshll.u32 s14, $0x9  }
0x13: {  	s15 =	sadd.s32 s8, s15  }
0x14: {  	s17 =	sshrl.u32 s15, $0x3  }
0x15: {  	s19 =	simm.s32 $0x0;
	s16 =	simm.s32 $0x14000;
	s18 =	sadd.s32 s3, s17  }
0x16: {  	[tilespmem:s16], [sflag:$0x1] =	stream.linear.gather [hbm4b:s18+s19], $0x200, $0x38;
	[tilespmem:$0x14C80] =	vst v63  }
0x17: {  	_ =	swait.ge [sflag:s11], $0x200  }
0x18: {  	[sflag:s11] =	ssyncset.done $0x0  }
0x19: {  	s31 =	sadd.s32 s5, s17;
	s17 =	simm.s32 $0x14200;
	[sflag:s11] =	ssyncadd.s32 $0xFFFFFE00  }
0x1a: {  	[tilespmem:s17], [sflag:$0x1] =	stream.linear.gather [hbm4b:s31+s19], $0x200, $0x38;
	[tilespmem:$0x14C80] =	vst v63  }
0x1b: {  	_ =	swait.ge [sflag:s11], $0x200  }
0x1c: {  	[sflag:s11] =	ssyncset.done $0x0  }
0x1d: {  	[sflag:s11] =	ssyncadd.s32 $0xFFFFFE00  }
0x1e: {  	v4 =	vld [tilespmem:s17+$0x0]  }
0x1f: {  	v5 =	vld [tilespmem:s16+$0x0];
	_ =	sdelay $0x4  }
0x20: {  	v4 =	vshll.u32 v4, $0x3;
	v5 =	vshll.u32 v5, $0x3  }
0x21: {  	v6 =	vor.u32 $0x4, v4;
	_ =	sdelay $0x3  }
0x22: {  	v7 =	vld.idx.msk [tilespmem:v5+s1+$0x0], $0xffff  }
0x23: {  	v6 =	vld.idx.msk [tilespmem:v6+s1+$0x0], $0xffff;
	_ =	sdelay $0x4  }
0x24: {  	v6 =	vadd.f32 v6, v7;
	v7 =	vld.msk [tilespmem:s10+$0x0], $0xffff;
	_ =	sdelay $0x1  }
0x25: {  	v8 =	vmul.f32 $2.000000030e-01, v6  }
0x26: {  	vm0 =	vgt.f32 v6, $0.0e+00  }
0x27: {  	v6 =	vsel vm0, v6, v8  }
0x28: {  	v6 =	vsub.f32 v6, v7;
	_ =	sdelay $0x1  }
0x29: {  	v6 =	vmul.f32 $1.442695020e+00, v6;
	_ =	sdelay $0x1  }
0x2a: {  	(erf) = vpow2.f32 v6;
	_ =	sdelay $0x2  }
0x2b: {  	v6 =	vmov s19  }
0x2c: {  	v6 =	vshll.u32 v6, $0x2  }
0x2d: {  	v6 =	vor.u32 v1, v6  }
0x2e: {  	v7 =	vor.u32 $0x1, v5  }
0x2f: {  	v58 =	vor.u32 $0x5, v4;
	_ =	sdelay $0x1  }
0x30: {  	v9 =	vpop (erf)  }
0x31: {  	[tilespmem:v6+s12+$0x0] =	vst.idx.msk $0xffff, v9  }
0x32: {  	v7 =	vld.idx.msk [tilespmem:v7+s1+$0x0], $0xffff  }
0x33: {  	v8 =	vld.idx.msk [tilespmem:v58+s1+$0x0], $0xffff;
	_ =	sdelay $0x4  }
0x34: {  	v9 =	vld.idx.msk [tilespmem:v3+s10+$0x0], $0xffff;
	v7 =	vadd.f32 v8, v7;
	_ =	sdelay $0x1  }
0x35: {  	v8 =	vmul.f32 $2.000000030e-01, v7  }
0x36: {  	vm13 =	vgt.f32 v7, $0.0e+00  }
0x37: {  	v7 =	vsel vm13, v7, v8  }
0x38: {  	v7 =	vsub.f32 v7, v9;
	_ =	sdelay $0x1  }
0x39: {  	v7 =	vmul.f32 $1.442695020e+00, v7;
	_ =	sdelay $0x1  }
0x3a: {  	(erf) = vpow2.f32 v7;
	_ =	sdelay $0x4  }
0x3b: {  	v7 =	vor.u32 $0x1, v6  }
0x3c: {  	v59 =	vor.u32 $0x2, v5  }
0x3d: {  	v60 =	vor.u32 $0x6, v4;
	_ =	sdelay $0x1  }
0x3e: {  	v10 =	vpop (erf)  }
0x3f: {  	[tilespmem:v7+s12+$0x0] =	vst.idx.msk $0xffff, v10  }
0x40: {  	v7 =	vld.idx.msk [tilespmem:v59+s1+$0x0], $0xffff  }
0x41: {  	v61 =	vld.idx.msk [tilespmem:v60+s1+$0x0], $0xffff;
	_ =	sdelay $0x4  }
0x42: {  	v62 =	vld.idx.msk [tilespmem:v2+s10+$0x0], $0xffff;
	v7 =	vadd.f32 v61, v7;
	_ =	sdelay $0x1  }
0x43: {  	v8 =	vmul.f32 $2.000000030e-01, v7  }
0x44: {  	vm14 =	vgt.f32 v7, $0.0e+00  }
0x45: {  	v7 =	vsel vm14, v7, v8  }
0x46: {  	v7 =	vsub.f32 v7, v62;
	_ =	sdelay $0x1  }
0x47: {  	v7 =	vmul.f32 $1.442695020e+00, v7;
	_ =	sdelay $0x1  }
0x48: {  	(erf) = vpow2.f32 v7;
	_ =	sdelay $0x4  }
0x49: {  	v7 =	vor.u32 $0x2, v6  }
0x4a: {  	v5 =	vor.u32 $0x3, v5  }
0x4b: {  	v4 =	vor.u32 $0x7, v4;
	_ =	sdelay $0x1  }
0x4c: {  	v63 =	vpop (erf)  }
0x4d: {  	[tilespmem:v7+s12+$0x0] =	vst.idx.msk $0xffff, v63  }
0x4e: {  	v5 =	vld.idx.msk [tilespmem:v5+s1+$0x0], $0xffff  }
0x4f: {  	v4 =	vld.idx.msk [tilespmem:v4+s1+$0x0], $0xffff;
	_ =	sdelay $0x4  }
0x50: {  	v7 =	vld.idx.msk [tilespmem:v0+s10+$0x0], $0xffff;
	v4 =	vadd.f32 v4, v5;
	_ =	sdelay $0x1  }
0x51: {  	v5 =	vmul.f32 $2.000000030e-01, v4  }
0x52: {  	vm15 =	vgt.f32 v4, $0.0e+00  }
0x53: {  	v4 =	vsel vm15, v4, v5  }
0x54: {  	v4 =	vsub.f32 v4, v7;
	_ =	sdelay $0x1  }
0x55: {  	v4 =	vmul.f32 $1.442695020e+00, v4;
	_ =	sdelay $0x1  }
0x56: {  	(erf) = vpow2.f32 v4;
	_ =	sdelay $0x3  }
0x57: {  	s18 =	simm.s32 $0x10;
	v4 =	vor.u32 $0x3, v6  }
.LBB2_3:
0x58: {  	_ = 	snop  }
0x59: {  	p0 =	sne.s32 s18, $0x1F0;
	s16 =	sadd.s32 $0x10, s16;
	s17 =	sadd.s32 $0x10, s17  }
0x5a: {  	s19 =	smov.u32 s18;
	s18 =	sadd.s32 $0x10, s18;
	_ =	sdelay $0x1  }
0x5b: {  	v5 =	vpop (erf)  }
0x5c: {  	[tilespmem:v4+s12+$0x0] =	vst.idx.msk $0xffff, v5  }
0x5d: {  	v4 =	vld [tilespmem:s17+$0x0]  }
0x5e: {  	v5 =	vld [tilespmem:s16+$0x0];
	_ =	sdelay $0x3  }
0x5f: {  	v4 =	vshll.u32 v4, $0x3  }
0x60: {  	v5 =	vshll.u32 v5, $0x3;
	v6 =	vor.u32 $0x4, v4;
	_ =	sdelay $0x4  }
0x61: {  	v6 =	vld.idx.msk [tilespmem:v6+s1+$0x0], $0xffff  }
0x62: {  	v7 =	vld.idx.msk [tilespmem:v5+s1+$0x0], $0xffff;
	_ =	sdelay $0x5  }
0x63: {  	v6 =	vadd.f32 v6, v7;
	v7 =	vld.msk [tilespmem:s10+$0x0], $0xffff;
	_ =	sdelay $0x1  }
0x64: {  	v8 =	vmul.f32 $2.000000030e-01, v6  }
0x65: {  	vm0 =	vgt.f32 v6, $0.0e+00  }
0x66: {  	v6 =	vsel vm0, v6, v8  }
0x67: {  	v6 =	vsub.f32 v6, v7;
	_ =	sdelay $0x1  }
0x68: {  	v6 =	vmul.f32 $1.442695020e+00, v6;
	_ =	sdelay $0x1  }
0x69: {  	(erf) = vpow2.f32 v6;
	_ =	sdelay $0x2  }
0x6a: {  	v6 =	vmov s19  }
0x6b: {  	v6 =	vshll.u32 v6, $0x2  }
0x6c: {  	v6 =	vor.u32 v1, v6  }
0x6d: {  	v7 =	vor.u32 $0x1, v5  }
0x6e: {  	v8 =	vor.u32 $0x5, v4;
	_ =	sdelay $0x1  }
0x6f: {  	v9 =	vpop (erf)  }
0x70: {  	[tilespmem:v6+s12+$0x0] =	vst.idx.msk $0xffff, v9  }
0x71: {  	v7 =	vld.idx.msk [tilespmem:v7+s1+$0x0], $0xffff  }
0x72: {  	v8 =	vld.idx.msk [tilespmem:v8+s1+$0x0], $0xffff;
	_ =	sdelay $0x4  }
0x73: {  	v9 =	vld.idx.msk [tilespmem:v3+s10+$0x0], $0xffff  }
0x74: {  	v7 =	vadd.f32 v8, v7;
	_ =	sdelay $0x1  }
0x75: {  	v8 =	vmul.f32 $2.000000030e-01, v7  }
0x76: {  	vm0 =	vgt.f32 v7, $0.0e+00  }
0x77: {  	v7 =	vsel vm0, v7, v8  }
0x78: {  	v7 =	vsub.f32 v7, v9;
	_ =	sdelay $0x1  }
0x79: {  	v7 =	vmul.f32 $1.442695020e+00, v7;
	_ =	sdelay $0x1  }
0x7a: {  	(erf) = vpow2.f32 v7;
	_ =	sdelay $0x4  }
0x7b: {  	v7 =	vor.u32 $0x1, v6  }
0x7c: {  	v8 =	vor.u32 $0x2, v5  }
0x7d: {  	v9 =	vor.u32 $0x6, v4;
	_ =	sdelay $0x1  }
0x7e: {  	v10 =	vpop (erf)  }
0x7f: {  	[tilespmem:v7+s12+$0x0] =	vst.idx.msk $0xffff, v10  }
0x80: {  	v7 =	vld.idx.msk [tilespmem:v8+s1+$0x0], $0xffff  }
0x81: {  	v8 =	vld.idx.msk [tilespmem:v9+s1+$0x0], $0xffff;
	_ =	sdelay $0x4  }
0x82: {  	v9 =	vld.idx.msk [tilespmem:v2+s10+$0x0], $0xffff  }
0x83: {  	v7 =	vadd.f32 v8, v7;
	_ =	sdelay $0x1  }
0x84: {  	v8 =	vmul.f32 $2.000000030e-01, v7  }
0x85: {  	vm0 =	vgt.f32 v7, $0.0e+00  }
0x86: {  	v7 =	vsel vm0, v7, v8  }
0x87: {  	v7 =	vsub.f32 v7, v9;
	_ =	sdelay $0x1  }
0x88: {  	v7 =	vmul.f32 $1.442695020e+00, v7;
	_ =	sdelay $0x1  }
0x89: {  	(erf) = vpow2.f32 v7;
	_ =	sdelay $0x4  }
0x8a: {  	v7 =	vor.u32 $0x2, v6  }
0x8b: {  	v5 =	vor.u32 $0x3, v5;
	v4 =	vor.u32 $0x7, v4;
	_ =	sdelay $0x2  }
0x8c: {  	v8 =	vpop (erf)  }
0x8d: {  	[tilespmem:v7+s12+$0x0] =	vst.idx.msk $0xffff, v8  }
0x8e: {  	v5 =	vld.idx.msk [tilespmem:v5+s1+$0x0], $0xffff  }
0x8f: {  	v4 =	vld.idx.msk [tilespmem:v4+s1+$0x0], $0xffff  }
0x90: {  	v7 =	vld.idx.msk [tilespmem:v0+s10+$0x0], $0xffff;
	_ =	sdelay $0x4  }
0x91: {  	v4 =	vadd.f32 v4, v5;
	_ =	sdelay $0x1  }
0x92: {  	vm0 =	vgt.f32 v4, $0.0e+00;
	v5 =	vmul.f32 $2.000000030e-01, v4;
	_ =	sdelay $0x1  }
0x93: {  	v4 =	vsel vm0, v4, v5  }
0x94: {  	v4 =	vsub.f32 v4, v7;
	_ =	sdelay $0x1  }
0x95: {  	v4 =	vmul.f32 $1.442695020e+00, v4;
	_ =	sdelay $0x1  }
.Ltmp0:
0x96: {  	(erf) = vpow2.f32 v4;
	(pc) =	sbr.rel @p0 .LBB2_3-.Ltmp0, $2  }
0x97: {  	_ =	sdelay $0x2  }
0x98: {  	v4 =	vor.u32 $0x3, v6  }
0x99: {  	_ =	sdelay $0x2  }
0x9a: {  	s14 =	sadd.s32 $0x1, s14  }
0x9b: {  	s15 =	sshrl.u32 s15, $0x1;
	p0 =	sne.s32 s14, $0x17;
	v5 =	vpop (erf)  }
.Ltmp1:
0x9c: {  	s15 =	sadd.s32 s7, s15;
	[tilespmem:v4+s12+$0x0] =	vst.idx.msk $0xffff, v5;
	(pc) =	sbr.rel @p0 .LBB2_2-.Ltmp1, $4  }
0x9d: {  	[hbm4b:s15+s1] =	stream.linear.scatter [tilespmem:s12], [sflag:$0x1], $0x800, $0x38;
	[tilespmem:$0x14C80] =	vst v63  }
0x9e: {  	_ =	swait.ge [sflag:s11], $0x800  }
0x9f: {  	[sflag:s11] =	ssyncset.done $0x0  }
0xa0: {  	[sflag:s11] =	ssyncadd.s32 $0xFFFFF800  }
0xa1: {  	s13 =	sadd.s32 $0x1, s13  }
0xa2: {  	p0 =	sne.s32 s13, s9  }
.Ltmp2:
0xa3: {  	_ = 	snop;
	(pc) =	sbr.rel @p0 .LBB2_1-.Ltmp2, $1  }
0xa4: {  	_ =	sdelay $0x3  }
0xa5: {  	_ =	sfence.sel $0x180000  }
0xa6: {  	[bflag:$0x0] =	sbarrier.arrive $0xFFFF  }
0xa7: {  	p0 =	sne.s32 s4, $0x0;
	_ =	strace $0x90000053  }
0xa8: {  	s0 =	sadd.s32 @!p0 $0x100000, s0;
	[bflag:$0x2] =	sbarrier.arrive $0xFFFF  }
0xa9: {  	[sflag:s0] =	ssyncadd.tile.s32 @!p0 $0x1;
	_ =	shalt  }
.Lfunc_end2:
_tile_overlayer_lowered:
.L_overlay_start_2:
0xaa: {  	(tag) =	ssettag $0x2  }
0xab: {  	s0 =	rddreg [dreg:$0x0];
	s2 =	stileid.u32  }
0xac: {  	s1 =	rddreg [dreg:$0x1];
	p0 =	sne.s32 s2, $0x0  }
0xad: {  	s3 =	rddreg [dreg:$0x2];
	[bflag:$0x3] =	sbarrier.arrive $0xFFFF;
	s2 =	simm.s32 @!p0 $0x1C01  }
0xae: {  	[timem:s3], [sflag:s2] =	dma.local @!p0 [hbm:s0], s1  }
0xaf: {  	s0 =	simm.s32 @!p0 $0x1  }
0xb0: {  	_ =	swait.ge @!p0 [sflag:s0], s1  }
0xb1: {  	s1 =	ssub.s32 @!p0 $0x0, s1;
	[sflag:s0] =	ssyncset.done @!p0 $0x0  }
0xb2: {  	[sflag:s0] =	ssyncadd.s32 @!p0 s1  }
0xb3: {  	[bflag:$0x3] =	sbarrier.arrive $0xFFFF  }
0xb4: {  	_ =	shalt  }

// kernel: kernel.18.cloned.1.call-start
scs
__scs_entry_jumppad:
0x0: {  	(pc) =	sbr.rel $0x88, $3  }
0x1: {  	(tag) =	ssettag $0x0;
	lr =	simm.s32 $0x1  }
0x2: {  	[smem:$0x3F85] =	sst lr;
	_ =	strace $0xD0000000  }
0x3: {  	_ = 	snop  }
0x4: {  	_ = 	snop  }
0x5: {  	_ = 	snop  }
0x6: {  	_ = 	snop  }
0x7: {  	_ = 	snop  }
__scs_overlays_trampoline_lowered:
0x8: {  	[smem:$0x3F94] =	sst s0  }
0x9: {  	[smem:$0x3F95] =	sst s1  }
0xa: {  	[smem:$0x3F96] =	sst s2  }
0xb: {  	[smem:$0x3F97] =	sst s3  }
0xc: {  	[smem:$0x3F98] =	sst s4  }
0xd: {  	[smem:$0x3F99] =	sst s5  }
0xe: {  	[smem:$0x3F9A] =	sst s6  }
0xf: {  	[smem:$0x3F9B] =	sst s7  }
0x10: {  	[smem:$0x3F9C] =	sst s8  }
0x11: {  	[smem:$0x3F9D] =	sst s9;
	s0 =	simm.s32 @!p0 $0x0  }
0x12: {  	s1 =	sld [smem:$0x3F83];
	s0 =	simm.s32 @p0 $0x1  }
0x13: {  	[smem:$0x3F9E] =	sst s0;
	s0 =	simm.s32 @!p1 $0x0  }
0x14: {  	s2 =	sld [smem:$0x3F82];
	s0 =	simm.s32 @p1 $0x1  }
0x15: {  	[smem:$0x3F9F] =	sst s0;
	s0 =	simm.s32 @!p2 $0x0  }
0x16: {  	s3 =	sld [smem:$0x3FDB];
	s0 =	simm.s32 @p2 $0x1  }
0x17: {  	s4 =	simm.s32 $0x1BF5;
	[smem:$0x3FA1] =	sst s0  }
0x18: {  	s0 =	sld [smem:$0x3F84];
	_ =	swait.ge [sflag:s4], $0x0  }
0x19: {  	s7 =	sld [smem:$0x3F85]  }
0x1a: {  	s8 =	sadd.s32 $0xFFFFE003, lr  }
0x1b: {  	s9 =	sadd.s32 $0xFFFFFEF7, lr;
	s5 =	simm.s32 $0xFFFFFFFF;
	p2 =	slt.u32 s8, $0xFFFFF086  }
0x1c: {  	p1 =	slt.u32 s9, $0xF7A;
	s5 =	simm.s32 @!p2 $0x0  }
0x1d: {  	s5 =	simm.s32 @p1 $0x1;
	p0 =	seq.s32 s7, s2  }
0x1e: {  	s7 =	smul.u32 @!p0 $0xF7A, s2;
	p2 =	seq.s32 @!p0 s5, $0x0  }
0x1f: {  	s9 =	smul.u32 $0xF7A, s1;
	s8 =	simm.s32 @!p0 $0x1BF5;
	p2 =	por !p2, p0  }
0x20: {  	[sflag:s8] =	ssyncset.s32 @!p0 $0xFFFFF086;
	s6 =	sadd.s32 @!p0 s3, s7;
	s7 =	simm.s32 @!p0 $0x108  }
0x21: {  	s3 =	sadd.s32 s3, s9;
	s6 =	sadd.s32 @!p0 $0x88, s6;
	s7 =	simm.s32 @p2 $0x1082  }
0x22: {  	[simem:s7], [sflag:s8] =	dma.local @!p0 [hbm:s6], $0xF7A  }
0x23: {  	s9 =	sor.u32 $0xD0000000, s2;
	s6 =	simm.s32 $0x108;
	_ =	swait.ge @!p0 [sflag:s8], $0x0  }
0x24: {  	s3 =	sadd.s32 $0x88, s3;
	s6 =	simm.s32 @!p1 $0x1082;
	[sflag:s4] =	ssyncset.s32 $0xFFFFF086  }
0x25: {  	[simem:s6], [sflag:s4] =	dma.local [hbm:s3], $0xF7A  }
0x26: {  	[smem:$0x3F85] =	sst s1;
	(tag) =	ssettag s2;
	_ =	strace s9  }
0x27: {  	s1 =	sld [smem:$0x3F95]  }
0x28: {  	s2 =	sld [smem:$0x3F96]  }
0x29: {  	s4 =	sld [smem:$0x3F98]  }
0x2a: {  	p0 =	seq.s32 s5, $0x0;
	s5 =	sld [smem:$0x3F99]  }
0x2b: {  	s6 =	sld [smem:$0x3F9A]  }
0x2c: {  	s7 =	sld [smem:$0x3F9B]  }
0x2d: {  	s3 =	simm.s32 $0x108;
	s8 =	sld [smem:$0x3F9C]  }
0x2e: {  	s3 =	simm.s32 @!p0 $0x1082;
	s9 =	sld [smem:$0x3F9D]  }
0x2f: {  	lr =	sadd.s32 s0, s3;
	s0 =	sld [smem:$0x3F94]  }
0x30: {  	s3 =	sld [smem:$0x3F97]  }
0x31: {  	[smem:$0x3FA0] =	sst s10  }
0x32: {  	s10 =	sld [smem:$0x3F9E];
	_ =	sdelay $0x3  }
0x33: {  	p0 =	seq.s32 s10, $0x1;
	s10 =	sld [smem:$0x3FA0];
	_ =	sdelay $0x3  }
0x34: {  	[smem:$0x3FA0] =	sst s10  }
0x35: {  	s10 =	sld [smem:$0x3F9F];
	_ =	sdelay $0x3  }
0x36: {  	p1 =	seq.s32 s10, $0x1;
	s10 =	sld [smem:$0x3FA0];
	_ =	sdelay $0x3  }
0x37: {  	[smem:$0x3FA0] =	sst s10  }
0x38: {  	s10 =	sld [smem:$0x3FA1]  }
0x39: {  	_ = 	snop;
	(pc) =	sbr.ind lr, $3  }
0x3a: {  	_ = 	snop  }
0x3b: {  	_ = 	snop  }
0x3c: {  	p2 =	seq.s32 s10, $0x1;
	s10 =	sld [smem:$0x3FA0]  }
0x3d: {  	_ =	shalt  }
0x3e: {  	_ =	shalt  }
0x3f: {  	_ =	shalt  }
0x40: {  	_ =	shalt  }
0x41: {  	_ =	shalt  }
0x42: {  	_ =	shalt  }
0x43: {  	_ =	shalt  }
0x44: {  	_ =	shalt  }
0x45: {  	_ =	shalt  }
0x46: {  	_ =	shalt  }
0x47: {  	_ =	shalt  }
0x48: {  	_ =	shalt  }
0x49: {  	_ =	shalt  }
0x4a: {  	_ =	shalt  }
0x4b: {  	_ =	shalt  }
0x4c: {  	_ =	shalt  }
0x4d: {  	_ =	shalt  }
0x4e: {  	_ =	shalt  }
0x4f: {  	_ =	shalt  }
0x50: {  	_ =	shalt  }
0x51: {  	_ =	shalt  }
0x52: {  	_ =	shalt  }
0x53: {  	_ =	shalt  }
0x54: {  	_ =	shalt  }
0x55: {  	_ =	shalt  }
0x56: {  	_ =	shalt  }
0x57: {  	_ =	shalt  }
0x58: {  	_ =	shalt  }
0x59: {  	_ =	shalt  }
0x5a: {  	_ =	shalt  }
0x5b: {  	_ =	shalt  }
0x5c: {  	_ =	shalt  }
0x5d: {  	_ =	shalt  }
0x5e: {  	_ =	shalt  }
0x5f: {  	_ =	shalt  }
0x60: {  	_ =	shalt  }
0x61: {  	_ =	shalt  }
0x62: {  	_ =	shalt  }
0x63: {  	_ =	shalt  }
0x64: {  	_ =	shalt  }
0x65: {  	_ =	shalt  }
0x66: {  	_ =	shalt  }
0x67: {  	_ =	shalt  }
0x68: {  	_ =	shalt  }
0x69: {  	_ =	shalt  }
0x6a: {  	_ =	shalt  }
0x6b: {  	_ =	shalt  }
0x6c: {  	_ =	shalt  }
0x6d: {  	_ =	shalt  }
0x6e: {  	_ =	shalt  }
0x6f: {  	_ =	shalt  }
0x70: {  	_ =	shalt  }
0x71: {  	_ =	shalt  }
0x72: {  	_ =	shalt  }
0x73: {  	_ =	shalt  }
0x74: {  	_ =	shalt  }
0x75: {  	_ =	shalt  }
0x76: {  	_ =	shalt  }
0x77: {  	_ =	shalt  }
0x78: {  	_ =	shalt  }
0x79: {  	_ =	shalt  }
0x7a: {  	_ =	shalt  }
0x7b: {  	_ =	shalt  }
0x7c: {  	_ =	shalt  }
0x7d: {  	_ =	shalt  }
0x7e: {  	_ =	shalt  }
0x7f: {  	_ =	shalt  }
0x80: {  	_ =	shalt  }
0x81: {  	_ =	shalt  }
0x82: {  	_ =	shalt  }
0x83: {  	_ =	shalt  }
0x84: {  	_ =	shalt  }
0x85: {  	_ =	shalt  }
0x86: {  	_ =	shalt  }
0x87: {  	_ =	shalt  }
.Lfunc_end0:
.L_simem_size_0:
called_computation.5_lowered:
.L_overlay_start_0:
0x88: {  	s2 =	sld [smem:$0x3FD9]  }
0x89: {  	s3 =	sld [smem:$0x3FFE];
	_ =	sdelay $0x1  }
0x8a: {  	s1 =	srdreg.scid  }
0x8b: {  	s0 =	sand.u32 $0x1, s1  }
0x8c: {  	s16 =	sshll.u32 s0, $0xA;
	s2 =	sadd.s32 s3, s2  }
0x8d: {  	s2 =	sadd.s32 s2, s16  }
0x8e: {  	[smem:$0x3FAC] =	sst s2  }
0x8f: {  	_ = 	snop  }
0x90: {  	(tm) =	ssettm $0x1  }
0x91: {  	s17 =	sld [smem:$0x3FFB];
	_ =	sdelay $0x3  }
0x92: {  	_ =	strace s17  }
0x93: {  	s2 =	sld [smem:$0x3FFC];
	_ =	sdelay $0x3  }
0x94: {  	_ =	strace s2  }
0x95: {  	s2 =	sld [smem:$0x3FFD];
	_ =	sdelay $0x3  }
0x96: {  	_ =	strace s2  }
0x97: {  	_ =	strace $0x8FFFFFFF  }
0x98: {  	s18 =	sld [smem:$0x3FDB];
	_ =	sdelay $0x1  }
0x99: {  	s19 =	simm.s32 $_scs_section_size  }
0x9a: {  	s4 =	simm.s32 $_size__tile_overlayer_lowered;
	s5 =	simm.s32 $_tile_overlayer_lowered  }
0x9b: {  	s22 =	simm.s32 $0x1BFF;
	s21 =	sshll.u32 s5, $0x1;
	s2 =	sadd.s32 s19, s18  }
0x9c: {  	s6 =	simm.s32 $0x0;
	s20 =	sshll.u32 s4, $0x1;
	s4 =	sadd.s32 s21, s2  }
0x9d: {  	[timem:s6], [sflag:s22] =	dma.local [hbm:s4], s20  }
0x9e: {  	_ =	swait.ge [sflag:s22], s20  }
0x9f: {  	s3 =	ssub.s32 $0x0, s20;
	[sflag:s22] =	ssyncset.done $0x0  }
0xa0: {  	[sflag:s22] =	ssyncadd.s32 s3;
	_ =	sdelay $0x1  }
0xa1: {  	s23 =	simm.s32 $0x1B8B  }
0xa2: {  	_ =	swait.ge [sflag:s23], $0x1  }
0xa3: {  	[sflag:s23] =	ssyncset.done $0x0  }
0xa4: {  	s25 =	simm.s32 $0x1B8E;
	s24 =	sld [smem:$0x3FFE];
	[sflag:s23] =	ssyncadd.s32 $0xFFFFFFFF  }
0xa5: {  	s26 =	simm.s32 $execute0_lowered;
	[smem:$0x3FD2] =	sst s25  }
0xa6: {  	s4 =	sshll.u32 s26, $0x1;
	_ =	strace $0x80000055;
	[dreg:$0x1] =	wrdreg $0xFFFFFFFF  }
0xa7: {  	s28 =	simm.s32 $_size_execute0_lowered;
	s2 =	sadd.s32 s2, s4;
	[dreg:$0x0] =	wrdreg $0x0  }
0xa8: {  	s4 =	sshll.u32 s28, $0x1;
	[dreg:$0x2] =	wrdreg s2  }
0xa9: {  	[dreg:$0x3] =	wrdreg s4  }
0xaa: {  	[dreg:$0x4] =	wrdreg $0xC0  }
0xab: {  	_ =	task [dreg:s6], $0x5FFFF  }
0xac: {  	[dreg:$0x1] =	wrdreg $0xFFFFFFFF  }
0xad: {  	[dreg:$0x0] =	wrdreg $0x60  }
0xae: {  	[dreg:$0x2] =	wrdreg s24  }
0xaf: {  	[dreg:$0x3] =	wrdreg $0x9  }
0xb0: {  	_ =	task.clear_ibuf [dreg:s6], $0x4FFFF;
	_ =	strace $0x90000055  }
0xb1: {  	s29 =	simm.s32 $0x9;
	_ =	strace $0x80000057  }
0xb2: {  	_ =	swait.ge [sflag:s29], $0x1  }
0xb3: {  	[sflag:s29] =	ssyncadd.s32 $0xFFFFFFFF  }
0xb4: {  	_ =	strace $0x90000057  }
0xb5: {  	_ =	sfence  }
0xb6: {  	s30 =	sld [smem:$0x0];
	_ =	sdelay $0x2  }
0xb7: {  	s31 =	sshll.u32 s1, $0xD;
	s1 =	sshrl.u32 s1, $0x2  }
0xb8: {  	s3 =	sand.u32 $0x4000, s31;
	s1 =	sadd.s32 s1, s30  }
0xb9: {  	s0 =	sor.u32 s3, s0;
	s1 =	sshll.u32 s1, $0x11  }
0xba: {  	s0 =	sor.u32 s1, s0  }
0xbb: {  	s0 =	sadd.s32 $0x8F2B, s0  }
0xbc: {  	[sflag:s0] =	ssyncadd.remote.s32 $0x1  }
0xbd: {  	_ =	sfence.sel $0xFFFF  }
0xbe: {  	[dreg:$0x0] =	wrdreg $0xFFFFFFFF;
	(pc) =	sbr.abs _section_cstart, $3  }
0xbf: {  	[dreg:$0x1] =	wrdreg $0xFFFFFFFF  }
0xc0: {  	_ =	task.clear_ibuf [dreg:s6], $0x2FFFF;
	_ =	strace $0x9FFFFFFF  }
0xc1: {  	(tm) =	ssettm $0x7FFFFFFF  }
tec
execute0_lowered:
.L_overlay_start_1:
0x0: {  	(tag) =	ssettag $0x1  }
0x1: {  	v0 =	vlaneseq.u32;
	s0 =	rddreg [dreg:$0x0];
	s1 =	simm.s32 $0x0  }
0x2: {  	vm0 =	vmmov $0xffff;
	s17 =	srdreg.scid;
	s24 =	stileid.u32;
	s16 =	simm.s32 $0x2;
	v1 =	vand.u32 $0x7, v0  }
0x3: {  	s10 =	simm.s32 $0x80;
	s11 =	simm.s32 $0x400;
	s28 =	simm.s32 $0x8980;
	v2 =	vshrl.u32 v0, $0x3;
	v3 =	vor.u32 $0x8, v0;
	v4 =	vmul.u32 $0x4, v0  }
0x4: {  	s29 =	simm.s32 $0x9180;
	s30 =	simm.s32 $0x9980;
	s31 =	simm.s32 $0xA180;
	v5 =	vor.u32 $0x10, v0;
	v6 =	vor.u32 $0x20, v0;
	v7 =	vor.u32 $0x30, v0  }
0x5: {  	s15 =	simm.s32 $0xB180;
	s9 =	simm.s32 $0xC180;
	[smem:$0x7FF] =	sst s1;
	v8 =	vor.u32 $0x40, v0;
	v9 =	vor.u32 $0x50, v0;
	v10 =	vor.u32 $0x60, v0  }
0x6: {  	s7 =	simm.s32 $0x0;
	s2 =	sadd.s32 $0x10D600, s0;
	v11 =	vor.u32 $0x70, v0;
	v12 =	vor.u32 $0x80, v0;
	s3 =	sadd.s32 $0x37E00, s0;
	v13 =	vor.u32 $0x90, v0  }
0x7: {  	s18 =	sadd.s32 $0x7E00, s0;
	v14 =	vor.u32 $0xA0, v0;
	v15 =	vor.u32 $0xB0, v0;
	v16 =	vor.u32 $0xC0, v0;
	_ =	strace $0x80000056;
	[dreg:$0x2] =	wrdreg s3  }
0x8: {  	s1 =	sand.u32 $0x1, s17;
	s19 =	sadd.s32 $0xB6000, s0;
	v17 =	vor.u32 $0xD0, v0;
	v18 =	vor.u32 $0xE0, v0;
	v19 =	vor.u32 $0xF0, v0;
	[dreg:$0x3] =	wrdreg s18  }
0x9: {  	s20 =	sadd.s32 $0xC1800, s0;
	s4 =	sadd.s32 $0xC3800, s0;
	v20 =	vor.u32 $0x100, v0;
	v21 =	vor.u32 $0x110, v0;
	v22 =	vor.u32 $0x120, v0;
	[dreg:$0x4] =	wrdreg s19  }
0xa: {  	s22 =	sadd.s32 $0x1FD600, s0;
	s5 =	sadd.s32 $0xC3A00, s0;
	v23 =	vor.u32 $0x130, v0;
	v24 =	vor.u32 $0x140, v0;
	v25 =	vor.u32 $0x150, v0;
	[dreg:$0x5] =	wrdreg s20  }
0xb: {  	s25 =	sshll.u32 s24, $0x7;
	s12 =	sadd.s32 $0x10D700, s0;
	v26 =	vor.u32 $0x160, v0;
	v27 =	vor.u32 $0x170, v0;
	v28 =	vor.u32 $0x180, v0;
	[dreg:$0x6] =	wrdreg s4  }
0xc: {  	s14 =	sadd.s32 $0x10D800, s0;
	v29 =	vor.u32 $0x190, v0;
	v30 =	vor.u32 $0x1A0, v0;
	v31 =	vor.u32 $0x1B0, v0;
	s24 =	simm.s32 $0x7180;
	[dreg:$0x7] =	wrdreg s22  }
0xd: {  	v32 =	vor.u32 $0x1C0, v0;
	v33 =	vor.u32 $0x1D0, v0;
	v34 =	vor.u32 $0x1E0, v0;
	s0 =	simm.s32 $0xA980;
	s21 =	ssub.s32 $0x2, s1;
	[dreg:$0x8] =	wrdreg s5  }
0xe: {  	v35 =	vor.u32 $0x1F0, v0;
	v36 =	vor.u32 $0x200, v0;
	v37 =	vor.u32 $0x210, v0;
	s1 =	sshll.u32 s1, $0x4;
	s8 =	sand.u32 $0x380, s25;
	s19 =	simm.s32 $0x3000  }
0xf: {  	v38 =	vor.u32 $0x220, v0;
	v39 =	vor.u32 $0x230, v0;
	v40 =	vor.u32 $0x240, v0;
	s20 =	simm.s32 $0x3B80;
	s22 =	simm.s32 $0x1BC80;
	s25 =	simm.s32 $0x7980  }
0x10: {  	v41 =	vor.u32 $0x250, v0;
	v42 =	vor.u32 $0x260, v0;
	v43 =	vor.u32 $0x270, v0;
	s5 =	simm.s32 $0x0;
	s23 =	sshrl.u32 s21, $0x1;
	[dreg:$0x9] =	wrdreg s1  }
0x11: {  	v44 =	vor.u32 $0x280, v0;
	v45 =	vor.u32 $0x290, v0;
	v46 =	vor.u32 $0x2A0, v0;
	s1 =	simm.s32 $0xB980;
	[dreg:$0xa] =	wrdreg s8;
	s3 =	ssub.s32 s21, s23  }
0x12: {  	v47 =	vor.u32 $0x2B0, v0;
	v48 =	vor.u32 $0x2C0, v0;
	v49 =	vor.u32 $0x2D0, v0;
	s21 =	simm.s32 $0xC980;
	s23 =	simm.s32 $0x6980;
	s26 =	smax.u32 s3, $0x1  }
0x13: {  	v50 =	vor.u32 $0x2E0, v0;
	v51 =	vor.u32 $0x2F0, v0;
	v2 =	vmul.u32 $0x8, v2;
	s3 =	simm.s32 $0x1;
	[dreg:$0xb] =	wrdreg s26;
	s26 =	simm.s32 $0x8180  }
.LBB2_1:
0x14: {  	[dreg:$0xc] =	wrdreg s5;
	s4 =	simm.s32 $0x0  }
.LBB2_2:
0x15: {  	s5 =	sshll.u32 s4, $0x5;
	s17 =	rddreg [dreg:$0x9]  }
0x16: {  	s18 =	stileid.u32;
	s5 =	sor.u32 s5, s17  }
0x17: {  	[dreg:$0xd] =	wrdreg s4;
	s4 =	sor.u32 s18, s5  }
0x18: {  	s5 =	smul.u32 $0x600, s4  }
0x19: {  	s6 =	rddreg [dreg:$0x3];
	s13 =	sshrl.u32 s4, $0x3  }
0x1a: {  	[dreg:$0xe] =	wrdreg s4;
	s5 =	sadd.s32 s6, s5;
	s6 =	smul.u32 $0x5C00, s13  }
0x1b: {  	[tilespmem:s7], [sflag:$0x2] =	stream.linear.gather [hbm4b:s5+s7], $0x2E00, $0x38;
	[tilespmem:$0x1BE00] =	vst v63  }
0x1c: {  	s4 =	smul.u32 $0x17000, s13;
	_ =	swait.ge [sflag:s16], $0x2E00;
	s17 =	sor.u32 s8, s6  }
0x1d: {  	[sflag:s16] =	ssyncset.done $0x0;
	s5 =	sshrl.u32 s17, $0x3;
	s18 =	rddreg [dreg:$0x4]  }
0x1e: {  	[dreg:$0xf] =	wrdreg s13;
	[sflag:s16] =	ssyncadd.s32 $0xFFFFD200;
	s5 =	sadd.s32 s18, s5  }
0x1f: {  	[tilespmem:s19], [sflag:$0x2] =	stream.strided.gather [hbm4b:s5+s10], $0xB80, s11, s10, $0x38;
	[tilespmem:$0x1BE00] =	vst v63  }
0x20: {  	s8 =	sor.u32 s8, s4;
	_ =	swait.ge [sflag:s16], $0xB80  }
0x21: {  	s5 =	sshrl.u32 s8, $0x3;
	[sflag:s16] =	ssyncset.done $0x0;
	s13 =	rddreg [dreg:$0x2]  }
0x22: {  	[sflag:s16] =	ssyncadd.s32 $0xFFFFF480;
	s5 =	sadd.s32 s13, s5  }
0x23: {  	[tilespmem:s20], [sflag:$0x2] =	stream.strided.gather [hbm4b:s5+s10], $0x2E00, s11, s10, $0x38;
	[tilespmem:$0x1BE00] =	vst v63  }
0x24: {  	_ =	swait.ge [sflag:s16], $0x2E00  }
0x25: {  	[sflag:s16] =	ssyncset.done $0x0  }
0x26: {  	s17 =	rddreg [dreg:$0x5];
	[sflag:s16] =	ssyncadd.s32 $0xFFFFD200  }
0x27: {  	[tilespmem:s21], [sflag:$0x2] =	stream.linear.gather [hbm4b:s17+s7], $0xF300, $0x38;
	[tilespmem:$0x1BE00] =	vst v63  }
0x28: {  	_ =	swait.ge [sflag:s16], $0xF300  }
0x29: {  	[sflag:s16] =	ssyncset.done $0x0  }
0x2a: {  	s18 =	rddreg [dreg:$0x6];
	[sflag:s16] =	ssyncadd.s32 $0xFFFF0D00  }
0x2b: {  	[tilespmem:s22], [sflag:$0x2] =	stream.linear.gather [hbm4b:s18+s7], $0x180, $0x38;
	[tilespmem:$0x1BE00] =	vst v63  }
0x2c: {  	_ =	swait.ge [sflag:s16], $0x180  }
0x2d: {  	s8 =	simm.s32 $0x0;
	[sflag:s16] =	ssyncset.done $0x0  }
0x2e: {  	s10 =	simm.s32 $0x0;
	s11 =	simm.s32 $0x0;
	[sflag:s16] =	ssyncadd.s32 $0xFFFFFE80  }
.LBB2_3:
0x2f: {  	s5 =	sshll.u32 s11, $0x7  }
0x30: {  	s5 =	sand.u32 $0x3FFFFF80, s5  }
0x31: {  	v52 =	vld [tilespmem:s5+$0x0];
	_ =	sdelay $0x4  }
0x32: {  	v53 =	vshrl.u32 v52, $0x3  }
0x33: {  	v53 =	vmul.u32 $0x30, v53  }
0x34: {  	v52 =	vand.u32 $0x7, v52  }
0x35: {  	v52 =	vor.u32 v52, v53  }
0x36: {  	v53 =	vperm.xlane v52, v1;
	_ =	sdelay $0x1  }
0x37: {  	v53 =	vadd.s32 v2, v53;
	_ =	sdelay $0x3  }
0x38: {  	v52 =	vperm.xlane v52, v3  }
0x39: {  	[tilespmem:s23], [sflag:$0x1] =	stream.indirect_vreg.gather [hbm4b:s2+s7], $0x80, v53, vm0, $0xb8;
	[tilespmem:$0x1BE00] =	vst v63  }
0x3a: {  	v52 =	vadd.s32 v2, v52  }
0x3b: {  	[tilespmem:s24], [sflag:$0x1] =	stream.indirect_vreg.gather [hbm4b:s12+s7], $0x80, v53, vm0, $0xb8;
	[tilespmem:$0x1BE00] =	vst v63  }
0x3c: {  	_ = 	snop  }
0x3d: {  	[tilespmem:s25], [sflag:$0x1] =	stream.indirect_vreg.gather [hbm4b:s14+s7], $0x80, v53, vm0, $0xb8;
	[tilespmem:$0x1BE00] =	vst v63  }
0x3e: {  	_ = 	snop  }
0x3f: {  	[tilespmem:s26], [sflag:$0x1] =	stream.indirect_vreg.gather [hbm4b:s2+s7], $0x80, v52, vm0, $0xb8;
	[tilespmem:$0x1BE00] =	vst v63  }
0x40: {  	_ = 	snop  }
0x41: {  	[tilespmem:s28], [sflag:$0x1] =	stream.indirect_vreg.gather [hbm4b:s12+s7], $0x80, v52, vm0, $0xb8;
	[tilespmem:$0x1BE00] =	vst v63  }
0x42: {  	_ = 	snop  }
0x43: {  	[tilespmem:s29], [sflag:$0x1] =	stream.indirect_vreg.gather [hbm4b:s14+s7], $0x80, v52, vm0, $0xb8;
	[tilespmem:$0x1BE00] =	vst v63  }
0x44: {  	v52 =	vld [tilespmem:s5+$0x10];
	_ =	sdelay $0x4  }
0x45: {  	v59 =	vshrl.u32 v52, $0x3  }
0x46: {  	v53 =	vmul.u32 $0x30, v59  }
0x47: {  	v52 =	vand.u32 $0x7, v52  }
0x48: {  	v52 =	vor.u32 v52, v53  }
0x49: {  	v53 =	vperm.xlane v52, v1;
	_ =	sdelay $0x1  }
0x4a: {  	v53 =	vadd.s32 v2, v53;
	_ =	sdelay $0x3  }
0x4b: {  	v52 =	vperm.xlane v52, v3  }
0x4c: {  	[tilespmem:s30], [sflag:$0x1] =	stream.indirect_vreg.gather [hbm4b:s2+s7], $0x80, v53, vm0, $0xb8;
	[tilespmem:$0x1BE00] =	vst v63  }
0x4d: {  	v52 =	vadd.s32 v2, v52  }
0x4e: {  	[tilespmem:s31], [sflag:$0x1] =	stream.indirect_vreg.gather [hbm4b:s12+s7], $0x80, v53, vm0, $0xb8;
	[tilespmem:$0x1BE00] =	vst v63  }
0x4f: {  	_ = 	snop  }
0x50: {  	[tilespmem:s0], [sflag:$0x1] =	stream.indirect_vreg.gather [hbm4b:s14+s7], $0x80, v53, vm0, $0xb8;
	[tilespmem:$0x1BE00] =	vst v63  }
0x51: {  	_ = 	snop  }
0x52: {  	[tilespmem:s15], [sflag:$0x1] =	stream.indirect_vreg.gather [hbm4b:s2+s7], $0x80, v52, vm0, $0xb8;
	[tilespmem:$0x1BE00] =	vst v63  }
0x53: {  	_ = 	snop  }
0x54: {  	[tilespmem:s1], [sflag:$0x1] =	stream.indirect_vreg.gather [hbm4b:s12+s7], $0x80, v52, vm0, $0xb8;
	[tilespmem:$0x1BE00] =	vst v63  }
0x55: {  	_ = 	snop  }
0x56: {  	[tilespmem:s9], [sflag:$0x1] =	stream.indirect_vreg.gather [hbm4b:s14+s7], $0x80, v52, vm0, $0xb8;
	[tilespmem:$0x1BE00] =	vst v63  }
0x57: {  	s18 =	sshll.u32 s11, $0x5;
	_ =	swait.ge [sflag:s3], $0x6000  }
0x58: {  	v60 =	vmov s18;
	[sflag:s3] =	ssyncset.done $0x0  }
0x59: {  	v52 =	vshll.u32 v60, $0x2;
	[sflag:s3] =	ssyncadd.s32 $0xFFFFA000  }
0x5a: {  	v52 =	vor.u32 v4, v52;
	v61 =	vld [tilespmem:s18+$0x3000];
	_ =	sdelay $0x4  }
0x5b: {  	v54 =	vld.idx.msk [tilespmem:v52+s20+$0x0], $0xffff;
	v53 =	vshll.u32 v61, $0x2  }
0x5c: {  	v55 =	vor.u32 $0x1, v52;
	_ =	sdelay $0x3  }
0x5d: {  	[tilespmem:v53+s22+$0x0] =	vst.idx.add.f32.msk $0xffff, v54  }
0x5e: {  	v62 =	vor.u32 $0x1, v53;
	v54 =	vld.idx.msk [tilespmem:v55+s20+$0x0], $0xffff  }
0x5f: {  	v56 =	vor.u32 $0x2, v52;
	_ =	sdelay $0x3  }
0x60: {  	[tilespmem:v62+s22+$0x0] =	vst.idx.add.f32.msk $0xffff, v54  }
0x61: {  	v63 =	vor.u32 $0x2, v53;
	v54 =	vld.idx.msk [tilespmem:v56+s20+$0x0], $0xffff  }
0x62: {  	v52 =	vor.u32 $0x3, v52;
	_ =	sdelay $0x3  }
0x63: {  	[tilespmem:v63+s22+$0x0] =	vst.idx.add.f32.msk $0xffff, v54  }
0x64: {  	v53 =	vor.u32 $0x3, v53;
	v52 =	vld.idx.msk [tilespmem:v52+s20+$0x0], $0xffff;
	_ =	sdelay $0x2  }
0x65: {  	s6 =	sor.u32 $0x10, s18  }
0x66: {  	v57 =	vmov s6  }
0x67: {  	v58 =	vshll.u32 v57, $0x2;
	[tilespmem:v53+s22+$0x0] =	vst.idx.add.f32.msk $0xffff, v52  }
0x68: {  	v52 =	vor.u32 v4, v58;
	v53 =	vld [tilespmem:s18+$0x3010];
	_ =	sdelay $0x4  }
0x69: {  	v59 =	vld.idx.msk [tilespmem:v52+s20+$0x0], $0xffff;
	v53 =	vshll.u32 v53, $0x2  }
0x6a: {  	v60 =	vor.u32 $0x1, v52;
	_ =	sdelay $0x3  }
0x6b: {  	[tilespmem:v53+s22+$0x0] =	vst.idx.add.f32.msk $0xffff, v59  }
0x6c: {  	v61 =	vor.u32 $0x1, v53;
	v54 =	vld.idx.msk [tilespmem:v60+s20+$0x0], $0xffff  }
0x6d: {  	v62 =	vor.u32 $0x2, v52;
	_ =	sdelay $0x3  }
0x6e: {  	[tilespmem:v61+s22+$0x0] =	vst.idx.add.f32.msk $0xffff, v54  }
0x6f: {  	v63 =	vor.u32 $0x2, v53;
	v54 =	vld.idx.msk [tilespmem:v62+s20+$0x0], $0xffff  }
0x70: {  	v52 =	vor.u32 $0x3, v52;
	_ =	sdelay $0x3  }
0x71: {  	[tilespmem:v63+s22+$0x0] =	vst.idx.add.f32.msk $0xffff, v54  }
0x72: {  	v53 =	vor.u32 $0x3, v53;
	v52 =	vld.idx.msk [tilespmem:v52+s20+$0x0], $0xffff;
	_ =	sdelay $0x4  }
0x73: {  	s17 =	simm.s32 $0x0;
	s13 =	simm.s32 $0x0;
	s18 =	simm.s32 $0x0;
	[tilespmem:v53+s22+$0x0] =	vst.idx.add.f32.msk $0xffff, v52  }
.LBB2_4:
0x74: {  	s5 =	sadd.s32 s13, s10  }
0x75: {  	v52 =	vmov s5  }
0x76: {  	s6 =	sadd.s32 s18, s8  }
0x77: {  	v53 =	vmov s6  }
0x78: {  	v53 =	vand.u32 $0xFFFFFFFC, v53  }
0x79: {  	s4 =	sshrl.u32 s13, $0x3;
	v53 =	vbroadcast v53, $0x0  }
0x7a: {  	s5 =	smul.u32 $0x6000, s4;
	v52 =	vld.idx.msk [tilespmem:v52+s19+$0x0], $0xffff;
	_ =	sdelay $0x1  }
0x7b: {  	s4 =	sand.u32 $0x380, s17;
	s5 =	sshra.s32 s5, $0x2  }
0x7c: {  	s5 =	sor.u32 s4, s5  }
0x7d: {  	v54 =	vld [tilespmem:s5+$0x6980]  }
0x7e: {  	v53 =	vld.idx.msk [tilespmem:v53+s20+$0x0], $0xffff;
	v52 =	vmul.u32 $0x300, v52;
	_ =	sdelay $0x1  }
0x7f: {  	v55 =	vor.u32 v0, v52;
	_ =	sdelay $0x2  }
0x80: {  	v54 =	vmul.f32 v54, v53;
	_ =	sdelay $0x1  }
0x81: {  	[tilespmem:v55+s21+$0x0] =	vst.idx.add.f32.msk $0xffff, v54  }
0x82: {  	v54 =	vld [tilespmem:s5+$0x6990];
	_ =	sdelay $0x1  }
0x83: {  	v60 =	vor.u32 v5, v52;
	_ =	sdelay $0x2  }
0x84: {  	v54 =	vmul.f32 v54, v53;
	_ =	sdelay $0x1  }
0x85: {  	[tilespmem:v60+s21+$0x0] =	vst.idx.add.f32.msk $0xffff, v54  }
0x86: {  	v54 =	vld [tilespmem:s5+$0x69A0];
	_ =	sdelay $0x1  }
0x87: {  	v61 =	vor.u32 v6, v52;
	_ =	sdelay $0x2  }
0x88: {  	v54 =	vmul.f32 v54, v53;
	_ =	sdelay $0x1  }
0x89: {  	[tilespmem:v61+s21+$0x0] =	vst.idx.add.f32.msk $0xffff, v54  }
0x8a: {  	v54 =	vld [tilespmem:s5+$0x69B0];
	_ =	sdelay $0x1  }
0x8b: {  	v62 =	vor.u32 v7, v52;
	_ =	sdelay $0x2  }
0x8c: {  	v54 =	vmul.f32 v54, v53;
	_ =	sdelay $0x1  }
0x8d: {  	[tilespmem:v62+s21+$0x0] =	vst.idx.add.f32.msk $0xffff, v54  }
0x8e: {  	v54 =	vld [tilespmem:s5+$0x69C0];
	_ =	sdelay $0x1  }
0x8f: {  	v63 =	vor.u32 v8, v52;
	_ =	sdelay $0x2  }
0x90: {  	v54 =	vmul.f32 v54, v53;
	_ =	sdelay $0x1  }
0x91: {  	[tilespmem:v63+s21+$0x0] =	vst.idx.add.f32.msk $0xffff, v54  }
0x92: {  	v54 =	vld [tilespmem:s5+$0x69D0];
	_ =	sdelay $0x1  }
0x93: {  	v57 =	vor.u32 v9, v52;
	_ =	sdelay $0x2  }
0x94: {  	v54 =	vmul.f32 v54, v53;
	_ =	sdelay $0x1  }
0x95: {  	[tilespmem:v57+s21+$0x0] =	vst.idx.add.f32.msk $0xffff, v54  }
0x96: {  	v54 =	vld [tilespmem:s5+$0x69E0];
	_ =	sdelay $0x1  }
0x97: {  	v58 =	vor.u32 v10, v52;
	_ =	sdelay $0x2  }
0x98: {  	v54 =	vmul.f32 v54, v53;
	_ =	sdelay $0x1  }
0x99: {  	[tilespmem:v58+s21+$0x0] =	vst.idx.add.f32.msk $0xffff, v54  }
0x9a: {  	v54 =	vld [tilespmem:s5+$0x69F0];
	_ =	sdelay $0x1  }
0x9b: {  	v59 =	vor.u32 v11, v52;
	_ =	sdelay $0x2  }
0x9c: {  	v54 =	vmul.f32 v54, v53;
	_ =	sdelay $0x1  }
0x9d: {  	[tilespmem:v59+s21+$0x0] =	vst.idx.add.f32.msk $0xffff, v54  }
0x9e: {  	v54 =	vld [tilespmem:s5+$0x6D80];
	_ =	sdelay $0x1  }
0x9f: {  	v60 =	vor.u32 v12, v52;
	_ =	sdelay $0x2  }
0xa0: {  	v54 =	vmul.f32 v54, v53;
	_ =	sdelay $0x1  }
0xa1: {  	[tilespmem:v60+s21+$0x0] =	vst.idx.add.f32.msk $0xffff, v54  }
0xa2: {  	v54 =	vld [tilespmem:s5+$0x6D90];
	_ =	sdelay $0x1  }
0xa3: {  	v61 =	vor.u32 v13, v52;
	_ =	sdelay $0x2  }
0xa4: {  	v54 =	vmul.f32 v54, v53;
	_ =	sdelay $0x1  }
0xa5: {  	[tilespmem:v61+s21+$0x0] =	vst.idx.add.f32.msk $0xffff, v54  }
0xa6: {  	v54 =	vld [tilespmem:s5+$0x6DA0];
	_ =	sdelay $0x1  }
0xa7: {  	v62 =	vor.u32 v14, v52;
	_ =	sdelay $0x2  }
0xa8: {  	v54 =	vmul.f32 v54, v53;
	_ =	sdelay $0x1  }
0xa9: {  	s4 =	sadd.s32 $0x1, s6;
	[tilespmem:v62+s21+$0x0] =	vst.idx.add.f32.msk $0xffff, v54  }
0xaa: {  	v63 =	vmov s4;
	v54 =	vld [tilespmem:s5+$0x6DB0]  }
0xab: {  	v55 =	vand.u32 $0xFFFFFFFD, v63  }
0xac: {  	v56 =	vor.u32 v15, v52;
	v55 =	vbroadcast v55, $0x0;
	_ =	sdelay $0x2  }
0xad: {  	v53 =	vmul.f32 v54, v53;
	_ =	sdelay $0x1  }
0xae: {  	[tilespmem:v56+s21+$0x0] =	vst.idx.add.f32.msk $0xffff, v53  }
0xaf: {  	v53 =	vld.idx.msk [tilespmem:v55+s20+$0x0], $0xffff  }
0xb0: {  	v57 =	vld [tilespmem:s5+$0x6DC0];
	_ =	sdelay $0x1  }
0xb1: {  	v58 =	vor.u32 v16, v52;
	_ =	sdelay $0x2  }
0xb2: {  	v54 =	vmul.f32 v57, v53;
	_ =	sdelay $0x1  }
0xb3: {  	[tilespmem:v58+s21+$0x0] =	vst.idx.add.f32.msk $0xffff, v54  }
0xb4: {  	v54 =	vld [tilespmem:s5+$0x6DD0];
	_ =	sdelay $0x1  }
0xb5: {  	v59 =	vor.u32 v17, v52;
	_ =	sdelay $0x2  }
0xb6: {  	v54 =	vmul.f32 v54, v53;
	_ =	sdelay $0x1  }
0xb7: {  	[tilespmem:v59+s21+$0x0] =	vst.idx.add.f32.msk $0xffff, v54  }
0xb8: {  	v54 =	vld [tilespmem:s5+$0x6DE0];
	_ =	sdelay $0x1  }
0xb9: {  	v60 =	vor.u32 v18, v52;
	_ =	sdelay $0x2  }
0xba: {  	v54 =	vmul.f32 v54, v53;
	_ =	sdelay $0x1  }
0xbb: {  	[tilespmem:v60+s21+$0x0] =	vst.idx.add.f32.msk $0xffff, v54  }
0xbc: {  	v54 =	vld [tilespmem:s5+$0x6DF0];
	_ =	sdelay $0x1  }
0xbd: {  	v61 =	vor.u32 v19, v52;
	_ =	sdelay $0x2  }
0xbe: {  	v54 =	vmul.f32 v54, v53;
	_ =	sdelay $0x1  }
0xbf: {  	[tilespmem:v61+s21+$0x0] =	vst.idx.add.f32.msk $0xffff, v54  }
0xc0: {  	v62 =	vadd.s32 v20, v52;
	v54 =	vld [tilespmem:s5+$0x7180]  }
0xc1: {  	v55 =	vand.u32 $0xFFFFFF00, v62  }
0xc2: {  	v55 =	vor.u32 v0, v55;
	_ =	sdelay $0x2  }
0xc3: {  	v54 =	vmul.f32 v54, v53;
	_ =	sdelay $0x1  }
0xc4: {  	[tilespmem:v55+s21+$0x0] =	vst.idx.add.f32.msk $0xffff, v54  }
0xc5: {  	v63 =	vadd.s32 v21, v52;
	v54 =	vld [tilespmem:s5+$0x7190]  }
0xc6: {  	v55 =	vand.u32 $0xFFFFFF00, v63  }
0xc7: {  	v55 =	vor.u32 v5, v55;
	_ =	sdelay $0x2  }
0xc8: {  	v54 =	vmul.f32 v54, v53;
	_ =	sdelay $0x1  }
0xc9: {  	[tilespmem:v55+s21+$0x0] =	vst.idx.add.f32.msk $0xffff, v54  }
0xca: {  	v57 =	vadd.s32 v22, v52;
	v54 =	vld [tilespmem:s5+$0x71A0]  }
0xcb: {  	v55 =	vand.u32 $0xFFFFFF00, v57  }
0xcc: {  	v55 =	vor.u32 v6, v55;
	_ =	sdelay $0x2  }
0xcd: {  	v54 =	vmul.f32 v54, v53;
	_ =	sdelay $0x1  }
0xce: {  	[tilespmem:v55+s21+$0x0] =	vst.idx.add.f32.msk $0xffff, v54  }
0xcf: {  	v58 =	vadd.s32 v23, v52;
	v54 =	vld [tilespmem:s5+$0x71B0]  }
0xd0: {  	v55 =	vand.u32 $0xFFFFFF00, v58  }
0xd1: {  	v55 =	vor.u32 v7, v55;
	_ =	sdelay $0x2  }
0xd2: {  	v54 =	vmul.f32 v54, v53;
	_ =	sdelay $0x1  }
0xd3: {  	[tilespmem:v55+s21+$0x0] =	vst.idx.add.f32.msk $0xffff, v54  }
0xd4: {  	v59 =	vadd.s32 v24, v52;
	v54 =	vld [tilespmem:s5+$0x71C0]  }
0xd5: {  	v55 =	vand.u32 $0xFFFFFF00, v59  }
0xd6: {  	v55 =	vor.u32 v8, v55;
	_ =	sdelay $0x2  }
0xd7: {  	v54 =	vmul.f32 v54, v53;
	_ =	sdelay $0x1  }
0xd8: {  	[tilespmem:v55+s21+$0x0] =	vst.idx.add.f32.msk $0xffff, v54  }
0xd9: {  	v60 =	vadd.s32 v25, v52;
	v54 =	vld [tilespmem:s5+$0x71D0]  }
0xda: {  	v55 =	vand.u32 $0xFFFFFF00, v60  }
0xdb: {  	v55 =	vor.u32 v9, v55;
	_ =	sdelay $0x2  }
0xdc: {  	v54 =	vmul.f32 v54, v53;
	_ =	sdelay $0x1  }
0xdd: {  	[tilespmem:v55+s21+$0x0] =	vst.idx.add.f32.msk $0xffff, v54  }
0xde: {  	v61 =	vadd.s32 v26, v52;
	v54 =	vld [tilespmem:s5+$0x71E0]  }
0xdf: {  	v55 =	vand.u32 $0xFFFFFF00, v61  }
0xe0: {  	v55 =	vor.u32 v10, v55;
	_ =	sdelay $0x2  }
0xe1: {  	v54 =	vmul.f32 v54, v53;
	_ =	sdelay $0x1  }
0xe2: {  	s4 =	sadd.s32 $0x2, s6;
	[tilespmem:v55+s21+$0x0] =	vst.idx.add.f32.msk $0xffff, v54  }
0xe3: {  	v62 =	vadd.s32 v27, v52;
	v63 =	vmov s4;
	v54 =	vld [tilespmem:s5+$0x71F0]  }
0xe4: {  	v56 =	vand.u32 $0xFFFFFFFE, v63;
	v55 =	vand.u32 $0xFFFFFF00, v62  }
0xe5: {  	v56 =	vbroadcast v56, $0x0;
	v55 =	vor.u32 v11, v55;
	_ =	sdelay $0x2  }
0xe6: {  	v53 =	vmul.f32 v54, v53;
	_ =	sdelay $0x1  }
0xe7: {  	[tilespmem:v55+s21+$0x0] =	vst.idx.add.f32.msk $0xffff, v53  }
0xe8: {  	v53 =	vld.idx.msk [tilespmem:v56+s20+$0x0], $0xffff  }
0xe9: {  	v58 =	vadd.s32 v28, v52;
	v57 =	vld [tilespmem:s5+$0x7580]  }
0xea: {  	v55 =	vand.u32 $0xFFFFFF80, v58  }
0xeb: {  	v55 =	vor.u32 v0, v55;
	_ =	sdelay $0x2  }
0xec: {  	v54 =	vmul.f32 v57, v53;
	_ =	sdelay $0x1  }
0xed: {  	[tilespmem:v55+s21+$0x0] =	vst.idx.add.f32.msk $0xffff, v54  }
0xee: {  	v59 =	vadd.s32 v29, v52;
	v54 =	vld [tilespmem:s5+$0x7590]  }
0xef: {  	v55 =	vand.u32 $0xFFFFFF80, v59  }
0xf0: {  	v55 =	vor.u32 v5, v55;
	_ =	sdelay $0x2  }
0xf1: {  	v54 =	vmul.f32 v54, v53;
	_ =	sdelay $0x1  }
0xf2: {  	[tilespmem:v55+s21+$0x0] =	vst.idx.add.f32.msk $0xffff, v54  }
0xf3: {  	v60 =	vadd.s32 v30, v52;
	v54 =	vld [tilespmem:s5+$0x75A0]  }
0xf4: {  	v55 =	vand.u32 $0xFFFFFF80, v60  }
0xf5: {  	v55 =	vor.u32 v6, v55;
	_ =	sdelay $0x2  }
0xf6: {  	v54 =	vmul.f32 v54, v53;
	_ =	sdelay $0x1  }
0xf7: {  	[tilespmem:v55+s21+$0x0] =	vst.idx.add.f32.msk $0xffff, v54  }
0xf8: {  	v61 =	vadd.s32 v31, v52;
	v54 =	vld [tilespmem:s5+$0x75B0]  }
0xf9: {  	v55 =	vand.u32 $0xFFFFFF80, v61  }
0xfa: {  	v55 =	vor.u32 v7, v55;
	_ =	sdelay $0x2  }
0xfb: {  	v54 =	vmul.f32 v54, v53;
	_ =	sdelay $0x1  }
0xfc: {  	[tilespmem:v55+s21+$0x0] =	vst.idx.add.f32.msk $0xffff, v54  }
0xfd: {  	v62 =	vadd.s32 v32, v52;
	v54 =	vld [tilespmem:s5+$0x75C0]  }
0xfe: {  	v55 =	vand.u32 $0xFFFFFF80, v62  }
0xff: {  	v55 =	vor.u32 v8, v55;
	_ =	sdelay $0x2  }
0x100: {  	v54 =	vmul.f32 v54, v53;
	_ =	sdelay $0x1  }
0x101: {  	[tilespmem:v55+s21+$0x0] =	vst.idx.add.f32.msk $0xffff, v54  }
0x102: {  	v63 =	vadd.s32 v33, v52;
	v54 =	vld [tilespmem:s5+$0x75D0]  }
0x103: {  	v55 =	vand.u32 $0xFFFFFF80, v63  }
0x104: {  	v55 =	vor.u32 v9, v55;
	_ =	sdelay $0x2  }
0x105: {  	v54 =	vmul.f32 v54, v53;
	_ =	sdelay $0x1  }
0x106: {  	[tilespmem:v55+s21+$0x0] =	vst.idx.add.f32.msk $0xffff, v54  }
0x107: {  	v57 =	vadd.s32 v34, v52;
	v54 =	vld [tilespmem:s5+$0x75E0]  }
0x108: {  	v55 =	vand.u32 $0xFFFFFF80, v57  }
0x109: {  	v55 =	vor.u32 v10, v55;
	_ =	sdelay $0x2  }
0x10a: {  	v54 =	vmul.f32 v54, v53;
	_ =	sdelay $0x1  }
0x10b: {  	[tilespmem:v55+s21+$0x0] =	vst.idx.add.f32.msk $0xffff, v54  }
0x10c: {  	v58 =	vadd.s32 v35, v52;
	v54 =	vld [tilespmem:s5+$0x75F0]  }
0x10d: {  	v55 =	vand.u32 $0xFFFFFF80, v58  }
0x10e: {  	v55 =	vor.u32 v11, v55;
	_ =	sdelay $0x2  }
0x10f: {  	v54 =	vmul.f32 v54, v53;
	_ =	sdelay $0x1  }
0x110: {  	[tilespmem:v55+s21+$0x0] =	vst.idx.add.f32.msk $0xffff, v54  }
0x111: {  	v59 =	vadd.s32 v36, v52;
	v54 =	vld [tilespmem:s5+$0x7980]  }
0x112: {  	v55 =	vand.u32 $0xFFFFFF00, v59  }
0x113: {  	v55 =	vor.u32 v0, v55;
	_ =	sdelay $0x2  }
0x114: {  	v54 =	vmul.f32 v54, v53;
	_ =	sdelay $0x1  }
0x115: {  	[tilespmem:v55+s21+$0x0] =	vst.idx.add.f32.msk $0xffff, v54  }
0x116: {  	v60 =	vadd.s32 v37, v52;
	v54 =	vld [tilespmem:s5+$0x7990]  }
0x117: {  	v55 =	vand.u32 $0xFFFFFF00, v60  }
0x118: {  	v55 =	vor.u32 v5, v55;
	_ =	sdelay $0x2  }
0x119: {  	v54 =	vmul.f32 v54, v53;
	_ =	sdelay $0x1  }
0x11a: {  	[tilespmem:v55+s21+$0x0] =	vst.idx.add.f32.msk $0xffff, v54  }
0x11b: {  	v61 =	vadd.s32 v38, v52;
	v54 =	vld [tilespmem:s5+$0x79A0]  }
0x11c: {  	v55 =	vand.u32 $0xFFFFFF00, v61  }
0x11d: {  	v55 =	vor.u32 v6, v55;
	_ =	sdelay $0x2  }
0x11e: {  	v54 =	vmul.f32 v54, v53;
	_ =	sdelay $0x1  }
0x11f: {  	[tilespmem:v55+s21+$0x0] =	vst.idx.add.f32.msk $0xffff, v54  }
0x120: {  	v62 =	vadd.s32 v39, v52;
	v54 =	vld [tilespmem:s5+$0x79B0]  }
0x121: {  	v55 =	vand.u32 $0xFFFFFF00, v62  }
0x122: {  	s6 =	sadd.s32 $0x3, s6;
	v55 =	vor.u32 v7, v55  }
0x123: {  	v63 =	vmov s6;
	_ =	sdelay $0x1  }
0x124: {  	v53 =	vmul.f32 v54, v53;
	_ =	sdelay $0x1  }
0x125: {  	[tilespmem:v55+s21+$0x0] =	vst.idx.add.f32.msk $0xffff, v53  }
0x126: {  	v53 =	vld.idx.msk [tilespmem:v63+s20+$0x0], $0xffff  }
0x127: {  	v60 =	vadd.s32 v40, v52;
	v59 =	vld [tilespmem:s5+$0x79C0]  }
0x128: {  	v55 =	vand.u32 $0xFFFFFF00, v60  }
0x129: {  	v55 =	vor.u32 v8, v55;
	_ =	sdelay $0x2  }
0x12a: {  	v54 =	vmul.f32 v59, v53;
	_ =	sdelay $0x1  }
0x12b: {  	[tilespmem:v55+s21+$0x0] =	vst.idx.add.f32.msk $0xffff, v54  }
0x12c: {  	v61 =	vadd.s32 v41, v52;
	v54 =	vld [tilespmem:s5+$0x79D0]  }
0x12d: {  	v55 =	vand.u32 $0xFFFFFF00, v61  }
0x12e: {  	v55 =	vor.u32 v9, v55;
	_ =	sdelay $0x2  }
0x12f: {  	v54 =	vmul.f32 v54, v53;
	_ =	sdelay $0x1  }
0x130: {  	[tilespmem:v55+s21+$0x0] =	vst.idx.add.f32.msk $0xffff, v54  }
0x131: {  	v62 =	vadd.s32 v42, v52;
	v54 =	vld [tilespmem:s5+$0x79E0]  }
0x132: {  	v55 =	vand.u32 $0xFFFFFF00, v62  }
0x133: {  	v55 =	vor.u32 v10, v55;
	_ =	sdelay $0x2  }
0x134: {  	v54 =	vmul.f32 v54, v53;
	_ =	sdelay $0x1  }
0x135: {  	[tilespmem:v55+s21+$0x0] =	vst.idx.add.f32.msk $0xffff, v54  }
0x136: {  	v63 =	vadd.s32 v43, v52;
	v54 =	vld [tilespmem:s5+$0x79F0]  }
0x137: {  	v55 =	vand.u32 $0xFFFFFF00, v63  }
0x138: {  	v55 =	vor.u32 v11, v55;
	_ =	sdelay $0x2  }
0x139: {  	v54 =	vmul.f32 v54, v53;
	_ =	sdelay $0x1  }
0x13a: {  	[tilespmem:v55+s21+$0x0] =	vst.idx.add.f32.msk $0xffff, v54  }
0x13b: {  	v57 =	vadd.s32 v44, v52;
	v54 =	vld [tilespmem:s5+$0x7D80]  }
0x13c: {  	v55 =	vand.u32 $0xFFFFFF80, v57  }
0x13d: {  	v55 =	vor.u32 v0, v55;
	_ =	sdelay $0x2  }
0x13e: {  	v54 =	vmul.f32 v54, v53;
	_ =	sdelay $0x1  }
0x13f: {  	[tilespmem:v55+s21+$0x0] =	vst.idx.add.f32.msk $0xffff, v54  }
0x140: {  	v58 =	vadd.s32 v45, v52;
	v54 =	vld [tilespmem:s5+$0x7D90]  }
0x141: {  	v55 =	vand.u32 $0xFFFFFF80, v58  }
0x142: {  	v55 =	vor.u32 v5, v55;
	_ =	sdelay $0x2  }
0x143: {  	v54 =	vmul.f32 v54, v53;
	_ =	sdelay $0x1  }
0x144: {  	[tilespmem:v55+s21+$0x0] =	vst.idx.add.f32.msk $0xffff, v54  }
0x145: {  	v59 =	vadd.s32 v46, v52;
	v54 =	vld [tilespmem:s5+$0x7DA0]  }
0x146: {  	v55 =	vand.u32 $0xFFFFFF80, v59  }
0x147: {  	v55 =	vor.u32 v6, v55;
	_ =	sdelay $0x2  }
0x148: {  	v54 =	vmul.f32 v54, v53;
	_ =	sdelay $0x1  }
0x149: {  	[tilespmem:v55+s21+$0x0] =	vst.idx.add.f32.msk $0xffff, v54  }
0x14a: {  	v60 =	vadd.s32 v47, v52;
	v54 =	vld [tilespmem:s5+$0x7DB0]  }
0x14b: {  	v55 =	vand.u32 $0xFFFFFF80, v60  }
0x14c: {  	v55 =	vor.u32 v7, v55;
	_ =	sdelay $0x2  }
0x14d: {  	v54 =	vmul.f32 v54, v53;
	_ =	sdelay $0x1  }
0x14e: {  	[tilespmem:v55+s21+$0x0] =	vst.idx.add.f32.msk $0xffff, v54  }
0x14f: {  	v61 =	vadd.s32 v48, v52;
	v54 =	vld [tilespmem:s5+$0x7DC0]  }
0x150: {  	v55 =	vand.u32 $0xFFFFFF80, v61  }
0x151: {  	v55 =	vor.u32 v8, v55;
	_ =	sdelay $0x2  }
0x152: {  	v54 =	vmul.f32 v54, v53;
	_ =	sdelay $0x1  }
0x153: {  	[tilespmem:v55+s21+$0x0] =	vst.idx.add.f32.msk $0xffff, v54  }
0x154: {  	v62 =	vadd.s32 v49, v52;
	v54 =	vld [tilespmem:s5+$0x7DD0]  }
0x155: {  	v55 =	vand.u32 $0xFFFFFF80, v62  }
0x156: {  	v55 =	vor.u32 v9, v55;
	_ =	sdelay $0x2  }
0x157: {  	v54 =	vmul.f32 v54, v53;
	_ =	sdelay $0x1  }
0x158: {  	[tilespmem:v55+s21+$0x0] =	vst.idx.add.f32.msk $0xffff, v54  }
0x159: {  	v63 =	vadd.s32 v50, v52;
	v54 =	vld [tilespmem:s5+$0x7DE0]  }
0x15a: {  	v55 =	vand.u32 $0xFFFFFF80, v63  }
0x15b: {  	v55 =	vor.u32 v10, v55;
	_ =	sdelay $0x2  }
0x15c: {  	v54 =	vmul.f32 v54, v53;
	_ =	sdelay $0x1  }
0x15d: {  	[tilespmem:v55+s21+$0x0] =	vst.idx.add.f32.msk $0xffff, v54  }
0x15e: {  	v52 =	vadd.s32 v51, v52;
	v54 =	vld [tilespmem:s5+$0x7DF0]  }
0x15f: {  	v52 =	vand.u32 $0xFFFFFF80, v52  }
0x160: {  	p0 =	sne.s32 s18, $0x7C;
	v52 =	vor.u32 v11, v52  }
.Ltmp0:
0x161: {  	_ = 	snop;
	(pc) =	sbr.rel @p0 .LBB2_4-.Ltmp0, $3  }
0x162: {  	_ = 	snop  }
0x163: {  	v53 =	vmul.f32 v54, v53;
	_ =	sdelay $0x1  }
0x164: {  	s13 =	sadd.s32 $0x1, s13;
	s18 =	sadd.s32 $0x4, s18;
	s17 =	sadd.s32 $0x80, s17;
	[tilespmem:v52+s21+$0x0] =	vst.idx.add.f32.msk $0xffff, v53  }
0x165: {  	s11 =	sadd.s32 $0x1, s11  }
0x166: {  	p0 =	sne.s32 s11, $0x5C  }
.Ltmp1:
0x167: {  	_ = 	snop;
	(pc) =	sbr.rel @p0 .LBB2_3-.Ltmp1, $2  }
0x168: {  	_ =	sdelay $0x2  }
0x169: {  	s10 =	sadd.s32 $0x20, s10;
	s8 =	sadd.s32 $0x80, s8  }
0x16a: {  	s4 =	rddreg [dreg:$0xe]  }
0x16b: {  	s4 =	smul.u32 $0x1E00, s4  }
0x16c: {  	s5 =	rddreg [dreg:$0x7]  }
0x16d: {  	s11 =	rddreg [dreg:$0xf];
	s6 =	simm.s32 $0x0;
	s4 =	sadd.s32 s5, s4  }
0x16e: {  	[hbm4b:s4+s6] =	stream.linear.scatter [tilespmem:s21], [sflag:$0x2], $0xF000, $0x38;
	[tilespmem:$0x1BE00] =	vst v63  }
0x16f: {  	s5 =	smul.u32 $0xC00, s11;
	_ =	swait.ge [sflag:s16], $0xF000  }
0x170: {  	s8 =	rddreg [dreg:$0xa]  }
0x171: {  	s10 =	simm.s32 $0x80;
	s13 =	sor.u32 s8, s5  }
0x172: {  	[sflag:s16] =	ssyncset.done $0x0;
	s17 =	rddreg [dreg:$0x8];
	s4 =	sshrl.u32 s13, $0x3  }
0x173: {  	s11 =	simm.s32 $0x400;
	[sflag:s16] =	ssyncadd.s32 $0xFFFF1000;
	s4 =	sadd.s32 s17, s4  }
0x174: {  	[hbm4b:s4+s10] =	stream.strided.scatter [tilespmem:s22], [sflag:$0x2], $0x180, s11, s10, $0x38;
	[tilespmem:$0x1BE00] =	vst v63  }
0x175: {  	_ =	swait.ge [sflag:s16], $0x180  }
0x176: {  	s18 =	rddreg [dreg:$0xd]  }
0x177: {  	s4 =	sadd.s32 $0x1, s18  }
0x178: {  	p0 =	sne.s32 s4, $0x4  }
.Ltmp2:
0x179: {  	_ = 	snop;
	(pc) =	sbr.rel @p0 .LBB2_2-.Ltmp2, $3  }
0x17a: {  	_ =	sdelay $0x1  }
0x17b: {  	[sflag:s16] =	ssyncset.done $0x0  }
0x17c: {  	[sflag:s16] =	ssyncadd.s32 $0xFFFFFE80  }
0x17d: {  	s5 =	rddreg [dreg:$0xc]  }
0x17e: {  	s4 =	rddreg [dreg:$0xb];
	s5 =	sadd.s32 $0x1, s5  }
0x17f: {  	p0 =	sne.s32 s5, s4  }
.Ltmp3:
0x180: {  	_ = 	snop;
	(pc) =	sbr.rel @p0 .LBB2_1-.Ltmp3, $1  }
0x181: {  	_ =	sdelay $0x3  }
0x182: {  	_ =	sfence.sel $0x180000  }
0x183: {  	[bflag:$0x0] =	sbarrier.arrive $0xFFFF  }
0x184: {  	_ =	strace $0x90000056  }
0x185: {  	s0 =	stileid.u32;
	[bflag:$0x2] =	sbarrier.arrive $0xFFFF  }
0x186: {  	p0 =	sne.s32 s0, $0x0;
	s0 =	rddreg [dreg:$0x1]  }
0x187: {  	s0 =	sadd.s32 @!p0 $0x100000, s0  }
0x188: {  	[sflag:s0] =	ssyncadd.tile.s32 @!p0 $0x1;
	_ =	shalt  }
.Lfunc_end2:
_tile_overlayer_lowered:
.L_overlay_start_2:
0x189: {  	(tag) =	ssettag $0x2  }
0x18a: {  	s0 =	rddreg [dreg:$0x0];
	s2 =	stileid.u32  }
0x18b: {  	s1 =	rddreg [dreg:$0x1];
	p0 =	sne.s32 s2, $0x0  }
0x18c: {  	s3 =	rddreg [dreg:$0x2];
	[bflag:$0x3] =	sbarrier.arrive $0xFFFF;
	s2 =	simm.s32 @!p0 $0x1C02  }
0x18d: {  	[timem:s3], [sflag:s2] =	dma.local @!p0 [hbm:s0], s1  }
0x18e: {  	s0 =	simm.s32 @!p0 $0x2  }
0x18f: {  	_ =	swait.ge @!p0 [sflag:s0], s1  }
0x190: {  	s1 =	ssub.s32 @!p0 $0x0, s1;
	[sflag:s0] =	ssyncset.done @!p0 $0x0  }
0x191: {  	[sflag:s0] =	ssyncadd.s32 @!p0 s1  }
0x192: {  	[bflag:$0x3] =	sbarrier.arrive $0xFFFF  }
0x193: {  	_ =	shalt  }

// kernel: kernel.21.cloned.1.call-start
scs
__scs_entry_jumppad:
0x0: {  	(pc) =	sbr.rel $0x88, $3  }
0x1: {  	(tag) =	ssettag $0x0;
	lr =	simm.s32 $0x1  }
0x2: {  	[smem:$0x3F85] =	sst lr;
	_ =	strace $0xD0000000  }
0x3: {  	_ = 	snop  }
0x4: {  	_ = 	snop  }
0x5: {  	_ = 	snop  }
0x6: {  	_ = 	snop  }
0x7: {  	_ = 	snop  }
__scs_overlays_trampoline_lowered:
0x8: {  	[smem:$0x3F94] =	sst s0  }
0x9: {  	[smem:$0x3F95] =	sst s1  }
0xa: {  	[smem:$0x3F96] =	sst s2  }
0xb: {  	[smem:$0x3F97] =	sst s3  }
0xc: {  	[smem:$0x3F98] =	sst s4  }
0xd: {  	[smem:$0x3F99] =	sst s5  }
0xe: {  	[smem:$0x3F9A] =	sst s6  }
0xf: {  	[smem:$0x3F9B] =	sst s7  }
0x10: {  	[smem:$0x3F9C] =	sst s8  }
0x11: {  	[smem:$0x3F9D] =	sst s9;
	s0 =	simm.s32 @!p0 $0x0  }
0x12: {  	s1 =	sld [smem:$0x3F83];
	s0 =	simm.s32 @p0 $0x1  }
0x13: {  	[smem:$0x3F9E] =	sst s0;
	s0 =	simm.s32 @!p1 $0x0  }
0x14: {  	s2 =	sld [smem:$0x3F82];
	s0 =	simm.s32 @p1 $0x1  }
0x15: {  	[smem:$0x3F9F] =	sst s0;
	s0 =	simm.s32 @!p2 $0x0  }
0x16: {  	s3 =	sld [smem:$0x3FDB];
	s0 =	simm.s32 @p2 $0x1  }
0x17: {  	s4 =	simm.s32 $0x1BF5;
	[smem:$0x3FA1] =	sst s0  }
0x18: {  	s0 =	sld [smem:$0x3F84];
	_ =	swait.ge [sflag:s4], $0x0  }
0x19: {  	s7 =	sld [smem:$0x3F85]  }
0x1a: {  	s8 =	sadd.s32 $0xFFFFE003, lr  }
0x1b: {  	s9 =	sadd.s32 $0xFFFFFEF7, lr;
	s5 =	simm.s32 $0xFFFFFFFF;
	p2 =	slt.u32 s8, $0xFFFFF086  }
0x1c: {  	p1 =	slt.u32 s9, $0xF7A;
	s5 =	simm.s32 @!p2 $0x0  }
0x1d: {  	s5 =	simm.s32 @p1 $0x1;
	p0 =	seq.s32 s7, s2  }
0x1e: {  	s7 =	smul.u32 @!p0 $0xF7A, s2;
	p2 =	seq.s32 @!p0 s5, $0x0  }
0x1f: {  	s9 =	smul.u32 $0xF7A, s1;
	s8 =	simm.s32 @!p0 $0x1BF5;
	p2 =	por !p2, p0  }
0x20: {  	[sflag:s8] =	ssyncset.s32 @!p0 $0xFFFFF086;
	s6 =	sadd.s32 @!p0 s3, s7;
	s7 =	simm.s32 @!p0 $0x108  }
0x21: {  	s3 =	sadd.s32 s3, s9;
	s6 =	sadd.s32 @!p0 $0x88, s6;
	s7 =	simm.s32 @p2 $0x1082  }
0x22: {  	[simem:s7], [sflag:s8] =	dma.local @!p0 [hbm:s6], $0xF7A  }
0x23: {  	s9 =	sor.u32 $0xD0000000, s2;
	s6 =	simm.s32 $0x108;
	_ =	swait.ge @!p0 [sflag:s8], $0x0  }
0x24: {  	s3 =	sadd.s32 $0x88, s3;
	s6 =	simm.s32 @!p1 $0x1082;
	[sflag:s4] =	ssyncset.s32 $0xFFFFF086  }
0x25: {  	[simem:s6], [sflag:s4] =	dma.local [hbm:s3], $0xF7A  }
0x26: {  	[smem:$0x3F85] =	sst s1;
	(tag) =	ssettag s2;
	_ =	strace s9  }
0x27: {  	s1 =	sld [smem:$0x3F95]  }
0x28: {  	s2 =	sld [smem:$0x3F96]  }
0x29: {  	s4 =	sld [smem:$0x3F98]  }
0x2a: {  	p0 =	seq.s32 s5, $0x0;
	s5 =	sld [smem:$0x3F99]  }
0x2b: {  	s6 =	sld [smem:$0x3F9A]  }
0x2c: {  	s7 =	sld [smem:$0x3F9B]  }
0x2d: {  	s3 =	simm.s32 $0x108;
	s8 =	sld [smem:$0x3F9C]  }
0x2e: {  	s3 =	simm.s32 @!p0 $0x1082;
	s9 =	sld [smem:$0x3F9D]  }
0x2f: {  	lr =	sadd.s32 s0, s3;
	s0 =	sld [smem:$0x3F94]  }
0x30: {  	s3 =	sld [smem:$0x3F97]  }
0x31: {  	[smem:$0x3FA0] =	sst s10  }
0x32: {  	s10 =	sld [smem:$0x3F9E];
	_ =	sdelay $0x3  }
0x33: {  	p0 =	seq.s32 s10, $0x1;
	s10 =	sld [smem:$0x3FA0];
	_ =	sdelay $0x3  }
0x34: {  	[smem:$0x3FA0] =	sst s10  }
0x35: {  	s10 =	sld [smem:$0x3F9F];
	_ =	sdelay $0x3  }
0x36: {  	p1 =	seq.s32 s10, $0x1;
	s10 =	sld [smem:$0x3FA0];
	_ =	sdelay $0x3  }
0x37: {  	[smem:$0x3FA0] =	sst s10  }
0x38: {  	s10 =	sld [smem:$0x3FA1]  }
0x39: {  	_ = 	snop;
	(pc) =	sbr.ind lr, $3  }
0x3a: {  	_ = 	snop  }
0x3b: {  	_ = 	snop  }
0x3c: {  	p2 =	seq.s32 s10, $0x1;
	s10 =	sld [smem:$0x3FA0]  }
0x3d: {  	_ =	shalt  }
0x3e: {  	_ =	shalt  }
0x3f: {  	_ =	shalt  }
0x40: {  	_ =	shalt  }
0x41: {  	_ =	shalt  }
0x42: {  	_ =	shalt  }
0x43: {  	_ =	shalt  }
0x44: {  	_ =	shalt  }
0x45: {  	_ =	shalt  }
0x46: {  	_ =	shalt  }
0x47: {  	_ =	shalt  }
0x48: {  	_ =	shalt  }
0x49: {  	_ =	shalt  }
0x4a: {  	_ =	shalt  }
0x4b: {  	_ =	shalt  }
0x4c: {  	_ =	shalt  }
0x4d: {  	_ =	shalt  }
0x4e: {  	_ =	shalt  }
0x4f: {  	_ =	shalt  }
0x50: {  	_ =	shalt  }
0x51: {  	_ =	shalt  }
0x52: {  	_ =	shalt  }
0x53: {  	_ =	shalt  }
0x54: {  	_ =	shalt  }
0x55: {  	_ =	shalt  }
0x56: {  	_ =	shalt  }
0x57: {  	_ =	shalt  }
0x58: {  	_ =	shalt  }
0x59: {  	_ =	shalt  }
0x5a: {  	_ =	shalt  }
0x5b: {  	_ =	shalt  }
0x5c: {  	_ =	shalt  }
0x5d: {  	_ =	shalt  }
0x5e: {  	_ =	shalt  }
0x5f: {  	_ =	shalt  }
0x60: {  	_ =	shalt  }
0x61: {  	_ =	shalt  }
0x62: {  	_ =	shalt  }
0x63: {  	_ =	shalt  }
0x64: {  	_ =	shalt  }
0x65: {  	_ =	shalt  }
0x66: {  	_ =	shalt  }
0x67: {  	_ =	shalt  }
0x68: {  	_ =	shalt  }
0x69: {  	_ =	shalt  }
0x6a: {  	_ =	shalt  }
0x6b: {  	_ =	shalt  }
0x6c: {  	_ =	shalt  }
0x6d: {  	_ =	shalt  }
0x6e: {  	_ =	shalt  }
0x6f: {  	_ =	shalt  }
0x70: {  	_ =	shalt  }
0x71: {  	_ =	shalt  }
0x72: {  	_ =	shalt  }
0x73: {  	_ =	shalt  }
0x74: {  	_ =	shalt  }
0x75: {  	_ =	shalt  }
0x76: {  	_ =	shalt  }
0x77: {  	_ =	shalt  }
0x78: {  	_ =	shalt  }
0x79: {  	_ =	shalt  }
0x7a: {  	_ =	shalt  }
0x7b: {  	_ =	shalt  }
0x7c: {  	_ =	shalt  }
0x7d: {  	_ =	shalt  }
0x7e: {  	_ =	shalt  }
0x7f: {  	_ =	shalt  }
0x80: {  	_ =	shalt  }
0x81: {  	_ =	shalt  }
0x82: {  	_ =	shalt  }
0x83: {  	_ =	shalt  }
0x84: {  	_ =	shalt  }
0x85: {  	_ =	shalt  }
0x86: {  	_ =	shalt  }
0x87: {  	_ =	shalt  }
.Lfunc_end0:
.L_simem_size_0:
called_computation.6_lowered:
.L_overlay_start_0:
0x88: {  	s2 =	sld [smem:$0x3FD9]  }
0x89: {  	s3 =	sld [smem:$0x3FFE];
	_ =	sdelay $0x1  }
0x8a: {  	s1 =	srdreg.scid  }
0x8b: {  	s0 =	sand.u32 $0x1, s1  }
0x8c: {  	s17 =	sshll.u32 s0, $0xA;
	s2 =	sadd.s32 s3, s2  }
0x8d: {  	s2 =	sadd.s32 s2, s17  }
0x8e: {  	[smem:$0x3FAC] =	sst s2  }
0x8f: {  	_ = 	snop  }
0x90: {  	s2 =	sld [smem:$0x3FD0];
	(tm) =	ssettm $0x1  }
0x91: {  	s18 =	sld [smem:$0x3FFB];
	_ =	sdelay $0x3  }
0x92: {  	_ =	strace s18  }
0x93: {  	s3 =	sld [smem:$0x3FFC];
	_ =	sdelay $0x3  }
0x94: {  	_ =	strace s3  }
0x95: {  	s3 =	sld [smem:$0x3FFD];
	_ =	sdelay $0x3  }
0x96: {  	_ =	strace s3  }
0x97: {  	_ =	strace $0x8FFFFFFF  }
0x98: {  	s19 =	sld [smem:$0x3FDB];
	_ =	sdelay $0x1  }
0x99: {  	s4 =	simm.s32 $_scs_section_size  }
0x9a: {  	s5 =	simm.s32 $_size__tile_overlayer_lowered;
	s6 =	simm.s32 $_tile_overlayer_lowered  }
0x9b: {  	s22 =	simm.s32 $0x1BFF;
	s21 =	sshll.u32 s6, $0x1;
	s3 =	sadd.s32 s4, s19  }
0x9c: {  	s7 =	simm.s32 $0x0;
	s20 =	sshll.u32 s5, $0x1;
	s5 =	sadd.s32 s21, s3  }
0x9d: {  	[timem:s7], [sflag:s22] =	dma.local [hbm:s5], s20  }
0x9e: {  	_ =	swait.ge [sflag:s22], s20  }
0x9f: {  	s4 =	ssub.s32 $0x0, s20;
	[sflag:s22] =	ssyncset.done $0x0  }
0xa0: {  	[sflag:s22] =	ssyncadd.s32 s4;
	_ =	sdelay $0x1  }
0xa1: {  	s23 =	simm.s32 $0x1B8B  }
0xa2: {  	_ =	swait.ge [sflag:s23], $0x1  }
0xa3: {  	[sflag:s23] =	ssyncset.done $0x0  }
0xa4: {  	s25 =	simm.s32 $0x1B8E;
	s24 =	sld [smem:$0x3FFE];
	[sflag:s23] =	ssyncadd.s32 $0xFFFFFFFF  }
0xa5: {  	s26 =	simm.s32 $execute0_lowered;
	[smem:$0x3FD2] =	sst s25  }
0xa6: {  	s5 =	sshll.u32 s26, $0x1;
	_ =	strace $0x80000058;
	[dreg:$0x1] =	wrdreg $0xFFFFFFFF  }
0xa7: {  	s28 =	simm.s32 $_size_execute0_lowered;
	s3 =	sadd.s32 s3, s5;
	[dreg:$0x0] =	wrdreg $0x0  }
0xa8: {  	s5 =	sshll.u32 s28, $0x1;
	[dreg:$0x2] =	wrdreg s3  }
0xa9: {  	[dreg:$0x3] =	wrdreg s5  }
0xaa: {  	[dreg:$0x4] =	wrdreg $0xC0  }
0xab: {  	_ =	task [dreg:s7], $0x5FFFF  }
0xac: {  	[dreg:$0x1] =	wrdreg $0xFFFFFFFF  }
0xad: {  	[dreg:$0x0] =	wrdreg $0x60  }
0xae: {  	[dreg:$0x2] =	wrdreg s24  }
0xaf: {  	[dreg:$0x3] =	wrdreg s2  }
0xb0: {  	[dreg:$0x4] =	wrdreg $0x9  }
0xb1: {  	_ =	task.clear_ibuf [dreg:s7], $0x5FFFF;
	_ =	strace $0x90000058  }
0xb2: {  	s29 =	simm.s32 $0x9;
	_ =	strace $0x8000005A  }
0xb3: {  	_ =	swait.ge [sflag:s29], $0x1  }
0xb4: {  	[sflag:s29] =	ssyncadd.s32 $0xFFFFFFFF  }
0xb5: {  	_ =	strace $0x9000005A  }
0xb6: {  	_ =	sfence  }
0xb7: {  	s30 =	sld [smem:$0x0];
	_ =	sdelay $0x2  }
0xb8: {  	s31 =	sshll.u32 s1, $0xD;
	s1 =	sshrl.u32 s1, $0x2  }
0xb9: {  	s3 =	sand.u32 $0x4000, s31;
	s1 =	sadd.s32 s1, s30  }
0xba: {  	s0 =	sor.u32 s3, s0;
	s1 =	sshll.u32 s1, $0x11  }
0xbb: {  	s0 =	sor.u32 s1, s0  }
0xbc: {  	s0 =	sadd.s32 $0x8F2B, s0  }
0xbd: {  	[sflag:s0] =	ssyncadd.remote.s32 $0x1  }
0xbe: {  	_ =	sfence.sel $0xFFFF  }
0xbf: {  	[dreg:$0x0] =	wrdreg $0xFFFFFFFF;
	(pc) =	sbr.abs _section_cstart, $3  }
0xc0: {  	[dreg:$0x1] =	wrdreg $0xFFFFFFFF  }
0xc1: {  	_ =	task.clear_ibuf [dreg:s7], $0x2FFFF;
	_ =	strace $0x9FFFFFFF  }
0xc2: {  	(tm) =	ssettm $0x7FFFFFFF  }
0xc3: {  	_ =	shalt  }
tec
execute0_lowered:
.L_overlay_start_1:
0x0: {  	(tag) =	ssettag $0x1  }
0x1: {  	s7 =	rddreg [dreg:$0x0]  }
0x2: {  	s1 =	rddreg [dreg:$0x1]  }
0x3: {  	s0 =	rddreg [dreg:$0x2]  }
0x4: {  	s2 =	simm.s32 $0x0;
	s4 =	srdreg.scid;
	s11 =	simm.s32 $0x1  }
0x5: {  	s12 =	simm.s32 $0x14400;
	s13 =	simm.s32 $0x0;
	[smem:$0x7FF] =	sst s2  }
0x6: {  	s3 =	sadd.s32 $0xC3A00, s7;
	s8 =	sand.u32 $0x1, s4;
	s5 =	sadd.s32 $0xC8600, s7  }
0x7: {  	s6 =	sadd.s32 $0xD3E00, s7;
	s4 =	stileid.u32;
	s9 =	ssub.s32 $0x2, s8  }
0x8: {  	s7 =	sadd.s32 $0x37E00, s7;
	s8 =	sshll.u32 s8, $0x4;
	s10 =	sshrl.u32 s9, $0x1  }
0x9: {  	v0 =	vimm.s32 $0x3;
	v1 =	vlaneseq.u32;
	_ =	strace $0x80000059;
	s8 =	sor.u32 s4, s8;
	s9 =	ssub.s32 s9, s10  }
0xa: {  	v2 =	vimm.s32 $0x2;
	v3 =	vimm.s32 $0x1;
	v1 =	vmul.u32 $0x4, v1;
	s8 =	smul.u32 $0x2E00, s8;
	s10 =	simm.s32 $0x14C00;
	s9 =	smax.u32 s9, $0x1  }
.LBB2_1:
0xb: {  	[tilespmem:s10], [sflag:$0x1] =	stream.linear.gather [hbm4b:s1+s2], $0x80, $0x38;
	[tilespmem:$0x14C80] =	vst v63  }
0xc: {  	_ =	swait.ge [sflag:s11], $0x80  }
0xd: {  	[sflag:s11] =	ssyncset.done $0x0  }
0xe: {  	[sflag:s11] =	ssyncadd.s32 $0xFFFFFF80  }
0xf: {  	[tilespmem:s2], [sflag:$0x1] =	stream.linear.gather [hbm4b:s3+s2], $0x14000, $0x38;
	[tilespmem:$0x14C80] =	vst v63  }
0x10: {  	_ =	swait.ge [sflag:s11], $0x14000  }
0x11: {  	[sflag:s11] =	ssyncset.done $0x0  }
0x12: {  	s14 =	simm.s32 $0x0;
	[sflag:s11] =	ssyncadd.s32 $0xFFFEC000  }
.LBB2_2:
0x13: {  	s15 =	sshll.u32 s14, $0x9  }
0x14: {  	s15 =	sadd.s32 s8, s15  }
0x15: {  	s17 =	sshrl.u32 s15, $0x3  }
0x16: {  	s19 =	simm.s32 $0x0;
	s16 =	simm.s32 $0x14000;
	s18 =	sadd.s32 s5, s17  }
0x17: {  	[tilespmem:s16], [sflag:$0x1] =	stream.linear.gather [hbm4b:s18+s19], $0x200, $0x38;
	[tilespmem:$0x14C80] =	vst v63  }
0x18: {  	_ =	swait.ge [sflag:s11], $0x200  }
0x19: {  	[sflag:s11] =	ssyncset.done $0x0  }
0x1a: {  	s31 =	sadd.s32 s6, s17;
	s17 =	simm.s32 $0x14200;
	[sflag:s11] =	ssyncadd.s32 $0xFFFFFE00  }
0x1b: {  	[tilespmem:s17], [sflag:$0x1] =	stream.linear.gather [hbm4b:s31+s19], $0x200, $0x38;
	[tilespmem:$0x14C80] =	vst v63  }
0x1c: {  	_ =	swait.ge [sflag:s11], $0x200  }
0x1d: {  	[sflag:s11] =	ssyncset.done $0x0  }
0x1e: {  	[sflag:s11] =	ssyncadd.s32 $0xFFFFFE00  }
0x1f: {  	v4 =	vld [tilespmem:s17+$0x0]  }
0x20: {  	v5 =	vld [tilespmem:s16+$0x0];
	_ =	sdelay $0x4  }
0x21: {  	v4 =	vshll.u32 v4, $0x3;
	v5 =	vshll.u32 v5, $0x3  }
0x22: {  	v6 =	vor.u32 $0x4, v4;
	_ =	sdelay $0x3  }
0x23: {  	v7 =	vld.idx.msk [tilespmem:v5+s2+$0x0], $0xffff  }
0x24: {  	v6 =	vld.idx.msk [tilespmem:v6+s2+$0x0], $0xffff;
	_ =	sdelay $0x4  }
0x25: {  	v6 =	vadd.f32 v6, v7;
	v7 =	vld.msk [tilespmem:s10+$0x0], $0xffff;
	_ =	sdelay $0x1  }
0x26: {  	v8 =	vmul.f32 $2.000000030e-01, v6  }
0x27: {  	vm0 =	vgt.f32 v6, $0.0e+00  }
0x28: {  	v6 =	vsel vm0, v6, v8  }
0x29: {  	v6 =	vsub.f32 v6, v7;
	_ =	sdelay $0x1  }
0x2a: {  	v6 =	vmul.f32 $1.442695020e+00, v6;
	_ =	sdelay $0x1  }
0x2b: {  	(erf) = vpow2.f32 v6;
	_ =	sdelay $0x2  }
0x2c: {  	v6 =	vmov s19  }
0x2d: {  	v6 =	vshll.u32 v6, $0x2  }
0x2e: {  	v6 =	vor.u32 v1, v6  }
0x2f: {  	v7 =	vor.u32 $0x1, v5  }
0x30: {  	v58 =	vor.u32 $0x5, v4;
	_ =	sdelay $0x1  }
0x31: {  	v9 =	vpop (erf)  }
0x32: {  	[tilespmem:v6+s12+$0x0] =	vst.idx.msk $0xffff, v9  }
0x33: {  	v7 =	vld.idx.msk [tilespmem:v7+s2+$0x0], $0xffff  }
0x34: {  	v8 =	vld.idx.msk [tilespmem:v58+s2+$0x0], $0xffff;
	_ =	sdelay $0x4  }
0x35: {  	v9 =	vld.idx.msk [tilespmem:v3+s10+$0x0], $0xffff;
	v7 =	vadd.f32 v8, v7;
	_ =	sdelay $0x1  }
0x36: {  	v8 =	vmul.f32 $2.000000030e-01, v7  }
0x37: {  	vm13 =	vgt.f32 v7, $0.0e+00  }
0x38: {  	v7 =	vsel vm13, v7, v8  }
0x39: {  	v7 =	vsub.f32 v7, v9;
	_ =	sdelay $0x1  }
0x3a: {  	v7 =	vmul.f32 $1.442695020e+00, v7;
	_ =	sdelay $0x1  }
0x3b: {  	(erf) = vpow2.f32 v7;
	_ =	sdelay $0x4  }
0x3c: {  	v7 =	vor.u32 $0x1, v6  }
0x3d: {  	v59 =	vor.u32 $0x2, v5  }
0x3e: {  	v60 =	vor.u32 $0x6, v4;
	_ =	sdelay $0x1  }
0x3f: {  	v10 =	vpop (erf)  }
0x40: {  	[tilespmem:v7+s12+$0x0] =	vst.idx.msk $0xffff, v10  }
0x41: {  	v7 =	vld.idx.msk [tilespmem:v59+s2+$0x0], $0xffff  }
0x42: {  	v61 =	vld.idx.msk [tilespmem:v60+s2+$0x0], $0xffff;
	_ =	sdelay $0x4  }
0x43: {  	v62 =	vld.idx.msk [tilespmem:v2+s10+$0x0], $0xffff;
	v7 =	vadd.f32 v61, v7;
	_ =	sdelay $0x1  }
0x44: {  	v8 =	vmul.f32 $2.000000030e-01, v7  }
0x45: {  	vm14 =	vgt.f32 v7, $0.0e+00  }
0x46: {  	v7 =	vsel vm14, v7, v8  }
0x47: {  	v7 =	vsub.f32 v7, v62;
	_ =	sdelay $0x1  }
0x48: {  	v7 =	vmul.f32 $1.442695020e+00, v7;
	_ =	sdelay $0x1  }
0x49: {  	(erf) = vpow2.f32 v7;
	_ =	sdelay $0x4  }
0x4a: {  	v7 =	vor.u32 $0x2, v6  }
0x4b: {  	v5 =	vor.u32 $0x3, v5  }
0x4c: {  	v4 =	vor.u32 $0x7, v4;
	_ =	sdelay $0x1  }
0x4d: {  	v63 =	vpop (erf)  }
0x4e: {  	[tilespmem:v7+s12+$0x0] =	vst.idx.msk $0xffff, v63  }
0x4f: {  	v5 =	vld.idx.msk [tilespmem:v5+s2+$0x0], $0xffff  }
0x50: {  	v4 =	vld.idx.msk [tilespmem:v4+s2+$0x0], $0xffff;
	_ =	sdelay $0x4  }
0x51: {  	v7 =	vld.idx.msk [tilespmem:v0+s10+$0x0], $0xffff;
	v4 =	vadd.f32 v4, v5;
	_ =	sdelay $0x1  }
0x52: {  	v5 =	vmul.f32 $2.000000030e-01, v4  }
0x53: {  	vm15 =	vgt.f32 v4, $0.0e+00  }
0x54: {  	v4 =	vsel vm15, v4, v5  }
0x55: {  	v4 =	vsub.f32 v4, v7;
	_ =	sdelay $0x1  }
0x56: {  	v4 =	vmul.f32 $1.442695020e+00, v4;
	_ =	sdelay $0x1  }
0x57: {  	(erf) = vpow2.f32 v4;
	_ =	sdelay $0x3  }
0x58: {  	s18 =	simm.s32 $0x10;
	v4 =	vor.u32 $0x3, v6  }
.LBB2_3:
0x59: {  	_ = 	snop  }
0x5a: {  	p0 =	sne.s32 s18, $0x1F0;
	s16 =	sadd.s32 $0x10, s16;
	s17 =	sadd.s32 $0x10, s17  }
0x5b: {  	s19 =	smov.u32 s18;
	s18 =	sadd.s32 $0x10, s18;
	_ =	sdelay $0x1  }
0x5c: {  	v5 =	vpop (erf)  }
0x5d: {  	[tilespmem:v4+s12+$0x0] =	vst.idx.msk $0xffff, v5  }
0x5e: {  	v4 =	vld [tilespmem:s17+$0x0]  }
0x5f: {  	v5 =	vld [tilespmem:s16+$0x0];
	_ =	sdelay $0x3  }
0x60: {  	v4 =	vshll.u32 v4, $0x3  }
0x61: {  	v5 =	vshll.u32 v5, $0x3;
	v6 =	vor.u32 $0x4, v4;
	_ =	sdelay $0x4  }
0x62: {  	v6 =	vld.idx.msk [tilespmem:v6+s2+$0x0], $0xffff  }
0x63: {  	v7 =	vld.idx.msk [tilespmem:v5+s2+$0x0], $0xffff;
	_ =	sdelay $0x5  }
0x64: {  	v6 =	vadd.f32 v6, v7;
	v7 =	vld.msk [tilespmem:s10+$0x0], $0xffff;
	_ =	sdelay $0x1  }
0x65: {  	v8 =	vmul.f32 $2.000000030e-01, v6  }
0x66: {  	vm0 =	vgt.f32 v6, $0.0e+00  }
0x67: {  	v6 =	vsel vm0, v6, v8  }
0x68: {  	v6 =	vsub.f32 v6, v7;
	_ =	sdelay $0x1  }
0x69: {  	v6 =	vmul.f32 $1.442695020e+00, v6;
	_ =	sdelay $0x1  }
0x6a: {  	(erf) = vpow2.f32 v6;
	_ =	sdelay $0x2  }
0x6b: {  	v6 =	vmov s19  }
0x6c: {  	v6 =	vshll.u32 v6, $0x2  }
0x6d: {  	v6 =	vor.u32 v1, v6  }
0x6e: {  	v7 =	vor.u32 $0x1, v5  }
0x6f: {  	v8 =	vor.u32 $0x5, v4;
	_ =	sdelay $0x1  }
0x70: {  	v9 =	vpop (erf)  }
0x71: {  	[tilespmem:v6+s12+$0x0] =	vst.idx.msk $0xffff, v9  }
0x72: {  	v7 =	vld.idx.msk [tilespmem:v7+s2+$0x0], $0xffff  }
0x73: {  	v8 =	vld.idx.msk [tilespmem:v8+s2+$0x0], $0xffff;
	_ =	sdelay $0x4  }
0x74: {  	v9 =	vld.idx.msk [tilespmem:v3+s10+$0x0], $0xffff  }
0x75: {  	v7 =	vadd.f32 v8, v7;
	_ =	sdelay $0x1  }
0x76: {  	v8 =	vmul.f32 $2.000000030e-01, v7  }
0x77: {  	vm0 =	vgt.f32 v7, $0.0e+00  }
0x78: {  	v7 =	vsel vm0, v7, v8  }
0x79: {  	v7 =	vsub.f32 v7, v9;
	_ =	sdelay $0x1  }
0x7a: {  	v7 =	vmul.f32 $1.442695020e+00, v7;
	_ =	sdelay $0x1  }
0x7b: {  	(erf) = vpow2.f32 v7;
	_ =	sdelay $0x4  }
0x7c: {  	v7 =	vor.u32 $0x1, v6  }
0x7d: {  	v8 =	vor.u32 $0x2, v5  }
0x7e: {  	v9 =	vor.u32 $0x6, v4;
	_ =	sdelay $0x1  }
0x7f: {  	v10 =	vpop (erf)  }
0x80: {  	[tilespmem:v7+s12+$0x0] =	vst.idx.msk $0xffff, v10  }
0x81: {  	v7 =	vld.idx.msk [tilespmem:v8+s2+$0x0], $0xffff  }
0x82: {  	v8 =	vld.idx.msk [tilespmem:v9+s2+$0x0], $0xffff;
	_ =	sdelay $0x4  }
0x83: {  	v9 =	vld.idx.msk [tilespmem:v2+s10+$0x0], $0xffff  }
0x84: {  	v7 =	vadd.f32 v8, v7;
	_ =	sdelay $0x1  }
0x85: {  	v8 =	vmul.f32 $2.000000030e-01, v7  }
0x86: {  	vm0 =	vgt.f32 v7, $0.0e+00  }
0x87: {  	v7 =	vsel vm0, v7, v8  }
0x88: {  	v7 =	vsub.f32 v7, v9;
	_ =	sdelay $0x1  }
0x89: {  	v7 =	vmul.f32 $1.442695020e+00, v7;
	_ =	sdelay $0x1  }
0x8a: {  	(erf) = vpow2.f32 v7;
	_ =	sdelay $0x4  }
0x8b: {  	v7 =	vor.u32 $0x2, v6  }
0x8c: {  	v5 =	vor.u32 $0x3, v5;
	v4 =	vor.u32 $0x7, v4;
	_ =	sdelay $0x2  }
0x8d: {  	v8 =	vpop (erf)  }
0x8e: {  	[tilespmem:v7+s12+$0x0] =	vst.idx.msk $0xffff, v8  }
0x8f: {  	v5 =	vld.idx.msk [tilespmem:v5+s2+$0x0], $0xffff  }
0x90: {  	v4 =	vld.idx.msk [tilespmem:v4+s2+$0x0], $0xffff  }
0x91: {  	v7 =	vld.idx.msk [tilespmem:v0+s10+$0x0], $0xffff;
	_ =	sdelay $0x4  }
0x92: {  	v4 =	vadd.f32 v4, v5;
	_ =	sdelay $0x1  }
0x93: {  	vm0 =	vgt.f32 v4, $0.0e+00;
	v5 =	vmul.f32 $2.000000030e-01, v4;
	_ =	sdelay $0x1  }
0x94: {  	v4 =	vsel vm0, v4, v5  }
0x95: {  	v4 =	vsub.f32 v4, v7;
	_ =	sdelay $0x1  }
0x96: {  	v4 =	vmul.f32 $1.442695020e+00, v4;
	_ =	sdelay $0x1  }
.Ltmp0:
0x97: {  	(erf) = vpow2.f32 v4;
	(pc) =	sbr.rel @p0 .LBB2_3-.Ltmp0, $2  }
0x98: {  	_ =	sdelay $0x2  }
0x99: {  	v4 =	vor.u32 $0x3, v6  }
0x9a: {  	_ =	sdelay $0x2  }
0x9b: {  	s14 =	sadd.s32 $0x1, s14  }
0x9c: {  	s15 =	sshrl.u32 s15, $0x1;
	p0 =	sne.s32 s14, $0x17;
	v5 =	vpop (erf)  }
.Ltmp1:
0x9d: {  	s15 =	sadd.s32 s7, s15;
	[tilespmem:v4+s12+$0x0] =	vst.idx.msk $0xffff, v5;
	(pc) =	sbr.rel @p0 .LBB2_2-.Ltmp1, $4  }
0x9e: {  	[hbm4b:s15+s2] =	stream.linear.scatter [tilespmem:s12], [sflag:$0x1], $0x800, $0x38;
	[tilespmem:$0x14C80] =	vst v63  }
0x9f: {  	_ =	swait.ge [sflag:s11], $0x800  }
0xa0: {  	[sflag:s11] =	ssyncset.done $0x0  }
0xa1: {  	[sflag:s11] =	ssyncadd.s32 $0xFFFFF800  }
0xa2: {  	s13 =	sadd.s32 $0x1, s13  }
0xa3: {  	p0 =	sne.s32 s13, s9  }
.Ltmp2:
0xa4: {  	_ = 	snop;
	(pc) =	sbr.rel @p0 .LBB2_1-.Ltmp2, $1  }
0xa5: {  	_ =	sdelay $0x3  }
0xa6: {  	_ =	sfence.sel $0x180000  }
0xa7: {  	[bflag:$0x0] =	sbarrier.arrive $0xFFFF  }
0xa8: {  	p0 =	sne.s32 s4, $0x0;
	_ =	strace $0x90000059  }
0xa9: {  	s0 =	sadd.s32 @!p0 $0x100000, s0;
	[bflag:$0x2] =	sbarrier.arrive $0xFFFF  }
0xaa: {  	[sflag:s0] =	ssyncadd.tile.s32 @!p0 $0x1;
	_ =	shalt  }
.Lfunc_end2:
_tile_overlayer_lowered:
.L_overlay_start_2:
0xab: {  	(tag) =	ssettag $0x2  }
0xac: {  	s0 =	rddreg [dreg:$0x0];
	s2 =	stileid.u32  }
0xad: {  	s1 =	rddreg [dreg:$0x1];
	p0 =	sne.s32 s2, $0x0  }
0xae: {  	s3 =	rddreg [dreg:$0x2];
	[bflag:$0x3] =	sbarrier.arrive $0xFFFF;
	s2 =	simm.s32 @!p0 $0x1C01  }
0xaf: {  	[timem:s3], [sflag:s2] =	dma.local @!p0 [hbm:s0], s1  }
0xb0: {  	s0 =	simm.s32 @!p0 $0x1  }
0xb1: {  	_ =	swait.ge @!p0 [sflag:s0], s1  }
0xb2: {  	s1 =	ssub.s32 @!p0 $0x0, s1;
	[sflag:s0] =	ssyncset.done @!p0 $0x0  }
0xb3: {  	[sflag:s0] =	ssyncadd.s32 @!p0 s1  }
0xb4: {  	[bflag:$0x3] =	sbarrier.arrive $0xFFFF  }
0xb5: {  	_ =	shalt  }

// kernel: kernel.24.cloned.1.call-start
scs
__scs_entry_jumppad:
0x0: {  	(pc) =	sbr.rel $0x88, $3  }
0x1: {  	(tag) =	ssettag $0x0;
	lr =	simm.s32 $0x1  }
0x2: {  	[smem:$0x3F85] =	sst lr;
	_ =	strace $0xD0000000  }
0x3: {  	_ = 	snop  }
0x4: {  	_ = 	snop  }
0x5: {  	_ = 	snop  }
0x6: {  	_ = 	snop  }
0x7: {  	_ = 	snop  }
__scs_overlays_trampoline_lowered:
0x8: {  	[smem:$0x3F94] =	sst s0  }
0x9: {  	[smem:$0x3F95] =	sst s1  }
0xa: {  	[smem:$0x3F96] =	sst s2  }
0xb: {  	[smem:$0x3F97] =	sst s3  }
0xc: {  	[smem:$0x3F98] =	sst s4  }
0xd: {  	[smem:$0x3F99] =	sst s5  }
0xe: {  	[smem:$0x3F9A] =	sst s6  }
0xf: {  	[smem:$0x3F9B] =	sst s7  }
0x10: {  	[smem:$0x3F9C] =	sst s8  }
0x11: {  	[smem:$0x3F9D] =	sst s9;
	s0 =	simm.s32 @!p0 $0x0  }
0x12: {  	s1 =	sld [smem:$0x3F83];
	s0 =	simm.s32 @p0 $0x1  }
0x13: {  	[smem:$0x3F9E] =	sst s0;
	s0 =	simm.s32 @!p1 $0x0  }
0x14: {  	s2 =	sld [smem:$0x3F82];
	s0 =	simm.s32 @p1 $0x1  }
0x15: {  	[smem:$0x3F9F] =	sst s0;
	s0 =	simm.s32 @!p2 $0x0  }
0x16: {  	s3 =	sld [smem:$0x3FDB];
	s0 =	simm.s32 @p2 $0x1  }
0x17: {  	s4 =	simm.s32 $0x1BF5;
	[smem:$0x3FA1] =	sst s0  }
0x18: {  	s0 =	sld [smem:$0x3F84];
	_ =	swait.ge [sflag:s4], $0x0  }
0x19: {  	s7 =	sld [smem:$0x3F85]  }
0x1a: {  	s8 =	sadd.s32 $0xFFFFE003, lr  }
0x1b: {  	s9 =	sadd.s32 $0xFFFFFEF7, lr;
	s5 =	simm.s32 $0xFFFFFFFF;
	p2 =	slt.u32 s8, $0xFFFFF086  }
0x1c: {  	p1 =	slt.u32 s9, $0xF7A;
	s5 =	simm.s32 @!p2 $0x0  }
0x1d: {  	s5 =	simm.s32 @p1 $0x1;
	p0 =	seq.s32 s7, s2  }
0x1e: {  	s7 =	smul.u32 @!p0 $0xF7A, s2;
	p2 =	seq.s32 @!p0 s5, $0x0  }
0x1f: {  	s9 =	smul.u32 $0xF7A, s1;
	s8 =	simm.s32 @!p0 $0x1BF5;
	p2 =	por !p2, p0  }
0x20: {  	[sflag:s8] =	ssyncset.s32 @!p0 $0xFFFFF086;
	s6 =	sadd.s32 @!p0 s3, s7;
	s7 =	simm.s32 @!p0 $0x108  }
0x21: {  	s3 =	sadd.s32 s3, s9;
	s6 =	sadd.s32 @!p0 $0x88, s6;
	s7 =	simm.s32 @p2 $0x1082  }
0x22: {  	[simem:s7], [sflag:s8] =	dma.local @!p0 [hbm:s6], $0xF7A  }
0x23: {  	s9 =	sor.u32 $0xD0000000, s2;
	s6 =	simm.s32 $0x108;
	_ =	swait.ge @!p0 [sflag:s8], $0x0  }
0x24: {  	s3 =	sadd.s32 $0x88, s3;
	s6 =	simm.s32 @!p1 $0x1082;
	[sflag:s4] =	ssyncset.s32 $0xFFFFF086  }
0x25: {  	[simem:s6], [sflag:s4] =	dma.local [hbm:s3], $0xF7A  }
0x26: {  	[smem:$0x3F85] =	sst s1;
	(tag) =	ssettag s2;
	_ =	strace s9  }
0x27: {  	s1 =	sld [smem:$0x3F95]  }
0x28: {  	s2 =	sld [smem:$0x3F96]  }
0x29: {  	s4 =	sld [smem:$0x3F98]  }
0x2a: {  	p0 =	seq.s32 s5, $0x0;
	s5 =	sld [smem:$0x3F99]  }
0x2b: {  	s6 =	sld [smem:$0x3F9A]  }
0x2c: {  	s7 =	sld [smem:$0x3F9B]  }
0x2d: {  	s3 =	simm.s32 $0x108;
	s8 =	sld [smem:$0x3F9C]  }
0x2e: {  	s3 =	simm.s32 @!p0 $0x1082;
	s9 =	sld [smem:$0x3F9D]  }
0x2f: {  	lr =	sadd.s32 s0, s3;
	s0 =	sld [smem:$0x3F94]  }
0x30: {  	s3 =	sld [smem:$0x3F97]  }
0x31: {  	[smem:$0x3FA0] =	sst s10  }
0x32: {  	s10 =	sld [smem:$0x3F9E];
	_ =	sdelay $0x3  }
0x33: {  	p0 =	seq.s32 s10, $0x1;
	s10 =	sld [smem:$0x3FA0];
	_ =	sdelay $0x3  }
0x34: {  	[smem:$0x3FA0] =	sst s10  }
0x35: {  	s10 =	sld [smem:$0x3F9F];
	_ =	sdelay $0x3  }
0x36: {  	p1 =	seq.s32 s10, $0x1;
	s10 =	sld [smem:$0x3FA0];
	_ =	sdelay $0x3  }
0x37: {  	[smem:$0x3FA0] =	sst s10  }
0x38: {  	s10 =	sld [smem:$0x3FA1]  }
0x39: {  	_ = 	snop;
	(pc) =	sbr.ind lr, $3  }
0x3a: {  	_ = 	snop  }
0x3b: {  	_ = 	snop  }
0x3c: {  	p2 =	seq.s32 s10, $0x1;
	s10 =	sld [smem:$0x3FA0]  }
0x3d: {  	_ =	shalt  }
0x3e: {  	_ =	shalt  }
0x3f: {  	_ =	shalt  }
0x40: {  	_ =	shalt  }
0x41: {  	_ =	shalt  }
0x42: {  	_ =	shalt  }
0x43: {  	_ =	shalt  }
0x44: {  	_ =	shalt  }
0x45: {  	_ =	shalt  }
0x46: {  	_ =	shalt  }
0x47: {  	_ =	shalt  }
0x48: {  	_ =	shalt  }
0x49: {  	_ =	shalt  }
0x4a: {  	_ =	shalt  }
0x4b: {  	_ =	shalt  }
0x4c: {  	_ =	shalt  }
0x4d: {  	_ =	shalt  }
0x4e: {  	_ =	shalt  }
0x4f: {  	_ =	shalt  }
0x50: {  	_ =	shalt  }
0x51: {  	_ =	shalt  }
0x52: {  	_ =	shalt  }
0x53: {  	_ =	shalt  }
0x54: {  	_ =	shalt  }
0x55: {  	_ =	shalt  }
0x56: {  	_ =	shalt  }
0x57: {  	_ =	shalt  }
0x58: {  	_ =	shalt  }
0x59: {  	_ =	shalt  }
0x5a: {  	_ =	shalt  }
0x5b: {  	_ =	shalt  }
0x5c: {  	_ =	shalt  }
0x5d: {  	_ =	shalt  }
0x5e: {  	_ =	shalt  }
0x5f: {  	_ =	shalt  }
0x60: {  	_ =	shalt  }
0x61: {  	_ =	shalt  }
0x62: {  	_ =	shalt  }
0x63: {  	_ =	shalt  }
0x64: {  	_ =	shalt  }
0x65: {  	_ =	shalt  }
0x66: {  	_ =	shalt  }
0x67: {  	_ =	shalt  }
0x68: {  	_ =	shalt  }
0x69: {  	_ =	shalt  }
0x6a: {  	_ =	shalt  }
0x6b: {  	_ =	shalt  }
0x6c: {  	_ =	shalt  }
0x6d: {  	_ =	shalt  }
0x6e: {  	_ =	shalt  }
0x6f: {  	_ =	shalt  }
0x70: {  	_ =	shalt  }
0x71: {  	_ =	shalt  }
0x72: {  	_ =	shalt  }
0x73: {  	_ =	shalt  }
0x74: {  	_ =	shalt  }
0x75: {  	_ =	shalt  }
0x76: {  	_ =	shalt  }
0x77: {  	_ =	shalt  }
0x78: {  	_ =	shalt  }
0x79: {  	_ =	shalt  }
0x7a: {  	_ =	shalt  }
0x7b: {  	_ =	shalt  }
0x7c: {  	_ =	shalt  }
0x7d: {  	_ =	shalt  }
0x7e: {  	_ =	shalt  }
0x7f: {  	_ =	shalt  }
0x80: {  	_ =	shalt  }
0x81: {  	_ =	shalt  }
0x82: {  	_ =	shalt  }
0x83: {  	_ =	shalt  }
0x84: {  	_ =	shalt  }
0x85: {  	_ =	shalt  }
0x86: {  	_ =	shalt  }
0x87: {  	_ =	shalt  }
.Lfunc_end0:
.L_simem_size_0:
called_computation.7_lowered:
.L_overlay_start_0:
0x88: {  	s2 =	sld [smem:$0x3FD9]  }
0x89: {  	s3 =	sld [smem:$0x3FFE];
	_ =	sdelay $0x1  }
0x8a: {  	s1 =	srdreg.scid  }
0x8b: {  	s0 =	sand.u32 $0x1, s1  }
0x8c: {  	s16 =	sshll.u32 s0, $0xA;
	s2 =	sadd.s32 s3, s2  }
0x8d: {  	s2 =	sadd.s32 s2, s16  }
0x8e: {  	[smem:$0x3FAC] =	sst s2  }
0x8f: {  	_ = 	snop  }
0x90: {  	(tm) =	ssettm $0x1  }
0x91: {  	s17 =	sld [smem:$0x3FFB];
	_ =	sdelay $0x3  }
0x92: {  	_ =	strace s17  }
0x93: {  	s2 =	sld [smem:$0x3FFC];
	_ =	sdelay $0x3  }
0x94: {  	_ =	strace s2  }
0x95: {  	s2 =	sld [smem:$0x3FFD];
	_ =	sdelay $0x3  }
0x96: {  	_ =	strace s2  }
0x97: {  	_ =	strace $0x8FFFFFFF  }
0x98: {  	s18 =	sld [smem:$0x3FDB];
	_ =	sdelay $0x1  }
0x99: {  	s19 =	simm.s32 $_scs_section_size  }
0x9a: {  	s4 =	simm.s32 $_size__tile_overlayer_lowered;
	s5 =	simm.s32 $_tile_overlayer_lowered  }
0x9b: {  	s22 =	simm.s32 $0x1BFF;
	s21 =	sshll.u32 s5, $0x1;
	s2 =	sadd.s32 s19, s18  }
0x9c: {  	s6 =	simm.s32 $0x0;
	s20 =	sshll.u32 s4, $0x1;
	s4 =	sadd.s32 s21, s2  }
0x9d: {  	[timem:s6], [sflag:s22] =	dma.local [hbm:s4], s20  }
0x9e: {  	_ =	swait.ge [sflag:s22], s20  }
0x9f: {  	s3 =	ssub.s32 $0x0, s20;
	[sflag:s22] =	ssyncset.done $0x0  }
0xa0: {  	[sflag:s22] =	ssyncadd.s32 s3;
	_ =	sdelay $0x1  }
0xa1: {  	s23 =	simm.s32 $0x1B8B  }
0xa2: {  	_ =	swait.ge [sflag:s23], $0x1  }
0xa3: {  	[sflag:s23] =	ssyncset.done $0x0  }
0xa4: {  	s25 =	simm.s32 $0x1B8E;
	s24 =	sld [smem:$0x3FFE];
	[sflag:s23] =	ssyncadd.s32 $0xFFFFFFFF  }
0xa5: {  	s26 =	simm.s32 $execute0_lowered;
	[smem:$0x3FD2] =	sst s25  }
0xa6: {  	s4 =	sshll.u32 s26, $0x1;
	_ =	strace $0x8000005B;
	[dreg:$0x1] =	wrdreg $0xFFFFFFFF  }
0xa7: {  	s28 =	simm.s32 $_size_execute0_lowered;
	s2 =	sadd.s32 s2, s4;
	[dreg:$0x0] =	wrdreg $0x0  }
0xa8: {  	s4 =	sshll.u32 s28, $0x1;
	[dreg:$0x2] =	wrdreg s2  }
0xa9: {  	[dreg:$0x3] =	wrdreg s4  }
0xaa: {  	[dreg:$0x4] =	wrdreg $0xC0  }
0xab: {  	_ =	task [dreg:s6], $0x5FFFF  }
0xac: {  	[dreg:$0x1] =	wrdreg $0xFFFFFFFF  }
0xad: {  	[dreg:$0x0] =	wrdreg $0x60  }
0xae: {  	[dreg:$0x2] =	wrdreg s24  }
0xaf: {  	[dreg:$0x3] =	wrdreg $0x9  }
0xb0: {  	_ =	task.clear_ibuf [dreg:s6], $0x4FFFF;
	_ =	strace $0x9000005B  }
0xb1: {  	s29 =	simm.s32 $0x9;
	_ =	strace $0x8000005D  }
0xb2: {  	_ =	swait.ge [sflag:s29], $0x1  }
0xb3: {  	[sflag:s29] =	ssyncadd.s32 $0xFFFFFFFF  }
0xb4: {  	_ =	strace $0x9000005D  }
0xb5: {  	_ =	sfence  }
0xb6: {  	s30 =	sld [smem:$0x0];
	_ =	sdelay $0x2  }
0xb7: {  	s31 =	sshll.u32 s1, $0xD;
	s1 =	sshrl.u32 s1, $0x2  }
0xb8: {  	s3 =	sand.u32 $0x4000, s31;
	s1 =	sadd.s32 s1, s30  }
0xb9: {  	s0 =	sor.u32 s3, s0;
	s1 =	sshll.u32 s1, $0x11  }
0xba: {  	s0 =	sor.u32 s1, s0  }
0xbb: {  	s0 =	sadd.s32 $0x8F2B, s0  }
0xbc: {  	[sflag:s0] =	ssyncadd.remote.s32 $0x1  }
0xbd: {  	_ =	sfence.sel $0xFFFF  }
0xbe: {  	[dreg:$0x0] =	wrdreg $0xFFFFFFFF;
	(pc) =	sbr.abs _section_cstart, $3  }
0xbf: {  	[dreg:$0x1] =	wrdreg $0xFFFFFFFF  }
0xc0: {  	_ =	task.clear_ibuf [dreg:s6], $0x2FFFF;
	_ =	strace $0x9FFFFFFF  }
0xc1: {  	(tm) =	ssettm $0x7FFFFFFF  }
tec
execute0_lowered:
.L_overlay_start_1:
0x0: {  	(tag) =	ssettag $0x1  }
0x1: {  	v0 =	vlaneseq.u32;
	s0 =	rddreg [dreg:$0x0];
	s1 =	simm.s32 $0x0  }
0x2: {  	vm0 =	vmmov $0xffff;
	s17 =	srdreg.scid;
	s24 =	stileid.u32;
	s16 =	simm.s32 $0x2;
	v1 =	vand.u32 $0x7, v0  }
0x3: {  	s10 =	simm.s32 $0x80;
	s11 =	simm.s32 $0x400;
	s28 =	simm.s32 $0x8980;
	v2 =	vshrl.u32 v0, $0x3;
	v3 =	vor.u32 $0x8, v0;
	v4 =	vmul.u32 $0x4, v0  }
0x4: {  	s29 =	simm.s32 $0x9180;
	s30 =	simm.s32 $0x9980;
	s31 =	simm.s32 $0xA180;
	v5 =	vor.u32 $0x10, v0;
	v6 =	vor.u32 $0x20, v0;
	v7 =	vor.u32 $0x30, v0  }
0x5: {  	s15 =	simm.s32 $0xB180;
	s9 =	simm.s32 $0xC180;
	[smem:$0x7FF] =	sst s1;
	v8 =	vor.u32 $0x40, v0;
	v9 =	vor.u32 $0x50, v0;
	v10 =	vor.u32 $0x60, v0  }
0x6: {  	s7 =	simm.s32 $0x0;
	s2 =	sadd.s32 $0x2B9C00, s0;
	v11 =	vor.u32 $0x70, v0;
	v12 =	vor.u32 $0x80, v0;
	s3 =	sadd.s32 $0x65E00, s0;
	v13 =	vor.u32 $0x90, v0  }
0x7: {  	s18 =	sadd.s32 $0x7E00, s0;
	v14 =	vor.u32 $0xA0, v0;
	v15 =	vor.u32 $0xB0, v0;
	v16 =	vor.u32 $0xC0, v0;
	_ =	strace $0x8000005C;
	[dreg:$0x2] =	wrdreg s3  }
0x8: {  	s1 =	sand.u32 $0x1, s17;
	s19 =	sadd.s32 $0xB6000, s0;
	v17 =	vor.u32 $0xD0, v0;
	v18 =	vor.u32 $0xE0, v0;
	v19 =	vor.u32 $0xF0, v0;
	[dreg:$0x3] =	wrdreg s18  }
0x9: {  	s20 =	sadd.s32 $0xC1800, s0;
	s4 =	sadd.s32 $0xC3800, s0;
	v20 =	vor.u32 $0x100, v0;
	v21 =	vor.u32 $0x110, v0;
	v22 =	vor.u32 $0x120, v0;
	[dreg:$0x4] =	wrdreg s19  }
0xa: {  	s22 =	sadd.s32 $0xC3A00, s0;
	s5 =	sadd.s32 $0x93E00, s0;
	v23 =	vor.u32 $0x130, v0;
	v24 =	vor.u32 $0x140, v0;
	v25 =	vor.u32 $0x150, v0;
	[dreg:$0x5] =	wrdreg s20  }
0xb: {  	s25 =	sshll.u32 s24, $0x7;
	s12 =	sadd.s32 $0x2B9D00, s0;
	v26 =	vor.u32 $0x160, v0;
	v27 =	vor.u32 $0x170, v0;
	v28 =	vor.u32 $0x180, v0;
	[dreg:$0x6] =	wrdreg s4  }
0xc: {  	s14 =	sadd.s32 $0x2B9E00, s0;
	v29 =	vor.u32 $0x190, v0;
	v30 =	vor.u32 $0x1A0, v0;
	v31 =	vor.u32 $0x1B0, v0;
	s24 =	simm.s32 $0x7180;
	[dreg:$0x7] =	wrdreg s22  }
0xd: {  	v32 =	vor.u32 $0x1C0, v0;
	v33 =	vor.u32 $0x1D0, v0;
	v34 =	vor.u32 $0x1E0, v0;
	s0 =	simm.s32 $0xA980;
	s21 =	ssub.s32 $0x2, s1;
	[dreg:$0x8] =	wrdreg s5  }
0xe: {  	v35 =	vor.u32 $0x1F0, v0;
	v36 =	vor.u32 $0x200, v0;
	v37 =	vor.u32 $0x210, v0;
	s1 =	sshll.u32 s1, $0x4;
	s8 =	sand.u32 $0x380, s25;
	s19 =	simm.s32 $0x3000  }
0xf: {  	v38 =	vor.u32 $0x220, v0;
	v39 =	vor.u32 $0x230, v0;
	v40 =	vor.u32 $0x240, v0;
	s20 =	simm.s32 $0x3B80;
	s22 =	simm.s32 $0x1BC80;
	s25 =	simm.s32 $0x7980  }
0x10: {  	v41 =	vor.u32 $0x250, v0;
	v42 =	vor.u32 $0x260, v0;
	v43 =	vor.u32 $0x270, v0;
	s5 =	simm.s32 $0x0;
	s23 =	sshrl.u32 s21, $0x1;
	[dreg:$0x9] =	wrdreg s1  }
0x11: {  	v44 =	vor.u32 $0x280, v0;
	v45 =	vor.u32 $0x290, v0;
	v46 =	vor.u32 $0x2A0, v0;
	s1 =	simm.s32 $0xB980;
	[dreg:$0xa] =	wrdreg s8;
	s3 =	ssub.s32 s21, s23  }
0x12: {  	v47 =	vor.u32 $0x2B0, v0;
	v48 =	vor.u32 $0x2C0, v0;
	v49 =	vor.u32 $0x2D0, v0;
	s21 =	simm.s32 $0xC980;
	s23 =	simm.s32 $0x6980;
	s26 =	smax.u32 s3, $0x1  }
0x13: {  	v50 =	vor.u32 $0x2E0, v0;
	v51 =	vor.u32 $0x2F0, v0;
	v2 =	vmul.u32 $0x8, v2;
	s3 =	simm.s32 $0x1;
	[dreg:$0xb] =	wrdreg s26;
	s26 =	simm.s32 $0x8180  }
.LBB2_1:
0x14: {  	[dreg:$0xc] =	wrdreg s5;
	s4 =	simm.s32 $0x0  }
.LBB2_2:
0x15: {  	s5 =	sshll.u32 s4, $0x5;
	s17 =	rddreg [dreg:$0x9]  }
0x16: {  	s18 =	stileid.u32;
	s5 =	sor.u32 s5, s17  }
0x17: {  	[dreg:$0xd] =	wrdreg s4;
	s4 =	sor.u32 s18, s5  }
0x18: {  	s5 =	smul.u32 $0x600, s4  }
0x19: {  	s6 =	rddreg [dreg:$0x3];
	s13 =	sshrl.u32 s4, $0x3  }
0x1a: {  	[dreg:$0xe] =	wrdreg s4;
	s5 =	sadd.s32 s6, s5;
	s6 =	smul.u32 $0x5C00, s13  }
0x1b: {  	[tilespmem:s7], [sflag:$0x2] =	stream.linear.gather [hbm4b:s5+s7], $0x2E00, $0x38;
	[tilespmem:$0x1BE00] =	vst v63  }
0x1c: {  	s4 =	smul.u32 $0x17000, s13;
	_ =	swait.ge [sflag:s16], $0x2E00;
	s17 =	sor.u32 s8, s6  }
0x1d: {  	[sflag:s16] =	ssyncset.done $0x0;
	s5 =	sshrl.u32 s17, $0x3;
	s18 =	rddreg [dreg:$0x4]  }
0x1e: {  	[dreg:$0xf] =	wrdreg s13;
	[sflag:s16] =	ssyncadd.s32 $0xFFFFD200;
	s5 =	sadd.s32 s18, s5  }
0x1f: {  	[tilespmem:s19], [sflag:$0x2] =	stream.strided.gather [hbm4b:s5+s10], $0xB80, s11, s10, $0x38;
	[tilespmem:$0x1BE00] =	vst v63  }
0x20: {  	s8 =	sor.u32 s8, s4;
	_ =	swait.ge [sflag:s16], $0xB80  }
0x21: {  	s5 =	sshrl.u32 s8, $0x3;
	[sflag:s16] =	ssyncset.done $0x0;
	s13 =	rddreg [dreg:$0x2]  }
0x22: {  	[sflag:s16] =	ssyncadd.s32 $0xFFFFF480;
	s5 =	sadd.s32 s13, s5  }
0x23: {  	[tilespmem:s20], [sflag:$0x2] =	stream.strided.gather [hbm4b:s5+s10], $0x2E00, s11, s10, $0x38;
	[tilespmem:$0x1BE00] =	vst v63  }
0x24: {  	_ =	swait.ge [sflag:s16], $0x2E00  }
0x25: {  	[sflag:s16] =	ssyncset.done $0x0  }
0x26: {  	s17 =	rddreg [dreg:$0x5];
	[sflag:s16] =	ssyncadd.s32 $0xFFFFD200  }
0x27: {  	[tilespmem:s21], [sflag:$0x2] =	stream.linear.gather [hbm4b:s17+s7], $0xF300, $0x38;
	[tilespmem:$0x1BE00] =	vst v63  }
0x28: {  	_ =	swait.ge [sflag:s16], $0xF300  }
0x29: {  	[sflag:s16] =	ssyncset.done $0x0  }
0x2a: {  	s18 =	rddreg [dreg:$0x6];
	[sflag:s16] =	ssyncadd.s32 $0xFFFF0D00  }
0x2b: {  	[tilespmem:s22], [sflag:$0x2] =	stream.linear.gather [hbm4b:s18+s7], $0x180, $0x38;
	[tilespmem:$0x1BE00] =	vst v63  }
0x2c: {  	_ =	swait.ge [sflag:s16], $0x180  }
0x2d: {  	s8 =	simm.s32 $0x0;
	[sflag:s16] =	ssyncset.done $0x0  }
0x2e: {  	s10 =	simm.s32 $0x0;
	s11 =	simm.s32 $0x0;
	[sflag:s16] =	ssyncadd.s32 $0xFFFFFE80  }
.LBB2_3:
0x2f: {  	s5 =	sshll.u32 s11, $0x7  }
0x30: {  	s5 =	sand.u32 $0x3FFFFF80, s5  }
0x31: {  	v52 =	vld [tilespmem:s5+$0x0];
	_ =	sdelay $0x4  }
0x32: {  	v53 =	vshrl.u32 v52, $0x3  }
0x33: {  	v53 =	vmul.u32 $0x30, v53  }
0x34: {  	v52 =	vand.u32 $0x7, v52  }
0x35: {  	v52 =	vor.u32 v52, v53  }
0x36: {  	v53 =	vperm.xlane v52, v1;
	_ =	sdelay $0x1  }
0x37: {  	v53 =	vadd.s32 v2, v53;
	_ =	sdelay $0x3  }
0x38: {  	v52 =	vperm.xlane v52, v3  }
0x39: {  	[tilespmem:s23], [sflag:$0x1] =	stream.indirect_vreg.gather [hbm4b:s2+s7], $0x80, v53, vm0, $0xb8;
	[tilespmem:$0x1BE00] =	vst v63  }
0x3a: {  	v52 =	vadd.s32 v2, v52  }
0x3b: {  	[tilespmem:s24], [sflag:$0x1] =	stream.indirect_vreg.gather [hbm4b:s12+s7], $0x80, v53, vm0, $0xb8;
	[tilespmem:$0x1BE00] =	vst v63  }
0x3c: {  	_ = 	snop  }
0x3d: {  	[tilespmem:s25], [sflag:$0x1] =	stream.indirect_vreg.gather [hbm4b:s14+s7], $0x80, v53, vm0, $0xb8;
	[tilespmem:$0x1BE00] =	vst v63  }
0x3e: {  	_ = 	snop  }
0x3f: {  	[tilespmem:s26], [sflag:$0x1] =	stream.indirect_vreg.gather [hbm4b:s2+s7], $0x80, v52, vm0, $0xb8;
	[tilespmem:$0x1BE00] =	vst v63  }
0x40: {  	_ = 	snop  }
0x41: {  	[tilespmem:s28], [sflag:$0x1] =	stream.indirect_vreg.gather [hbm4b:s12+s7], $0x80, v52, vm0, $0xb8;
	[tilespmem:$0x1BE00] =	vst v63  }
0x42: {  	_ = 	snop  }
0x43: {  	[tilespmem:s29], [sflag:$0x1] =	stream.indirect_vreg.gather [hbm4b:s14+s7], $0x80, v52, vm0, $0xb8;
	[tilespmem:$0x1BE00] =	vst v63  }
0x44: {  	v52 =	vld [tilespmem:s5+$0x10];
	_ =	sdelay $0x4  }
0x45: {  	v59 =	vshrl.u32 v52, $0x3  }
0x46: {  	v53 =	vmul.u32 $0x30, v59  }
0x47: {  	v52 =	vand.u32 $0x7, v52  }
0x48: {  	v52 =	vor.u32 v52, v53  }
0x49: {  	v53 =	vperm.xlane v52, v1;
	_ =	sdelay $0x1  }
0x4a: {  	v53 =	vadd.s32 v2, v53;
	_ =	sdelay $0x3  }
0x4b: {  	v52 =	vperm.xlane v52, v3  }
0x4c: {  	[tilespmem:s30], [sflag:$0x1] =	stream.indirect_vreg.gather [hbm4b:s2+s7], $0x80, v53, vm0, $0xb8;
	[tilespmem:$0x1BE00] =	vst v63  }
0x4d: {  	v52 =	vadd.s32 v2, v52  }
0x4e: {  	[tilespmem:s31], [sflag:$0x1] =	stream.indirect_vreg.gather [hbm4b:s12+s7], $0x80, v53, vm0, $0xb8;
	[tilespmem:$0x1BE00] =	vst v63  }
0x4f: {  	_ = 	snop  }
0x50: {  	[tilespmem:s0], [sflag:$0x1] =	stream.indirect_vreg.gather [hbm4b:s14+s7], $0x80, v53, vm0, $0xb8;
	[tilespmem:$0x1BE00] =	vst v63  }
0x51: {  	_ = 	snop  }
0x52: {  	[tilespmem:s15], [sflag:$0x1] =	stream.indirect_vreg.gather [hbm4b:s2+s7], $0x80, v52, vm0, $0xb8;
	[tilespmem:$0x1BE00] =	vst v63  }
0x53: {  	_ = 	snop  }
0x54: {  	[tilespmem:s1], [sflag:$0x1] =	stream.indirect_vreg.gather [hbm4b:s12+s7], $0x80, v52, vm0, $0xb8;
	[tilespmem:$0x1BE00] =	vst v63  }
0x55: {  	_ = 	snop  }
0x56: {  	[tilespmem:s9], [sflag:$0x1] =	stream.indirect_vreg.gather [hbm4b:s14+s7], $0x80, v52, vm0, $0xb8;
	[tilespmem:$0x1BE00] =	vst v63  }
0x57: {  	s18 =	sshll.u32 s11, $0x5;
	_ =	swait.ge [sflag:s3], $0x6000  }
0x58: {  	v60 =	vmov s18;
	[sflag:s3] =	ssyncset.done $0x0  }
0x59: {  	v52 =	vshll.u32 v60, $0x2;
	[sflag:s3] =	ssyncadd.s32 $0xFFFFA000  }
0x5a: {  	v52 =	vor.u32 v4, v52;
	v61 =	vld [tilespmem:s18+$0x3000];
	_ =	sdelay $0x4  }
0x5b: {  	v54 =	vld.idx.msk [tilespmem:v52+s20+$0x0], $0xffff;
	v53 =	vshll.u32 v61, $0x2  }
0x5c: {  	v55 =	vor.u32 $0x1, v52;
	_ =	sdelay $0x3  }
0x5d: {  	[tilespmem:v53+s22+$0x0] =	vst.idx.add.f32.msk $0xffff, v54  }
0x5e: {  	v62 =	vor.u32 $0x1, v53;
	v54 =	vld.idx.msk [tilespmem:v55+s20+$0x0], $0xffff  }
0x5f: {  	v56 =	vor.u32 $0x2, v52;
	_ =	sdelay $0x3  }
0x60: {  	[tilespmem:v62+s22+$0x0] =	vst.idx.add.f32.msk $0xffff, v54  }
0x61: {  	v63 =	vor.u32 $0x2, v53;
	v54 =	vld.idx.msk [tilespmem:v56+s20+$0x0], $0xffff  }
0x62: {  	v52 =	vor.u32 $0x3, v52;
	_ =	sdelay $0x3  }
0x63: {  	[tilespmem:v63+s22+$0x0] =	vst.idx.add.f32.msk $0xffff, v54  }
0x64: {  	v53 =	vor.u32 $0x3, v53;
	v52 =	vld.idx.msk [tilespmem:v52+s20+$0x0], $0xffff;
	_ =	sdelay $0x2  }
0x65: {  	s6 =	sor.u32 $0x10, s18  }
0x66: {  	v57 =	vmov s6  }
0x67: {  	v58 =	vshll.u32 v57, $0x2;
	[tilespmem:v53+s22+$0x0] =	vst.idx.add.f32.msk $0xffff, v52  }
0x68: {  	v52 =	vor.u32 v4, v58;
	v53 =	vld [tilespmem:s18+$0x3010];
	_ =	sdelay $0x4  }
0x69: {  	v59 =	vld.idx.msk [tilespmem:v52+s20+$0x0], $0xffff;
	v53 =	vshll.u32 v53, $0x2  }
0x6a: {  	v60 =	vor.u32 $0x1, v52;
	_ =	sdelay $0x3  }
0x6b: {  	[tilespmem:v53+s22+$0x0] =	vst.idx.add.f32.msk $0xffff, v59  }
0x6c: {  	v61 =	vor.u32 $0x1, v53;
	v54 =	vld.idx.msk [tilespmem:v60+s20+$0x0], $0xffff  }
0x6d: {  	v62 =	vor.u32 $0x2, v52;
	_ =	sdelay $0x3  }
0x6e: {  	[tilespmem:v61+s22+$0x0] =	vst.idx.add.f32.msk $0xffff, v54  }
0x6f: {  	v63 =	vor.u32 $0x2, v53;
	v54 =	vld.idx.msk [tilespmem:v62+s20+$0x0], $0xffff  }
0x70: {  	v52 =	vor.u32 $0x3, v52;
	_ =	sdelay $0x3  }
0x71: {  	[tilespmem:v63+s22+$0x0] =	vst.idx.add.f32.msk $0xffff, v54  }
0x72: {  	v53 =	vor.u32 $0x3, v53;
	v52 =	vld.idx.msk [tilespmem:v52+s20+$0x0], $0xffff;
	_ =	sdelay $0x4  }
0x73: {  	s17 =	simm.s32 $0x0;
	s13 =	simm.s32 $0x0;
	s18 =	simm.s32 $0x0;
	[tilespmem:v53+s22+$0x0] =	vst.idx.add.f32.msk $0xffff, v52  }
.LBB2_4:
0x74: {  	s5 =	sadd.s32 s13, s10  }
0x75: {  	v52 =	vmov s5  }
0x76: {  	s6 =	sadd.s32 s18, s8  }
0x77: {  	v53 =	vmov s6  }
0x78: {  	v53 =	vand.u32 $0xFFFFFFFC, v53  }
0x79: {  	s4 =	sshrl.u32 s13, $0x3;
	v53 =	vbroadcast v53, $0x0  }
0x7a: {  	s5 =	smul.u32 $0x6000, s4;
	v52 =	vld.idx.msk [tilespmem:v52+s19+$0x0], $0xffff;
	_ =	sdelay $0x1  }
0x7b: {  	s4 =	sand.u32 $0x380, s17;
	s5 =	sshra.s32 s5, $0x2  }
0x7c: {  	s5 =	sor.u32 s4, s5  }
0x7d: {  	v54 =	vld [tilespmem:s5+$0x6980]  }
0x7e: {  	v53 =	vld.idx.msk [tilespmem:v53+s20+$0x0], $0xffff;
	v52 =	vmul.u32 $0x300, v52;
	_ =	sdelay $0x1  }
0x7f: {  	v55 =	vor.u32 v0, v52;
	_ =	sdelay $0x2  }
0x80: {  	v54 =	vmul.f32 v54, v53;
	_ =	sdelay $0x1  }
0x81: {  	[tilespmem:v55+s21+$0x0] =	vst.idx.add.f32.msk $0xffff, v54  }
0x82: {  	v54 =	vld [tilespmem:s5+$0x6990];
	_ =	sdelay $0x1  }
0x83: {  	v60 =	vor.u32 v5, v52;
	_ =	sdelay $0x2  }
0x84: {  	v54 =	vmul.f32 v54, v53;
	_ =	sdelay $0x1  }
0x85: {  	[tilespmem:v60+s21+$0x0] =	vst.idx.add.f32.msk $0xffff, v54  }
0x86: {  	v54 =	vld [tilespmem:s5+$0x69A0];
	_ =	sdelay $0x1  }
0x87: {  	v61 =	vor.u32 v6, v52;
	_ =	sdelay $0x2  }
0x88: {  	v54 =	vmul.f32 v54, v53;
	_ =	sdelay $0x1  }
0x89: {  	[tilespmem:v61+s21+$0x0] =	vst.idx.add.f32.msk $0xffff, v54  }
0x8a: {  	v54 =	vld [tilespmem:s5+$0x69B0];
	_ =	sdelay $0x1  }
0x8b: {  	v62 =	vor.u32 v7, v52;
	_ =	sdelay $0x2  }
0x8c: {  	v54 =	vmul.f32 v54, v53;
	_ =	sdelay $0x1  }
0x8d: {  	[tilespmem:v62+s21+$0x0] =	vst.idx.add.f32.msk $0xffff, v54  }
0x8e: {  	v54 =	vld [tilespmem:s5+$0x69C0];
	_ =	sdelay $0x1  }
0x8f: {  	v63 =	vor.u32 v8, v52;
	_ =	sdelay $0x2  }
0x90: {  	v54 =	vmul.f32 v54, v53;
	_ =	sdelay $0x1  }
0x91: {  	[tilespmem:v63+s21+$0x0] =	vst.idx.add.f32.msk $0xffff, v54  }
0x92: {  	v54 =	vld [tilespmem:s5+$0x69D0];
	_ =	sdelay $0x1  }
0x93: {  	v57 =	vor.u32 v9, v52;
	_ =	sdelay $0x2  }
0x94: {  	v54 =	vmul.f32 v54, v53;
	_ =	sdelay $0x1  }
0x95: {  	[tilespmem:v57+s21+$0x0] =	vst.idx.add.f32.msk $0xffff, v54  }
0x96: {  	v54 =	vld [tilespmem:s5+$0x69E0];
	_ =	sdelay $0x1  }
0x97: {  	v58 =	vor.u32 v10, v52;
	_ =	sdelay $0x2  }
0x98: {  	v54 =	vmul.f32 v54, v53;
	_ =	sdelay $0x1  }
0x99: {  	[tilespmem:v58+s21+$0x0] =	vst.idx.add.f32.msk $0xffff, v54  }
0x9a: {  	v54 =	vld [tilespmem:s5+$0x69F0];
	_ =	sdelay $0x1  }
0x9b: {  	v59 =	vor.u32 v11, v52;
	_ =	sdelay $0x2  }
0x9c: {  	v54 =	vmul.f32 v54, v53;
	_ =	sdelay $0x1  }
0x9d: {  	[tilespmem:v59+s21+$0x0] =	vst.idx.add.f32.msk $0xffff, v54  }
0x9e: {  	v54 =	vld [tilespmem:s5+$0x6D80];
	_ =	sdelay $0x1  }
0x9f: {  	v60 =	vor.u32 v12, v52;
	_ =	sdelay $0x2  }
0xa0: {  	v54 =	vmul.f32 v54, v53;
	_ =	sdelay $0x1  }
0xa1: {  	[tilespmem:v60+s21+$0x0] =	vst.idx.add.f32.msk $0xffff, v54  }
0xa2: {  	v54 =	vld [tilespmem:s5+$0x6D90];
	_ =	sdelay $0x1  }
0xa3: {  	v61 =	vor.u32 v13, v52;
	_ =	sdelay $0x2  }
0xa4: {  	v54 =	vmul.f32 v54, v53;
	_ =	sdelay $0x1  }
0xa5: {  	[tilespmem:v61+s21+$0x0] =	vst.idx.add.f32.msk $0xffff, v54  }
0xa6: {  	v54 =	vld [tilespmem:s5+$0x6DA0];
	_ =	sdelay $0x1  }
0xa7: {  	v62 =	vor.u32 v14, v52;
	_ =	sdelay $0x2  }
0xa8: {  	v54 =	vmul.f32 v54, v53;
	_ =	sdelay $0x1  }
0xa9: {  	s4 =	sadd.s32 $0x1, s6;
	[tilespmem:v62+s21+$0x0] =	vst.idx.add.f32.msk $0xffff, v54  }
0xaa: {  	v63 =	vmov s4;
	v54 =	vld [tilespmem:s5+$0x6DB0]  }
0xab: {  	v55 =	vand.u32 $0xFFFFFFFD, v63  }
0xac: {  	v56 =	vor.u32 v15, v52;
	v55 =	vbroadcast v55, $0x0;
	_ =	sdelay $0x2  }
0xad: {  	v53 =	vmul.f32 v54, v53;
	_ =	sdelay $0x1  }
0xae: {  	[tilespmem:v56+s21+$0x0] =	vst.idx.add.f32.msk $0xffff, v53  }
0xaf: {  	v53 =	vld.idx.msk [tilespmem:v55+s20+$0x0], $0xffff  }
0xb0: {  	v57 =	vld [tilespmem:s5+$0x6DC0];
	_ =	sdelay $0x1  }
0xb1: {  	v58 =	vor.u32 v16, v52;
	_ =	sdelay $0x2  }
0xb2: {  	v54 =	vmul.f32 v57, v53;
	_ =	sdelay $0x1  }
0xb3: {  	[tilespmem:v58+s21+$0x0] =	vst.idx.add.f32.msk $0xffff, v54  }
0xb4: {  	v54 =	vld [tilespmem:s5+$0x6DD0];
	_ =	sdelay $0x1  }
0xb5: {  	v59 =	vor.u32 v17, v52;
	_ =	sdelay $0x2  }
0xb6: {  	v54 =	vmul.f32 v54, v53;
	_ =	sdelay $0x1  }
0xb7: {  	[tilespmem:v59+s21+$0x0] =	vst.idx.add.f32.msk $0xffff, v54  }
0xb8: {  	v54 =	vld [tilespmem:s5+$0x6DE0];
	_ =	sdelay $0x1  }
0xb9: {  	v60 =	vor.u32 v18, v52;
	_ =	sdelay $0x2  }
0xba: {  	v54 =	vmul.f32 v54, v53;
	_ =	sdelay $0x1  }
0xbb: {  	[tilespmem:v60+s21+$0x0] =	vst.idx.add.f32.msk $0xffff, v54  }
0xbc: {  	v54 =	vld [tilespmem:s5+$0x6DF0];
	_ =	sdelay $0x1  }
0xbd: {  	v61 =	vor.u32 v19, v52;
	_ =	sdelay $0x2  }
0xbe: {  	v54 =	vmul.f32 v54, v53;
	_ =	sdelay $0x1  }
0xbf: {  	[tilespmem:v61+s21+$0x0] =	vst.idx.add.f32.msk $0xffff, v54  }
0xc0: {  	v62 =	vadd.s32 v20, v52;
	v54 =	vld [tilespmem:s5+$0x7180]  }
0xc1: {  	v55 =	vand.u32 $0xFFFFFF00, v62  }
0xc2: {  	v55 =	vor.u32 v0, v55;
	_ =	sdelay $0x2  }
0xc3: {  	v54 =	vmul.f32 v54, v53;
	_ =	sdelay $0x1  }
0xc4: {  	[tilespmem:v55+s21+$0x0] =	vst.idx.add.f32.msk $0xffff, v54  }
0xc5: {  	v63 =	vadd.s32 v21, v52;
	v54 =	vld [tilespmem:s5+$0x7190]  }
0xc6: {  	v55 =	vand.u32 $0xFFFFFF00, v63  }
0xc7: {  	v55 =	vor.u32 v5, v55;
	_ =	sdelay $0x2  }
0xc8: {  	v54 =	vmul.f32 v54, v53;
	_ =	sdelay $0x1  }
0xc9: {  	[tilespmem:v55+s21+$0x0] =	vst.idx.add.f32.msk $0xffff, v54  }
0xca: {  	v57 =	vadd.s32 v22, v52;
	v54 =	vld [tilespmem:s5+$0x71A0]  }
0xcb: {  	v55 =	vand.u32 $0xFFFFFF00, v57  }
0xcc: {  	v55 =	vor.u32 v6, v55;
	_ =	sdelay $0x2  }
0xcd: {  	v54 =	vmul.f32 v54, v53;
	_ =	sdelay $0x1  }
0xce: {  	[tilespmem:v55+s21+$0x0] =	vst.idx.add.f32.msk $0xffff, v54  }
0xcf: {  	v58 =	vadd.s32 v23, v52;
	v54 =	vld [tilespmem:s5+$0x71B0]  }
0xd0: {  	v55 =	vand.u32 $0xFFFFFF00, v58  }
0xd1: {  	v55 =	vor.u32 v7, v55;
	_ =	sdelay $0x2  }
0xd2: {  	v54 =	vmul.f32 v54, v53;
	_ =	sdelay $0x1  }
0xd3: {  	[tilespmem:v55+s21+$0x0] =	vst.idx.add.f32.msk $0xffff, v54  }
0xd4: {  	v59 =	vadd.s32 v24, v52;
	v54 =	vld [tilespmem:s5+$0x71C0]  }
0xd5: {  	v55 =	vand.u32 $0xFFFFFF00, v59  }
0xd6: {  	v55 =	vor.u32 v8, v55;
	_ =	sdelay $0x2  }
0xd7: {  	v54 =	vmul.f32 v54, v53;
	_ =	sdelay $0x1  }
0xd8: {  	[tilespmem:v55+s21+$0x0] =	vst.idx.add.f32.msk $0xffff, v54  }
0xd9: {  	v60 =	vadd.s32 v25, v52;
	v54 =	vld [tilespmem:s5+$0x71D0]  }
0xda: {  	v55 =	vand.u32 $0xFFFFFF00, v60  }
0xdb: {  	v55 =	vor.u32 v9, v55;
	_ =	sdelay $0x2  }
0xdc: {  	v54 =	vmul.f32 v54, v53;
	_ =	sdelay $0x1  }
0xdd: {  	[tilespmem:v55+s21+$0x0] =	vst.idx.add.f32.msk $0xffff, v54  }
0xde: {  	v61 =	vadd.s32 v26, v52;
	v54 =	vld [tilespmem:s5+$0x71E0]  }
0xdf: {  	v55 =	vand.u32 $0xFFFFFF00, v61  }
0xe0: {  	v55 =	vor.u32 v10, v55;
	_ =	sdelay $0x2  }
0xe1: {  	v54 =	vmul.f32 v54, v53;
	_ =	sdelay $0x1  }
0xe2: {  	s4 =	sadd.s32 $0x2, s6;
	[tilespmem:v55+s21+$0x0] =	vst.idx.add.f32.msk $0xffff, v54  }
0xe3: {  	v62 =	vadd.s32 v27, v52;
	v63 =	vmov s4;
	v54 =	vld [tilespmem:s5+$0x71F0]  }
0xe4: {  	v56 =	vand.u32 $0xFFFFFFFE, v63;
	v55 =	vand.u32 $0xFFFFFF00, v62  }
0xe5: {  	v56 =	vbroadcast v56, $0x0;
	v55 =	vor.u32 v11, v55;
	_ =	sdelay $0x2  }
0xe6: {  	v53 =	vmul.f32 v54, v53;
	_ =	sdelay $0x1  }
0xe7: {  	[tilespmem:v55+s21+$0x0] =	vst.idx.add.f32.msk $0xffff, v53  }
0xe8: {  	v53 =	vld.idx.msk [tilespmem:v56+s20+$0x0], $0xffff  }
0xe9: {  	v58 =	vadd.s32 v28, v52;
	v57 =	vld [tilespmem:s5+$0x7580]  }
0xea: {  	v55 =	vand.u32 $0xFFFFFF80, v58  }
0xeb: {  	v55 =	vor.u32 v0, v55;
	_ =	sdelay $0x2  }
0xec: {  	v54 =	vmul.f32 v57, v53;
	_ =	sdelay $0x1  }
0xed: {  	[tilespmem:v55+s21+$0x0] =	vst.idx.add.f32.msk $0xffff, v54  }
0xee: {  	v59 =	vadd.s32 v29, v52;
	v54 =	vld [tilespmem:s5+$0x7590]  }
0xef: {  	v55 =	vand.u32 $0xFFFFFF80, v59  }
0xf0: {  	v55 =	vor.u32 v5, v55;
	_ =	sdelay $0x2  }
0xf1: {  	v54 =	vmul.f32 v54, v53;
	_ =	sdelay $0x1  }
0xf2: {  	[tilespmem:v55+s21+$0x0] =	vst.idx.add.f32.msk $0xffff, v54  }
0xf3: {  	v60 =	vadd.s32 v30, v52;
	v54 =	vld [tilespmem:s5+$0x75A0]  }
0xf4: {  	v55 =	vand.u32 $0xFFFFFF80, v60  }
0xf5: {  	v55 =	vor.u32 v6, v55;
	_ =	sdelay $0x2  }
0xf6: {  	v54 =	vmul.f32 v54, v53;
	_ =	sdelay $0x1  }
0xf7: {  	[tilespmem:v55+s21+$0x0] =	vst.idx.add.f32.msk $0xffff, v54  }
0xf8: {  	v61 =	vadd.s32 v31, v52;
	v54 =	vld [tilespmem:s5+$0x75B0]  }
0xf9: {  	v55 =	vand.u32 $0xFFFFFF80, v61  }
0xfa: {  	v55 =	vor.u32 v7, v55;
	_ =	sdelay $0x2  }
0xfb: {  	v54 =	vmul.f32 v54, v53;
	_ =	sdelay $0x1  }
0xfc: {  	[tilespmem:v55+s21+$0x0] =	vst.idx.add.f32.msk $0xffff, v54  }
0xfd: {  	v62 =	vadd.s32 v32, v52;
	v54 =	vld [tilespmem:s5+$0x75C0]  }
0xfe: {  	v55 =	vand.u32 $0xFFFFFF80, v62  }
0xff: {  	v55 =	vor.u32 v8, v55;
	_ =	sdelay $0x2  }
0x100: {  	v54 =	vmul.f32 v54, v53;
	_ =	sdelay $0x1  }
0x101: {  	[tilespmem:v55+s21+$0x0] =	vst.idx.add.f32.msk $0xffff, v54  }
0x102: {  	v63 =	vadd.s32 v33, v52;
	v54 =	vld [tilespmem:s5+$0x75D0]  }
0x103: {  	v55 =	vand.u32 $0xFFFFFF80, v63  }
0x104: {  	v55 =	vor.u32 v9, v55;
	_ =	sdelay $0x2  }
0x105: {  	v54 =	vmul.f32 v54, v53;
	_ =	sdelay $0x1  }
0x106: {  	[tilespmem:v55+s21+$0x0] =	vst.idx.add.f32.msk $0xffff, v54  }
0x107: {  	v57 =	vadd.s32 v34, v52;
	v54 =	vld [tilespmem:s5+$0x75E0]  }
0x108: {  	v55 =	vand.u32 $0xFFFFFF80, v57  }
0x109: {  	v55 =	vor.u32 v10, v55;
	_ =	sdelay $0x2  }
0x10a: {  	v54 =	vmul.f32 v54, v53;
	_ =	sdelay $0x1  }
0x10b: {  	[tilespmem:v55+s21+$0x0] =	vst.idx.add.f32.msk $0xffff, v54  }
0x10c: {  	v58 =	vadd.s32 v35, v52;
	v54 =	vld [tilespmem:s5+$0x75F0]  }
0x10d: {  	v55 =	vand.u32 $0xFFFFFF80, v58  }
0x10e: {  	v55 =	vor.u32 v11, v55;
	_ =	sdelay $0x2  }
0x10f: {  	v54 =	vmul.f32 v54, v53;
	_ =	sdelay $0x1  }
0x110: {  	[tilespmem:v55+s21+$0x0] =	vst.idx.add.f32.msk $0xffff, v54  }
0x111: {  	v59 =	vadd.s32 v36, v52;
	v54 =	vld [tilespmem:s5+$0x7980]  }
0x112: {  	v55 =	vand.u32 $0xFFFFFF00, v59  }
0x113: {  	v55 =	vor.u32 v0, v55;
	_ =	sdelay $0x2  }
0x114: {  	v54 =	vmul.f32 v54, v53;
	_ =	sdelay $0x1  }
0x115: {  	[tilespmem:v55+s21+$0x0] =	vst.idx.add.f32.msk $0xffff, v54  }
0x116: {  	v60 =	vadd.s32 v37, v52;
	v54 =	vld [tilespmem:s5+$0x7990]  }
0x117: {  	v55 =	vand.u32 $0xFFFFFF00, v60  }
0x118: {  	v55 =	vor.u32 v5, v55;
	_ =	sdelay $0x2  }
0x119: {  	v54 =	vmul.f32 v54, v53;
	_ =	sdelay $0x1  }
0x11a: {  	[tilespmem:v55+s21+$0x0] =	vst.idx.add.f32.msk $0xffff, v54  }
0x11b: {  	v61 =	vadd.s32 v38, v52;
	v54 =	vld [tilespmem:s5+$0x79A0]  }
0x11c: {  	v55 =	vand.u32 $0xFFFFFF00, v61  }
0x11d: {  	v55 =	vor.u32 v6, v55;
	_ =	sdelay $0x2  }
0x11e: {  	v54 =	vmul.f32 v54, v53;
	_ =	sdelay $0x1  }
0x11f: {  	[tilespmem:v55+s21+$0x0] =	vst.idx.add.f32.msk $0xffff, v54  }
0x120: {  	v62 =	vadd.s32 v39, v52;
	v54 =	vld [tilespmem:s5+$0x79B0]  }
0x121: {  	v55 =	vand.u32 $0xFFFFFF00, v62  }
0x122: {  	s6 =	sadd.s32 $0x3, s6;
	v55 =	vor.u32 v7, v55  }
0x123: {  	v63 =	vmov s6;
	_ =	sdelay $0x1  }
0x124: {  	v53 =	vmul.f32 v54, v53;
	_ =	sdelay $0x1  }
0x125: {  	[tilespmem:v55+s21+$0x0] =	vst.idx.add.f32.msk $0xffff, v53  }
0x126: {  	v53 =	vld.idx.msk [tilespmem:v63+s20+$0x0], $0xffff  }
0x127: {  	v60 =	vadd.s32 v40, v52;
	v59 =	vld [tilespmem:s5+$0x79C0]  }
0x128: {  	v55 =	vand.u32 $0xFFFFFF00, v60  }
0x129: {  	v55 =	vor.u32 v8, v55;
	_ =	sdelay $0x2  }
0x12a: {  	v54 =	vmul.f32 v59, v53;
	_ =	sdelay $0x1  }
0x12b: {  	[tilespmem:v55+s21+$0x0] =	vst.idx.add.f32.msk $0xffff, v54  }
0x12c: {  	v61 =	vadd.s32 v41, v52;
	v54 =	vld [tilespmem:s5+$0x79D0]  }
0x12d: {  	v55 =	vand.u32 $0xFFFFFF00, v61  }
0x12e: {  	v55 =	vor.u32 v9, v55;
	_ =	sdelay $0x2  }
0x12f: {  	v54 =	vmul.f32 v54, v53;
	_ =	sdelay $0x1  }
0x130: {  	[tilespmem:v55+s21+$0x0] =	vst.idx.add.f32.msk $0xffff, v54  }
0x131: {  	v62 =	vadd.s32 v42, v52;
	v54 =	vld [tilespmem:s5+$0x79E0]  }
0x132: {  	v55 =	vand.u32 $0xFFFFFF00, v62  }
0x133: {  	v55 =	vor.u32 v10, v55;
	_ =	sdelay $0x2  }
0x134: {  	v54 =	vmul.f32 v54, v53;
	_ =	sdelay $0x1  }
0x135: {  	[tilespmem:v55+s21+$0x0] =	vst.idx.add.f32.msk $0xffff, v54  }
0x136: {  	v63 =	vadd.s32 v43, v52;
	v54 =	vld [tilespmem:s5+$0x79F0]  }
0x137: {  	v55 =	vand.u32 $0xFFFFFF00, v63  }
0x138: {  	v55 =	vor.u32 v11, v55;
	_ =	sdelay $0x2  }
0x139: {  	v54 =	vmul.f32 v54, v53;
	_ =	sdelay $0x1  }
0x13a: {  	[tilespmem:v55+s21+$0x0] =	vst.idx.add.f32.msk $0xffff, v54  }
0x13b: {  	v57 =	vadd.s32 v44, v52;
	v54 =	vld [tilespmem:s5+$0x7D80]  }
0x13c: {  	v55 =	vand.u32 $0xFFFFFF80, v57  }
0x13d: {  	v55 =	vor.u32 v0, v55;
	_ =	sdelay $0x2  }
0x13e: {  	v54 =	vmul.f32 v54, v53;
	_ =	sdelay $0x1  }
0x13f: {  	[tilespmem:v55+s21+$0x0] =	vst.idx.add.f32.msk $0xffff, v54  }
0x140: {  	v58 =	vadd.s32 v45, v52;
	v54 =	vld [tilespmem:s5+$0x7D90]  }
0x141: {  	v55 =	vand.u32 $0xFFFFFF80, v58  }
0x142: {  	v55 =	vor.u32 v5, v55;
	_ =	sdelay $0x2  }
0x143: {  	v54 =	vmul.f32 v54, v53;
	_ =	sdelay $0x1  }
0x144: {  	[tilespmem:v55+s21+$0x0] =	vst.idx.add.f32.msk $0xffff, v54  }
0x145: {  	v59 =	vadd.s32 v46, v52;
	v54 =	vld [tilespmem:s5+$0x7DA0]  }
0x146: {  	v55 =	vand.u32 $0xFFFFFF80, v59  }
0x147: {  	v55 =	vor.u32 v6, v55;
	_ =	sdelay $0x2  }
0x148: {  	v54 =	vmul.f32 v54, v53;
	_ =	sdelay $0x1  }
0x149: {  	[tilespmem:v55+s21+$0x0] =	vst.idx.add.f32.msk $0xffff, v54  }
0x14a: {  	v60 =	vadd.s32 v47, v52;
	v54 =	vld [tilespmem:s5+$0x7DB0]  }
0x14b: {  	v55 =	vand.u32 $0xFFFFFF80, v60  }
0x14c: {  	v55 =	vor.u32 v7, v55;
	_ =	sdelay $0x2  }
0x14d: {  	v54 =	vmul.f32 v54, v53;
	_ =	sdelay $0x1  }
0x14e: {  	[tilespmem:v55+s21+$0x0] =	vst.idx.add.f32.msk $0xffff, v54  }
0x14f: {  	v61 =	vadd.s32 v48, v52;
	v54 =	vld [tilespmem:s5+$0x7DC0]  }
0x150: {  	v55 =	vand.u32 $0xFFFFFF80, v61  }
0x151: {  	v55 =	vor.u32 v8, v55;
	_ =	sdelay $0x2  }
0x152: {  	v54 =	vmul.f32 v54, v53;
	_ =	sdelay $0x1  }
0x153: {  	[tilespmem:v55+s21+$0x0] =	vst.idx.add.f32.msk $0xffff, v54  }
0x154: {  	v62 =	vadd.s32 v49, v52;
	v54 =	vld [tilespmem:s5+$0x7DD0]  }
0x155: {  	v55 =	vand.u32 $0xFFFFFF80, v62  }
0x156: {  	v55 =	vor.u32 v9, v55;
	_ =	sdelay $0x2  }
0x157: {  	v54 =	vmul.f32 v54, v53;
	_ =	sdelay $0x1  }
0x158: {  	[tilespmem:v55+s21+$0x0] =	vst.idx.add.f32.msk $0xffff, v54  }
0x159: {  	v63 =	vadd.s32 v50, v52;
	v54 =	vld [tilespmem:s5+$0x7DE0]  }
0x15a: {  	v55 =	vand.u32 $0xFFFFFF80, v63  }
0x15b: {  	v55 =	vor.u32 v10, v55;
	_ =	sdelay $0x2  }
0x15c: {  	v54 =	vmul.f32 v54, v53;
	_ =	sdelay $0x1  }
0x15d: {  	[tilespmem:v55+s21+$0x0] =	vst.idx.add.f32.msk $0xffff, v54  }
0x15e: {  	v52 =	vadd.s32 v51, v52;
	v54 =	vld [tilespmem:s5+$0x7DF0]  }
0x15f: {  	v52 =	vand.u32 $0xFFFFFF80, v52  }
0x160: {  	p0 =	sne.s32 s18, $0x7C;
	v52 =	vor.u32 v11, v52  }
.Ltmp0:
0x161: {  	_ = 	snop;
	(pc) =	sbr.rel @p0 .LBB2_4-.Ltmp0, $3  }
0x162: {  	_ = 	snop  }
0x163: {  	v53 =	vmul.f32 v54, v53;
	_ =	sdelay $0x1  }
0x164: {  	s13 =	sadd.s32 $0x1, s13;
	s18 =	sadd.s32 $0x4, s18;
	s17 =	sadd.s32 $0x80, s17;
	[tilespmem:v52+s21+$0x0] =	vst.idx.add.f32.msk $0xffff, v53  }
0x165: {  	s11 =	sadd.s32 $0x1, s11  }
0x166: {  	p0 =	sne.s32 s11, $0x5C  }
.Ltmp1:
0x167: {  	_ = 	snop;
	(pc) =	sbr.rel @p0 .LBB2_3-.Ltmp1, $2  }
0x168: {  	_ =	sdelay $0x2  }
0x169: {  	s10 =	sadd.s32 $0x20, s10;
	s8 =	sadd.s32 $0x80, s8  }
0x16a: {  	s4 =	rddreg [dreg:$0xe]  }
0x16b: {  	s4 =	smul.u32 $0x1E00, s4  }
0x16c: {  	s5 =	rddreg [dreg:$0x7]  }
0x16d: {  	s11 =	rddreg [dreg:$0xf];
	s6 =	simm.s32 $0x0;
	s4 =	sadd.s32 s5, s4  }
0x16e: {  	[hbm4b:s4+s6] =	stream.linear.scatter [tilespmem:s21], [sflag:$0x2], $0xF000, $0x38;
	[tilespmem:$0x1BE00] =	vst v63  }
0x16f: {  	s5 =	smul.u32 $0xC00, s11;
	_ =	swait.ge [sflag:s16], $0xF000  }
0x170: {  	s8 =	rddreg [dreg:$0xa]  }
0x171: {  	s10 =	simm.s32 $0x80;
	s13 =	sor.u32 s8, s5  }
0x172: {  	[sflag:s16] =	ssyncset.done $0x0;
	s17 =	rddreg [dreg:$0x8];
	s4 =	sshrl.u32 s13, $0x3  }
0x173: {  	s11 =	simm.s32 $0x400;
	[sflag:s16] =	ssyncadd.s32 $0xFFFF1000;
	s4 =	sadd.s32 s17, s4  }
0x174: {  	[hbm4b:s4+s10] =	stream.strided.scatter [tilespmem:s22], [sflag:$0x2], $0x180, s11, s10, $0x38;
	[tilespmem:$0x1BE00] =	vst v63  }
0x175: {  	_ =	swait.ge [sflag:s16], $0x180  }
0x176: {  	s18 =	rddreg [dreg:$0xd]  }
0x177: {  	s4 =	sadd.s32 $0x1, s18  }
0x178: {  	p0 =	sne.s32 s4, $0x4  }
.Ltmp2:
0x179: {  	_ = 	snop;
	(pc) =	sbr.rel @p0 .LBB2_2-.Ltmp2, $3  }
0x17a: {  	_ =	sdelay $0x1  }
0x17b: {  	[sflag:s16] =	ssyncset.done $0x0  }
0x17c: {  	[sflag:s16] =	ssyncadd.s32 $0xFFFFFE80  }
0x17d: {  	s5 =	rddreg [dreg:$0xc]  }
0x17e: {  	s4 =	rddreg [dreg:$0xb];
	s5 =	sadd.s32 $0x1, s5  }
0x17f: {  	p0 =	sne.s32 s5, s4  }
.Ltmp3:
0x180: {  	_ = 	snop;
	(pc) =	sbr.rel @p0 .LBB2_1-.Ltmp3, $1  }
0x181: {  	_ =	sdelay $0x3  }
0x182: {  	_ =	sfence.sel $0x180000  }
0x183: {  	[bflag:$0x0] =	sbarrier.arrive $0xFFFF  }
0x184: {  	_ =	strace $0x9000005C  }
0x185: {  	s0 =	stileid.u32;
	[bflag:$0x2] =	sbarrier.arrive $0xFFFF  }
0x186: {  	p0 =	sne.s32 s0, $0x0;
	s0 =	rddreg [dreg:$0x1]  }
0x187: {  	s0 =	sadd.s32 @!p0 $0x100000, s0  }
0x188: {  	[sflag:s0] =	ssyncadd.tile.s32 @!p0 $0x1;
	_ =	shalt  }
.Lfunc_end2:
_tile_overlayer_lowered:
.L_overlay_start_2:
0x189: {  	(tag) =	ssettag $0x2  }
0x18a: {  	s0 =	rddreg [dreg:$0x0];
	s2 =	stileid.u32  }
0x18b: {  	s1 =	rddreg [dreg:$0x1];
	p0 =	sne.s32 s2, $0x0  }
0x18c: {  	s3 =	rddreg [dreg:$0x2];
	[bflag:$0x3] =	sbarrier.arrive $0xFFFF;
	s2 =	simm.s32 @!p0 $0x1C02  }
0x18d: {  	[timem:s3], [sflag:s2] =	dma.local @!p0 [hbm:s0], s1  }
0x18e: {  	s0 =	simm.s32 @!p0 $0x2  }
0x18f: {  	_ =	swait.ge @!p0 [sflag:s0], s1  }
0x190: {  	s1 =	ssub.s32 @!p0 $0x0, s1;
	[sflag:s0] =	ssyncset.done @!p0 $0x0  }
0x191: {  	[sflag:s0] =	ssyncadd.s32 @!p0 s1  }
0x192: {  	[bflag:$0x3] =	sbarrier.arrive $0xFFFF  }
0x193: {  	_ =	shalt  }

</sc_bundles>
